<compile_context>
chip_gen: v7x
topology: tpu7x:2x2x1
jax: 0.10.2.dev20260603
libtpu: 0.0.44.dev20260713+nightly
codegen_flags: <defaults>
</compile_context>

<pallas_src>
import functools

import jax
import jax.numpy as jnp
from jax import lax
from jax.experimental import pallas as pl
from jax.experimental.pallas import tpu as pltpu
from jax.experimental.pallas import tpu_sc as plsc

N_NODES = 10000
D = 128
DH = 64
E_EDGES = 320000

NUM_CORES = 2
NUM_SUBCORES = 16
NW = NUM_CORES * NUM_SUBCORES

CHUNK = 128
CHUNKS = 160
NBUF = 2
BI = 40
NBLOCKS = CHUNKS // BI
NGROUPS = BI // NBUF
E_PAD = NUM_SUBCORES * CHUNKS * CHUNK
DCHUNKS = E_PAD // (NW * CHUNK)
N_PAD = 10240
ROWS_PER_TILE = N_PAD // NUM_SUBCORES
ZROWS = 16

_mesh = plsc.VectorSubcoreMesh(
    core_axis_name="c", subcore_axis_name="s",
    num_cores=NUM_CORES, num_subcores=NUM_SUBCORES)



@functools.partial(
    pl.kernel,
    out_type=jax.ShapeDtypeStruct((NUM_CORES * 2 * N_PAD,), jnp.float32),
    mesh=_mesh,
    scratch_types=[
        pltpu.VMEM((2 * DCHUNKS, CHUNK), jnp.int32),
        pltpu.VMEM((CHUNK,), jnp.float32),
        pltpu.VMEM((2 * N_PAD // NUM_SUBCORES,), jnp.float32),
        pltpu.VMEM_SHARED((2 * N_PAD,), jnp.float32),
        pltpu.SemaphoreType.DMA,
    ],
)
def _sc_degrees(idx_hbm, out_hbm, idx_v, ones_v, z_v, acc, sem):
    c = lax.axis_index("c")
    s = lax.axis_index("s")
    wid = s * NUM_CORES + c

    ones16 = jnp.ones((16,), jnp.float32)
    zero16 = jnp.zeros((16,), jnp.float32)
    for i in range(CHUNK // 16):
        ones_v[pl.ds(i * 16, 16)] = ones16

    zlen = 2 * N_PAD // NUM_SUBCORES

    @pl.loop(0, zlen // 16)
    def _(i):
        z_v[pl.ds(i * 16, 16)] = zero16

    pltpu.sync_copy(z_v, acc.at[pl.ds(s * zlen, zlen)])
    plsc.subcore_barrier()

    pltpu.async_copy(idx_hbm.at[wid], idx_v, sem).wait()

    @pl.loop(0, 2 * DCHUNKS)
    def _(j):
        pltpu.sync_copy(ones_v, acc.at[idx_v.at[j]], add=True)

    plsc.subcore_barrier()
    pltpu.sync_copy(acc.at[pl.ds(s * zlen, zlen)],
                    out_hbm.at[pl.ds(c * 2 * N_PAD + s * zlen, zlen)])


@functools.partial(
    pl.kernel,
    out_type=jax.ShapeDtypeStruct((NUM_CORES, N_PAD, DH), jnp.float32),
    mesh=_mesh,
    scratch_types=[
        pltpu.VMEM((2, BI, CHUNK), jnp.int32),
        pltpu.VMEM((2, BI, CHUNK), jnp.int32),
        [pltpu.VMEM((CHUNK, DH), jnp.float32)] * NBUF,
        pltpu.VMEM((ZROWS, DH), jnp.float32),
        pltpu.VMEM_SHARED((N_PAD, DH), jnp.float32),
        pltpu.VMEM_SHARED((N_PAD, DH), jnp.float32),
        [pltpu.SemaphoreType.DMA] * NBUF,
        [pltpu.SemaphoreType.DMA] * NBUF,
        [pltpu.SemaphoreType.DMA] * 2,
        [pltpu.SemaphoreType.DMA] * 2,
    ],
    compiler_params=pltpu.CompilerParams(use_tc_tiling_on_sc=False),
)
def _sc_aggregate(ga_hbm, gb_hbm, src_hbm, dst_hbm, out_hbm,
                  src_v, dst_v, rows, z_v, gtab, acc, gsem, ssem, bs_sem,
                  bd_sem):
    c = lax.axis_index("c")
    s = lax.axis_index("s")

    zero16 = jnp.zeros((16,), jnp.float32)

    @pl.loop(0, ZROWS)
    def _(r):
        for i in range(DH // 16):
            z_v[r, pl.ds(i * 16, 16)] = zero16

    @pl.loop(0, ROWS_PER_TILE // ZROWS)
    def _(k):
        pltpu.sync_copy(z_v, acc.at[pl.ds(s * ROWS_PER_TILE + k * ZROWS,
                                          ZROWS)])

    rslice = pl.ds(s * ROWS_PER_TILE, ROWS_PER_TILE)

    @pl.when(c == 0)
    def _():
        pltpu.sync_copy(ga_hbm.at[rslice], gtab.at[rslice])

    @pl.when(c == 1)
    def _():
        pltpu.sync_copy(gb_hbm.at[rslice], gtab.at[rslice])

    pltpu.async_copy(src_hbm.at[s, pl.ds(0, BI)], src_v.at[0], bs_sem[0])
    pltpu.async_copy(dst_hbm.at[s, pl.ds(0, BI)], dst_v.at[0], bd_sem[0])
    plsc.subcore_barrier()

    for k in range(NBLOCKS):
        slot = k % 2
        pltpu.make_async_copy(src_hbm.at[s, pl.ds(k * BI, BI)],
                              src_v.at[slot], bs_sem[slot]).wait()
        pltpu.make_async_copy(dst_hbm.at[s, pl.ds(k * BI, BI)],
                              dst_v.at[slot], bd_sem[slot]).wait()
        if k + 1 < NBLOCKS:
            nslot = (k + 1) % 2
            pltpu.async_copy(src_hbm.at[s, pl.ds((k + 1) * BI, BI)],
                             src_v.at[nslot], bs_sem[nslot])
            pltpu.async_copy(dst_hbm.at[s, pl.ds((k + 1) * BI, BI)],
                             dst_v.at[nslot], bd_sem[nslot])

        for b in range(NBUF):
            pltpu.async_copy(gtab.at[src_v.at[slot, b]], rows[b], gsem[b])

        @pl.loop(0, NGROUPS)
        def _(t, slot=slot):
            base = t * NBUF
            for b in range(NBUF):
                pltpu.make_async_copy(gtab.at[src_v.at[slot, base + b]],
                                      rows[b], gsem[b]).wait()
                pltpu.async_copy(rows[b], acc.at[dst_v.at[slot, base + b]],
                                 ssem[b], add=True)
            for b in range(NBUF):
                @pl.when(t + 1 < NGROUPS)
                def _(b=b):
                    pltpu.make_async_copy(rows[b],
                                          acc.at[dst_v.at[slot, base + b]],
                                          ssem[b]).wait()
                    pltpu.async_copy(gtab.at[src_v.at[slot, base + NBUF + b]],
                                     rows[b], gsem[b])

        for b in range(NBUF):
            pltpu.make_async_copy(rows[b],
                                  acc.at[dst_v.at[slot, BI - NBUF + b]],
                                  ssem[b]).wait()

    plsc.subcore_barrier()
    pltpu.sync_copy(acc.at[pl.ds(s * ROWS_PER_TILE, ROWS_PER_TILE)],
                    out_hbm.at[c, pl.ds(s * ROWS_PER_TILE, ROWS_PER_TILE)])



BLK = 1024


def _norm_from_deg(dega, degb):
    deg = dega + degb
    return jnp.where(deg > 0.0, lax.rsqrt(jnp.maximum(deg, 1.0)), 0.0)


def _tc_first_body(x_ref, doa_ref, dob_ref, dia_ref, dib_ref,
                   ga_ref, gb_ref, no_ref, ni_ref):
    norm_out = _norm_from_deg(doa_ref[...], dob_ref[...])
    norm_in = _norm_from_deg(dia_ref[...], dib_ref[...])
    g = x_ref[...] * norm_out
    ga_ref[...] = g[:, :DH]
    gb_ref[...] = g[:, DH:]
    no_ref[...] = norm_out
    ni_ref[...] = norm_in


def _tc_first(x, doa, dob, dia, dib):
    grid = (N_PAD // BLK,)
    row = pl.BlockSpec((BLK, 1), lambda i: (i, 0))
    mat = pl.BlockSpec((BLK, D), lambda i: (i, 0))
    half = pl.BlockSpec((BLK, DH), lambda i: (i, 0))
    return pl.pallas_call(
        _tc_first_body,
        grid=grid,
        in_specs=[mat, row, row, row, row],
        out_specs=[half, half, row, row],
        out_shape=[jax.ShapeDtypeStruct((N_PAD, DH), jnp.float32),
                   jax.ShapeDtypeStruct((N_PAD, DH), jnp.float32),
                   jax.ShapeDtypeStruct((N_PAD, 1), jnp.float32),
                   jax.ShapeDtypeStruct((N_PAD, 1), jnp.float32)],
    )(x, doa, dob, dia, dib)


def _tc_mid_body(sa_ref, sb_ref, wt_ref, wb_ref, b_ref, no_ref, ni_ref,
                 ga_ref, gb_ref):
    m = (jnp.dot(sa_ref[...], wt_ref[...],
                 preferred_element_type=jnp.float32,
                 precision=lax.Precision.HIGHEST)
         + jnp.dot(sb_ref[...], wb_ref[...],
                   preferred_element_type=jnp.float32,
                   precision=lax.Precision.HIGHEST))
    no = no_ref[...]
    g = (no * ni_ref[...]) * m + no * b_ref[...]
    ga_ref[...] = g[:, :DH]
    gb_ref[...] = g[:, DH:]


def _tc_mid(sa, sb, wt, wb, b, no, ni):
    grid = (N_PAD // BLK,)
    row = pl.BlockSpec((BLK, 1), lambda i: (i, 0))
    half = pl.BlockSpec((BLK, DH), lambda i: (i, 0))
    wsp = pl.BlockSpec((DH, D), lambda i: (0, 0))
    bsp = pl.BlockSpec((1, D), lambda i: (0, 0))
    return pl.pallas_call(
        _tc_mid_body,
        grid=grid,
        in_specs=[half, half, wsp, wsp, bsp, row, row],
        out_specs=[half, half],
        out_shape=[jax.ShapeDtypeStruct((N_PAD, DH), jnp.float32),
                   jax.ShapeDtypeStruct((N_PAD, DH), jnp.float32)],
    )(sa, sb, wt, wb, b, no, ni)


def _tc_final_body(sa_ref, sb_ref, wt_ref, wb_ref, b_ref, ni_ref, gam_ref,
                   bet_ref, o_ref):
    m = (jnp.dot(sa_ref[...], wt_ref[...],
                 preferred_element_type=jnp.float32,
                 precision=lax.Precision.HIGHEST)
         + jnp.dot(sb_ref[...], wb_ref[...],
                   preferred_element_type=jnp.float32,
                   precision=lax.Precision.HIGHEST))
    t = ni_ref[...] * m + b_ref[...]
    mu = jnp.mean(t, axis=1, keepdims=True)
    cen = t - mu
    var = jnp.mean(cen * cen, axis=1, keepdims=True)
    hn = cen * lax.rsqrt(var + 1e-5)
    o_ref[...] = hn * gam_ref[...] + bet_ref[...]


def _tc_final(sa, sb, wt, wb, b, ni, gamma, beta):
    grid = (N_PAD // BLK,)
    row = pl.BlockSpec((BLK, 1), lambda i: (i, 0))
    half = pl.BlockSpec((BLK, DH), lambda i: (i, 0))
    mat = pl.BlockSpec((BLK, D), lambda i: (i, 0))
    wsp = pl.BlockSpec((DH, D), lambda i: (0, 0))
    bsp = pl.BlockSpec((1, D), lambda i: (0, 0))
    return pl.pallas_call(
        _tc_final_body,
        grid=grid,
        in_specs=[half, half, wsp, wsp, bsp, row, bsp, bsp],
        out_specs=mat,
        out_shape=jax.ShapeDtypeStruct((N_PAD, D), jnp.float32),
    )(sa, sb, wt, wb, b, ni, gamma, beta)



def kernel(x, edge_index, W1, b1, W2, b2, W3, b3, gamma, beta):
    f32 = jnp.float32
    src = edge_index[0]
    dst = edge_index[1]

    pad = E_PAD - E_EDGES
    padv = jnp.full((pad,), N_NODES, jnp.int32)
    src_p = jnp.concatenate([src, padv])
    dst_p = jnp.concatenate([dst, padv])
    src3d = src_p.reshape(NUM_SUBCORES, CHUNKS, CHUNK)
    dst3d = dst_p.reshape(NUM_SUBCORES, CHUNKS, CHUNK)

    idx_deg = jnp.concatenate([src_p.reshape(NW, DCHUNKS, CHUNK),
                               dst_p.reshape(NW, DCHUNKS, CHUNK) + N_PAD],
                              axis=1)

    x_pad = jnp.concatenate([x, jnp.zeros((N_PAD - N_NODES, D), f32)])

    degp = _sc_degrees(idx_deg).reshape(NUM_CORES, 2 * N_PAD)
    doa = degp[0, :N_PAD, None]
    dob = degp[1, :N_PAD, None]
    dia = degp[0, N_PAD:, None]
    dib = degp[1, N_PAD:, None]

    ga0, gb0, no, ni = _tc_first(x_pad, doa, dob, dia, dib)

    b1r = b1.reshape(1, D)
    b2r = b2.reshape(1, D)
    b3r = b3.reshape(1, D)

    s1 = _sc_aggregate(ga0, gb0, src3d, dst3d)
    ga1, gb1 = _tc_mid(s1[0], s1[1], W1[:DH], W1[DH:], b1r, no, ni)
    s2 = _sc_aggregate(ga1, gb1, src3d, dst3d)
    ga2, gb2 = _tc_mid(s2[0], s2[1], W2[:DH], W2[DH:], b2r, no, ni)
    s3 = _sc_aggregate(ga2, gb2, src3d, dst3d)
    out = _tc_final(s3[0], s3[1], W3[:DH], W3[DH:], b3r, ni,
                    gamma.reshape(1, D), beta.reshape(1, D))
    return out[:N_NODES]

# --- scband reference (transcript-rebuilt; emitter-appended) ---
"""Pipeline reference for scband-gcn-83640193122825 (READ-ONLY COPY).

The authoritative reference and input builder live on the scoring server;
editing this copy changes nothing except your own understanding.
"""

import jax, jax.numpy as jnp
import numpy as np

N = 10000
E = 320000
D = 128

def setup_inputs(seed: int = 0) -> dict:
    key = jax.random.key(seed)
    ks = jax.random.split(key, 12)
    x = jax.random.normal(ks[0], (N, D), dtype=jnp.float32)
    edge_index = jax.random.randint(ks[1], (2, E), 0, N, dtype=jnp.int32)
    scale = 1.0 / np.sqrt(D)
    W1 = jax.random.normal(ks[2], (D, D), dtype=jnp.float32) * scale
    b1 = jnp.zeros((D,), dtype=jnp.float32)
    W2 = jax.random.normal(ks[3], (D, D), dtype=jnp.float32) * scale
    b2 = jnp.zeros((D,), dtype=jnp.float32)
    W3 = jax.random.normal(ks[4], (D, D), dtype=jnp.float32) * scale
    b3 = jnp.zeros((D,), dtype=jnp.float32)
    gamma = jnp.ones((D,), dtype=jnp.float32)
    beta = jnp.zeros((D,), dtype=jnp.float32)
    return {"x": x, "edge_index": edge_index, "W1": W1, "b1": b1, "W2": W2, "b2": b2, "W3": W3, "b3": b3, "gamma": gamma, "beta": beta}

def _graph_conv(h, src, dst, W, b, n_nodes):
    # DGL GraphConv with norm='both': D_out^{-1/2} applied to src feats,
    # sum-aggregate over edges, D_in^{-1/2} applied to dst, then linear.
    ones = jnp.ones(src.shape[0], dtype=jnp.float32)
    deg_out = jax.ops.segment_sum(ones, src, num_segments=n_nodes)
    deg_in = jax.ops.segment_sum(ones, dst, num_segments=n_nodes)
    norm_out = jnp.where(deg_out > 0, jax.lax.rsqrt(jnp.maximum(deg_out, 1.0)), 0.0)
    norm_in = jnp.where(deg_in > 0, jax.lax.rsqrt(jnp.maximum(deg_in, 1.0)), 0.0)
    h = h * norm_out[:, None]
    msgs = jnp.take(h, src, axis=0)
    agg = jax.ops.segment_sum(msgs, dst, num_segments=n_nodes)
    agg = agg * norm_in[:, None]
    return agg @ W + b

def reference(x, edge_index, W1, b1, W2, b2, W3, b3, gamma, beta):
    src = edge_index[0]
    dst = edge_index[1]
    n_nodes = x.shape[0]
    h = _graph_conv(x, src, dst, W1, b1, n_nodes)
    h = _graph_conv(h, src, dst, W2, b2, n_nodes)
    h = _graph_conv(h, src, dst, W3, b3, n_nodes)
    mu = jnp.mean(h, axis=-1, keepdims=True)
    var = jnp.var(h, axis=-1, keepdims=True)
    hn = (h - mu) / jnp.sqrt(var + 1e-5)
    return hn * gamma + beta

if __name__ == "__main__":
    import jax
    _d = setup_inputs()
    print(jax.jit(kernel)(*tuple(_d.values())))

</pallas_src>

<mosaic_0001>
#map = affine_map<(d0, d1) -> (0, 0)>
#map1 = affine_map<(d0, d1) -> (0, 0, 0)>
module attributes {stable_mosaic.version = 14 : i64} {
  func.func @_sc_aggregate(%arg0: i32, %arg1: i32, %arg2: memref<10240x64xf32, #tpu.memory_space<hbm>>, %arg3: memref<10240x64xf32, #tpu.memory_space<hbm>>, %arg4: memref<16x160x128xi32, #tpu.memory_space<hbm>>, %arg5: memref<16x160x128xi32, #tpu.memory_space<hbm>>, %arg6: memref<2x10240x64xf32, #tpu.memory_space<hbm>>, %arg7: memref<2x40x128xi32, #tpu.memory_space<vmem>>, %arg8: memref<2x40x128xi32, #tpu.memory_space<vmem>>, %arg9: memref<128x64xf32, #tpu.memory_space<vmem>>, %arg10: memref<128x64xf32, #tpu.memory_space<vmem>>, %arg11: memref<16x64xf32, #tpu.memory_space<vmem>>, %arg12: memref<10240x64xf32, #tpu.memory_space<vmem_shared>>, %arg13: memref<10240x64xf32, #tpu.memory_space<vmem_shared>>, %arg14: memref<!tpu.dma_semaphore, #tpu.memory_space<semaphore_mem>>, %arg15: memref<!tpu.dma_semaphore, #tpu.memory_space<semaphore_mem>>, %arg16: memref<!tpu.dma_semaphore, #tpu.memory_space<semaphore_mem>>, %arg17: memref<!tpu.dma_semaphore, #tpu.memory_space<semaphore_mem>>, %arg18: memref<!tpu.dma_semaphore, #tpu.memory_space<semaphore_mem>>, %arg19: memref<!tpu.dma_semaphore, #tpu.memory_space<semaphore_mem>>, %arg20: memref<!tpu.dma_semaphore, #tpu.memory_space<semaphore_mem>>, %arg21: memref<!tpu.dma_semaphore, #tpu.memory_space<semaphore_mem>>) attributes {dimension_semantics = [#tpu.dimension_semantics<core_parallel>, #tpu.dimension_semantics<subcore_parallel>], iteration_bounds = array<i64: 2, 16>, scalar_prefetch = 0 : i64, scratch_operands = 15 : i64, tpu.core_type = #tpu.core_type<sc_vector_subcore>, window_params = [{transform_indices = #map}, {transform_indices = #map}, {transform_indices = #map1}, {transform_indices = #map1}, {transform_indices = #map1}]} {
    %broadcast_in_dim3A = arith.constant 0.000000e+00 : f32
    %broadcast_in_dim3A_0 = vector.broadcast %broadcast_in_dim3A : f32 to vector<16xf32>
    %scan3A = arith.constant 0 : i32
    %scan3A_1 = arith.constant 16 : i32
    %scan3A_2 = arith.addi %scan3A, %scan3A_1 : i32
    %scan3A_3 = arith.constant 1 : i32
    scf.for %scan3A_441 = %scan3A to %scan3A_2 step %scan3A_3  : i32 {
      %mul3A_442 = arith.constant 1 : i32
      %mul3A_443 = arith.muli %scan3A_441, %mul3A_442 : i32
      %add3A = arith.constant 0 : i32
      %add3A_444 = arith.addi %add3A, %mul3A_443 : i32
      %swap3A = arith.index_cast %add3A_444 : i32 to index
      %swap3A_445 = arith.constant 0 : index
      %swap3A_446 = tpu.vector_load %arg11[%swap3A, %swap3A_445] {strides = array<i32>} : memref<16x64xf32, #tpu.memory_space<vmem>>, vector<1x16xf32>,
      %swap3A_447 = vector.shape_cast %swap3A_446 : vector<1x16xf32> to vector<16xf32>
      %swap3A_448 = vector.shape_cast %broadcast_in_dim3A_0 : vector<16xf32> to vector<1x16xf32>
      tpu.vector_store %arg11[%swap3A, %swap3A_445], %swap3A_448 {strides = array<i32>} : memref<16x64xf32, #tpu.memory_space<vmem>>, vector<1x16xf32>,
      %swap3A_449 = arith.index_cast %add3A_444 : i32 to index
      %swap3A_450 = arith.constant 16 : index
      %swap3A_451 = tpu.vector_load %arg11[%swap3A_449, %swap3A_450] {strides = array<i32>} : memref<16x64xf32, #tpu.memory_space<vmem>>, vector<1x16xf32>,
      %swap3A_452 = vector.shape_cast %swap3A_451 : vector<1x16xf32> to vector<16xf32>
      %swap3A_453 = vector.shape_cast %broadcast_in_dim3A_0 : vector<16xf32> to vector<1x16xf32>
      tpu.vector_store %arg11[%swap3A_449, %swap3A_450], %swap3A_453 {strides = array<i32>} : memref<16x64xf32, #tpu.memory_space<vmem>>, vector<1x16xf32>,
      %swap3A_454 = arith.index_cast %add3A_444 : i32 to index
      %swap3A_455 = arith.constant 32 : index
      %swap3A_456 = tpu.vector_load %arg11[%swap3A_454, %swap3A_455] {strides = array<i32>} : memref<16x64xf32, #tpu.memory_space<vmem>>, vector<1x16xf32>,
      %swap3A_457 = vector.shape_cast %swap3A_456 : vector<1x16xf32> to vector<16xf32>
      %swap3A_458 = vector.shape_cast %broadcast_in_dim3A_0 : vector<16xf32> to vector<1x16xf32>
      tpu.vector_store %arg11[%swap3A_454, %swap3A_455], %swap3A_458 {strides = array<i32>} : memref<16x64xf32, #tpu.memory_space<vmem>>, vector<1x16xf32>,
      %swap3A_459 = arith.index_cast %add3A_444 : i32 to index
      %swap3A_460 = arith.constant 48 : index
      %swap3A_461 = tpu.vector_load %arg11[%swap3A_459, %swap3A_460] {strides = array<i32>} : memref<16x64xf32, #tpu.memory_space<vmem>>, vector<1x16xf32>,
      %swap3A_462 = vector.shape_cast %swap3A_461 : vector<1x16xf32> to vector<16xf32>
      %swap3A_463 = vector.shape_cast %broadcast_in_dim3A_0 : vector<16xf32> to vector<1x16xf32>
      tpu.vector_store %arg11[%swap3A_459, %swap3A_460], %swap3A_463 {strides = array<i32>} : memref<16x64xf32, #tpu.memory_space<vmem>>, vector<1x16xf32>,
    }
    %scan3A_4 = arith.constant 16 : i32
    %scan3A_5 = arith.constant 0 : i32
    %scan3A_6 = arith.constant 40 : i32
    %scan3A_7 = arith.addi %scan3A_5, %scan3A_6 : i32
    %scan3A_8 = arith.constant 1 : i32
    scf.for %scan3A_441 = %scan3A_5 to %scan3A_7 step %scan3A_8  : i32 {
      %mul3A_442 = arith.constant 1 : i32
      %mul3A_443 = arith.muli %scan3A_441, %mul3A_442 : i32
      %add3A = arith.constant 0 : i32
      %add3A_444 = arith.addi %add3A, %mul3A_443 : i32
      %mul3A_445 = arith.constant 640 : i32
      %mul3A_446 = arith.muli %arg1, %mul3A_445 : i32
      %mul3A_447 = arith.constant 16 : i32
      %mul3A_448 = arith.muli %add3A_444, %mul3A_447 : i32
      %add3A_449 = arith.addi %mul3A_446, %mul3A_448 : i32
      "tpu.region"() ({
        %run_scoped3A = tpu.sem_alloc : memref<!tpu.dma_semaphore, #tpu.memory_space<semaphore_mem>>
        %dma_start3A_450 = arith.constant 0 : i32
        %dma_start3A_451 = tpu.memref_slice %arg13[%add3A_449, %dma_start3A_450] : memref<10240x64xf32, #tpu.memory_space<vmem_shared>> -> memref<16x64xf32, #tpu.memory_space<vmem_shared>>
        %dma_start3A_452 = arith.constant 0 : i32
        %dma_start3A_453 = tpu.memref_slice %arg13[%add3A_449, %dma_start3A_452] : memref<10240x64xf32, #tpu.memory_space<vmem_shared>> -> memref<16x64xf32, #tpu.memory_space<vmem_shared>>
        tpu.enqueue_dma source(%arg11 : memref<16x64xf32, #tpu.memory_space<vmem>>) target(%dma_start3A_453 : memref<16x64xf32, #tpu.memory_space<vmem_shared>>) target_semaphore(%run_scoped3A : memref<!tpu.dma_semaphore, #tpu.memory_space<semaphore_mem>>)
        %dma_wait3A_454 = arith.constant 0 : i32
        %dma_wait3A_455 = tpu.memref_slice %arg13[%add3A_449, %dma_wait3A_454] : memref<10240x64xf32, #tpu.memory_space<vmem_shared>> -> memref<16x64xf32, #tpu.memory_space<vmem_shared>>
        %dma_wait3A_456 = arith.constant 0 : i32
        %dma_wait3A_457 = tpu.memref_slice %arg13[%add3A_449, %dma_wait3A_456] : memref<10240x64xf32, #tpu.memory_space<vmem_shared>> -> memref<16x64xf32, #tpu.memory_space<vmem_shared>>
        tpu.wait_dma2 semaphore(%run_scoped3A : memref<!tpu.dma_semaphore, #tpu.memory_space<semaphore_mem>>) src(%arg11 : memref<16x64xf32, #tpu.memory_space<vmem>>) dst(%dma_wait3A_457 : memref<16x64xf32, #tpu.memory_space<vmem_shared>>)
        tpu.yield
      }) : () -> ()
    }
    %scan3A_9 = arith.constant 40 : i32
    %mul3A = arith.constant 640 : i32
    %mul3A_10 = arith.muli %arg1, %mul3A : i32
    %eq3A = arith.constant 0 : i32
    %eq3A_11 = arith.cmpi eq, %arg0, %eq3A : i32
    %convert_element_type3A = arith.extui %eq3A_11 : i1 to i32
    %cond3A = arith.constant 0 : i32
    %cond3A_12 = arith.cmpi ne, %convert_element_type3A, %cond3A : i32
    scf.if %cond3A_12 {
      "tpu.region"() ({
        %run_scoped3A = tpu.sem_alloc : memref<!tpu.dma_semaphore, #tpu.memory_space<semaphore_mem>>
        %dma_start3A_441 = arith.constant 0 : i32
        %dma_start3A_442 = tpu.memref_slice %arg12[%mul3A_10, %dma_start3A_441] : memref<10240x64xf32, #tpu.memory_space<vmem_shared>> -> memref<640x64xf32, #tpu.memory_space<vmem_shared>>
        %dma_start3A_443 = arith.constant 0 : i32
        %dma_start3A_444 = tpu.memref_slice %arg2[%mul3A_10, %dma_start3A_443] : memref<10240x64xf32, #tpu.memory_space<hbm>> -> memref<640x64xf32, #tpu.memory_space<hbm>>
        tpu.enqueue_dma source(%dma_start3A_444 : memref<640x64xf32, #tpu.memory_space<hbm>>) target(%dma_start3A_442 : memref<640x64xf32, #tpu.memory_space<vmem_shared>>) target_semaphore(%run_scoped3A : memref<!tpu.dma_semaphore, #tpu.memory_space<semaphore_mem>>)
        %dma_wait3A_445 = arith.constant 0 : i32
        %dma_wait3A_446 = tpu.memref_slice %arg12[%mul3A_10, %dma_wait3A_445] : memref<10240x64xf32, #tpu.memory_space<vmem_shared>> -> memref<640x64xf32, #tpu.memory_space<vmem_shared>>
        %dma_wait3A_447 = arith.constant 0 : i32
        %dma_wait3A_448 = tpu.memref_slice %arg2[%mul3A_10, %dma_wait3A_447] : memref<10240x64xf32, #tpu.memory_space<hbm>> -> memref<640x64xf32, #tpu.memory_space<hbm>>
        tpu.wait_dma2 semaphore(%run_scoped3A : memref<!tpu.dma_semaphore, #tpu.memory_space<semaphore_mem>>) src(%dma_wait3A_448 : memref<640x64xf32, #tpu.memory_space<hbm>>) dst(%dma_wait3A_446 : memref<640x64xf32, #tpu.memory_space<vmem_shared>>)
        tpu.yield
      }) : () -> ()
    } else {
    }
    %eq3A_13 = arith.constant 1 : i32
    %eq3A_14 = arith.cmpi eq, %arg0, %eq3A_13 : i32
    %convert_element_type3A_15 = arith.extui %eq3A_14 : i1 to i32
    %cond3A_16 = arith.constant 0 : i32
    %cond3A_17 = arith.cmpi ne, %convert_element_type3A_15, %cond3A_16 : i32
    scf.if %cond3A_17 {
      "tpu.region"() ({
        %run_scoped3A = tpu.sem_alloc : memref<!tpu.dma_semaphore, #tpu.memory_space<semaphore_mem>>
        %dma_start3A_441 = arith.constant 0 : i32
        %dma_start3A_442 = tpu.memref_slice %arg12[%mul3A_10, %dma_start3A_441] : memref<10240x64xf32, #tpu.memory_space<vmem_shared>> -> memref<640x64xf32, #tpu.memory_space<vmem_shared>>
        %dma_start3A_443 = arith.constant 0 : i32
        %dma_start3A_444 = tpu.memref_slice %arg3[%mul3A_10, %dma_start3A_443] : memref<10240x64xf32, #tpu.memory_space<hbm>> -> memref<640x64xf32, #tpu.memory_space<hbm>>
        tpu.enqueue_dma source(%dma_start3A_444 : memref<640x64xf32, #tpu.memory_space<hbm>>) target(%dma_start3A_442 : memref<640x64xf32, #tpu.memory_space<vmem_shared>>) target_semaphore(%run_scoped3A : memref<!tpu.dma_semaphore, #tpu.memory_space<semaphore_mem>>)
        %dma_wait3A_445 = arith.constant 0 : i32
        %dma_wait3A_446 = tpu.memref_slice %arg12[%mul3A_10, %dma_wait3A_445] : memref<10240x64xf32, #tpu.memory_space<vmem_shared>> -> memref<640x64xf32, #tpu.memory_space<vmem_shared>>
        %dma_wait3A_447 = arith.constant 0 : i32
        %dma_wait3A_448 = tpu.memref_slice %arg3[%mul3A_10, %dma_wait3A_447] : memref<10240x64xf32, #tpu.memory_space<hbm>> -> memref<640x64xf32, #tpu.memory_space<hbm>>
        tpu.wait_dma2 semaphore(%run_scoped3A : memref<!tpu.dma_semaphore, #tpu.memory_space<semaphore_mem>>) src(%dma_wait3A_448 : memref<640x64xf32, #tpu.memory_space<hbm>>) dst(%dma_wait3A_446 : memref<640x64xf32, #tpu.memory_space<vmem_shared>>)
        tpu.yield
      }) : () -> ()
    } else {
    }
    %dma_start3A = arith.constant 0 : i32
    %dma_start3A_18 = arith.constant 0 : i32
    %dma_start3A_19 = arith.constant 0 : i32
    %dma_start3A_20 = tpu.memref_slice %arg7[%dma_start3A, %dma_start3A_18, %dma_start3A_19] : memref<2x40x128xi32, #tpu.memory_space<vmem>> -> memref<1x40x128xi32, #tpu.memory_space<vmem>>
    %dma_start3A_21 = tpu.memref_squeeze %dma_start3A_20 : memref<1x40x128xi32, #tpu.memory_space<vmem>> -> memref<40x128xi32, #tpu.memory_space<vmem>>
    %dma_start3A_22 = arith.constant 0 : i32
    %dma_start3A_23 = arith.constant 0 : i32
    %dma_start3A_24 = tpu.memref_slice %arg4[%arg1, %dma_start3A_22, %dma_start3A_23] : memref<16x160x128xi32, #tpu.memory_space<hbm>> -> memref<1x40x128xi32, #tpu.memory_space<hbm>>
    %dma_start3A_25 = tpu.memref_squeeze %dma_start3A_24 : memref<1x40x128xi32, #tpu.memory_space<hbm>> -> memref<40x128xi32, #tpu.memory_space<hbm>>
    %dma_start3A_26 = arith.constant 0 : i32
    %dma_start3A_27 = arith.constant 0 : i32
    %dma_start3A_28 = tpu.memref_slice %arg7[%dma_start3A, %dma_start3A_26, %dma_start3A_27] : memref<2x40x128xi32, #tpu.memory_space<vmem>> -> memref<1x40x128xi32, #tpu.memory_space<vmem>>
    %dma_start3A_29 = tpu.memref_squeeze %dma_start3A_28 : memref<1x40x128xi32, #tpu.memory_space<vmem>> -> memref<40x128xi32, #tpu.memory_space<vmem>>
    %dma_start3A_30 = arith.constant 0 : i32
    %dma_start3A_31 = arith.constant 0 : i32
    %dma_start3A_32 = tpu.memref_slice %arg4[%arg1, %dma_start3A_30, %dma_start3A_31] : memref<16x160x128xi32, #tpu.memory_space<hbm>> -> memref<1x40x128xi32, #tpu.memory_space<hbm>>
    %dma_start3A_33 = tpu.memref_squeeze %dma_start3A_32 : memref<1x40x128xi32, #tpu.memory_space<hbm>> -> memref<40x128xi32, #tpu.memory_space<hbm>>
    tpu.enqueue_dma source(%dma_start3A_33 : memref<40x128xi32, #tpu.memory_space<hbm>>) target(%dma_start3A_29 : memref<40x128xi32, #tpu.memory_space<vmem>>) target_semaphore(%arg18 : memref<!tpu.dma_semaphore, #tpu.memory_space<semaphore_mem>>)
    %dma_start3A_34 = arith.constant 0 : i32
    %dma_start3A_35 = arith.constant 0 : i32
    %dma_start3A_36 = arith.constant 0 : i32
    %dma_start3A_37 = tpu.memref_slice %arg8[%dma_start3A_34, %dma_start3A_35, %dma_start3A_36] : memref<2x40x128xi32, #tpu.memory_space<vmem>> -> memref<1x40x128xi32, #tpu.memory_space<vmem>>
    %dma_start3A_38 = tpu.memref_squeeze %dma_start3A_37 : memref<1x40x128xi32, #tpu.memory_space<vmem>> -> memref<40x128xi32, #tpu.memory_space<vmem>>
    %dma_start3A_39 = arith.constant 0 : i32
    %dma_start3A_40 = arith.constant 0 : i32
    %dma_start3A_41 = tpu.memref_slice %arg5[%arg1, %dma_start3A_39, %dma_start3A_40] : memref<16x160x128xi32, #tpu.memory_space<hbm>> -> memref<1x40x128xi32, #tpu.memory_space<hbm>>
    %dma_start3A_42 = tpu.memref_squeeze %dma_start3A_41 : memref<1x40x128xi32, #tpu.memory_space<hbm>> -> memref<40x128xi32, #tpu.memory_space<hbm>>
    %dma_start3A_43 = arith.constant 0 : i32
    %dma_start3A_44 = arith.constant 0 : i32
    %dma_start3A_45 = tpu.memref_slice %arg8[%dma_start3A_34, %dma_start3A_43, %dma_start3A_44] : memref<2x40x128xi32, #tpu.memory_space<vmem>> -> memref<1x40x128xi32, #tpu.memory_space<vmem>>
    %dma_start3A_46 = tpu.memref_squeeze %dma_start3A_45 : memref<1x40x128xi32, #tpu.memory_space<vmem>> -> memref<40x128xi32, #tpu.memory_space<vmem>>
    %dma_start3A_47 = arith.constant 0 : i32
    %dma_start3A_48 = arith.constant 0 : i32
    %dma_start3A_49 = tpu.memref_slice %arg5[%arg1, %dma_start3A_47, %dma_start3A_48] : memref<16x160x128xi32, #tpu.memory_space<hbm>> -> memref<1x40x128xi32, #tpu.memory_space<hbm>>
    %dma_start3A_50 = tpu.memref_squeeze %dma_start3A_49 : memref<1x40x128xi32, #tpu.memory_space<hbm>> -> memref<40x128xi32, #tpu.memory_space<hbm>>
    tpu.enqueue_dma source(%dma_start3A_50 : memref<40x128xi32, #tpu.memory_space<hbm>>) target(%dma_start3A_46 : memref<40x128xi32, #tpu.memory_space<vmem>>) target_semaphore(%arg20 : memref<!tpu.dma_semaphore, #tpu.memory_space<semaphore_mem>>)
    %barrier3A = arith.constant 0 : index
    tpu.barrier barrier_id(%barrier3A)
    %dma_wait3A = arith.constant 0 : i32
    %dma_wait3A_51 = arith.constant 0 : i32
    %dma_wait3A_52 = arith.constant 0 : i32
    %dma_wait3A_53 = tpu.memref_slice %arg7[%dma_wait3A, %dma_wait3A_51, %dma_wait3A_52] : memref<2x40x128xi32, #tpu.memory_space<vmem>> -> memref<1x40x128xi32, #tpu.memory_space<vmem>>
    %dma_wait3A_54 = tpu.memref_squeeze %dma_wait3A_53 : memref<1x40x128xi32, #tpu.memory_space<vmem>> -> memref<40x128xi32, #tpu.memory_space<vmem>>
    %dma_wait3A_55 = arith.constant 0 : i32
    %dma_wait3A_56 = arith.constant 0 : i32
    %dma_wait3A_57 = tpu.memref_slice %arg4[%arg1, %dma_wait3A_55, %dma_wait3A_56] : memref<16x160x128xi32, #tpu.memory_space<hbm>> -> memref<1x40x128xi32, #tpu.memory_space<hbm>>
    %dma_wait3A_58 = tpu.memref_squeeze %dma_wait3A_57 : memref<1x40x128xi32, #tpu.memory_space<hbm>> -> memref<40x128xi32, #tpu.memory_space<hbm>>
    %dma_wait3A_59 = arith.constant 0 : i32
    %dma_wait3A_60 = arith.constant 0 : i32
    %dma_wait3A_61 = tpu.memref_slice %arg7[%dma_wait3A, %dma_wait3A_59, %dma_wait3A_60] : memref<2x40x128xi32, #tpu.memory_space<vmem>> -> memref<1x40x128xi32, #tpu.memory_space<vmem>>
    %dma_wait3A_62 = tpu.memref_squeeze %dma_wait3A_61 : memref<1x40x128xi32, #tpu.memory_space<vmem>> -> memref<40x128xi32, #tpu.memory_space<vmem>>
    %dma_wait3A_63 = arith.constant 0 : i32
    %dma_wait3A_64 = arith.constant 0 : i32
    %dma_wait3A_65 = tpu.memref_slice %arg4[%arg1, %dma_wait3A_63, %dma_wait3A_64] : memref<16x160x128xi32, #tpu.memory_space<hbm>> -> memref<1x40x128xi32, #tpu.memory_space<hbm>>
    %dma_wait3A_66 = tpu.memref_squeeze %dma_wait3A_65 : memref<1x40x128xi32, #tpu.memory_space<hbm>> -> memref<40x128xi32, #tpu.memory_space<hbm>>
    tpu.wait_dma2 semaphore(%arg18 : memref<!tpu.dma_semaphore, #tpu.memory_space<semaphore_mem>>) src(%dma_wait3A_66 : memref<40x128xi32, #tpu.memory_space<hbm>>) dst(%dma_wait3A_62 : memref<40x128xi32, #tpu.memory_space<vmem>>)
    %dma_wait3A_67 = arith.constant 0 : i32
    %dma_wait3A_68 = arith.constant 0 : i32
    %dma_wait3A_69 = arith.constant 0 : i32
    %dma_wait3A_70 = tpu.memref_slice %arg8[%dma_wait3A_67, %dma_wait3A_68, %dma_wait3A_69] : memref<2x40x128xi32, #tpu.memory_space<vmem>> -> memref<1x40x128xi32, #tpu.memory_space<vmem>>
    %dma_wait3A_71 = tpu.memref_squeeze %dma_wait3A_70 : memref<1x40x128xi32, #tpu.memory_space<vmem>> -> memref<40x128xi32, #tpu.memory_space<vmem>>
    %dma_wait3A_72 = arith.constant 0 : i32
    %dma_wait3A_73 = arith.constant 0 : i32
    %dma_wait3A_74 = tpu.memref_slice %arg5[%arg1, %dma_wait3A_72, %dma_wait3A_73] : memref<16x160x128xi32, #tpu.memory_space<hbm>> -> memref<1x40x128xi32, #tpu.memory_space<hbm>>
    %dma_wait3A_75 = tpu.memref_squeeze %dma_wait3A_74 : memref<1x40x128xi32, #tpu.memory_space<hbm>> -> memref<40x128xi32, #tpu.memory_space<hbm>>
    %dma_wait3A_76 = arith.constant 0 : i32
    %dma_wait3A_77 = arith.constant 0 : i32
    %dma_wait3A_78 = tpu.memref_slice %arg8[%dma_wait3A_67, %dma_wait3A_76, %dma_wait3A_77] : memref<2x40x128xi32, #tpu.memory_space<vmem>> -> memref<1x40x128xi32, #tpu.memory_space<vmem>>
    %dma_wait3A_79 = tpu.memref_squeeze %dma_wait3A_78 : memref<1x40x128xi32, #tpu.memory_space<vmem>> -> memref<40x128xi32, #tpu.memory_space<vmem>>
    %dma_wait3A_80 = arith.constant 0 : i32
    %dma_wait3A_81 = arith.constant 0 : i32
    %dma_wait3A_82 = tpu.memref_slice %arg5[%arg1, %dma_wait3A_80, %dma_wait3A_81] : memref<16x160x128xi32, #tpu.memory_space<hbm>> -> memref<1x40x128xi32, #tpu.memory_space<hbm>>
    %dma_wait3A_83 = tpu.memref_squeeze %dma_wait3A_82 : memref<1x40x128xi32, #tpu.memory_space<hbm>> -> memref<40x128xi32, #tpu.memory_space<hbm>>
    tpu.wait_dma2 semaphore(%arg20 : memref<!tpu.dma_semaphore, #tpu.memory_space<semaphore_mem>>) src(%dma_wait3A_83 : memref<40x128xi32, #tpu.memory_space<hbm>>) dst(%dma_wait3A_79 : memref<40x128xi32, #tpu.memory_space<vmem>>)
    %dma_start3A_84 = arith.constant 1 : i32
    %dma_start3A_85 = arith.constant 0 : i32
    %dma_start3A_86 = arith.constant 0 : i32
    %dma_start3A_87 = tpu.memref_slice %arg7[%dma_start3A_84, %dma_start3A_85, %dma_start3A_86] : memref<2x40x128xi32, #tpu.memory_space<vmem>> -> memref<1x40x128xi32, #tpu.memory_space<vmem>>
    %dma_start3A_88 = tpu.memref_squeeze %dma_start3A_87 : memref<1x40x128xi32, #tpu.memory_space<vmem>> -> memref<40x128xi32, #tpu.memory_space<vmem>>
    %dma_start3A_89 = arith.constant 40 : i32
    %dma_start3A_90 = arith.constant 0 : i32
    %dma_start3A_91 = tpu.memref_slice %arg4[%arg1, %dma_start3A_89, %dma_start3A_90] : memref<16x160x128xi32, #tpu.memory_space<hbm>> -> memref<1x40x128xi32, #tpu.memory_space<hbm>>
    %dma_start3A_92 = tpu.memref_squeeze %dma_start3A_91 : memref<1x40x128xi32, #tpu.memory_space<hbm>> -> memref<40x128xi32, #tpu.memory_space<hbm>>
    %dma_start3A_93 = arith.constant 0 : i32
    %dma_start3A_94 = arith.constant 0 : i32
    %dma_start3A_95 = tpu.memref_slice %arg7[%dma_start3A_84, %dma_start3A_93, %dma_start3A_94] : memref<2x40x128xi32, #tpu.memory_space<vmem>> -> memref<1x40x128xi32, #tpu.memory_space<vmem>>
    %dma_start3A_96 = tpu.memref_squeeze %dma_start3A_95 : memref<1x40x128xi32, #tpu.memory_space<vmem>> -> memref<40x128xi32, #tpu.memory_space<vmem>>
    %dma_start3A_97 = arith.constant 40 : i32
    %dma_start3A_98 = arith.constant 0 : i32
    %dma_start3A_99 = tpu.memref_slice %arg4[%arg1, %dma_start3A_97, %dma_start3A_98] : memref<16x160x128xi32, #tpu.memory_space<hbm>> -> memref<1x40x128xi32, #tpu.memory_space<hbm>>
    %dma_start3A_100 = tpu.memref_squeeze %dma_start3A_99 : memref<1x40x128xi32, #tpu.memory_space<hbm>> -> memref<40x128xi32, #tpu.memory_space<hbm>>
    tpu.enqueue_dma source(%dma_start3A_100 : memref<40x128xi32, #tpu.memory_space<hbm>>) target(%dma_start3A_96 : memref<40x128xi32, #tpu.memory_space<vmem>>) target_semaphore(%arg19 : memref<!tpu.dma_semaphore, #tpu.memory_space<semaphore_mem>>)
    %dma_start3A_101 = arith.constant 1 : i32
    %dma_start3A_102 = arith.constant 0 : i32
    %dma_start3A_103 = arith.constant 0 : i32
    %dma_start3A_104 = tpu.memref_slice %arg8[%dma_start3A_101, %dma_start3A_102, %dma_start3A_103] : memref<2x40x128xi32, #tpu.memory_space<vmem>> -> memref<1x40x128xi32, #tpu.memory_space<vmem>>
    %dma_start3A_105 = tpu.memref_squeeze %dma_start3A_104 : memref<1x40x128xi32, #tpu.memory_space<vmem>> -> memref<40x128xi32, #tpu.memory_space<vmem>>
    %dma_start3A_106 = arith.constant 40 : i32
    %dma_start3A_107 = arith.constant 0 : i32
    %dma_start3A_108 = tpu.memref_slice %arg5[%arg1, %dma_start3A_106, %dma_start3A_107] : memref<16x160x128xi32, #tpu.memory_space<hbm>> -> memref<1x40x128xi32, #tpu.memory_space<hbm>>
    %dma_start3A_109 = tpu.memref_squeeze %dma_start3A_108 : memref<1x40x128xi32, #tpu.memory_space<hbm>> -> memref<40x128xi32, #tpu.memory_space<hbm>>
    %dma_start3A_110 = arith.constant 0 : i32
    %dma_start3A_111 = arith.constant 0 : i32
    %dma_start3A_112 = tpu.memref_slice %arg8[%dma_start3A_101, %dma_start3A_110, %dma_start3A_111] : memref<2x40x128xi32, #tpu.memory_space<vmem>> -> memref<1x40x128xi32, #tpu.memory_space<vmem>>
    %dma_start3A_113 = tpu.memref_squeeze %dma_start3A_112 : memref<1x40x128xi32, #tpu.memory_space<vmem>> -> memref<40x128xi32, #tpu.memory_space<vmem>>
    %dma_start3A_114 = arith.constant 40 : i32
    %dma_start3A_115 = arith.constant 0 : i32
    %dma_start3A_116 = tpu.memref_slice %arg5[%arg1, %dma_start3A_114, %dma_start3A_115] : memref<16x160x128xi32, #tpu.memory_space<hbm>> -> memref<1x40x128xi32, #tpu.memory_space<hbm>>
    %dma_start3A_117 = tpu.memref_squeeze %dma_start3A_116 : memref<1x40x128xi32, #tpu.memory_space<hbm>> -> memref<40x128xi32, #tpu.memory_space<hbm>>
    tpu.enqueue_dma source(%dma_start3A_117 : memref<40x128xi32, #tpu.memory_space<hbm>>) target(%dma_start3A_113 : memref<40x128xi32, #tpu.memory_space<vmem>>) target_semaphore(%arg21 : memref<!tpu.dma_semaphore, #tpu.memory_space<semaphore_mem>>)
    %dma_start3A_118 = arith.constant 0 : i32
    %dma_start3A_119 = arith.constant 0 : i32
    %dma_start3A_120 = arith.constant 0 : i32
    %dma_start3A_121 = tpu.memref_slice %arg7[%dma_start3A_118, %dma_start3A_119, %dma_start3A_120] : memref<2x40x128xi32, #tpu.memory_space<vmem>> -> memref<1x1x128xi32, #tpu.memory_space<vmem>>
    %dma_start3A_122 = tpu.memref_squeeze %dma_start3A_121 : memref<1x1x128xi32, #tpu.memory_space<vmem>> -> memref<128xi32, #tpu.memory_space<vmem>>
    %dma_start3A_123 = arith.constant 0 : i32
    %dma_start3A_124 = arith.constant 0 : i32
    %dma_start3A_125 = tpu.memref_slice %arg12[%dma_start3A_123, %dma_start3A_124] : memref<10240x64xf32, #tpu.memory_space<vmem_shared>> -> memref<10240x64xf32, #tpu.memory_space<vmem_shared>>
    tpu.enqueue_indirect_dma source(%dma_start3A_125 : memref<10240x64xf32, #tpu.memory_space<vmem_shared>>) target(%arg9 : memref<128x64xf32, #tpu.memory_space<vmem>>) offsets(%dma_start3A_122 : memref<128xi32, #tpu.memory_space<vmem>>) semaphore(%arg14 : memref<!tpu.dma_semaphore, #tpu.memory_space<semaphore_mem>>)
    %dma_start3A_126 = arith.constant 0 : i32
    %dma_start3A_127 = arith.constant 1 : i32
    %dma_start3A_128 = arith.constant 0 : i32
    %dma_start3A_129 = tpu.memref_slice %arg7[%dma_start3A_126, %dma_start3A_127, %dma_start3A_128] : memref<2x40x128xi32, #tpu.memory_space<vmem>> -> memref<1x1x128xi32, #tpu.memory_space<vmem>>
    %dma_start3A_130 = tpu.memref_squeeze %dma_start3A_129 : memref<1x1x128xi32, #tpu.memory_space<vmem>> -> memref<128xi32, #tpu.memory_space<vmem>>
    %dma_start3A_131 = arith.constant 0 : i32
    %dma_start3A_132 = arith.constant 0 : i32
    %dma_start3A_133 = tpu.memref_slice %arg12[%dma_start3A_131, %dma_start3A_132] : memref<10240x64xf32, #tpu.memory_space<vmem_shared>> -> memref<10240x64xf32, #tpu.memory_space<vmem_shared>>
    tpu.enqueue_indirect_dma source(%dma_start3A_133 : memref<10240x64xf32, #tpu.memory_space<vmem_shared>>) target(%arg10 : memref<128x64xf32, #tpu.memory_space<vmem>>) offsets(%dma_start3A_130 : memref<128xi32, #tpu.memory_space<vmem>>) semaphore(%arg15 : memref<!tpu.dma_semaphore, #tpu.memory_space<semaphore_mem>>)
    %scan3A_134 = arith.constant 0 : i32
    %scan3A_135 = arith.constant 20 : i32
    %scan3A_136 = arith.addi %scan3A_134, %scan3A_135 : i32
    %scan3A_137 = arith.constant 1 : i32
    scf.for %scan3A_441 = %scan3A_134 to %scan3A_136 step %scan3A_137  : i32 {
      %mul3A_442 = arith.constant 1 : i32
      %mul3A_443 = arith.muli %scan3A_441, %mul3A_442 : i32
      %add3A = arith.constant 0 : i32
      %add3A_444 = arith.addi %add3A, %mul3A_443 : i32
      %mul3A_445 = arith.constant 2 : i32
      %mul3A_446 = arith.muli %add3A_444, %mul3A_445 : i32
      %add3A_447 = arith.constant 0 : i32
      %add3A_448 = arith.addi %mul3A_446, %add3A_447 : i32
      %dma_wait3A_449 = arith.constant 0 : i32
      %dma_wait3A_450 = arith.constant 0 : i32
      %dma_wait3A_451 = tpu.memref_slice %arg7[%dma_wait3A_449, %add3A_448, %dma_wait3A_450] : memref<2x40x128xi32, #tpu.memory_space<vmem>> -> memref<1x1x128xi32, #tpu.memory_space<vmem>>
      %dma_wait3A_452 = tpu.memref_squeeze %dma_wait3A_451 : memref<1x1x128xi32, #tpu.memory_space<vmem>> -> memref<128xi32, #tpu.memory_space<vmem>>
      %dma_wait3A_453 = arith.constant 0 : i32
      %dma_wait3A_454 = arith.constant 0 : i32
      %dma_wait3A_455 = tpu.memref_slice %arg12[%dma_wait3A_453, %dma_wait3A_454] : memref<10240x64xf32, #tpu.memory_space<vmem_shared>> -> memref<10240x64xf32, #tpu.memory_space<vmem_shared>>
      tpu.wait_indirect_dma semaphore(%arg14 : memref<!tpu.dma_semaphore, #tpu.memory_space<semaphore_mem>>) src(%dma_wait3A_455 : memref<10240x64xf32, #tpu.memory_space<vmem_shared>>) dst(%arg9 : memref<128x64xf32, #tpu.memory_space<vmem>>)
      %add3A_456 = arith.constant 0 : i32
      %add3A_457 = arith.addi %mul3A_446, %add3A_456 : i32
      %dma_start3A_458 = arith.constant 0 : i32
      %dma_start3A_459 = arith.constant 0 : i32
      %dma_start3A_460 = tpu.memref_slice %arg8[%dma_start3A_458, %add3A_457, %dma_start3A_459] : memref<2x40x128xi32, #tpu.memory_space<vmem>> -> memref<1x1x128xi32, #tpu.memory_space<vmem>>
      %dma_start3A_461 = tpu.memref_squeeze %dma_start3A_460 : memref<1x1x128xi32, #tpu.memory_space<vmem>> -> memref<128xi32, #tpu.memory_space<vmem>>
      %dma_start3A_462 = arith.constant 0 : i32
      %dma_start3A_463 = arith.constant 0 : i32
      %dma_start3A_464 = tpu.memref_slice %arg13[%dma_start3A_462, %dma_start3A_463] : memref<10240x64xf32, #tpu.memory_space<vmem_shared>> -> memref<10240x64xf32, #tpu.memory_space<vmem_shared>>
      tpu.enqueue_indirect_dma source(%arg9 : memref<128x64xf32, #tpu.memory_space<vmem>>) target(%dma_start3A_464 : memref<10240x64xf32, #tpu.memory_space<vmem_shared>>) offsets(%dma_start3A_461 : memref<128xi32, #tpu.memory_space<vmem>>) semaphore(%arg16 : memref<!tpu.dma_semaphore, #tpu.memory_space<semaphore_mem>>) {add = true}
      %add3A_465 = arith.constant 1 : i32
      %add3A_466 = arith.addi %mul3A_446, %add3A_465 : i32
      %dma_wait3A_467 = arith.constant 0 : i32
      %dma_wait3A_468 = arith.constant 0 : i32
      %dma_wait3A_469 = tpu.memref_slice %arg7[%dma_wait3A_467, %add3A_466, %dma_wait3A_468] : memref<2x40x128xi32, #tpu.memory_space<vmem>> -> memref<1x1x128xi32, #tpu.memory_space<vmem>>
      %dma_wait3A_470 = tpu.memref_squeeze %dma_wait3A_469 : memref<1x1x128xi32, #tpu.memory_space<vmem>> -> memref<128xi32, #tpu.memory_space<vmem>>
      %dma_wait3A_471 = arith.constant 0 : i32
      %dma_wait3A_472 = arith.constant 0 : i32
      %dma_wait3A_473 = tpu.memref_slice %arg12[%dma_wait3A_471, %dma_wait3A_472] : memref<10240x64xf32, #tpu.memory_space<vmem_shared>> -> memref<10240x64xf32, #tpu.memory_space<vmem_shared>>
      tpu.wait_indirect_dma semaphore(%arg15 : memref<!tpu.dma_semaphore, #tpu.memory_space<semaphore_mem>>) src(%dma_wait3A_473 : memref<10240x64xf32, #tpu.memory_space<vmem_shared>>) dst(%arg10 : memref<128x64xf32, #tpu.memory_space<vmem>>)
      %add3A_474 = arith.constant 1 : i32
      %add3A_475 = arith.addi %mul3A_446, %add3A_474 : i32
      %dma_start3A_476 = arith.constant 0 : i32
      %dma_start3A_477 = arith.constant 0 : i32
      %dma_start3A_478 = tpu.memref_slice %arg8[%dma_start3A_476, %add3A_475, %dma_start3A_477] : memref<2x40x128xi32, #tpu.memory_space<vmem>> -> memref<1x1x128xi32, #tpu.memory_space<vmem>>
      %dma_start3A_479 = tpu.memref_squeeze %dma_start3A_478 : memref<1x1x128xi32, #tpu.memory_space<vmem>> -> memref<128xi32, #tpu.memory_space<vmem>>
      %dma_start3A_480 = arith.constant 0 : i32
      %dma_start3A_481 = arith.constant 0 : i32
      %dma_start3A_482 = tpu.memref_slice %arg13[%dma_start3A_480, %dma_start3A_481] : memref<10240x64xf32, #tpu.memory_space<vmem_shared>> -> memref<10240x64xf32, #tpu.memory_space<vmem_shared>>
      tpu.enqueue_indirect_dma source(%arg10 : memref<128x64xf32, #tpu.memory_space<vmem>>) target(%dma_start3A_482 : memref<10240x64xf32, #tpu.memory_space<vmem_shared>>) offsets(%dma_start3A_479 : memref<128xi32, #tpu.memory_space<vmem>>) semaphore(%arg17 : memref<!tpu.dma_semaphore, #tpu.memory_space<semaphore_mem>>) {add = true}
      %add3A_483 = arith.constant 1 : i32
      %add3A_484 = arith.addi %add3A_444, %add3A_483 : i32
      %lt3A = arith.constant 20 : i32
      %lt3A_485 = arith.cmpi slt, %add3A_484, %lt3A : i32
      %convert_element_type3A_486 = arith.extui %lt3A_485 : i1 to i32
      %cond3A_487 = arith.constant 0 : i32
      %cond3A_488 = arith.cmpi ne, %convert_element_type3A_486, %cond3A_487 : i32
      scf.if %cond3A_488 {
        %add3A_496 = arith.constant 0 : i32
        %add3A_497 = arith.addi %mul3A_446, %add3A_496 : i32
        %dma_wait3A_498 = arith.constant 0 : i32
        %dma_wait3A_499 = arith.constant 0 : i32
        %dma_wait3A_500 = tpu.memref_slice %arg8[%dma_wait3A_498, %add3A_497, %dma_wait3A_499] : memref<2x40x128xi32, #tpu.memory_space<vmem>> -> memref<1x1x128xi32, #tpu.memory_space<vmem>>
        %dma_wait3A_501 = tpu.memref_squeeze %dma_wait3A_500 : memref<1x1x128xi32, #tpu.memory_space<vmem>> -> memref<128xi32, #tpu.memory_space<vmem>>
        %dma_wait3A_502 = arith.constant 0 : i32
        %dma_wait3A_503 = arith.constant 0 : i32
        %dma_wait3A_504 = tpu.memref_slice %arg13[%dma_wait3A_502, %dma_wait3A_503] : memref<10240x64xf32, #tpu.memory_space<vmem_shared>> -> memref<10240x64xf32, #tpu.memory_space<vmem_shared>>
        tpu.wait_indirect_dma semaphore(%arg16 : memref<!tpu.dma_semaphore, #tpu.memory_space<semaphore_mem>>) src(%arg9 : memref<128x64xf32, #tpu.memory_space<vmem>>) dst(%dma_wait3A_504 : memref<10240x64xf32, #tpu.memory_space<vmem_shared>>)
        %add3A_505 = arith.constant 2 : i32
        %add3A_506 = arith.addi %mul3A_446, %add3A_505 : i32
        %add3A_507 = arith.constant 0 : i32
        %add3A_508 = arith.addi %add3A_506, %add3A_507 : i32
        %dma_start3A_509 = arith.constant 0 : i32
        %dma_start3A_510 = arith.constant 0 : i32
        %dma_start3A_511 = tpu.memref_slice %arg7[%dma_start3A_509, %add3A_508, %dma_start3A_510] : memref<2x40x128xi32, #tpu.memory_space<vmem>> -> memref<1x1x128xi32, #tpu.memory_space<vmem>>
        %dma_start3A_512 = tpu.memref_squeeze %dma_start3A_511 : memref<1x1x128xi32, #tpu.memory_space<vmem>> -> memref<128xi32, #tpu.memory_space<vmem>>
        %dma_start3A_513 = arith.constant 0 : i32
        %dma_start3A_514 = arith.constant 0 : i32
        %dma_start3A_515 = tpu.memref_slice %arg12[%dma_start3A_513, %dma_start3A_514] : memref<10240x64xf32, #tpu.memory_space<vmem_shared>> -> memref<10240x64xf32, #tpu.memory_space<vmem_shared>>
        tpu.enqueue_indirect_dma source(%dma_start3A_515 : memref<10240x64xf32, #tpu.memory_space<vmem_shared>>) target(%arg9 : memref<128x64xf32, #tpu.memory_space<vmem>>) offsets(%dma_start3A_512 : memref<128xi32, #tpu.memory_space<vmem>>) semaphore(%arg14 : memref<!tpu.dma_semaphore, #tpu.memory_space<semaphore_mem>>)
      } else {
      }
      %add3A_489 = arith.constant 1 : i32
      %add3A_490 = arith.addi %add3A_444, %add3A_489 : i32
      %lt3A_491 = arith.constant 20 : i32
      %lt3A_492 = arith.cmpi slt, %add3A_490, %lt3A_491 : i32
      %convert_element_type3A_493 = arith.extui %lt3A_492 : i1 to i32
      %cond3A_494 = arith.constant 0 : i32
      %cond3A_495 = arith.cmpi ne, %convert_element_type3A_493, %cond3A_494 : i32
      scf.if %cond3A_495 {
        %add3A_496 = arith.constant 1 : i32
        %add3A_497 = arith.addi %mul3A_446, %add3A_496 : i32
        %dma_wait3A_498 = arith.constant 0 : i32
        %dma_wait3A_499 = arith.constant 0 : i32
        %dma_wait3A_500 = tpu.memref_slice %arg8[%dma_wait3A_498, %add3A_497, %dma_wait3A_499] : memref<2x40x128xi32, #tpu.memory_space<vmem>> -> memref<1x1x128xi32, #tpu.memory_space<vmem>>
        %dma_wait3A_501 = tpu.memref_squeeze %dma_wait3A_500 : memref<1x1x128xi32, #tpu.memory_space<vmem>> -> memref<128xi32, #tpu.memory_space<vmem>>
        %dma_wait3A_502 = arith.constant 0 : i32
        %dma_wait3A_503 = arith.constant 0 : i32
        %dma_wait3A_504 = tpu.memref_slice %arg13[%dma_wait3A_502, %dma_wait3A_503] : memref<10240x64xf32, #tpu.memory_space<vmem_shared>> -> memref<10240x64xf32, #tpu.memory_space<vmem_shared>>
        tpu.wait_indirect_dma semaphore(%arg17 : memref<!tpu.dma_semaphore, #tpu.memory_space<semaphore_mem>>) src(%arg10 : memref<128x64xf32, #tpu.memory_space<vmem>>) dst(%dma_wait3A_504 : memref<10240x64xf32, #tpu.memory_space<vmem_shared>>)
        %add3A_505 = arith.constant 2 : i32
        %add3A_506 = arith.addi %mul3A_446, %add3A_505 : i32
        %add3A_507 = arith.constant 1 : i32
        %add3A_508 = arith.addi %add3A_506, %add3A_507 : i32
        %dma_start3A_509 = arith.constant 0 : i32
        %dma_start3A_510 = arith.constant 0 : i32
        %dma_start3A_511 = tpu.memref_slice %arg7[%dma_start3A_509, %add3A_508, %dma_start3A_510] : memref<2x40x128xi32, #tpu.memory_space<vmem>> -> memref<1x1x128xi32, #tpu.memory_space<vmem>>
        %dma_start3A_512 = tpu.memref_squeeze %dma_start3A_511 : memref<1x1x128xi32, #tpu.memory_space<vmem>> -> memref<128xi32, #tpu.memory_space<vmem>>
        %dma_start3A_513 = arith.constant 0 : i32
        %dma_start3A_514 = arith.constant 0 : i32
        %dma_start3A_515 = tpu.memref_slice %arg12[%dma_start3A_513, %dma_start3A_514] : memref<10240x64xf32, #tpu.memory_space<vmem_shared>> -> memref<10240x64xf32, #tpu.memory_space<vmem_shared>>
        tpu.enqueue_indirect_dma source(%dma_start3A_515 : memref<10240x64xf32, #tpu.memory_space<vmem_shared>>) target(%arg10 : memref<128x64xf32, #tpu.memory_space<vmem>>) offsets(%dma_start3A_512 : memref<128xi32, #tpu.memory_space<vmem>>) semaphore(%arg15 : memref<!tpu.dma_semaphore, #tpu.memory_space<semaphore_mem>>)
      } else {
      }
    }
    %scan3A_138 = arith.constant 20 : i32
    %dma_wait3A_139 = arith.constant 0 : i32
    %dma_wait3A_140 = arith.constant 38 : i32
    %dma_wait3A_141 = arith.constant 0 : i32
    %dma_wait3A_142 = tpu.memref_slice %arg8[%dma_wait3A_139, %dma_wait3A_140, %dma_wait3A_141] : memref<2x40x128xi32, #tpu.memory_space<vmem>> -> memref<1x1x128xi32, #tpu.memory_space<vmem>>
    %dma_wait3A_143 = tpu.memref_squeeze %dma_wait3A_142 : memref<1x1x128xi32, #tpu.memory_space<vmem>> -> memref<128xi32, #tpu.memory_space<vmem>>
    %dma_wait3A_144 = arith.constant 0 : i32
    %dma_wait3A_145 = arith.constant 0 : i32
    %dma_wait3A_146 = tpu.memref_slice %arg13[%dma_wait3A_144, %dma_wait3A_145] : memref<10240x64xf32, #tpu.memory_space<vmem_shared>> -> memref<10240x64xf32, #tpu.memory_space<vmem_shared>>
    tpu.wait_indirect_dma semaphore(%arg16 : memref<!tpu.dma_semaphore, #tpu.memory_space<semaphore_mem>>) src(%arg9 : memref<128x64xf32, #tpu.memory_space<vmem>>) dst(%dma_wait3A_146 : memref<10240x64xf32, #tpu.memory_space<vmem_shared>>)
    %dma_wait3A_147 = arith.constant 0 : i32
    %dma_wait3A_148 = arith.constant 39 : i32
    %dma_wait3A_149 = arith.constant 0 : i32
    %dma_wait3A_150 = tpu.memref_slice %arg8[%dma_wait3A_147, %dma_wait3A_148, %dma_wait3A_149] : memref<2x40x128xi32, #tpu.memory_space<vmem>> -> memref<1x1x128xi32, #tpu.memory_space<vmem>>
    %dma_wait3A_151 = tpu.memref_squeeze %dma_wait3A_150 : memref<1x1x128xi32, #tpu.memory_space<vmem>> -> memref<128xi32, #tpu.memory_space<vmem>>
    %dma_wait3A_152 = arith.constant 0 : i32
    %dma_wait3A_153 = arith.constant 0 : i32
    %dma_wait3A_154 = tpu.memref_slice %arg13[%dma_wait3A_152, %dma_wait3A_153] : memref<10240x64xf32, #tpu.memory_space<vmem_shared>> -> memref<10240x64xf32, #tpu.memory_space<vmem_shared>>
    tpu.wait_indirect_dma semaphore(%arg17 : memref<!tpu.dma_semaphore, #tpu.memory_space<semaphore_mem>>) src(%arg10 : memref<128x64xf32, #tpu.memory_space<vmem>>) dst(%dma_wait3A_154 : memref<10240x64xf32, #tpu.memory_space<vmem_shared>>)
    %dma_wait3A_155 = arith.constant 1 : i32
    %dma_wait3A_156 = arith.constant 0 : i32
    %dma_wait3A_157 = arith.constant 0 : i32
    %dma_wait3A_158 = tpu.memref_slice %arg7[%dma_wait3A_155, %dma_wait3A_156, %dma_wait3A_157] : memref<2x40x128xi32, #tpu.memory_space<vmem>> -> memref<1x40x128xi32, #tpu.memory_space<vmem>>
    %dma_wait3A_159 = tpu.memref_squeeze %dma_wait3A_158 : memref<1x40x128xi32, #tpu.memory_space<vmem>> -> memref<40x128xi32, #tpu.memory_space<vmem>>
    %dma_wait3A_160 = arith.constant 40 : i32
    %dma_wait3A_161 = arith.constant 0 : i32
    %dma_wait3A_162 = tpu.memref_slice %arg4[%arg1, %dma_wait3A_160, %dma_wait3A_161] : memref<16x160x128xi32, #tpu.memory_space<hbm>> -> memref<1x40x128xi32, #tpu.memory_space<hbm>>
    %dma_wait3A_163 = tpu.memref_squeeze %dma_wait3A_162 : memref<1x40x128xi32, #tpu.memory_space<hbm>> -> memref<40x128xi32, #tpu.memory_space<hbm>>
    %dma_wait3A_164 = arith.constant 0 : i32
    %dma_wait3A_165 = arith.constant 0 : i32
    %dma_wait3A_166 = tpu.memref_slice %arg7[%dma_wait3A_155, %dma_wait3A_164, %dma_wait3A_165] : memref<2x40x128xi32, #tpu.memory_space<vmem>> -> memref<1x40x128xi32, #tpu.memory_space<vmem>>
    %dma_wait3A_167 = tpu.memref_squeeze %dma_wait3A_166 : memref<1x40x128xi32, #tpu.memory_space<vmem>> -> memref<40x128xi32, #tpu.memory_space<vmem>>
    %dma_wait3A_168 = arith.constant 40 : i32
    %dma_wait3A_169 = arith.constant 0 : i32
    %dma_wait3A_170 = tpu.memref_slice %arg4[%arg1, %dma_wait3A_168, %dma_wait3A_169] : memref<16x160x128xi32, #tpu.memory_space<hbm>> -> memref<1x40x128xi32, #tpu.memory_space<hbm>>
    %dma_wait3A_171 = tpu.memref_squeeze %dma_wait3A_170 : memref<1x40x128xi32, #tpu.memory_space<hbm>> -> memref<40x128xi32, #tpu.memory_space<hbm>>
    tpu.wait_dma2 semaphore(%arg19 : memref<!tpu.dma_semaphore, #tpu.memory_space<semaphore_mem>>) src(%dma_wait3A_171 : memref<40x128xi32, #tpu.memory_space<hbm>>) dst(%dma_wait3A_167 : memref<40x128xi32, #tpu.memory_space<vmem>>)
    %dma_wait3A_172 = arith.constant 1 : i32
    %dma_wait3A_173 = arith.constant 0 : i32
    %dma_wait3A_174 = arith.constant 0 : i32
    %dma_wait3A_175 = tpu.memref_slice %arg8[%dma_wait3A_172, %dma_wait3A_173, %dma_wait3A_174] : memref<2x40x128xi32, #tpu.memory_space<vmem>> -> memref<1x40x128xi32, #tpu.memory_space<vmem>>
    %dma_wait3A_176 = tpu.memref_squeeze %dma_wait3A_175 : memref<1x40x128xi32, #tpu.memory_space<vmem>> -> memref<40x128xi32, #tpu.memory_space<vmem>>
    %dma_wait3A_177 = arith.constant 40 : i32
    %dma_wait3A_178 = arith.constant 0 : i32
    %dma_wait3A_179 = tpu.memref_slice %arg5[%arg1, %dma_wait3A_177, %dma_wait3A_178] : memref<16x160x128xi32, #tpu.memory_space<hbm>> -> memref<1x40x128xi32, #tpu.memory_space<hbm>>
    %dma_wait3A_180 = tpu.memref_squeeze %dma_wait3A_179 : memref<1x40x128xi32, #tpu.memory_space<hbm>> -> memref<40x128xi32, #tpu.memory_space<hbm>>
    %dma_wait3A_181 = arith.constant 0 : i32
    %dma_wait3A_182 = arith.constant 0 : i32
    %dma_wait3A_183 = tpu.memref_slice %arg8[%dma_wait3A_172, %dma_wait3A_181, %dma_wait3A_182] : memref<2x40x128xi32, #tpu.memory_space<vmem>> -> memref<1x40x128xi32, #tpu.memory_space<vmem>>
    %dma_wait3A_184 = tpu.memref_squeeze %dma_wait3A_183 : memref<1x40x128xi32, #tpu.memory_space<vmem>> -> memref<40x128xi32, #tpu.memory_space<vmem>>
    %dma_wait3A_185 = arith.constant 40 : i32
    %dma_wait3A_186 = arith.constant 0 : i32
    %dma_wait3A_187 = tpu.memref_slice %arg5[%arg1, %dma_wait3A_185, %dma_wait3A_186] : memref<16x160x128xi32, #tpu.memory_space<hbm>> -> memref<1x40x128xi32, #tpu.memory_space<hbm>>
    %dma_wait3A_188 = tpu.memref_squeeze %dma_wait3A_187 : memref<1x40x128xi32, #tpu.memory_space<hbm>> -> memref<40x128xi32, #tpu.memory_space<hbm>>
    tpu.wait_dma2 semaphore(%arg21 : memref<!tpu.dma_semaphore, #tpu.memory_space<semaphore_mem>>) src(%dma_wait3A_188 : memref<40x128xi32, #tpu.memory_space<hbm>>) dst(%dma_wait3A_184 : memref<40x128xi32, #tpu.memory_space<vmem>>)
    %dma_start3A_189 = arith.constant 0 : i32
    %dma_start3A_190 = arith.constant 0 : i32
    %dma_start3A_191 = arith.constant 0 : i32
    %dma_start3A_192 = tpu.memref_slice %arg7[%dma_start3A_189, %dma_start3A_190, %dma_start3A_191] : memref<2x40x128xi32, #tpu.memory_space<vmem>> -> memref<1x40x128xi32, #tpu.memory_space<vmem>>
    %dma_start3A_193 = tpu.memref_squeeze %dma_start3A_192 : memref<1x40x128xi32, #tpu.memory_space<vmem>> -> memref<40x128xi32, #tpu.memory_space<vmem>>
    %dma_start3A_194 = arith.constant 80 : i32
    %dma_start3A_195 = arith.constant 0 : i32
    %dma_start3A_196 = tpu.memref_slice %arg4[%arg1, %dma_start3A_194, %dma_start3A_195] : memref<16x160x128xi32, #tpu.memory_space<hbm>> -> memref<1x40x128xi32, #tpu.memory_space<hbm>>
    %dma_start3A_197 = tpu.memref_squeeze %dma_start3A_196 : memref<1x40x128xi32, #tpu.memory_space<hbm>> -> memref<40x128xi32, #tpu.memory_space<hbm>>
    %dma_start3A_198 = arith.constant 0 : i32
    %dma_start3A_199 = arith.constant 0 : i32
    %dma_start3A_200 = tpu.memref_slice %arg7[%dma_start3A_189, %dma_start3A_198, %dma_start3A_199] : memref<2x40x128xi32, #tpu.memory_space<vmem>> -> memref<1x40x128xi32, #tpu.memory_space<vmem>>
    %dma_start3A_201 = tpu.memref_squeeze %dma_start3A_200 : memref<1x40x128xi32, #tpu.memory_space<vmem>> -> memref<40x128xi32, #tpu.memory_space<vmem>>
    %dma_start3A_202 = arith.constant 80 : i32
    %dma_start3A_203 = arith.constant 0 : i32
    %dma_start3A_204 = tpu.memref_slice %arg4[%arg1, %dma_start3A_202, %dma_start3A_203] : memref<16x160x128xi32, #tpu.memory_space<hbm>> -> memref<1x40x128xi32, #tpu.memory_space<hbm>>
    %dma_start3A_205 = tpu.memref_squeeze %dma_start3A_204 : memref<1x40x128xi32, #tpu.memory_space<hbm>> -> memref<40x128xi32, #tpu.memory_space<hbm>>
    tpu.enqueue_dma source(%dma_start3A_205 : memref<40x128xi32, #tpu.memory_space<hbm>>) target(%dma_start3A_201 : memref<40x128xi32, #tpu.memory_space<vmem>>) target_semaphore(%arg18 : memref<!tpu.dma_semaphore, #tpu.memory_space<semaphore_mem>>)
    %dma_start3A_206 = arith.constant 0 : i32
    %dma_start3A_207 = arith.constant 0 : i32
    %dma_start3A_208 = arith.constant 0 : i32
    %dma_start3A_209 = tpu.memref_slice %arg8[%dma_start3A_206, %dma_start3A_207, %dma_start3A_208] : memref<2x40x128xi32, #tpu.memory_space<vmem>> -> memref<1x40x128xi32, #tpu.memory_space<vmem>>
    %dma_start3A_210 = tpu.memref_squeeze %dma_start3A_209 : memref<1x40x128xi32, #tpu.memory_space<vmem>> -> memref<40x128xi32, #tpu.memory_space<vmem>>
    %dma_start3A_211 = arith.constant 80 : i32
    %dma_start3A_212 = arith.constant 0 : i32
    %dma_start3A_213 = tpu.memref_slice %arg5[%arg1, %dma_start3A_211, %dma_start3A_212] : memref<16x160x128xi32, #tpu.memory_space<hbm>> -> memref<1x40x128xi32, #tpu.memory_space<hbm>>
    %dma_start3A_214 = tpu.memref_squeeze %dma_start3A_213 : memref<1x40x128xi32, #tpu.memory_space<hbm>> -> memref<40x128xi32, #tpu.memory_space<hbm>>
    %dma_start3A_215 = arith.constant 0 : i32
    %dma_start3A_216 = arith.constant 0 : i32
    %dma_start3A_217 = tpu.memref_slice %arg8[%dma_start3A_206, %dma_start3A_215, %dma_start3A_216] : memref<2x40x128xi32, #tpu.memory_space<vmem>> -> memref<1x40x128xi32, #tpu.memory_space<vmem>>
    %dma_start3A_218 = tpu.memref_squeeze %dma_start3A_217 : memref<1x40x128xi32, #tpu.memory_space<vmem>> -> memref<40x128xi32, #tpu.memory_space<vmem>>
    %dma_start3A_219 = arith.constant 80 : i32
    %dma_start3A_220 = arith.constant 0 : i32
    %dma_start3A_221 = tpu.memref_slice %arg5[%arg1, %dma_start3A_219, %dma_start3A_220] : memref<16x160x128xi32, #tpu.memory_space<hbm>> -> memref<1x40x128xi32, #tpu.memory_space<hbm>>
    %dma_start3A_222 = tpu.memref_squeeze %dma_start3A_221 : memref<1x40x128xi32, #tpu.memory_space<hbm>> -> memref<40x128xi32, #tpu.memory_space<hbm>>
    tpu.enqueue_dma source(%dma_start3A_222 : memref<40x128xi32, #tpu.memory_space<hbm>>) target(%dma_start3A_218 : memref<40x128xi32, #tpu.memory_space<vmem>>) target_semaphore(%arg20 : memref<!tpu.dma_semaphore, #tpu.memory_space<semaphore_mem>>)
    %dma_start3A_223 = arith.constant 1 : i32
    %dma_start3A_224 = arith.constant 0 : i32
    %dma_start3A_225 = arith.constant 0 : i32
    %dma_start3A_226 = tpu.memref_slice %arg7[%dma_start3A_223, %dma_start3A_224, %dma_start3A_225] : memref<2x40x128xi32, #tpu.memory_space<vmem>> -> memref<1x1x128xi32, #tpu.memory_space<vmem>>
    %dma_start3A_227 = tpu.memref_squeeze %dma_start3A_226 : memref<1x1x128xi32, #tpu.memory_space<vmem>> -> memref<128xi32, #tpu.memory_space<vmem>>
    %dma_start3A_228 = arith.constant 0 : i32
    %dma_start3A_229 = arith.constant 0 : i32
    %dma_start3A_230 = tpu.memref_slice %arg12[%dma_start3A_228, %dma_start3A_229] : memref<10240x64xf32, #tpu.memory_space<vmem_shared>> -> memref<10240x64xf32, #tpu.memory_space<vmem_shared>>
    tpu.enqueue_indirect_dma source(%dma_start3A_230 : memref<10240x64xf32, #tpu.memory_space<vmem_shared>>) target(%arg9 : memref<128x64xf32, #tpu.memory_space<vmem>>) offsets(%dma_start3A_227 : memref<128xi32, #tpu.memory_space<vmem>>) semaphore(%arg14 : memref<!tpu.dma_semaphore, #tpu.memory_space<semaphore_mem>>)
    %dma_start3A_231 = arith.constant 1 : i32
    %dma_start3A_232 = arith.constant 1 : i32
    %dma_start3A_233 = arith.constant 0 : i32
    %dma_start3A_234 = tpu.memref_slice %arg7[%dma_start3A_231, %dma_start3A_232, %dma_start3A_233] : memref<2x40x128xi32, #tpu.memory_space<vmem>> -> memref<1x1x128xi32, #tpu.memory_space<vmem>>
    %dma_start3A_235 = tpu.memref_squeeze %dma_start3A_234 : memref<1x1x128xi32, #tpu.memory_space<vmem>> -> memref<128xi32, #tpu.memory_space<vmem>>
    %dma_start3A_236 = arith.constant 0 : i32
    %dma_start3A_237 = arith.constant 0 : i32
    %dma_start3A_238 = tpu.memref_slice %arg12[%dma_start3A_236, %dma_start3A_237] : memref<10240x64xf32, #tpu.memory_space<vmem_shared>> -> memref<10240x64xf32, #tpu.memory_space<vmem_shared>>
    tpu.enqueue_indirect_dma source(%dma_start3A_238 : memref<10240x64xf32, #tpu.memory_space<vmem_shared>>) target(%arg10 : memref<128x64xf32, #tpu.memory_space<vmem>>) offsets(%dma_start3A_235 : memref<128xi32, #tpu.memory_space<vmem>>) semaphore(%arg15 : memref<!tpu.dma_semaphore, #tpu.memory_space<semaphore_mem>>)
    %scan3A_239 = arith.constant 0 : i32
    %scan3A_240 = arith.constant 20 : i32
    %scan3A_241 = arith.addi %scan3A_239, %scan3A_240 : i32
    %scan3A_242 = arith.constant 1 : i32
    scf.for %scan3A_441 = %scan3A_239 to %scan3A_241 step %scan3A_242  : i32 {
      %mul3A_442 = arith.constant 1 : i32
      %mul3A_443 = arith.muli %scan3A_441, %mul3A_442 : i32
      %add3A = arith.constant 0 : i32
      %add3A_444 = arith.addi %add3A, %mul3A_443 : i32
      %mul3A_445 = arith.constant 2 : i32
      %mul3A_446 = arith.muli %add3A_444, %mul3A_445 : i32
      %add3A_447 = arith.constant 0 : i32
      %add3A_448 = arith.addi %mul3A_446, %add3A_447 : i32
      %dma_wait3A_449 = arith.constant 1 : i32
      %dma_wait3A_450 = arith.constant 0 : i32
      %dma_wait3A_451 = tpu.memref_slice %arg7[%dma_wait3A_449, %add3A_448, %dma_wait3A_450] : memref<2x40x128xi32, #tpu.memory_space<vmem>> -> memref<1x1x128xi32, #tpu.memory_space<vmem>>
      %dma_wait3A_452 = tpu.memref_squeeze %dma_wait3A_451 : memref<1x1x128xi32, #tpu.memory_space<vmem>> -> memref<128xi32, #tpu.memory_space<vmem>>
      %dma_wait3A_453 = arith.constant 0 : i32
      %dma_wait3A_454 = arith.constant 0 : i32
      %dma_wait3A_455 = tpu.memref_slice %arg12[%dma_wait3A_453, %dma_wait3A_454] : memref<10240x64xf32, #tpu.memory_space<vmem_shared>> -> memref<10240x64xf32, #tpu.memory_space<vmem_shared>>
      tpu.wait_indirect_dma semaphore(%arg14 : memref<!tpu.dma_semaphore, #tpu.memory_space<semaphore_mem>>) src(%dma_wait3A_455 : memref<10240x64xf32, #tpu.memory_space<vmem_shared>>) dst(%arg9 : memref<128x64xf32, #tpu.memory_space<vmem>>)
      %add3A_456 = arith.constant 0 : i32
      %add3A_457 = arith.addi %mul3A_446, %add3A_456 : i32
      %dma_start3A_458 = arith.constant 1 : i32
      %dma_start3A_459 = arith.constant 0 : i32
      %dma_start3A_460 = tpu.memref_slice %arg8[%dma_start3A_458, %add3A_457, %dma_start3A_459] : memref<2x40x128xi32, #tpu.memory_space<vmem>> -> memref<1x1x128xi32, #tpu.memory_space<vmem>>
      %dma_start3A_461 = tpu.memref_squeeze %dma_start3A_460 : memref<1x1x128xi32, #tpu.memory_space<vmem>> -> memref<128xi32, #tpu.memory_space<vmem>>
      %dma_start3A_462 = arith.constant 0 : i32
      %dma_start3A_463 = arith.constant 0 : i32
      %dma_start3A_464 = tpu.memref_slice %arg13[%dma_start3A_462, %dma_start3A_463] : memref<10240x64xf32, #tpu.memory_space<vmem_shared>> -> memref<10240x64xf32, #tpu.memory_space<vmem_shared>>
      tpu.enqueue_indirect_dma source(%arg9 : memref<128x64xf32, #tpu.memory_space<vmem>>) target(%dma_start3A_464 : memref<10240x64xf32, #tpu.memory_space<vmem_shared>>) offsets(%dma_start3A_461 : memref<128xi32, #tpu.memory_space<vmem>>) semaphore(%arg16 : memref<!tpu.dma_semaphore, #tpu.memory_space<semaphore_mem>>) {add = true}
      %add3A_465 = arith.constant 1 : i32
      %add3A_466 = arith.addi %mul3A_446, %add3A_465 : i32
      %dma_wait3A_467 = arith.constant 1 : i32
      %dma_wait3A_468 = arith.constant 0 : i32
      %dma_wait3A_469 = tpu.memref_slice %arg7[%dma_wait3A_467, %add3A_466, %dma_wait3A_468] : memref<2x40x128xi32, #tpu.memory_space<vmem>> -> memref<1x1x128xi32, #tpu.memory_space<vmem>>
      %dma_wait3A_470 = tpu.memref_squeeze %dma_wait3A_469 : memref<1x1x128xi32, #tpu.memory_space<vmem>> -> memref<128xi32, #tpu.memory_space<vmem>>
      %dma_wait3A_471 = arith.constant 0 : i32
      %dma_wait3A_472 = arith.constant 0 : i32
      %dma_wait3A_473 = tpu.memref_slice %arg12[%dma_wait3A_471, %dma_wait3A_472] : memref<10240x64xf32, #tpu.memory_space<vmem_shared>> -> memref<10240x64xf32, #tpu.memory_space<vmem_shared>>
      tpu.wait_indirect_dma semaphore(%arg15 : memref<!tpu.dma_semaphore, #tpu.memory_space<semaphore_mem>>) src(%dma_wait3A_473 : memref<10240x64xf32, #tpu.memory_space<vmem_shared>>) dst(%arg10 : memref<128x64xf32, #tpu.memory_space<vmem>>)
      %add3A_474 = arith.constant 1 : i32
      %add3A_475 = arith.addi %mul3A_446, %add3A_474 : i32
      %dma_start3A_476 = arith.constant 1 : i32
      %dma_start3A_477 = arith.constant 0 : i32
      %dma_start3A_478 = tpu.memref_slice %arg8[%dma_start3A_476, %add3A_475, %dma_start3A_477] : memref<2x40x128xi32, #tpu.memory_space<vmem>> -> memref<1x1x128xi32, #tpu.memory_space<vmem>>
      %dma_start3A_479 = tpu.memref_squeeze %dma_start3A_478 : memref<1x1x128xi32, #tpu.memory_space<vmem>> -> memref<128xi32, #tpu.memory_space<vmem>>
      %dma_start3A_480 = arith.constant 0 : i32
      %dma_start3A_481 = arith.constant 0 : i32
      %dma_start3A_482 = tpu.memref_slice %arg13[%dma_start3A_480, %dma_start3A_481] : memref<10240x64xf32, #tpu.memory_space<vmem_shared>> -> memref<10240x64xf32, #tpu.memory_space<vmem_shared>>
      tpu.enqueue_indirect_dma source(%arg10 : memref<128x64xf32, #tpu.memory_space<vmem>>) target(%dma_start3A_482 : memref<10240x64xf32, #tpu.memory_space<vmem_shared>>) offsets(%dma_start3A_479 : memref<128xi32, #tpu.memory_space<vmem>>) semaphore(%arg17 : memref<!tpu.dma_semaphore, #tpu.memory_space<semaphore_mem>>) {add = true}
      %add3A_483 = arith.constant 1 : i32
      %add3A_484 = arith.addi %add3A_444, %add3A_483 : i32
      %lt3A = arith.constant 20 : i32
      %lt3A_485 = arith.cmpi slt, %add3A_484, %lt3A : i32
      %convert_element_type3A_486 = arith.extui %lt3A_485 : i1 to i32
      %cond3A_487 = arith.constant 0 : i32
      %cond3A_488 = arith.cmpi ne, %convert_element_type3A_486, %cond3A_487 : i32
      scf.if %cond3A_488 {
        %add3A_496 = arith.constant 0 : i32
        %add3A_497 = arith.addi %mul3A_446, %add3A_496 : i32
        %dma_wait3A_498 = arith.constant 1 : i32
        %dma_wait3A_499 = arith.constant 0 : i32
        %dma_wait3A_500 = tpu.memref_slice %arg8[%dma_wait3A_498, %add3A_497, %dma_wait3A_499] : memref<2x40x128xi32, #tpu.memory_space<vmem>> -> memref<1x1x128xi32, #tpu.memory_space<vmem>>
        %dma_wait3A_501 = tpu.memref_squeeze %dma_wait3A_500 : memref<1x1x128xi32, #tpu.memory_space<vmem>> -> memref<128xi32, #tpu.memory_space<vmem>>
        %dma_wait3A_502 = arith.constant 0 : i32
        %dma_wait3A_503 = arith.constant 0 : i32
        %dma_wait3A_504 = tpu.memref_slice %arg13[%dma_wait3A_502, %dma_wait3A_503] : memref<10240x64xf32, #tpu.memory_space<vmem_shared>> -> memref<10240x64xf32, #tpu.memory_space<vmem_shared>>
        tpu.wait_indirect_dma semaphore(%arg16 : memref<!tpu.dma_semaphore, #tpu.memory_space<semaphore_mem>>) src(%arg9 : memref<128x64xf32, #tpu.memory_space<vmem>>) dst(%dma_wait3A_504 : memref<10240x64xf32, #tpu.memory_space<vmem_shared>>)
        %add3A_505 = arith.constant 2 : i32
        %add3A_506 = arith.addi %mul3A_446, %add3A_505 : i32
        %add3A_507 = arith.constant 0 : i32
        %add3A_508 = arith.addi %add3A_506, %add3A_507 : i32
        %dma_start3A_509 = arith.constant 1 : i32
        %dma_start3A_510 = arith.constant 0 : i32
        %dma_start3A_511 = tpu.memref_slice %arg7[%dma_start3A_509, %add3A_508, %dma_start3A_510] : memref<2x40x128xi32, #tpu.memory_space<vmem>> -> memref<1x1x128xi32, #tpu.memory_space<vmem>>
        %dma_start3A_512 = tpu.memref_squeeze %dma_start3A_511 : memref<1x1x128xi32, #tpu.memory_space<vmem>> -> memref<128xi32, #tpu.memory_space<vmem>>
        %dma_start3A_513 = arith.constant 0 : i32
        %dma_start3A_514 = arith.constant 0 : i32
        %dma_start3A_515 = tpu.memref_slice %arg12[%dma_start3A_513, %dma_start3A_514] : memref<10240x64xf32, #tpu.memory_space<vmem_shared>> -> memref<10240x64xf32, #tpu.memory_space<vmem_shared>>
        tpu.enqueue_indirect_dma source(%dma_start3A_515 : memref<10240x64xf32, #tpu.memory_space<vmem_shared>>) target(%arg9 : memref<128x64xf32, #tpu.memory_space<vmem>>) offsets(%dma_start3A_512 : memref<128xi32, #tpu.memory_space<vmem>>) semaphore(%arg14 : memref<!tpu.dma_semaphore, #tpu.memory_space<semaphore_mem>>)
      } else {
      }
      %add3A_489 = arith.constant 1 : i32
      %add3A_490 = arith.addi %add3A_444, %add3A_489 : i32
      %lt3A_491 = arith.constant 20 : i32
      %lt3A_492 = arith.cmpi slt, %add3A_490, %lt3A_491 : i32
      %convert_element_type3A_493 = arith.extui %lt3A_492 : i1 to i32
      %cond3A_494 = arith.constant 0 : i32
      %cond3A_495 = arith.cmpi ne, %convert_element_type3A_493, %cond3A_494 : i32
      scf.if %cond3A_495 {
        %add3A_496 = arith.constant 1 : i32
        %add3A_497 = arith.addi %mul3A_446, %add3A_496 : i32
        %dma_wait3A_498 = arith.constant 1 : i32
        %dma_wait3A_499 = arith.constant 0 : i32
        %dma_wait3A_500 = tpu.memref_slice %arg8[%dma_wait3A_498, %add3A_497, %dma_wait3A_499] : memref<2x40x128xi32, #tpu.memory_space<vmem>> -> memref<1x1x128xi32, #tpu.memory_space<vmem>>
        %dma_wait3A_501 = tpu.memref_squeeze %dma_wait3A_500 : memref<1x1x128xi32, #tpu.memory_space<vmem>> -> memref<128xi32, #tpu.memory_space<vmem>>
        %dma_wait3A_502 = arith.constant 0 : i32
        %dma_wait3A_503 = arith.constant 0 : i32
        %dma_wait3A_504 = tpu.memref_slice %arg13[%dma_wait3A_502, %dma_wait3A_503] : memref<10240x64xf32, #tpu.memory_space<vmem_shared>> -> memref<10240x64xf32, #tpu.memory_space<vmem_shared>>
        tpu.wait_indirect_dma semaphore(%arg17 : memref<!tpu.dma_semaphore, #tpu.memory_space<semaphore_mem>>) src(%arg10 : memref<128x64xf32, #tpu.memory_space<vmem>>) dst(%dma_wait3A_504 : memref<10240x64xf32, #tpu.memory_space<vmem_shared>>)
        %add3A_505 = arith.constant 2 : i32
        %add3A_506 = arith.addi %mul3A_446, %add3A_505 : i32
        %add3A_507 = arith.constant 1 : i32
        %add3A_508 = arith.addi %add3A_506, %add3A_507 : i32
        %dma_start3A_509 = arith.constant 1 : i32
        %dma_start3A_510 = arith.constant 0 : i32
        %dma_start3A_511 = tpu.memref_slice %arg7[%dma_start3A_509, %add3A_508, %dma_start3A_510] : memref<2x40x128xi32, #tpu.memory_space<vmem>> -> memref<1x1x128xi32, #tpu.memory_space<vmem>>
        %dma_start3A_512 = tpu.memref_squeeze %dma_start3A_511 : memref<1x1x128xi32, #tpu.memory_space<vmem>> -> memref<128xi32, #tpu.memory_space<vmem>>
        %dma_start3A_513 = arith.constant 0 : i32
        %dma_start3A_514 = arith.constant 0 : i32
        %dma_start3A_515 = tpu.memref_slice %arg12[%dma_start3A_513, %dma_start3A_514] : memref<10240x64xf32, #tpu.memory_space<vmem_shared>> -> memref<10240x64xf32, #tpu.memory_space<vmem_shared>>
        tpu.enqueue_indirect_dma source(%dma_start3A_515 : memref<10240x64xf32, #tpu.memory_space<vmem_shared>>) target(%arg10 : memref<128x64xf32, #tpu.memory_space<vmem>>) offsets(%dma_start3A_512 : memref<128xi32, #tpu.memory_space<vmem>>) semaphore(%arg15 : memref<!tpu.dma_semaphore, #tpu.memory_space<semaphore_mem>>)
      } else {
      }
    }
    %scan3A_243 = arith.constant 20 : i32
    %dma_wait3A_244 = arith.constant 1 : i32
    %dma_wait3A_245 = arith.constant 38 : i32
    %dma_wait3A_246 = arith.constant 0 : i32
    %dma_wait3A_247 = tpu.memref_slice %arg8[%dma_wait3A_244, %dma_wait3A_245, %dma_wait3A_246] : memref<2x40x128xi32, #tpu.memory_space<vmem>> -> memref<1x1x128xi32, #tpu.memory_space<vmem>>
    %dma_wait3A_248 = tpu.memref_squeeze %dma_wait3A_247 : memref<1x1x128xi32, #tpu.memory_space<vmem>> -> memref<128xi32, #tpu.memory_space<vmem>>
    %dma_wait3A_249 = arith.constant 0 : i32
    %dma_wait3A_250 = arith.constant 0 : i32
    %dma_wait3A_251 = tpu.memref_slice %arg13[%dma_wait3A_249, %dma_wait3A_250] : memref<10240x64xf32, #tpu.memory_space<vmem_shared>> -> memref<10240x64xf32, #tpu.memory_space<vmem_shared>>
    tpu.wait_indirect_dma semaphore(%arg16 : memref<!tpu.dma_semaphore, #tpu.memory_space<semaphore_mem>>) src(%arg9 : memref<128x64xf32, #tpu.memory_space<vmem>>) dst(%dma_wait3A_251 : memref<10240x64xf32, #tpu.memory_space<vmem_shared>>)
    %dma_wait3A_252 = arith.constant 1 : i32
    %dma_wait3A_253 = arith.constant 39 : i32
    %dma_wait3A_254 = arith.constant 0 : i32
    %dma_wait3A_255 = tpu.memref_slice %arg8[%dma_wait3A_252, %dma_wait3A_253, %dma_wait3A_254] : memref<2x40x128xi32, #tpu.memory_space<vmem>> -> memref<1x1x128xi32, #tpu.memory_space<vmem>>
    %dma_wait3A_256 = tpu.memref_squeeze %dma_wait3A_255 : memref<1x1x128xi32, #tpu.memory_space<vmem>> -> memref<128xi32, #tpu.memory_space<vmem>>
    %dma_wait3A_257 = arith.constant 0 : i32
    %dma_wait3A_258 = arith.constant 0 : i32
    %dma_wait3A_259 = tpu.memref_slice %arg13[%dma_wait3A_257, %dma_wait3A_258] : memref<10240x64xf32, #tpu.memory_space<vmem_shared>> -> memref<10240x64xf32, #tpu.memory_space<vmem_shared>>
    tpu.wait_indirect_dma semaphore(%arg17 : memref<!tpu.dma_semaphore, #tpu.memory_space<semaphore_mem>>) src(%arg10 : memref<128x64xf32, #tpu.memory_space<vmem>>) dst(%dma_wait3A_259 : memref<10240x64xf32, #tpu.memory_space<vmem_shared>>)
    %dma_wait3A_260 = arith.constant 0 : i32
    %dma_wait3A_261 = arith.constant 0 : i32
    %dma_wait3A_262 = arith.constant 0 : i32
    %dma_wait3A_263 = tpu.memref_slice %arg7[%dma_wait3A_260, %dma_wait3A_261, %dma_wait3A_262] : memref<2x40x128xi32, #tpu.memory_space<vmem>> -> memref<1x40x128xi32, #tpu.memory_space<vmem>>
    %dma_wait3A_264 = tpu.memref_squeeze %dma_wait3A_263 : memref<1x40x128xi32, #tpu.memory_space<vmem>> -> memref<40x128xi32, #tpu.memory_space<vmem>>
    %dma_wait3A_265 = arith.constant 80 : i32
    %dma_wait3A_266 = arith.constant 0 : i32
    %dma_wait3A_267 = tpu.memref_slice %arg4[%arg1, %dma_wait3A_265, %dma_wait3A_266] : memref<16x160x128xi32, #tpu.memory_space<hbm>> -> memref<1x40x128xi32, #tpu.memory_space<hbm>>
    %dma_wait3A_268 = tpu.memref_squeeze %dma_wait3A_267 : memref<1x40x128xi32, #tpu.memory_space<hbm>> -> memref<40x128xi32, #tpu.memory_space<hbm>>
    %dma_wait3A_269 = arith.constant 0 : i32
    %dma_wait3A_270 = arith.constant 0 : i32
    %dma_wait3A_271 = tpu.memref_slice %arg7[%dma_wait3A_260, %dma_wait3A_269, %dma_wait3A_270] : memref<2x40x128xi32, #tpu.memory_space<vmem>> -> memref<1x40x128xi32, #tpu.memory_space<vmem>>
    %dma_wait3A_272 = tpu.memref_squeeze %dma_wait3A_271 : memref<1x40x128xi32, #tpu.memory_space<vmem>> -> memref<40x128xi32, #tpu.memory_space<vmem>>
    %dma_wait3A_273 = arith.constant 80 : i32
    %dma_wait3A_274 = arith.constant 0 : i32
    %dma_wait3A_275 = tpu.memref_slice %arg4[%arg1, %dma_wait3A_273, %dma_wait3A_274] : memref<16x160x128xi32, #tpu.memory_space<hbm>> -> memref<1x40x128xi32, #tpu.memory_space<hbm>>
    %dma_wait3A_276 = tpu.memref_squeeze %dma_wait3A_275 : memref<1x40x128xi32, #tpu.memory_space<hbm>> -> memref<40x128xi32, #tpu.memory_space<hbm>>
    tpu.wait_dma2 semaphore(%arg18 : memref<!tpu.dma_semaphore, #tpu.memory_space<semaphore_mem>>) src(%dma_wait3A_276 : memref<40x128xi32, #tpu.memory_space<hbm>>) dst(%dma_wait3A_272 : memref<40x128xi32, #tpu.memory_space<vmem>>)
    %dma_wait3A_277 = arith.constant 0 : i32
    %dma_wait3A_278 = arith.constant 0 : i32
    %dma_wait3A_279 = arith.constant 0 : i32
    %dma_wait3A_280 = tpu.memref_slice %arg8[%dma_wait3A_277, %dma_wait3A_278, %dma_wait3A_279] : memref<2x40x128xi32, #tpu.memory_space<vmem>> -> memref<1x40x128xi32, #tpu.memory_space<vmem>>
    %dma_wait3A_281 = tpu.memref_squeeze %dma_wait3A_280 : memref<1x40x128xi32, #tpu.memory_space<vmem>> -> memref<40x128xi32, #tpu.memory_space<vmem>>
    %dma_wait3A_282 = arith.constant 80 : i32
    %dma_wait3A_283 = arith.constant 0 : i32
    %dma_wait3A_284 = tpu.memref_slice %arg5[%arg1, %dma_wait3A_282, %dma_wait3A_283] : memref<16x160x128xi32, #tpu.memory_space<hbm>> -> memref<1x40x128xi32, #tpu.memory_space<hbm>>
    %dma_wait3A_285 = tpu.memref_squeeze %dma_wait3A_284 : memref<1x40x128xi32, #tpu.memory_space<hbm>> -> memref<40x128xi32, #tpu.memory_space<hbm>>
    %dma_wait3A_286 = arith.constant 0 : i32
    %dma_wait3A_287 = arith.constant 0 : i32
    %dma_wait3A_288 = tpu.memref_slice %arg8[%dma_wait3A_277, %dma_wait3A_286, %dma_wait3A_287] : memref<2x40x128xi32, #tpu.memory_space<vmem>> -> memref<1x40x128xi32, #tpu.memory_space<vmem>>
    %dma_wait3A_289 = tpu.memref_squeeze %dma_wait3A_288 : memref<1x40x128xi32, #tpu.memory_space<vmem>> -> memref<40x128xi32, #tpu.memory_space<vmem>>
    %dma_wait3A_290 = arith.constant 80 : i32
    %dma_wait3A_291 = arith.constant 0 : i32
    %dma_wait3A_292 = tpu.memref_slice %arg5[%arg1, %dma_wait3A_290, %dma_wait3A_291] : memref<16x160x128xi32, #tpu.memory_space<hbm>> -> memref<1x40x128xi32, #tpu.memory_space<hbm>>
    %dma_wait3A_293 = tpu.memref_squeeze %dma_wait3A_292 : memref<1x40x128xi32, #tpu.memory_space<hbm>> -> memref<40x128xi32, #tpu.memory_space<hbm>>
    tpu.wait_dma2 semaphore(%arg20 : memref<!tpu.dma_semaphore, #tpu.memory_space<semaphore_mem>>) src(%dma_wait3A_293 : memref<40x128xi32, #tpu.memory_space<hbm>>) dst(%dma_wait3A_289 : memref<40x128xi32, #tpu.memory_space<vmem>>)
    %dma_start3A_294 = arith.constant 1 : i32
    %dma_start3A_295 = arith.constant 0 : i32
    %dma_start3A_296 = arith.constant 0 : i32
    %dma_start3A_297 = tpu.memref_slice %arg7[%dma_start3A_294, %dma_start3A_295, %dma_start3A_296] : memref<2x40x128xi32, #tpu.memory_space<vmem>> -> memref<1x40x128xi32, #tpu.memory_space<vmem>>
    %dma_start3A_298 = tpu.memref_squeeze %dma_start3A_297 : memref<1x40x128xi32, #tpu.memory_space<vmem>> -> memref<40x128xi32, #tpu.memory_space<vmem>>
    %dma_start3A_299 = arith.constant 120 : i32
    %dma_start3A_300 = arith.constant 0 : i32
    %dma_start3A_301 = tpu.memref_slice %arg4[%arg1, %dma_start3A_299, %dma_start3A_300] : memref<16x160x128xi32, #tpu.memory_space<hbm>> -> memref<1x40x128xi32, #tpu.memory_space<hbm>>
    %dma_start3A_302 = tpu.memref_squeeze %dma_start3A_301 : memref<1x40x128xi32, #tpu.memory_space<hbm>> -> memref<40x128xi32, #tpu.memory_space<hbm>>
    %dma_start3A_303 = arith.constant 0 : i32
    %dma_start3A_304 = arith.constant 0 : i32
    %dma_start3A_305 = tpu.memref_slice %arg7[%dma_start3A_294, %dma_start3A_303, %dma_start3A_304] : memref<2x40x128xi32, #tpu.memory_space<vmem>> -> memref<1x40x128xi32, #tpu.memory_space<vmem>>
    %dma_start3A_306 = tpu.memref_squeeze %dma_start3A_305 : memref<1x40x128xi32, #tpu.memory_space<vmem>> -> memref<40x128xi32, #tpu.memory_space<vmem>>
    %dma_start3A_307 = arith.constant 120 : i32
    %dma_start3A_308 = arith.constant 0 : i32
    %dma_start3A_309 = tpu.memref_slice %arg4[%arg1, %dma_start3A_307, %dma_start3A_308] : memref<16x160x128xi32, #tpu.memory_space<hbm>> -> memref<1x40x128xi32, #tpu.memory_space<hbm>>
    %dma_start3A_310 = tpu.memref_squeeze %dma_start3A_309 : memref<1x40x128xi32, #tpu.memory_space<hbm>> -> memref<40x128xi32, #tpu.memory_space<hbm>>
    tpu.enqueue_dma source(%dma_start3A_310 : memref<40x128xi32, #tpu.memory_space<hbm>>) target(%dma_start3A_306 : memref<40x128xi32, #tpu.memory_space<vmem>>) target_semaphore(%arg19 : memref<!tpu.dma_semaphore, #tpu.memory_space<semaphore_mem>>)
    %dma_start3A_311 = arith.constant 1 : i32
    %dma_start3A_312 = arith.constant 0 : i32
    %dma_start3A_313 = arith.constant 0 : i32
    %dma_start3A_314 = tpu.memref_slice %arg8[%dma_start3A_311, %dma_start3A_312, %dma_start3A_313] : memref<2x40x128xi32, #tpu.memory_space<vmem>> -> memref<1x40x128xi32, #tpu.memory_space<vmem>>
    %dma_start3A_315 = tpu.memref_squeeze %dma_start3A_314 : memref<1x40x128xi32, #tpu.memory_space<vmem>> -> memref<40x128xi32, #tpu.memory_space<vmem>>
    %dma_start3A_316 = arith.constant 120 : i32
    %dma_start3A_317 = arith.constant 0 : i32
    %dma_start3A_318 = tpu.memref_slice %arg5[%arg1, %dma_start3A_316, %dma_start3A_317] : memref<16x160x128xi32, #tpu.memory_space<hbm>> -> memref<1x40x128xi32, #tpu.memory_space<hbm>>
    %dma_start3A_319 = tpu.memref_squeeze %dma_start3A_318 : memref<1x40x128xi32, #tpu.memory_space<hbm>> -> memref<40x128xi32, #tpu.memory_space<hbm>>
    %dma_start3A_320 = arith.constant 0 : i32
    %dma_start3A_321 = arith.constant 0 : i32
    %dma_start3A_322 = tpu.memref_slice %arg8[%dma_start3A_311, %dma_start3A_320, %dma_start3A_321] : memref<2x40x128xi32, #tpu.memory_space<vmem>> -> memref<1x40x128xi32, #tpu.memory_space<vmem>>
    %dma_start3A_323 = tpu.memref_squeeze %dma_start3A_322 : memref<1x40x128xi32, #tpu.memory_space<vmem>> -> memref<40x128xi32, #tpu.memory_space<vmem>>
    %dma_start3A_324 = arith.constant 120 : i32
    %dma_start3A_325 = arith.constant 0 : i32
    %dma_start3A_326 = tpu.memref_slice %arg5[%arg1, %dma_start3A_324, %dma_start3A_325] : memref<16x160x128xi32, #tpu.memory_space<hbm>> -> memref<1x40x128xi32, #tpu.memory_space<hbm>>
    %dma_start3A_327 = tpu.memref_squeeze %dma_start3A_326 : memref<1x40x128xi32, #tpu.memory_space<hbm>> -> memref<40x128xi32, #tpu.memory_space<hbm>>
    tpu.enqueue_dma source(%dma_start3A_327 : memref<40x128xi32, #tpu.memory_space<hbm>>) target(%dma_start3A_323 : memref<40x128xi32, #tpu.memory_space<vmem>>) target_semaphore(%arg21 : memref<!tpu.dma_semaphore, #tpu.memory_space<semaphore_mem>>)
    %dma_start3A_328 = arith.constant 0 : i32
    %dma_start3A_329 = arith.constant 0 : i32
    %dma_start3A_330 = arith.constant 0 : i32
    %dma_start3A_331 = tpu.memref_slice %arg7[%dma_start3A_328, %dma_start3A_329, %dma_start3A_330] : memref<2x40x128xi32, #tpu.memory_space<vmem>> -> memref<1x1x128xi32, #tpu.memory_space<vmem>>
    %dma_start3A_332 = tpu.memref_squeeze %dma_start3A_331 : memref<1x1x128xi32, #tpu.memory_space<vmem>> -> memref<128xi32, #tpu.memory_space<vmem>>
    %dma_start3A_333 = arith.constant 0 : i32
    %dma_start3A_334 = arith.constant 0 : i32
    %dma_start3A_335 = tpu.memref_slice %arg12[%dma_start3A_333, %dma_start3A_334] : memref<10240x64xf32, #tpu.memory_space<vmem_shared>> -> memref<10240x64xf32, #tpu.memory_space<vmem_shared>>
    tpu.enqueue_indirect_dma source(%dma_start3A_335 : memref<10240x64xf32, #tpu.memory_space<vmem_shared>>) target(%arg9 : memref<128x64xf32, #tpu.memory_space<vmem>>) offsets(%dma_start3A_332 : memref<128xi32, #tpu.memory_space<vmem>>) semaphore(%arg14 : memref<!tpu.dma_semaphore, #tpu.memory_space<semaphore_mem>>)
    %dma_start3A_336 = arith.constant 0 : i32
    %dma_start3A_337 = arith.constant 1 : i32
    %dma_start3A_338 = arith.constant 0 : i32
    %dma_start3A_339 = tpu.memref_slice %arg7[%dma_start3A_336, %dma_start3A_337, %dma_start3A_338] : memref<2x40x128xi32, #tpu.memory_space<vmem>> -> memref<1x1x128xi32, #tpu.memory_space<vmem>>
    %dma_start3A_340 = tpu.memref_squeeze %dma_start3A_339 : memref<1x1x128xi32, #tpu.memory_space<vmem>> -> memref<128xi32, #tpu.memory_space<vmem>>
    %dma_start3A_341 = arith.constant 0 : i32
    %dma_start3A_342 = arith.constant 0 : i32
    %dma_start3A_343 = tpu.memref_slice %arg12[%dma_start3A_341, %dma_start3A_342] : memref<10240x64xf32, #tpu.memory_space<vmem_shared>> -> memref<10240x64xf32, #tpu.memory_space<vmem_shared>>
    tpu.enqueue_indirect_dma source(%dma_start3A_343 : memref<10240x64xf32, #tpu.memory_space<vmem_shared>>) target(%arg10 : memref<128x64xf32, #tpu.memory_space<vmem>>) offsets(%dma_start3A_340 : memref<128xi32, #tpu.memory_space<vmem>>) semaphore(%arg15 : memref<!tpu.dma_semaphore, #tpu.memory_space<semaphore_mem>>)
    %scan3A_344 = arith.constant 0 : i32
    %scan3A_345 = arith.constant 20 : i32
    %scan3A_346 = arith.addi %scan3A_344, %scan3A_345 : i32
    %scan3A_347 = arith.constant 1 : i32
    scf.for %scan3A_441 = %scan3A_344 to %scan3A_346 step %scan3A_347  : i32 {
      %mul3A_442 = arith.constant 1 : i32
      %mul3A_443 = arith.muli %scan3A_441, %mul3A_442 : i32
      %add3A = arith.constant 0 : i32
      %add3A_444 = arith.addi %add3A, %mul3A_443 : i32
      %mul3A_445 = arith.constant 2 : i32
      %mul3A_446 = arith.muli %add3A_444, %mul3A_445 : i32
      %add3A_447 = arith.constant 0 : i32
      %add3A_448 = arith.addi %mul3A_446, %add3A_447 : i32
      %dma_wait3A_449 = arith.constant 0 : i32
      %dma_wait3A_450 = arith.constant 0 : i32
      %dma_wait3A_451 = tpu.memref_slice %arg7[%dma_wait3A_449, %add3A_448, %dma_wait3A_450] : memref<2x40x128xi32, #tpu.memory_space<vmem>> -> memref<1x1x128xi32, #tpu.memory_space<vmem>>
      %dma_wait3A_452 = tpu.memref_squeeze %dma_wait3A_451 : memref<1x1x128xi32, #tpu.memory_space<vmem>> -> memref<128xi32, #tpu.memory_space<vmem>>
      %dma_wait3A_453 = arith.constant 0 : i32
      %dma_wait3A_454 = arith.constant 0 : i32
      %dma_wait3A_455 = tpu.memref_slice %arg12[%dma_wait3A_453, %dma_wait3A_454] : memref<10240x64xf32, #tpu.memory_space<vmem_shared>> -> memref<10240x64xf32, #tpu.memory_space<vmem_shared>>
      tpu.wait_indirect_dma semaphore(%arg14 : memref<!tpu.dma_semaphore, #tpu.memory_space<semaphore_mem>>) src(%dma_wait3A_455 : memref<10240x64xf32, #tpu.memory_space<vmem_shared>>) dst(%arg9 : memref<128x64xf32, #tpu.memory_space<vmem>>)
      %add3A_456 = arith.constant 0 : i32
      %add3A_457 = arith.addi %mul3A_446, %add3A_456 : i32
      %dma_start3A_458 = arith.constant 0 : i32
      %dma_start3A_459 = arith.constant 0 : i32
      %dma_start3A_460 = tpu.memref_slice %arg8[%dma_start3A_458, %add3A_457, %dma_start3A_459] : memref<2x40x128xi32, #tpu.memory_space<vmem>> -> memref<1x1x128xi32, #tpu.memory_space<vmem>>
      %dma_start3A_461 = tpu.memref_squeeze %dma_start3A_460 : memref<1x1x128xi32, #tpu.memory_space<vmem>> -> memref<128xi32, #tpu.memory_space<vmem>>
      %dma_start3A_462 = arith.constant 0 : i32
      %dma_start3A_463 = arith.constant 0 : i32
      %dma_start3A_464 = tpu.memref_slice %arg13[%dma_start3A_462, %dma_start3A_463] : memref<10240x64xf32, #tpu.memory_space<vmem_shared>> -> memref<10240x64xf32, #tpu.memory_space<vmem_shared>>
      tpu.enqueue_indirect_dma source(%arg9 : memref<128x64xf32, #tpu.memory_space<vmem>>) target(%dma_start3A_464 : memref<10240x64xf32, #tpu.memory_space<vmem_shared>>) offsets(%dma_start3A_461 : memref<128xi32, #tpu.memory_space<vmem>>) semaphore(%arg16 : memref<!tpu.dma_semaphore, #tpu.memory_space<semaphore_mem>>) {add = true}
      %add3A_465 = arith.constant 1 : i32
      %add3A_466 = arith.addi %mul3A_446, %add3A_465 : i32
      %dma_wait3A_467 = arith.constant 0 : i32
      %dma_wait3A_468 = arith.constant 0 : i32
      %dma_wait3A_469 = tpu.memref_slice %arg7[%dma_wait3A_467, %add3A_466, %dma_wait3A_468] : memref<2x40x128xi32, #tpu.memory_space<vmem>> -> memref<1x1x128xi32, #tpu.memory_space<vmem>>
      %dma_wait3A_470 = tpu.memref_squeeze %dma_wait3A_469 : memref<1x1x128xi32, #tpu.memory_space<vmem>> -> memref<128xi32, #tpu.memory_space<vmem>>
      %dma_wait3A_471 = arith.constant 0 : i32
      %dma_wait3A_472 = arith.constant 0 : i32
      %dma_wait3A_473 = tpu.memref_slice %arg12[%dma_wait3A_471, %dma_wait3A_472] : memref<10240x64xf32, #tpu.memory_space<vmem_shared>> -> memref<10240x64xf32, #tpu.memory_space<vmem_shared>>
      tpu.wait_indirect_dma semaphore(%arg15 : memref<!tpu.dma_semaphore, #tpu.memory_space<semaphore_mem>>) src(%dma_wait3A_473 : memref<10240x64xf32, #tpu.memory_space<vmem_shared>>) dst(%arg10 : memref<128x64xf32, #tpu.memory_space<vmem>>)
      %add3A_474 = arith.constant 1 : i32
      %add3A_475 = arith.addi %mul3A_446, %add3A_474 : i32
      %dma_start3A_476 = arith.constant 0 : i32
      %dma_start3A_477 = arith.constant 0 : i32
      %dma_start3A_478 = tpu.memref_slice %arg8[%dma_start3A_476, %add3A_475, %dma_start3A_477] : memref<2x40x128xi32, #tpu.memory_space<vmem>> -> memref<1x1x128xi32, #tpu.memory_space<vmem>>
      %dma_start3A_479 = tpu.memref_squeeze %dma_start3A_478 : memref<1x1x128xi32, #tpu.memory_space<vmem>> -> memref<128xi32, #tpu.memory_space<vmem>>
      %dma_start3A_480 = arith.constant 0 : i32
      %dma_start3A_481 = arith.constant 0 : i32
      %dma_start3A_482 = tpu.memref_slice %arg13[%dma_start3A_480, %dma_start3A_481] : memref<10240x64xf32, #tpu.memory_space<vmem_shared>> -> memref<10240x64xf32, #tpu.memory_space<vmem_shared>>
      tpu.enqueue_indirect_dma source(%arg10 : memref<128x64xf32, #tpu.memory_space<vmem>>) target(%dma_start3A_482 : memref<10240x64xf32, #tpu.memory_space<vmem_shared>>) offsets(%dma_start3A_479 : memref<128xi32, #tpu.memory_space<vmem>>) semaphore(%arg17 : memref<!tpu.dma_semaphore, #tpu.memory_space<semaphore_mem>>) {add = true}
      %add3A_483 = arith.constant 1 : i32
      %add3A_484 = arith.addi %add3A_444, %add3A_483 : i32
      %lt3A = arith.constant 20 : i32
      %lt3A_485 = arith.cmpi slt, %add3A_484, %lt3A : i32
      %convert_element_type3A_486 = arith.extui %lt3A_485 : i1 to i32
      %cond3A_487 = arith.constant 0 : i32
      %cond3A_488 = arith.cmpi ne, %convert_element_type3A_486, %cond3A_487 : i32
      scf.if %cond3A_488 {
        %add3A_496 = arith.constant 0 : i32
        %add3A_497 = arith.addi %mul3A_446, %add3A_496 : i32
        %dma_wait3A_498 = arith.constant 0 : i32
        %dma_wait3A_499 = arith.constant 0 : i32
        %dma_wait3A_500 = tpu.memref_slice %arg8[%dma_wait3A_498, %add3A_497, %dma_wait3A_499] : memref<2x40x128xi32, #tpu.memory_space<vmem>> -> memref<1x1x128xi32, #tpu.memory_space<vmem>>
        %dma_wait3A_501 = tpu.memref_squeeze %dma_wait3A_500 : memref<1x1x128xi32, #tpu.memory_space<vmem>> -> memref<128xi32, #tpu.memory_space<vmem>>
        %dma_wait3A_502 = arith.constant 0 : i32
        %dma_wait3A_503 = arith.constant 0 : i32
        %dma_wait3A_504 = tpu.memref_slice %arg13[%dma_wait3A_502, %dma_wait3A_503] : memref<10240x64xf32, #tpu.memory_space<vmem_shared>> -> memref<10240x64xf32, #tpu.memory_space<vmem_shared>>
        tpu.wait_indirect_dma semaphore(%arg16 : memref<!tpu.dma_semaphore, #tpu.memory_space<semaphore_mem>>) src(%arg9 : memref<128x64xf32, #tpu.memory_space<vmem>>) dst(%dma_wait3A_504 : memref<10240x64xf32, #tpu.memory_space<vmem_shared>>)
        %add3A_505 = arith.constant 2 : i32
        %add3A_506 = arith.addi %mul3A_446, %add3A_505 : i32
        %add3A_507 = arith.constant 0 : i32
        %add3A_508 = arith.addi %add3A_506, %add3A_507 : i32
        %dma_start3A_509 = arith.constant 0 : i32
        %dma_start3A_510 = arith.constant 0 : i32
        %dma_start3A_511 = tpu.memref_slice %arg7[%dma_start3A_509, %add3A_508, %dma_start3A_510] : memref<2x40x128xi32, #tpu.memory_space<vmem>> -> memref<1x1x128xi32, #tpu.memory_space<vmem>>
        %dma_start3A_512 = tpu.memref_squeeze %dma_start3A_511 : memref<1x1x128xi32, #tpu.memory_space<vmem>> -> memref<128xi32, #tpu.memory_space<vmem>>
        %dma_start3A_513 = arith.constant 0 : i32
        %dma_start3A_514 = arith.constant 0 : i32
        %dma_start3A_515 = tpu.memref_slice %arg12[%dma_start3A_513, %dma_start3A_514] : memref<10240x64xf32, #tpu.memory_space<vmem_shared>> -> memref<10240x64xf32, #tpu.memory_space<vmem_shared>>
        tpu.enqueue_indirect_dma source(%dma_start3A_515 : memref<10240x64xf32, #tpu.memory_space<vmem_shared>>) target(%arg9 : memref<128x64xf32, #tpu.memory_space<vmem>>) offsets(%dma_start3A_512 : memref<128xi32, #tpu.memory_space<vmem>>) semaphore(%arg14 : memref<!tpu.dma_semaphore, #tpu.memory_space<semaphore_mem>>)
      } else {
      }
      %add3A_489 = arith.constant 1 : i32
      %add3A_490 = arith.addi %add3A_444, %add3A_489 : i32
      %lt3A_491 = arith.constant 20 : i32
      %lt3A_492 = arith.cmpi slt, %add3A_490, %lt3A_491 : i32
      %convert_element_type3A_493 = arith.extui %lt3A_492 : i1 to i32
      %cond3A_494 = arith.constant 0 : i32
      %cond3A_495 = arith.cmpi ne, %convert_element_type3A_493, %cond3A_494 : i32
      scf.if %cond3A_495 {
        %add3A_496 = arith.constant 1 : i32
        %add3A_497 = arith.addi %mul3A_446, %add3A_496 : i32
        %dma_wait3A_498 = arith.constant 0 : i32
        %dma_wait3A_499 = arith.constant 0 : i32
        %dma_wait3A_500 = tpu.memref_slice %arg8[%dma_wait3A_498, %add3A_497, %dma_wait3A_499] : memref<2x40x128xi32, #tpu.memory_space<vmem>> -> memref<1x1x128xi32, #tpu.memory_space<vmem>>
        %dma_wait3A_501 = tpu.memref_squeeze %dma_wait3A_500 : memref<1x1x128xi32, #tpu.memory_space<vmem>> -> memref<128xi32, #tpu.memory_space<vmem>>
        %dma_wait3A_502 = arith.constant 0 : i32
        %dma_wait3A_503 = arith.constant 0 : i32
        %dma_wait3A_504 = tpu.memref_slice %arg13[%dma_wait3A_502, %dma_wait3A_503] : memref<10240x64xf32, #tpu.memory_space<vmem_shared>> -> memref<10240x64xf32, #tpu.memory_space<vmem_shared>>
        tpu.wait_indirect_dma semaphore(%arg17 : memref<!tpu.dma_semaphore, #tpu.memory_space<semaphore_mem>>) src(%arg10 : memref<128x64xf32, #tpu.memory_space<vmem>>) dst(%dma_wait3A_504 : memref<10240x64xf32, #tpu.memory_space<vmem_shared>>)
        %add3A_505 = arith.constant 2 : i32
        %add3A_506 = arith.addi %mul3A_446, %add3A_505 : i32
        %add3A_507 = arith.constant 1 : i32
        %add3A_508 = arith.addi %add3A_506, %add3A_507 : i32
        %dma_start3A_509 = arith.constant 0 : i32
        %dma_start3A_510 = arith.constant 0 : i32
        %dma_start3A_511 = tpu.memref_slice %arg7[%dma_start3A_509, %add3A_508, %dma_start3A_510] : memref<2x40x128xi32, #tpu.memory_space<vmem>> -> memref<1x1x128xi32, #tpu.memory_space<vmem>>
        %dma_start3A_512 = tpu.memref_squeeze %dma_start3A_511 : memref<1x1x128xi32, #tpu.memory_space<vmem>> -> memref<128xi32, #tpu.memory_space<vmem>>
        %dma_start3A_513 = arith.constant 0 : i32
        %dma_start3A_514 = arith.constant 0 : i32
        %dma_start3A_515 = tpu.memref_slice %arg12[%dma_start3A_513, %dma_start3A_514] : memref<10240x64xf32, #tpu.memory_space<vmem_shared>> -> memref<10240x64xf32, #tpu.memory_space<vmem_shared>>
        tpu.enqueue_indirect_dma source(%dma_start3A_515 : memref<10240x64xf32, #tpu.memory_space<vmem_shared>>) target(%arg10 : memref<128x64xf32, #tpu.memory_space<vmem>>) offsets(%dma_start3A_512 : memref<128xi32, #tpu.memory_space<vmem>>) semaphore(%arg15 : memref<!tpu.dma_semaphore, #tpu.memory_space<semaphore_mem>>)
      } else {
      }
    }
    %scan3A_348 = arith.constant 20 : i32
    %dma_wait3A_349 = arith.constant 0 : i32
    %dma_wait3A_350 = arith.constant 38 : i32
    %dma_wait3A_351 = arith.constant 0 : i32
    %dma_wait3A_352 = tpu.memref_slice %arg8[%dma_wait3A_349, %dma_wait3A_350, %dma_wait3A_351] : memref<2x40x128xi32, #tpu.memory_space<vmem>> -> memref<1x1x128xi32, #tpu.memory_space<vmem>>
    %dma_wait3A_353 = tpu.memref_squeeze %dma_wait3A_352 : memref<1x1x128xi32, #tpu.memory_space<vmem>> -> memref<128xi32, #tpu.memory_space<vmem>>
    %dma_wait3A_354 = arith.constant 0 : i32
    %dma_wait3A_355 = arith.constant 0 : i32
    %dma_wait3A_356 = tpu.memref_slice %arg13[%dma_wait3A_354, %dma_wait3A_355] : memref<10240x64xf32, #tpu.memory_space<vmem_shared>> -> memref<10240x64xf32, #tpu.memory_space<vmem_shared>>
    tpu.wait_indirect_dma semaphore(%arg16 : memref<!tpu.dma_semaphore, #tpu.memory_space<semaphore_mem>>) src(%arg9 : memref<128x64xf32, #tpu.memory_space<vmem>>) dst(%dma_wait3A_356 : memref<10240x64xf32, #tpu.memory_space<vmem_shared>>)
    %dma_wait3A_357 = arith.constant 0 : i32
    %dma_wait3A_358 = arith.constant 39 : i32
    %dma_wait3A_359 = arith.constant 0 : i32
    %dma_wait3A_360 = tpu.memref_slice %arg8[%dma_wait3A_357, %dma_wait3A_358, %dma_wait3A_359] : memref<2x40x128xi32, #tpu.memory_space<vmem>> -> memref<1x1x128xi32, #tpu.memory_space<vmem>>
    %dma_wait3A_361 = tpu.memref_squeeze %dma_wait3A_360 : memref<1x1x128xi32, #tpu.memory_space<vmem>> -> memref<128xi32, #tpu.memory_space<vmem>>
    %dma_wait3A_362 = arith.constant 0 : i32
    %dma_wait3A_363 = arith.constant 0 : i32
    %dma_wait3A_364 = tpu.memref_slice %arg13[%dma_wait3A_362, %dma_wait3A_363] : memref<10240x64xf32, #tpu.memory_space<vmem_shared>> -> memref<10240x64xf32, #tpu.memory_space<vmem_shared>>
    tpu.wait_indirect_dma semaphore(%arg17 : memref<!tpu.dma_semaphore, #tpu.memory_space<semaphore_mem>>) src(%arg10 : memref<128x64xf32, #tpu.memory_space<vmem>>) dst(%dma_wait3A_364 : memref<10240x64xf32, #tpu.memory_space<vmem_shared>>)
    %dma_wait3A_365 = arith.constant 1 : i32
    %dma_wait3A_366 = arith.constant 0 : i32
    %dma_wait3A_367 = arith.constant 0 : i32
    %dma_wait3A_368 = tpu.memref_slice %arg7[%dma_wait3A_365, %dma_wait3A_366, %dma_wait3A_367] : memref<2x40x128xi32, #tpu.memory_space<vmem>> -> memref<1x40x128xi32, #tpu.memory_space<vmem>>
    %dma_wait3A_369 = tpu.memref_squeeze %dma_wait3A_368 : memref<1x40x128xi32, #tpu.memory_space<vmem>> -> memref<40x128xi32, #tpu.memory_space<vmem>>
    %dma_wait3A_370 = arith.constant 120 : i32
    %dma_wait3A_371 = arith.constant 0 : i32
    %dma_wait3A_372 = tpu.memref_slice %arg4[%arg1, %dma_wait3A_370, %dma_wait3A_371] : memref<16x160x128xi32, #tpu.memory_space<hbm>> -> memref<1x40x128xi32, #tpu.memory_space<hbm>>
    %dma_wait3A_373 = tpu.memref_squeeze %dma_wait3A_372 : memref<1x40x128xi32, #tpu.memory_space<hbm>> -> memref<40x128xi32, #tpu.memory_space<hbm>>
    %dma_wait3A_374 = arith.constant 0 : i32
    %dma_wait3A_375 = arith.constant 0 : i32
    %dma_wait3A_376 = tpu.memref_slice %arg7[%dma_wait3A_365, %dma_wait3A_374, %dma_wait3A_375] : memref<2x40x128xi32, #tpu.memory_space<vmem>> -> memref<1x40x128xi32, #tpu.memory_space<vmem>>
    %dma_wait3A_377 = tpu.memref_squeeze %dma_wait3A_376 : memref<1x40x128xi32, #tpu.memory_space<vmem>> -> memref<40x128xi32, #tpu.memory_space<vmem>>
    %dma_wait3A_378 = arith.constant 120 : i32
    %dma_wait3A_379 = arith.constant 0 : i32
    %dma_wait3A_380 = tpu.memref_slice %arg4[%arg1, %dma_wait3A_378, %dma_wait3A_379] : memref<16x160x128xi32, #tpu.memory_space<hbm>> -> memref<1x40x128xi32, #tpu.memory_space<hbm>>
    %dma_wait3A_381 = tpu.memref_squeeze %dma_wait3A_380 : memref<1x40x128xi32, #tpu.memory_space<hbm>> -> memref<40x128xi32, #tpu.memory_space<hbm>>
    tpu.wait_dma2 semaphore(%arg19 : memref<!tpu.dma_semaphore, #tpu.memory_space<semaphore_mem>>) src(%dma_wait3A_381 : memref<40x128xi32, #tpu.memory_space<hbm>>) dst(%dma_wait3A_377 : memref<40x128xi32, #tpu.memory_space<vmem>>)
    %dma_wait3A_382 = arith.constant 1 : i32
    %dma_wait3A_383 = arith.constant 0 : i32
    %dma_wait3A_384 = arith.constant 0 : i32
    %dma_wait3A_385 = tpu.memref_slice %arg8[%dma_wait3A_382, %dma_wait3A_383, %dma_wait3A_384] : memref<2x40x128xi32, #tpu.memory_space<vmem>> -> memref<1x40x128xi32, #tpu.memory_space<vmem>>
    %dma_wait3A_386 = tpu.memref_squeeze %dma_wait3A_385 : memref<1x40x128xi32, #tpu.memory_space<vmem>> -> memref<40x128xi32, #tpu.memory_space<vmem>>
    %dma_wait3A_387 = arith.constant 120 : i32
    %dma_wait3A_388 = arith.constant 0 : i32
    %dma_wait3A_389 = tpu.memref_slice %arg5[%arg1, %dma_wait3A_387, %dma_wait3A_388] : memref<16x160x128xi32, #tpu.memory_space<hbm>> -> memref<1x40x128xi32, #tpu.memory_space<hbm>>
    %dma_wait3A_390 = tpu.memref_squeeze %dma_wait3A_389 : memref<1x40x128xi32, #tpu.memory_space<hbm>> -> memref<40x128xi32, #tpu.memory_space<hbm>>
    %dma_wait3A_391 = arith.constant 0 : i32
    %dma_wait3A_392 = arith.constant 0 : i32
    %dma_wait3A_393 = tpu.memref_slice %arg8[%dma_wait3A_382, %dma_wait3A_391, %dma_wait3A_392] : memref<2x40x128xi32, #tpu.memory_space<vmem>> -> memref<1x40x128xi32, #tpu.memory_space<vmem>>
    %dma_wait3A_394 = tpu.memref_squeeze %dma_wait3A_393 : memref<1x40x128xi32, #tpu.memory_space<vmem>> -> memref<40x128xi32, #tpu.memory_space<vmem>>
    %dma_wait3A_395 = arith.constant 120 : i32
    %dma_wait3A_396 = arith.constant 0 : i32
    %dma_wait3A_397 = tpu.memref_slice %arg5[%arg1, %dma_wait3A_395, %dma_wait3A_396] : memref<16x160x128xi32, #tpu.memory_space<hbm>> -> memref<1x40x128xi32, #tpu.memory_space<hbm>>
    %dma_wait3A_398 = tpu.memref_squeeze %dma_wait3A_397 : memref<1x40x128xi32, #tpu.memory_space<hbm>> -> memref<40x128xi32, #tpu.memory_space<hbm>>
    tpu.wait_dma2 semaphore(%arg21 : memref<!tpu.dma_semaphore, #tpu.memory_space<semaphore_mem>>) src(%dma_wait3A_398 : memref<40x128xi32, #tpu.memory_space<hbm>>) dst(%dma_wait3A_394 : memref<40x128xi32, #tpu.memory_space<vmem>>)
    %dma_start3A_399 = arith.constant 1 : i32
    %dma_start3A_400 = arith.constant 0 : i32
    %dma_start3A_401 = arith.constant 0 : i32
    %dma_start3A_402 = tpu.memref_slice %arg7[%dma_start3A_399, %dma_start3A_400, %dma_start3A_401] : memref<2x40x128xi32, #tpu.memory_space<vmem>> -> memref<1x1x128xi32, #tpu.memory_space<vmem>>
    %dma_start3A_403 = tpu.memref_squeeze %dma_start3A_402 : memref<1x1x128xi32, #tpu.memory_space<vmem>> -> memref<128xi32, #tpu.memory_space<vmem>>
    %dma_start3A_404 = arith.constant 0 : i32
    %dma_start3A_405 = arith.constant 0 : i32
    %dma_start3A_406 = tpu.memref_slice %arg12[%dma_start3A_404, %dma_start3A_405] : memref<10240x64xf32, #tpu.memory_space<vmem_shared>> -> memref<10240x64xf32, #tpu.memory_space<vmem_shared>>
    tpu.enqueue_indirect_dma source(%dma_start3A_406 : memref<10240x64xf32, #tpu.memory_space<vmem_shared>>) target(%arg9 : memref<128x64xf32, #tpu.memory_space<vmem>>) offsets(%dma_start3A_403 : memref<128xi32, #tpu.memory_space<vmem>>) semaphore(%arg14 : memref<!tpu.dma_semaphore, #tpu.memory_space<semaphore_mem>>)
    %dma_start3A_407 = arith.constant 1 : i32
    %dma_start3A_408 = arith.constant 1 : i32
    %dma_start3A_409 = arith.constant 0 : i32
    %dma_start3A_410 = tpu.memref_slice %arg7[%dma_start3A_407, %dma_start3A_408, %dma_start3A_409] : memref<2x40x128xi32, #tpu.memory_space<vmem>> -> memref<1x1x128xi32, #tpu.memory_space<vmem>>
    %dma_start3A_411 = tpu.memref_squeeze %dma_start3A_410 : memref<1x1x128xi32, #tpu.memory_space<vmem>> -> memref<128xi32, #tpu.memory_space<vmem>>
    %dma_start3A_412 = arith.constant 0 : i32
    %dma_start3A_413 = arith.constant 0 : i32
    %dma_start3A_414 = tpu.memref_slice %arg12[%dma_start3A_412, %dma_start3A_413] : memref<10240x64xf32, #tpu.memory_space<vmem_shared>> -> memref<10240x64xf32, #tpu.memory_space<vmem_shared>>
    tpu.enqueue_indirect_dma source(%dma_start3A_414 : memref<10240x64xf32, #tpu.memory_space<vmem_shared>>) target(%arg10 : memref<128x64xf32, #tpu.memory_space<vmem>>) offsets(%dma_start3A_411 : memref<128xi32, #tpu.memory_space<vmem>>) semaphore(%arg15 : memref<!tpu.dma_semaphore, #tpu.memory_space<semaphore_mem>>)
    %scan3A_415 = arith.constant 0 : i32
    %scan3A_416 = arith.constant 20 : i32
    %scan3A_417 = arith.addi %scan3A_415, %scan3A_416 : i32
    %scan3A_418 = arith.constant 1 : i32
    scf.for %scan3A_441 = %scan3A_415 to %scan3A_417 step %scan3A_418  : i32 {
      %mul3A_442 = arith.constant 1 : i32
      %mul3A_443 = arith.muli %scan3A_441, %mul3A_442 : i32
      %add3A = arith.constant 0 : i32
      %add3A_444 = arith.addi %add3A, %mul3A_443 : i32
      %mul3A_445 = arith.constant 2 : i32
      %mul3A_446 = arith.muli %add3A_444, %mul3A_445 : i32
      %add3A_447 = arith.constant 0 : i32
      %add3A_448 = arith.addi %mul3A_446, %add3A_447 : i32
      %dma_wait3A_449 = arith.constant 1 : i32
      %dma_wait3A_450 = arith.constant 0 : i32
      %dma_wait3A_451 = tpu.memref_slice %arg7[%dma_wait3A_449, %add3A_448, %dma_wait3A_450] : memref<2x40x128xi32, #tpu.memory_space<vmem>> -> memref<1x1x128xi32, #tpu.memory_space<vmem>>
      %dma_wait3A_452 = tpu.memref_squeeze %dma_wait3A_451 : memref<1x1x128xi32, #tpu.memory_space<vmem>> -> memref<128xi32, #tpu.memory_space<vmem>>
      %dma_wait3A_453 = arith.constant 0 : i32
      %dma_wait3A_454 = arith.constant 0 : i32
      %dma_wait3A_455 = tpu.memref_slice %arg12[%dma_wait3A_453, %dma_wait3A_454] : memref<10240x64xf32, #tpu.memory_space<vmem_shared>> -> memref<10240x64xf32, #tpu.memory_space<vmem_shared>>
      tpu.wait_indirect_dma semaphore(%arg14 : memref<!tpu.dma_semaphore, #tpu.memory_space<semaphore_mem>>) src(%dma_wait3A_455 : memref<10240x64xf32, #tpu.memory_space<vmem_shared>>) dst(%arg9 : memref<128x64xf32, #tpu.memory_space<vmem>>)
      %add3A_456 = arith.constant 0 : i32
      %add3A_457 = arith.addi %mul3A_446, %add3A_456 : i32
      %dma_start3A_458 = arith.constant 1 : i32
      %dma_start3A_459 = arith.constant 0 : i32
      %dma_start3A_460 = tpu.memref_slice %arg8[%dma_start3A_458, %add3A_457, %dma_start3A_459] : memref<2x40x128xi32, #tpu.memory_space<vmem>> -> memref<1x1x128xi32, #tpu.memory_space<vmem>>
      %dma_start3A_461 = tpu.memref_squeeze %dma_start3A_460 : memref<1x1x128xi32, #tpu.memory_space<vmem>> -> memref<128xi32, #tpu.memory_space<vmem>>
      %dma_start3A_462 = arith.constant 0 : i32
      %dma_start3A_463 = arith.constant 0 : i32
      %dma_start3A_464 = tpu.memref_slice %arg13[%dma_start3A_462, %dma_start3A_463] : memref<10240x64xf32, #tpu.memory_space<vmem_shared>> -> memref<10240x64xf32, #tpu.memory_space<vmem_shared>>
      tpu.enqueue_indirect_dma source(%arg9 : memref<128x64xf32, #tpu.memory_space<vmem>>) target(%dma_start3A_464 : memref<10240x64xf32, #tpu.memory_space<vmem_shared>>) offsets(%dma_start3A_461 : memref<128xi32, #tpu.memory_space<vmem>>) semaphore(%arg16 : memref<!tpu.dma_semaphore, #tpu.memory_space<semaphore_mem>>) {add = true}
      %add3A_465 = arith.constant 1 : i32
      %add3A_466 = arith.addi %mul3A_446, %add3A_465 : i32
      %dma_wait3A_467 = arith.constant 1 : i32
      %dma_wait3A_468 = arith.constant 0 : i32
      %dma_wait3A_469 = tpu.memref_slice %arg7[%dma_wait3A_467, %add3A_466, %dma_wait3A_468] : memref<2x40x128xi32, #tpu.memory_space<vmem>> -> memref<1x1x128xi32, #tpu.memory_space<vmem>>
      %dma_wait3A_470 = tpu.memref_squeeze %dma_wait3A_469 : memref<1x1x128xi32, #tpu.memory_space<vmem>> -> memref<128xi32, #tpu.memory_space<vmem>>
      %dma_wait3A_471 = arith.constant 0 : i32
      %dma_wait3A_472 = arith.constant 0 : i32
      %dma_wait3A_473 = tpu.memref_slice %arg12[%dma_wait3A_471, %dma_wait3A_472] : memref<10240x64xf32, #tpu.memory_space<vmem_shared>> -> memref<10240x64xf32, #tpu.memory_space<vmem_shared>>
      tpu.wait_indirect_dma semaphore(%arg15 : memref<!tpu.dma_semaphore, #tpu.memory_space<semaphore_mem>>) src(%dma_wait3A_473 : memref<10240x64xf32, #tpu.memory_space<vmem_shared>>) dst(%arg10 : memref<128x64xf32, #tpu.memory_space<vmem>>)
      %add3A_474 = arith.constant 1 : i32
      %add3A_475 = arith.addi %mul3A_446, %add3A_474 : i32
      %dma_start3A_476 = arith.constant 1 : i32
      %dma_start3A_477 = arith.constant 0 : i32
      %dma_start3A_478 = tpu.memref_slice %arg8[%dma_start3A_476, %add3A_475, %dma_start3A_477] : memref<2x40x128xi32, #tpu.memory_space<vmem>> -> memref<1x1x128xi32, #tpu.memory_space<vmem>>
      %dma_start3A_479 = tpu.memref_squeeze %dma_start3A_478 : memref<1x1x128xi32, #tpu.memory_space<vmem>> -> memref<128xi32, #tpu.memory_space<vmem>>
      %dma_start3A_480 = arith.constant 0 : i32
      %dma_start3A_481 = arith.constant 0 : i32
      %dma_start3A_482 = tpu.memref_slice %arg13[%dma_start3A_480, %dma_start3A_481] : memref<10240x64xf32, #tpu.memory_space<vmem_shared>> -> memref<10240x64xf32, #tpu.memory_space<vmem_shared>>
      tpu.enqueue_indirect_dma source(%arg10 : memref<128x64xf32, #tpu.memory_space<vmem>>) target(%dma_start3A_482 : memref<10240x64xf32, #tpu.memory_space<vmem_shared>>) offsets(%dma_start3A_479 : memref<128xi32, #tpu.memory_space<vmem>>) semaphore(%arg17 : memref<!tpu.dma_semaphore, #tpu.memory_space<semaphore_mem>>) {add = true}
      %add3A_483 = arith.constant 1 : i32
      %add3A_484 = arith.addi %add3A_444, %add3A_483 : i32
      %lt3A = arith.constant 20 : i32
      %lt3A_485 = arith.cmpi slt, %add3A_484, %lt3A : i32
      %convert_element_type3A_486 = arith.extui %lt3A_485 : i1 to i32
      %cond3A_487 = arith.constant 0 : i32
      %cond3A_488 = arith.cmpi ne, %convert_element_type3A_486, %cond3A_487 : i32
      scf.if %cond3A_488 {
        %add3A_496 = arith.constant 0 : i32
        %add3A_497 = arith.addi %mul3A_446, %add3A_496 : i32
        %dma_wait3A_498 = arith.constant 1 : i32
        %dma_wait3A_499 = arith.constant 0 : i32
        %dma_wait3A_500 = tpu.memref_slice %arg8[%dma_wait3A_498, %add3A_497, %dma_wait3A_499] : memref<2x40x128xi32, #tpu.memory_space<vmem>> -> memref<1x1x128xi32, #tpu.memory_space<vmem>>
        %dma_wait3A_501 = tpu.memref_squeeze %dma_wait3A_500 : memref<1x1x128xi32, #tpu.memory_space<vmem>> -> memref<128xi32, #tpu.memory_space<vmem>>
        %dma_wait3A_502 = arith.constant 0 : i32
        %dma_wait3A_503 = arith.constant 0 : i32
        %dma_wait3A_504 = tpu.memref_slice %arg13[%dma_wait3A_502, %dma_wait3A_503] : memref<10240x64xf32, #tpu.memory_space<vmem_shared>> -> memref<10240x64xf32, #tpu.memory_space<vmem_shared>>
        tpu.wait_indirect_dma semaphore(%arg16 : memref<!tpu.dma_semaphore, #tpu.memory_space<semaphore_mem>>) src(%arg9 : memref<128x64xf32, #tpu.memory_space<vmem>>) dst(%dma_wait3A_504 : memref<10240x64xf32, #tpu.memory_space<vmem_shared>>)
        %add3A_505 = arith.constant 2 : i32
        %add3A_506 = arith.addi %mul3A_446, %add3A_505 : i32
        %add3A_507 = arith.constant 0 : i32
        %add3A_508 = arith.addi %add3A_506, %add3A_507 : i32
        %dma_start3A_509 = arith.constant 1 : i32
        %dma_start3A_510 = arith.constant 0 : i32
        %dma_start3A_511 = tpu.memref_slice %arg7[%dma_start3A_509, %add3A_508, %dma_start3A_510] : memref<2x40x128xi32, #tpu.memory_space<vmem>> -> memref<1x1x128xi32, #tpu.memory_space<vmem>>
        %dma_start3A_512 = tpu.memref_squeeze %dma_start3A_511 : memref<1x1x128xi32, #tpu.memory_space<vmem>> -> memref<128xi32, #tpu.memory_space<vmem>>
        %dma_start3A_513 = arith.constant 0 : i32
        %dma_start3A_514 = arith.constant 0 : i32
        %dma_start3A_515 = tpu.memref_slice %arg12[%dma_start3A_513, %dma_start3A_514] : memref<10240x64xf32, #tpu.memory_space<vmem_shared>> -> memref<10240x64xf32, #tpu.memory_space<vmem_shared>>
        tpu.enqueue_indirect_dma source(%dma_start3A_515 : memref<10240x64xf32, #tpu.memory_space<vmem_shared>>) target(%arg9 : memref<128x64xf32, #tpu.memory_space<vmem>>) offsets(%dma_start3A_512 : memref<128xi32, #tpu.memory_space<vmem>>) semaphore(%arg14 : memref<!tpu.dma_semaphore, #tpu.memory_space<semaphore_mem>>)
      } else {
      }
      %add3A_489 = arith.constant 1 : i32
      %add3A_490 = arith.addi %add3A_444, %add3A_489 : i32
      %lt3A_491 = arith.constant 20 : i32
      %lt3A_492 = arith.cmpi slt, %add3A_490, %lt3A_491 : i32
      %convert_element_type3A_493 = arith.extui %lt3A_492 : i1 to i32
      %cond3A_494 = arith.constant 0 : i32
      %cond3A_495 = arith.cmpi ne, %convert_element_type3A_493, %cond3A_494 : i32
      scf.if %cond3A_495 {
        %add3A_496 = arith.constant 1 : i32
        %add3A_497 = arith.addi %mul3A_446, %add3A_496 : i32
        %dma_wait3A_498 = arith.constant 1 : i32
        %dma_wait3A_499 = arith.constant 0 : i32
        %dma_wait3A_500 = tpu.memref_slice %arg8[%dma_wait3A_498, %add3A_497, %dma_wait3A_499] : memref<2x40x128xi32, #tpu.memory_space<vmem>> -> memref<1x1x128xi32, #tpu.memory_space<vmem>>
        %dma_wait3A_501 = tpu.memref_squeeze %dma_wait3A_500 : memref<1x1x128xi32, #tpu.memory_space<vmem>> -> memref<128xi32, #tpu.memory_space<vmem>>
        %dma_wait3A_502 = arith.constant 0 : i32
        %dma_wait3A_503 = arith.constant 0 : i32
        %dma_wait3A_504 = tpu.memref_slice %arg13[%dma_wait3A_502, %dma_wait3A_503] : memref<10240x64xf32, #tpu.memory_space<vmem_shared>> -> memref<10240x64xf32, #tpu.memory_space<vmem_shared>>
        tpu.wait_indirect_dma semaphore(%arg17 : memref<!tpu.dma_semaphore, #tpu.memory_space<semaphore_mem>>) src(%arg10 : memref<128x64xf32, #tpu.memory_space<vmem>>) dst(%dma_wait3A_504 : memref<10240x64xf32, #tpu.memory_space<vmem_shared>>)
        %add3A_505 = arith.constant 2 : i32
        %add3A_506 = arith.addi %mul3A_446, %add3A_505 : i32
        %add3A_507 = arith.constant 1 : i32
        %add3A_508 = arith.addi %add3A_506, %add3A_507 : i32
        %dma_start3A_509 = arith.constant 1 : i32
        %dma_start3A_510 = arith.constant 0 : i32
        %dma_start3A_511 = tpu.memref_slice %arg7[%dma_start3A_509, %add3A_508, %dma_start3A_510] : memref<2x40x128xi32, #tpu.memory_space<vmem>> -> memref<1x1x128xi32, #tpu.memory_space<vmem>>
        %dma_start3A_512 = tpu.memref_squeeze %dma_start3A_511 : memref<1x1x128xi32, #tpu.memory_space<vmem>> -> memref<128xi32, #tpu.memory_space<vmem>>
        %dma_start3A_513 = arith.constant 0 : i32
        %dma_start3A_514 = arith.constant 0 : i32
        %dma_start3A_515 = tpu.memref_slice %arg12[%dma_start3A_513, %dma_start3A_514] : memref<10240x64xf32, #tpu.memory_space<vmem_shared>> -> memref<10240x64xf32, #tpu.memory_space<vmem_shared>>
        tpu.enqueue_indirect_dma source(%dma_start3A_515 : memref<10240x64xf32, #tpu.memory_space<vmem_shared>>) target(%arg10 : memref<128x64xf32, #tpu.memory_space<vmem>>) offsets(%dma_start3A_512 : memref<128xi32, #tpu.memory_space<vmem>>) semaphore(%arg15 : memref<!tpu.dma_semaphore, #tpu.memory_space<semaphore_mem>>)
      } else {
      }
    }
    %scan3A_419 = arith.constant 20 : i32
    %dma_wait3A_420 = arith.constant 1 : i32
    %dma_wait3A_421 = arith.constant 38 : i32
    %dma_wait3A_422 = arith.constant 0 : i32
    %dma_wait3A_423 = tpu.memref_slice %arg8[%dma_wait3A_420, %dma_wait3A_421, %dma_wait3A_422] : memref<2x40x128xi32, #tpu.memory_space<vmem>> -> memref<1x1x128xi32, #tpu.memory_space<vmem>>
    %dma_wait3A_424 = tpu.memref_squeeze %dma_wait3A_423 : memref<1x1x128xi32, #tpu.memory_space<vmem>> -> memref<128xi32, #tpu.memory_space<vmem>>
    %dma_wait3A_425 = arith.constant 0 : i32
    %dma_wait3A_426 = arith.constant 0 : i32
    %dma_wait3A_427 = tpu.memref_slice %arg13[%dma_wait3A_425, %dma_wait3A_426] : memref<10240x64xf32, #tpu.memory_space<vmem_shared>> -> memref<10240x64xf32, #tpu.memory_space<vmem_shared>>
    tpu.wait_indirect_dma semaphore(%arg16 : memref<!tpu.dma_semaphore, #tpu.memory_space<semaphore_mem>>) src(%arg9 : memref<128x64xf32, #tpu.memory_space<vmem>>) dst(%dma_wait3A_427 : memref<10240x64xf32, #tpu.memory_space<vmem_shared>>)
    %dma_wait3A_428 = arith.constant 1 : i32
    %dma_wait3A_429 = arith.constant 39 : i32
    %dma_wait3A_430 = arith.constant 0 : i32
    %dma_wait3A_431 = tpu.memref_slice %arg8[%dma_wait3A_428, %dma_wait3A_429, %dma_wait3A_430] : memref<2x40x128xi32, #tpu.memory_space<vmem>> -> memref<1x1x128xi32, #tpu.memory_space<vmem>>
    %dma_wait3A_432 = tpu.memref_squeeze %dma_wait3A_431 : memref<1x1x128xi32, #tpu.memory_space<vmem>> -> memref<128xi32, #tpu.memory_space<vmem>>
    %dma_wait3A_433 = arith.constant 0 : i32
    %dma_wait3A_434 = arith.constant 0 : i32
    %dma_wait3A_435 = tpu.memref_slice %arg13[%dma_wait3A_433, %dma_wait3A_434] : memref<10240x64xf32, #tpu.memory_space<vmem_shared>> -> memref<10240x64xf32, #tpu.memory_space<vmem_shared>>
    tpu.wait_indirect_dma semaphore(%arg17 : memref<!tpu.dma_semaphore, #tpu.memory_space<semaphore_mem>>) src(%arg10 : memref<128x64xf32, #tpu.memory_space<vmem>>) dst(%dma_wait3A_435 : memref<10240x64xf32, #tpu.memory_space<vmem_shared>>)
    %barrier3A_436 = arith.constant 0 : index
    tpu.barrier barrier_id(%barrier3A_436)
    %mul3A_437 = arith.constant 640 : i32
    %mul3A_438 = arith.muli %arg1, %mul3A_437 : i32
    %mul3A_439 = arith.constant 640 : i32
    %mul3A_440 = arith.muli %arg1, %mul3A_439 : i32
    "tpu.region"() ({
      %run_scoped3A = tpu.sem_alloc : memref<!tpu.dma_semaphore, #tpu.memory_space<semaphore_mem>>
      %dma_start3A_441 = arith.constant 0 : i32
      %dma_start3A_442 = tpu.memref_slice %arg6[%arg0, %mul3A_440, %dma_start3A_441] : memref<2x10240x64xf32, #tpu.memory_space<hbm>> -> memref<1x640x64xf32, #tpu.memory_space<hbm>>
      %dma_start3A_443 = tpu.memref_squeeze %dma_start3A_442 : memref<1x640x64xf32, #tpu.memory_space<hbm>> -> memref<640x64xf32, #tpu.memory_space<hbm>>
      %dma_start3A_444 = arith.constant 0 : i32
      %dma_start3A_445 = tpu.memref_slice %arg13[%mul3A_438, %dma_start3A_444] : memref<10240x64xf32, #tpu.memory_space<vmem_shared>> -> memref<640x64xf32, #tpu.memory_space<vmem_shared>>
      tpu.enqueue_dma source(%dma_start3A_445 : memref<640x64xf32, #tpu.memory_space<vmem_shared>>) target(%dma_start3A_443 : memref<640x64xf32, #tpu.memory_space<hbm>>) target_semaphore(%run_scoped3A : memref<!tpu.dma_semaphore, #tpu.memory_space<semaphore_mem>>)
      %dma_wait3A_446 = arith.constant 0 : i32
      %dma_wait3A_447 = tpu.memref_slice %arg6[%arg0, %mul3A_440, %dma_wait3A_446] : memref<2x10240x64xf32, #tpu.memory_space<hbm>> -> memref<1x640x64xf32, #tpu.memory_space<hbm>>
      %dma_wait3A_448 = tpu.memref_squeeze %dma_wait3A_447 : memref<1x640x64xf32, #tpu.memory_space<hbm>> -> memref<640x64xf32, #tpu.memory_space<hbm>>
      %dma_wait3A_449 = arith.constant 0 : i32
      %dma_wait3A_450 = tpu.memref_slice %arg13[%mul3A_438, %dma_wait3A_449] : memref<10240x64xf32, #tpu.memory_space<vmem_shared>> -> memref<640x64xf32, #tpu.memory_space<vmem_shared>>
      tpu.wait_dma2 semaphore(%run_scoped3A : memref<!tpu.dma_semaphore, #tpu.memory_space<semaphore_mem>>) src(%dma_wait3A_450 : memref<640x64xf32, #tpu.memory_space<vmem_shared>>) dst(%dma_wait3A_448 : memref<640x64xf32, #tpu.memory_space<hbm>>)
      tpu.yield
    }) : () -> ()
    return
  }
}

#map = affine_map<(d0, d1) -> (0, 0, 0)>
#map1 = affine_map<(d0, d1) -> (0)>
module attributes {stable_mosaic.version = 14 : i64} {
  func.func @_sc_degrees(%arg0: i32, %arg1: i32, %arg2: memref<32x160x128xi32, #tpu.memory_space<hbm>>, %arg3: memref<40960xf32, #tpu.memory_space<hbm>>, %arg4: memref<160x128xi32, #tpu.memory_space<vmem>>, %arg5: memref<128xf32, #tpu.memory_space<vmem>>, %arg6: memref<1280xf32, #tpu.memory_space<vmem>>, %arg7: memref<20480xf32, #tpu.memory_space<vmem_shared>>, %arg8: memref<!tpu.dma_semaphore, #tpu.memory_space<semaphore_mem>>) attributes {dimension_semantics = [#tpu.dimension_semantics<core_parallel>, #tpu.dimension_semantics<subcore_parallel>], iteration_bounds = array<i64: 2, 16>, scalar_prefetch = 0 : i64, scratch_operands = 5 : i64, tpu.core_type = #tpu.core_type<sc_vector_subcore>, window_params = [{transform_indices = #map}, {transform_indices = #map1}]} {
    %mul3A = arith.constant 2 : i32
    %mul3A_0 = arith.muli %arg1, %mul3A : i32
    %add3A = arith.addi %mul3A_0, %arg0 : i32
    %broadcast_in_dim3A = arith.constant 1.000000e+00 : f32
    %broadcast_in_dim3A_1 = vector.broadcast %broadcast_in_dim3A : f32 to vector<16xf32>
    %broadcast_in_dim3A_2 = arith.constant 0.000000e+00 : f32
    %broadcast_in_dim3A_3 = vector.broadcast %broadcast_in_dim3A_2 : f32 to vector<16xf32>
    %swap3A = arith.constant 0 : index
    %swap3A_4 = tpu.vector_load %arg5[%swap3A] {strides = array<i32>} : memref<128xf32, #tpu.memory_space<vmem>>, vector<16xf32>,
    %swap3A_5 = vector.shape_cast %swap3A_4 : vector<16xf32> to vector<16xf32>
    %swap3A_6 = vector.shape_cast %broadcast_in_dim3A_1 : vector<16xf32> to vector<16xf32>
    tpu.vector_store %arg5[%swap3A], %swap3A_6 {strides = array<i32>} : memref<128xf32, #tpu.memory_space<vmem>>, vector<16xf32>,
    %swap3A_7 = arith.constant 16 : index
    %swap3A_8 = tpu.vector_load %arg5[%swap3A_7] {strides = array<i32>} : memref<128xf32, #tpu.memory_space<vmem>>, vector<16xf32>,
    %swap3A_9 = vector.shape_cast %swap3A_8 : vector<16xf32> to vector<16xf32>
    %swap3A_10 = vector.shape_cast %broadcast_in_dim3A_1 : vector<16xf32> to vector<16xf32>
    tpu.vector_store %arg5[%swap3A_7], %swap3A_10 {strides = array<i32>} : memref<128xf32, #tpu.memory_space<vmem>>, vector<16xf32>,
    %swap3A_11 = arith.constant 32 : index
    %swap3A_12 = tpu.vector_load %arg5[%swap3A_11] {strides = array<i32>} : memref<128xf32, #tpu.memory_space<vmem>>, vector<16xf32>,
    %swap3A_13 = vector.shape_cast %swap3A_12 : vector<16xf32> to vector<16xf32>
    %swap3A_14 = vector.shape_cast %broadcast_in_dim3A_1 : vector<16xf32> to vector<16xf32>
    tpu.vector_store %arg5[%swap3A_11], %swap3A_14 {strides = array<i32>} : memref<128xf32, #tpu.memory_space<vmem>>, vector<16xf32>,
    %swap3A_15 = arith.constant 48 : index
    %swap3A_16 = tpu.vector_load %arg5[%swap3A_15] {strides = array<i32>} : memref<128xf32, #tpu.memory_space<vmem>>, vector<16xf32>,
    %swap3A_17 = vector.shape_cast %swap3A_16 : vector<16xf32> to vector<16xf32>
    %swap3A_18 = vector.shape_cast %broadcast_in_dim3A_1 : vector<16xf32> to vector<16xf32>
    tpu.vector_store %arg5[%swap3A_15], %swap3A_18 {strides = array<i32>} : memref<128xf32, #tpu.memory_space<vmem>>, vector<16xf32>,
    %swap3A_19 = arith.constant 64 : index
    %swap3A_20 = tpu.vector_load %arg5[%swap3A_19] {strides = array<i32>} : memref<128xf32, #tpu.memory_space<vmem>>, vector<16xf32>,
    %swap3A_21 = vector.shape_cast %swap3A_20 : vector<16xf32> to vector<16xf32>
    %swap3A_22 = vector.shape_cast %broadcast_in_dim3A_1 : vector<16xf32> to vector<16xf32>
    tpu.vector_store %arg5[%swap3A_19], %swap3A_22 {strides = array<i32>} : memref<128xf32, #tpu.memory_space<vmem>>, vector<16xf32>,
    %swap3A_23 = arith.constant 80 : index
    %swap3A_24 = tpu.vector_load %arg5[%swap3A_23] {strides = array<i32>} : memref<128xf32, #tpu.memory_space<vmem>>, vector<16xf32>,
    %swap3A_25 = vector.shape_cast %swap3A_24 : vector<16xf32> to vector<16xf32>
    %swap3A_26 = vector.shape_cast %broadcast_in_dim3A_1 : vector<16xf32> to vector<16xf32>
    tpu.vector_store %arg5[%swap3A_23], %swap3A_26 {strides = array<i32>} : memref<128xf32, #tpu.memory_space<vmem>>, vector<16xf32>,
    %swap3A_27 = arith.constant 96 : index
    %swap3A_28 = tpu.vector_load %arg5[%swap3A_27] {strides = array<i32>} : memref<128xf32, #tpu.memory_space<vmem>>, vector<16xf32>,
    %swap3A_29 = vector.shape_cast %swap3A_28 : vector<16xf32> to vector<16xf32>
    %swap3A_30 = vector.shape_cast %broadcast_in_dim3A_1 : vector<16xf32> to vector<16xf32>
    tpu.vector_store %arg5[%swap3A_27], %swap3A_30 {strides = array<i32>} : memref<128xf32, #tpu.memory_space<vmem>>, vector<16xf32>,
    %swap3A_31 = arith.constant 112 : index
    %swap3A_32 = tpu.vector_load %arg5[%swap3A_31] {strides = array<i32>} : memref<128xf32, #tpu.memory_space<vmem>>, vector<16xf32>,
    %swap3A_33 = vector.shape_cast %swap3A_32 : vector<16xf32> to vector<16xf32>
    %swap3A_34 = vector.shape_cast %broadcast_in_dim3A_1 : vector<16xf32> to vector<16xf32>
    tpu.vector_store %arg5[%swap3A_31], %swap3A_34 {strides = array<i32>} : memref<128xf32, #tpu.memory_space<vmem>>, vector<16xf32>,
    %scan3A = arith.constant 0 : i32
    %scan3A_35 = arith.constant 80 : i32
    %scan3A_36 = arith.addi %scan3A, %scan3A_35 : i32
    %scan3A_37 = arith.constant 1 : i32
    scf.for %scan3A_70 = %scan3A to %scan3A_36 step %scan3A_37  : i32 {
      %mul3A_71 = arith.constant 1 : i32
      %mul3A_72 = arith.muli %scan3A_70, %mul3A_71 : i32
      %add3A_73 = arith.constant 0 : i32
      %add3A_74 = arith.addi %add3A_73, %mul3A_72 : i32
      %mul3A_75 = arith.constant 16 : i32
      %mul3A_76 = arith.muli %add3A_74, %mul3A_75 : i32
      %swap3A_77 = arith.index_cast %mul3A_76 : i32 to index
      %swap3A_78 = tpu.vector_load %arg6[%swap3A_77] {strides = array<i32>} : memref<1280xf32, #tpu.memory_space<vmem>>, vector<16xf32>,
      %swap3A_79 = vector.shape_cast %swap3A_78 : vector<16xf32> to vector<16xf32>
      %swap3A_80 = vector.shape_cast %broadcast_in_dim3A_3 : vector<16xf32> to vector<16xf32>
      tpu.vector_store %arg6[%swap3A_77], %swap3A_80 {strides = array<i32>} : memref<1280xf32, #tpu.memory_space<vmem>>, vector<16xf32>,
    }
    %scan3A_38 = arith.constant 80 : i32
    %mul3A_39 = arith.constant 1280 : i32
    %mul3A_40 = arith.muli %arg1, %mul3A_39 : i32
    "tpu.region"() ({
      %run_scoped3A = tpu.sem_alloc : memref<!tpu.dma_semaphore, #tpu.memory_space<semaphore_mem>>
      %dma_start3A_70 = tpu.memref_slice %arg7[%mul3A_40] : memref<20480xf32, #tpu.memory_space<vmem_shared>> -> memref<1280xf32, #tpu.memory_space<vmem_shared>>
      %dma_start3A_71 = tpu.memref_slice %arg7[%mul3A_40] : memref<20480xf32, #tpu.memory_space<vmem_shared>> -> memref<1280xf32, #tpu.memory_space<vmem_shared>>
      tpu.enqueue_dma source(%arg6 : memref<1280xf32, #tpu.memory_space<vmem>>) target(%dma_start3A_71 : memref<1280xf32, #tpu.memory_space<vmem_shared>>) target_semaphore(%run_scoped3A : memref<!tpu.dma_semaphore, #tpu.memory_space<semaphore_mem>>)
      %dma_wait3A_72 = tpu.memref_slice %arg7[%mul3A_40] : memref<20480xf32, #tpu.memory_space<vmem_shared>> -> memref<1280xf32, #tpu.memory_space<vmem_shared>>
      %dma_wait3A_73 = tpu.memref_slice %arg7[%mul3A_40] : memref<20480xf32, #tpu.memory_space<vmem_shared>> -> memref<1280xf32, #tpu.memory_space<vmem_shared>>
      tpu.wait_dma2 semaphore(%run_scoped3A : memref<!tpu.dma_semaphore, #tpu.memory_space<semaphore_mem>>) src(%arg6 : memref<1280xf32, #tpu.memory_space<vmem>>) dst(%dma_wait3A_73 : memref<1280xf32, #tpu.memory_space<vmem_shared>>)
      tpu.yield
    }) : () -> ()
    %barrier3A = arith.constant 0 : index
    tpu.barrier barrier_id(%barrier3A)
    %dma_start3A = arith.constant 0 : i32
    %dma_start3A_41 = arith.constant 0 : i32
    %dma_start3A_42 = tpu.memref_slice %arg2[%add3A, %dma_start3A, %dma_start3A_41] : memref<32x160x128xi32, #tpu.memory_space<hbm>> -> memref<1x160x128xi32, #tpu.memory_space<hbm>>
    %dma_start3A_43 = tpu.memref_squeeze %dma_start3A_42 : memref<1x160x128xi32, #tpu.memory_space<hbm>> -> memref<160x128xi32, #tpu.memory_space<hbm>>
    %dma_start3A_44 = arith.constant 0 : i32
    %dma_start3A_45 = arith.constant 0 : i32
    %dma_start3A_46 = tpu.memref_slice %arg2[%add3A, %dma_start3A_44, %dma_start3A_45] : memref<32x160x128xi32, #tpu.memory_space<hbm>> -> memref<1x160x128xi32, #tpu.memory_space<hbm>>
    %dma_start3A_47 = tpu.memref_squeeze %dma_start3A_46 : memref<1x160x128xi32, #tpu.memory_space<hbm>> -> memref<160x128xi32, #tpu.memory_space<hbm>>
    tpu.enqueue_dma source(%dma_start3A_47 : memref<160x128xi32, #tpu.memory_space<hbm>>) target(%arg4 : memref<160x128xi32, #tpu.memory_space<vmem>>) target_semaphore(%arg8 : memref<!tpu.dma_semaphore, #tpu.memory_space<semaphore_mem>>)
    %dma_wait3A = arith.constant 0 : i32
    %dma_wait3A_48 = arith.constant 0 : i32
    %dma_wait3A_49 = tpu.memref_slice %arg2[%add3A, %dma_wait3A, %dma_wait3A_48] : memref<32x160x128xi32, #tpu.memory_space<hbm>> -> memref<1x160x128xi32, #tpu.memory_space<hbm>>
    %dma_wait3A_50 = tpu.memref_squeeze %dma_wait3A_49 : memref<1x160x128xi32, #tpu.memory_space<hbm>> -> memref<160x128xi32, #tpu.memory_space<hbm>>
    %dma_wait3A_51 = arith.constant 0 : i32
    %dma_wait3A_52 = arith.constant 0 : i32
    %dma_wait3A_53 = tpu.memref_slice %arg2[%add3A, %dma_wait3A_51, %dma_wait3A_52] : memref<32x160x128xi32, #tpu.memory_space<hbm>> -> memref<1x160x128xi32, #tpu.memory_space<hbm>>
    %dma_wait3A_54 = tpu.memref_squeeze %dma_wait3A_53 : memref<1x160x128xi32, #tpu.memory_space<hbm>> -> memref<160x128xi32, #tpu.memory_space<hbm>>
    tpu.wait_dma2 semaphore(%arg8 : memref<!tpu.dma_semaphore, #tpu.memory_space<semaphore_mem>>) src(%dma_wait3A_54 : memref<160x128xi32, #tpu.memory_space<hbm>>) dst(%arg4 : memref<160x128xi32, #tpu.memory_space<vmem>>)
    %scan3A_55 = arith.constant 0 : i32
    %scan3A_56 = arith.constant 160 : i32
    %scan3A_57 = arith.addi %scan3A_55, %scan3A_56 : i32
    %scan3A_58 = arith.constant 1 : i32
    scf.for %scan3A_70 = %scan3A_55 to %scan3A_57 step %scan3A_58  : i32 {
      %mul3A_71 = arith.constant 1 : i32
      %mul3A_72 = arith.muli %scan3A_70, %mul3A_71 : i32
      %add3A_73 = arith.constant 0 : i32
      %add3A_74 = arith.addi %add3A_73, %mul3A_72 : i32
      "tpu.region"() ({
        %run_scoped3A = tpu.sem_alloc : memref<!tpu.dma_semaphore, #tpu.memory_space<semaphore_mem>>
        %dma_start3A_75 = arith.constant 0 : i32
        %dma_start3A_76 = tpu.memref_slice %arg4[%add3A_74, %dma_start3A_75] : memref<160x128xi32, #tpu.memory_space<vmem>> -> memref<1x128xi32, #tpu.memory_space<vmem>>
        %dma_start3A_77 = tpu.memref_squeeze %dma_start3A_76 : memref<1x128xi32, #tpu.memory_space<vmem>> -> memref<128xi32, #tpu.memory_space<vmem>>
        %dma_start3A_78 = arith.constant 0 : i32
        %dma_start3A_79 = tpu.memref_slice %arg7[%dma_start3A_78] : memref<20480xf32, #tpu.memory_space<vmem_shared>> -> memref<20480xf32, #tpu.memory_space<vmem_shared>>
        tpu.enqueue_indirect_dma source(%arg5 : memref<128xf32, #tpu.memory_space<vmem>>) target(%dma_start3A_79 : memref<20480xf32, #tpu.memory_space<vmem_shared>>) offsets(%dma_start3A_77 : memref<128xi32, #tpu.memory_space<vmem>>) semaphore(%run_scoped3A : memref<!tpu.dma_semaphore, #tpu.memory_space<semaphore_mem>>) {add = true}
        %dma_wait3A_80 = arith.constant 0 : i32
        %dma_wait3A_81 = tpu.memref_slice %arg4[%add3A_74, %dma_wait3A_80] : memref<160x128xi32, #tpu.memory_space<vmem>> -> memref<1x128xi32, #tpu.memory_space<vmem>>
        %dma_wait3A_82 = tpu.memref_squeeze %dma_wait3A_81 : memref<1x128xi32, #tpu.memory_space<vmem>> -> memref<128xi32, #tpu.memory_space<vmem>>
        %dma_wait3A_83 = arith.constant 0 : i32
        %dma_wait3A_84 = tpu.memref_slice %arg7[%dma_wait3A_83] : memref<20480xf32, #tpu.memory_space<vmem_shared>> -> memref<20480xf32, #tpu.memory_space<vmem_shared>>
        tpu.wait_indirect_dma semaphore(%run_scoped3A : memref<!tpu.dma_semaphore, #tpu.memory_space<semaphore_mem>>) src(%arg5 : memref<128xf32, #tpu.memory_space<vmem>>) dst(%dma_wait3A_84 : memref<20480xf32, #tpu.memory_space<vmem_shared>>)
        tpu.yield
      }) : () -> ()
    }
    %scan3A_59 = arith.constant 160 : i32
    %barrier3A_60 = arith.constant 0 : index
    tpu.barrier barrier_id(%barrier3A_60)
    %mul3A_61 = arith.constant 1280 : i32
    %mul3A_62 = arith.muli %arg1, %mul3A_61 : i32
    %mul3A_63 = arith.constant 2 : i32
    %mul3A_64 = arith.muli %arg0, %mul3A_63 : i32
    %mul3A_65 = arith.constant 10240 : i32
    %mul3A_66 = arith.muli %mul3A_64, %mul3A_65 : i32
    %mul3A_67 = arith.constant 1280 : i32
    %mul3A_68 = arith.muli %arg1, %mul3A_67 : i32
    %add3A_69 = arith.addi %mul3A_66, %mul3A_68 : i32
    "tpu.region"() ({
      %run_scoped3A = tpu.sem_alloc : memref<!tpu.dma_semaphore, #tpu.memory_space<semaphore_mem>>
      %dma_start3A_70 = tpu.memref_slice %arg3[%add3A_69] : memref<40960xf32, #tpu.memory_space<hbm>> -> memref<1280xf32, #tpu.memory_space<hbm>>
      %dma_start3A_71 = tpu.memref_slice %arg7[%mul3A_62] : memref<20480xf32, #tpu.memory_space<vmem_shared>> -> memref<1280xf32, #tpu.memory_space<vmem_shared>>
      tpu.enqueue_dma source(%dma_start3A_71 : memref<1280xf32, #tpu.memory_space<vmem_shared>>) target(%dma_start3A_70 : memref<1280xf32, #tpu.memory_space<hbm>>) target_semaphore(%run_scoped3A : memref<!tpu.dma_semaphore, #tpu.memory_space<semaphore_mem>>)
      %dma_wait3A_72 = tpu.memref_slice %arg3[%add3A_69] : memref<40960xf32, #tpu.memory_space<hbm>> -> memref<1280xf32, #tpu.memory_space<hbm>>
      %dma_wait3A_73 = tpu.memref_slice %arg7[%mul3A_62] : memref<20480xf32, #tpu.memory_space<vmem_shared>> -> memref<1280xf32, #tpu.memory_space<vmem_shared>>
      tpu.wait_dma2 semaphore(%run_scoped3A : memref<!tpu.dma_semaphore, #tpu.memory_space<semaphore_mem>>) src(%dma_wait3A_73 : memref<1280xf32, #tpu.memory_space<vmem_shared>>) dst(%dma_wait3A_72 : memref<1280xf32, #tpu.memory_space<hbm>>)
      tpu.yield
    }) : () -> ()
    return
  }
}

#map = affine_map<(d0, d1) -> (0, 0)>
#map1 = affine_map<(d0, d1) -> (0, 0, 0)>
module attributes {stable_mosaic.version = 14 : i64} {
  func.func @_sc_aggregate(%arg0: i32, %arg1: i32, %arg2: memref<10240x64xf32, #tpu.memory_space<hbm>>, %arg3: memref<10240x64xf32, #tpu.memory_space<hbm>>, %arg4: memref<16x160x128xi32, #tpu.memory_space<hbm>>, %arg5: memref<16x160x128xi32, #tpu.memory_space<hbm>>, %arg6: memref<2x10240x64xf32, #tpu.memory_space<hbm>>, %arg7: memref<2x40x128xi32, #tpu.memory_space<vmem>>, %arg8: memref<2x40x128xi32, #tpu.memory_space<vmem>>, %arg9: memref<128x64xf32, #tpu.memory_space<vmem>>, %arg10: memref<128x64xf32, #tpu.memory_space<vmem>>, %arg11: memref<16x64xf32, #tpu.memory_space<vmem>>, %arg12: memref<10240x64xf32, #tpu.memory_space<vmem_shared>>, %arg13: memref<10240x64xf32, #tpu.memory_space<vmem_shared>>, %arg14: memref<!tpu.dma_semaphore, #tpu.memory_space<semaphore_mem>>, %arg15: memref<!tpu.dma_semaphore, #tpu.memory_space<semaphore_mem>>, %arg16: memref<!tpu.dma_semaphore, #tpu.memory_space<semaphore_mem>>, %arg17: memref<!tpu.dma_semaphore, #tpu.memory_space<semaphore_mem>>, %arg18: memref<!tpu.dma_semaphore, #tpu.memory_space<semaphore_mem>>, %arg19: memref<!tpu.dma_semaphore, #tpu.memory_space<semaphore_mem>>, %arg20: memref<!tpu.dma_semaphore, #tpu.memory_space<semaphore_mem>>, %arg21: memref<!tpu.dma_semaphore, #tpu.memory_space<semaphore_mem>>) attributes {dimension_semantics = [#tpu.dimension_semantics<core_parallel>, #tpu.dimension_semantics<subcore_parallel>], iteration_bounds = array<i64: 2, 16>, scalar_prefetch = 0 : i64, scratch_operands = 15 : i64, tpu.core_type = #tpu.core_type<sc_vector_subcore>, window_params = [{transform_indices = #map}, {transform_indices = #map}, {transform_indices = #map1}, {transform_indices = #map1}, {transform_indices = #map1}]} {
    %broadcast_in_dim3A = arith.constant 0.000000e+00 : f32
    %broadcast_in_dim3A_0 = vector.broadcast %broadcast_in_dim3A : f32 to vector<16xf32>
    %scan3A = arith.constant 0 : i32
    %scan3A_1 = arith.constant 16 : i32
    %scan3A_2 = arith.addi %scan3A, %scan3A_1 : i32
    %scan3A_3 = arith.constant 1 : i32
    scf.for %scan3A_441 = %scan3A to %scan3A_2 step %scan3A_3  : i32 {
      %mul3A_442 = arith.constant 1 : i32
      %mul3A_443 = arith.muli %scan3A_441, %mul3A_442 : i32
      %add3A = arith.constant 0 : i32
      %add3A_444 = arith.addi %add3A, %mul3A_443 : i32
      %swap3A = arith.index_cast %add3A_444 : i32 to index
      %swap3A_445 = arith.constant 0 : index
      %swap3A_446 = tpu.vector_load %arg11[%swap3A, %swap3A_445] {strides = array<i32>} : memref<16x64xf32, #tpu.memory_space<vmem>>, vector<1x16xf32>,
      %swap3A_447 = vector.shape_cast %swap3A_446 : vector<1x16xf32> to vector<16xf32>
      %swap3A_448 = vector.shape_cast %broadcast_in_dim3A_0 : vector<16xf32> to vector<1x16xf32>
      tpu.vector_store %arg11[%swap3A, %swap3A_445], %swap3A_448 {strides = array<i32>} : memref<16x64xf32, #tpu.memory_space<vmem>>, vector<1x16xf32>,
      %swap3A_449 = arith.index_cast %add3A_444 : i32 to index
      %swap3A_450 = arith.constant 16 : index
      %swap3A_451 = tpu.vector_load %arg11[%swap3A_449, %swap3A_450] {strides = array<i32>} : memref<16x64xf32, #tpu.memory_space<vmem>>, vector<1x16xf32>,
      %swap3A_452 = vector.shape_cast %swap3A_451 : vector<1x16xf32> to vector<16xf32>
      %swap3A_453 = vector.shape_cast %broadcast_in_dim3A_0 : vector<16xf32> to vector<1x16xf32>
      tpu.vector_store %arg11[%swap3A_449, %swap3A_450], %swap3A_453 {strides = array<i32>} : memref<16x64xf32, #tpu.memory_space<vmem>>, vector<1x16xf32>,
      %swap3A_454 = arith.index_cast %add3A_444 : i32 to index
      %swap3A_455 = arith.constant 32 : index
      %swap3A_456 = tpu.vector_load %arg11[%swap3A_454, %swap3A_455] {strides = array<i32>} : memref<16x64xf32, #tpu.memory_space<vmem>>, vector<1x16xf32>,
      %swap3A_457 = vector.shape_cast %swap3A_456 : vector<1x16xf32> to vector<16xf32>
      %swap3A_458 = vector.shape_cast %broadcast_in_dim3A_0 : vector<16xf32> to vector<1x16xf32>
      tpu.vector_store %arg11[%swap3A_454, %swap3A_455], %swap3A_458 {strides = array<i32>} : memref<16x64xf32, #tpu.memory_space<vmem>>, vector<1x16xf32>,
      %swap3A_459 = arith.index_cast %add3A_444 : i32 to index
      %swap3A_460 = arith.constant 48 : index
      %swap3A_461 = tpu.vector_load %arg11[%swap3A_459, %swap3A_460] {strides = array<i32>} : memref<16x64xf32, #tpu.memory_space<vmem>>, vector<1x16xf32>,
      %swap3A_462 = vector.shape_cast %swap3A_461 : vector<1x16xf32> to vector<16xf32>
      %swap3A_463 = vector.shape_cast %broadcast_in_dim3A_0 : vector<16xf32> to vector<1x16xf32>
      tpu.vector_store %arg11[%swap3A_459, %swap3A_460], %swap3A_463 {strides = array<i32>} : memref<16x64xf32, #tpu.memory_space<vmem>>, vector<1x16xf32>,
    }
    %scan3A_4 = arith.constant 16 : i32
    %scan3A_5 = arith.constant 0 : i32
    %scan3A_6 = arith.constant 40 : i32
    %scan3A_7 = arith.addi %scan3A_5, %scan3A_6 : i32
    %scan3A_8 = arith.constant 1 : i32
    scf.for %scan3A_441 = %scan3A_5 to %scan3A_7 step %scan3A_8  : i32 {
      %mul3A_442 = arith.constant 1 : i32
      %mul3A_443 = arith.muli %scan3A_441, %mul3A_442 : i32
      %add3A = arith.constant 0 : i32
      %add3A_444 = arith.addi %add3A, %mul3A_443 : i32
      %mul3A_445 = arith.constant 640 : i32
      %mul3A_446 = arith.muli %arg1, %mul3A_445 : i32
      %mul3A_447 = arith.constant 16 : i32
      %mul3A_448 = arith.muli %add3A_444, %mul3A_447 : i32
      %add3A_449 = arith.addi %mul3A_446, %mul3A_448 : i32
      "tpu.region"() ({
        %run_scoped3A = tpu.sem_alloc : memref<!tpu.dma_semaphore, #tpu.memory_space<semaphore_mem>>
        %dma_start3A_450 = arith.constant 0 : i32
        %dma_start3A_451 = tpu.memref_slice %arg13[%add3A_449, %dma_start3A_450] : memref<10240x64xf32, #tpu.memory_space<vmem_shared>> -> memref<16x64xf32, #tpu.memory_space<vmem_shared>>
        %dma_start3A_452 = arith.constant 0 : i32
        %dma_start3A_453 = tpu.memref_slice %arg13[%add3A_449, %dma_start3A_452] : memref<10240x64xf32, #tpu.memory_space<vmem_shared>> -> memref<16x64xf32, #tpu.memory_space<vmem_shared>>
        tpu.enqueue_dma source(%arg11 : memref<16x64xf32, #tpu.memory_space<vmem>>) target(%dma_start3A_453 : memref<16x64xf32, #tpu.memory_space<vmem_shared>>) target_semaphore(%run_scoped3A : memref<!tpu.dma_semaphore, #tpu.memory_space<semaphore_mem>>)
        %dma_wait3A_454 = arith.constant 0 : i32
        %dma_wait3A_455 = tpu.memref_slice %arg13[%add3A_449, %dma_wait3A_454] : memref<10240x64xf32, #tpu.memory_space<vmem_shared>> -> memref<16x64xf32, #tpu.memory_space<vmem_shared>>
        %dma_wait3A_456 = arith.constant 0 : i32
        %dma_wait3A_457 = tpu.memref_slice %arg13[%add3A_449, %dma_wait3A_456] : memref<10240x64xf32, #tpu.memory_space<vmem_shared>> -> memref<16x64xf32, #tpu.memory_space<vmem_shared>>
        tpu.wait_dma2 semaphore(%run_scoped3A : memref<!tpu.dma_semaphore, #tpu.memory_space<semaphore_mem>>) src(%arg11 : memref<16x64xf32, #tpu.memory_space<vmem>>) dst(%dma_wait3A_457 : memref<16x64xf32, #tpu.memory_space<vmem_shared>>)
        tpu.yield
      }) : () -> ()
    }
    %scan3A_9 = arith.constant 40 : i32
    %mul3A = arith.constant 640 : i32
    %mul3A_10 = arith.muli %arg1, %mul3A : i32
    %eq3A = arith.constant 0 : i32
    %eq3A_11 = arith.cmpi eq, %arg0, %eq3A : i32
    %convert_element_type3A = arith.extui %eq3A_11 : i1 to i32
    %cond3A = arith.constant 0 : i32
    %cond3A_12 = arith.cmpi ne, %convert_element_type3A, %cond3A : i32
    scf.if %cond3A_12 {
      "tpu.region"() ({
        %run_scoped3A = tpu.sem_alloc : memref<!tpu.dma_semaphore, #tpu.memory_space<semaphore_mem>>
        %dma_start3A_441 = arith.constant 0 : i32
        %dma_start3A_442 = tpu.memref_slice %arg12[%mul3A_10, %dma_start3A_441] : memref<10240x64xf32, #tpu.memory_space<vmem_shared>> -> memref<640x64xf32, #tpu.memory_space<vmem_shared>>
        %dma_start3A_443 = arith.constant 0 : i32
        %dma_start3A_444 = tpu.memref_slice %arg2[%mul3A_10, %dma_start3A_443] : memref<10240x64xf32, #tpu.memory_space<hbm>> -> memref<640x64xf32, #tpu.memory_space<hbm>>
        tpu.enqueue_dma source(%dma_start3A_444 : memref<640x64xf32, #tpu.memory_space<hbm>>) target(%dma_start3A_442 : memref<640x64xf32, #tpu.memory_space<vmem_shared>>) target_semaphore(%run_scoped3A : memref<!tpu.dma_semaphore, #tpu.memory_space<semaphore_mem>>)
        %dma_wait3A_445 = arith.constant 0 : i32
        %dma_wait3A_446 = tpu.memref_slice %arg12[%mul3A_10, %dma_wait3A_445] : memref<10240x64xf32, #tpu.memory_space<vmem_shared>> -> memref<640x64xf32, #tpu.memory_space<vmem_shared>>
        %dma_wait3A_447 = arith.constant 0 : i32
        %dma_wait3A_448 = tpu.memref_slice %arg2[%mul3A_10, %dma_wait3A_447] : memref<10240x64xf32, #tpu.memory_space<hbm>> -> memref<640x64xf32, #tpu.memory_space<hbm>>
        tpu.wait_dma2 semaphore(%run_scoped3A : memref<!tpu.dma_semaphore, #tpu.memory_space<semaphore_mem>>) src(%dma_wait3A_448 : memref<640x64xf32, #tpu.memory_space<hbm>>) dst(%dma_wait3A_446 : memref<640x64xf32, #tpu.memory_space<vmem_shared>>)
        tpu.yield
      }) : () -> ()
    } else {
    }
    %eq3A_13 = arith.constant 1 : i32
    %eq3A_14 = arith.cmpi eq, %arg0, %eq3A_13 : i32
    %convert_element_type3A_15 = arith.extui %eq3A_14 : i1 to i32
    %cond3A_16 = arith.constant 0 : i32
    %cond3A_17 = arith.cmpi ne, %convert_element_type3A_15, %cond3A_16 : i32
    scf.if %cond3A_17 {
      "tpu.region"() ({
        %run_scoped3A = tpu.sem_alloc : memref<!tpu.dma_semaphore, #tpu.memory_space<semaphore_mem>>
        %dma_start3A_441 = arith.constant 0 : i32
        %dma_start3A_442 = tpu.memref_slice %arg12[%mul3A_10, %dma_start3A_441] : memref<10240x64xf32, #tpu.memory_space<vmem_shared>> -> memref<640x64xf32, #tpu.memory_space<vmem_shared>>
        %dma_start3A_443 = arith.constant 0 : i32
        %dma_start3A_444 = tpu.memref_slice %arg3[%mul3A_10, %dma_start3A_443] : memref<10240x64xf32, #tpu.memory_space<hbm>> -> memref<640x64xf32, #tpu.memory_space<hbm>>
        tpu.enqueue_dma source(%dma_start3A_444 : memref<640x64xf32, #tpu.memory_space<hbm>>) target(%dma_start3A_442 : memref<640x64xf32, #tpu.memory_space<vmem_shared>>) target_semaphore(%run_scoped3A : memref<!tpu.dma_semaphore, #tpu.memory_space<semaphore_mem>>)
        %dma_wait3A_445 = arith.constant 0 : i32
        %dma_wait3A_446 = tpu.memref_slice %arg12[%mul3A_10, %dma_wait3A_445] : memref<10240x64xf32, #tpu.memory_space<vmem_shared>> -> memref<640x64xf32, #tpu.memory_space<vmem_shared>>
        %dma_wait3A_447 = arith.constant 0 : i32
        %dma_wait3A_448 = tpu.memref_slice %arg3[%mul3A_10, %dma_wait3A_447] : memref<10240x64xf32, #tpu.memory_space<hbm>> -> memref<640x64xf32, #tpu.memory_space<hbm>>
        tpu.wait_dma2 semaphore(%run_scoped3A : memref<!tpu.dma_semaphore, #tpu.memory_space<semaphore_mem>>) src(%dma_wait3A_448 : memref<640x64xf32, #tpu.memory_space<hbm>>) dst(%dma_wait3A_446 : memref<640x64xf32, #tpu.memory_space<vmem_shared>>)
        tpu.yield
      }) : () -> ()
    } else {
    }
    %dma_start3A = arith.constant 0 : i32
    %dma_start3A_18 = arith.constant 0 : i32
    %dma_start3A_19 = arith.constant 0 : i32
    %dma_start3A_20 = tpu.memref_slice %arg7[%dma_start3A, %dma_start3A_18, %dma_start3A_19] : memref<2x40x128xi32, #tpu.memory_space<vmem>> -> memref<1x40x128xi32, #tpu.memory_space<vmem>>
    %dma_start3A_21 = tpu.memref_squeeze %dma_start3A_20 : memref<1x40x128xi32, #tpu.memory_space<vmem>> -> memref<40x128xi32, #tpu.memory_space<vmem>>
    %dma_start3A_22 = arith.constant 0 : i32
    %dma_start3A_23 = arith.constant 0 : i32
    %dma_start3A_24 = tpu.memref_slice %arg4[%arg1, %dma_start3A_22, %dma_start3A_23] : memref<16x160x128xi32, #tpu.memory_space<hbm>> -> memref<1x40x128xi32, #tpu.memory_space<hbm>>
    %dma_start3A_25 = tpu.memref_squeeze %dma_start3A_24 : memref<1x40x128xi32, #tpu.memory_space<hbm>> -> memref<40x128xi32, #tpu.memory_space<hbm>>
    %dma_start3A_26 = arith.constant 0 : i32
    %dma_start3A_27 = arith.constant 0 : i32
    %dma_start3A_28 = tpu.memref_slice %arg7[%dma_start3A, %dma_start3A_26, %dma_start3A_27] : memref<2x40x128xi32, #tpu.memory_space<vmem>> -> memref<1x40x128xi32, #tpu.memory_space<vmem>>
    %dma_start3A_29 = tpu.memref_squeeze %dma_start3A_28 : memref<1x40x128xi32, #tpu.memory_space<vmem>> -> memref<40x128xi32, #tpu.memory_space<vmem>>
    %dma_start3A_30 = arith.constant 0 : i32
    %dma_start3A_31 = arith.constant 0 : i32
    %dma_start3A_32 = tpu.memref_slice %arg4[%arg1, %dma_start3A_30, %dma_start3A_31] : memref<16x160x128xi32, #tpu.memory_space<hbm>> -> memref<1x40x128xi32, #tpu.memory_space<hbm>>
    %dma_start3A_33 = tpu.memref_squeeze %dma_start3A_32 : memref<1x40x128xi32, #tpu.memory_space<hbm>> -> memref<40x128xi32, #tpu.memory_space<hbm>>
    tpu.enqueue_dma source(%dma_start3A_33 : memref<40x128xi32, #tpu.memory_space<hbm>>) target(%dma_start3A_29 : memref<40x128xi32, #tpu.memory_space<vmem>>) target_semaphore(%arg18 : memref<!tpu.dma_semaphore, #tpu.memory_space<semaphore_mem>>)
    %dma_start3A_34 = arith.constant 0 : i32
    %dma_start3A_35 = arith.constant 0 : i32
    %dma_start3A_36 = arith.constant 0 : i32
    %dma_start3A_37 = tpu.memref_slice %arg8[%dma_start3A_34, %dma_start3A_35, %dma_start3A_36] : memref<2x40x128xi32, #tpu.memory_space<vmem>> -> memref<1x40x128xi32, #tpu.memory_space<vmem>>
    %dma_start3A_38 = tpu.memref_squeeze %dma_start3A_37 : memref<1x40x128xi32, #tpu.memory_space<vmem>> -> memref<40x128xi32, #tpu.memory_space<vmem>>
    %dma_start3A_39 = arith.constant 0 : i32
    %dma_start3A_40 = arith.constant 0 : i32
    %dma_start3A_41 = tpu.memref_slice %arg5[%arg1, %dma_start3A_39, %dma_start3A_40] : memref<16x160x128xi32, #tpu.memory_space<hbm>> -> memref<1x40x128xi32, #tpu.memory_space<hbm>>
    %dma_start3A_42 = tpu.memref_squeeze %dma_start3A_41 : memref<1x40x128xi32, #tpu.memory_space<hbm>> -> memref<40x128xi32, #tpu.memory_space<hbm>>
    %dma_start3A_43 = arith.constant 0 : i32
    %dma_start3A_44 = arith.constant 0 : i32
    %dma_start3A_45 = tpu.memref_slice %arg8[%dma_start3A_34, %dma_start3A_43, %dma_start3A_44] : memref<2x40x128xi32, #tpu.memory_space<vmem>> -> memref<1x40x128xi32, #tpu.memory_space<vmem>>
    %dma_start3A_46 = tpu.memref_squeeze %dma_start3A_45 : memref<1x40x128xi32, #tpu.memory_space<vmem>> -> memref<40x128xi32, #tpu.memory_space<vmem>>
    %dma_start3A_47 = arith.constant 0 : i32
    %dma_start3A_48 = arith.constant 0 : i32
    %dma_start3A_49 = tpu.memref_slice %arg5[%arg1, %dma_start3A_47, %dma_start3A_48] : memref<16x160x128xi32, #tpu.memory_space<hbm>> -> memref<1x40x128xi32, #tpu.memory_space<hbm>>
    %dma_start3A_50 = tpu.memref_squeeze %dma_start3A_49 : memref<1x40x128xi32, #tpu.memory_space<hbm>> -> memref<40x128xi32, #tpu.memory_space<hbm>>
    tpu.enqueue_dma source(%dma_start3A_50 : memref<40x128xi32, #tpu.memory_space<hbm>>) target(%dma_start3A_46 : memref<40x128xi32, #tpu.memory_space<vmem>>) target_semaphore(%arg20 : memref<!tpu.dma_semaphore, #tpu.memory_space<semaphore_mem>>)
    %barrier3A = arith.constant 0 : index
    tpu.barrier barrier_id(%barrier3A)
    %dma_wait3A = arith.constant 0 : i32
    %dma_wait3A_51 = arith.constant 0 : i32
    %dma_wait3A_52 = arith.constant 0 : i32
    %dma_wait3A_53 = tpu.memref_slice %arg7[%dma_wait3A, %dma_wait3A_51, %dma_wait3A_52] : memref<2x40x128xi32, #tpu.memory_space<vmem>> -> memref<1x40x128xi32, #tpu.memory_space<vmem>>
    %dma_wait3A_54 = tpu.memref_squeeze %dma_wait3A_53 : memref<1x40x128xi32, #tpu.memory_space<vmem>> -> memref<40x128xi32, #tpu.memory_space<vmem>>
    %dma_wait3A_55 = arith.constant 0 : i32
    %dma_wait3A_56 = arith.constant 0 : i32
    %dma_wait3A_57 = tpu.memref_slice %arg4[%arg1, %dma_wait3A_55, %dma_wait3A_56] : memref<16x160x128xi32, #tpu.memory_space<hbm>> -> memref<1x40x128xi32, #tpu.memory_space<hbm>>
    %dma_wait3A_58 = tpu.memref_squeeze %dma_wait3A_57 : memref<1x40x128xi32, #tpu.memory_space<hbm>> -> memref<40x128xi32, #tpu.memory_space<hbm>>
    %dma_wait3A_59 = arith.constant 0 : i32
    %dma_wait3A_60 = arith.constant 0 : i32
    %dma_wait3A_61 = tpu.memref_slice %arg7[%dma_wait3A, %dma_wait3A_59, %dma_wait3A_60] : memref<2x40x128xi32, #tpu.memory_space<vmem>> -> memref<1x40x128xi32, #tpu.memory_space<vmem>>
    %dma_wait3A_62 = tpu.memref_squeeze %dma_wait3A_61 : memref<1x40x128xi32, #tpu.memory_space<vmem>> -> memref<40x128xi32, #tpu.memory_space<vmem>>
    %dma_wait3A_63 = arith.constant 0 : i32
    %dma_wait3A_64 = arith.constant 0 : i32
    %dma_wait3A_65 = tpu.memref_slice %arg4[%arg1, %dma_wait3A_63, %dma_wait3A_64] : memref<16x160x128xi32, #tpu.memory_space<hbm>> -> memref<1x40x128xi32, #tpu.memory_space<hbm>>
    %dma_wait3A_66 = tpu.memref_squeeze %dma_wait3A_65 : memref<1x40x128xi32, #tpu.memory_space<hbm>> -> memref<40x128xi32, #tpu.memory_space<hbm>>
    tpu.wait_dma2 semaphore(%arg18 : memref<!tpu.dma_semaphore, #tpu.memory_space<semaphore_mem>>) src(%dma_wait3A_66 : memref<40x128xi32, #tpu.memory_space<hbm>>) dst(%dma_wait3A_62 : memref<40x128xi32, #tpu.memory_space<vmem>>)
    %dma_wait3A_67 = arith.constant 0 : i32
    %dma_wait3A_68 = arith.constant 0 : i32
    %dma_wait3A_69 = arith.constant 0 : i32
    %dma_wait3A_70 = tpu.memref_slice %arg8[%dma_wait3A_67, %dma_wait3A_68, %dma_wait3A_69] : memref<2x40x128xi32, #tpu.memory_space<vmem>> -> memref<1x40x128xi32, #tpu.memory_space<vmem>>
    %dma_wait3A_71 = tpu.memref_squeeze %dma_wait3A_70 : memref<1x40x128xi32, #tpu.memory_space<vmem>> -> memref<40x128xi32, #tpu.memory_space<vmem>>
    %dma_wait3A_72 = arith.constant 0 : i32
    %dma_wait3A_73 = arith.constant 0 : i32
    %dma_wait3A_74 = tpu.memref_slice %arg5[%arg1, %dma_wait3A_72, %dma_wait3A_73] : memref<16x160x128xi32, #tpu.memory_space<hbm>> -> memref<1x40x128xi32, #tpu.memory_space<hbm>>
    %dma_wait3A_75 = tpu.memref_squeeze %dma_wait3A_74 : memref<1x40x128xi32, #tpu.memory_space<hbm>> -> memref<40x128xi32, #tpu.memory_space<hbm>>
    %dma_wait3A_76 = arith.constant 0 : i32
    %dma_wait3A_77 = arith.constant 0 : i32
    %dma_wait3A_78 = tpu.memref_slice %arg8[%dma_wait3A_67, %dma_wait3A_76, %dma_wait3A_77] : memref<2x40x128xi32, #tpu.memory_space<vmem>> -> memref<1x40x128xi32, #tpu.memory_space<vmem>>
    %dma_wait3A_79 = tpu.memref_squeeze %dma_wait3A_78 : memref<1x40x128xi32, #tpu.memory_space<vmem>> -> memref<40x128xi32, #tpu.memory_space<vmem>>
    %dma_wait3A_80 = arith.constant 0 : i32
    %dma_wait3A_81 = arith.constant 0 : i32
    %dma_wait3A_82 = tpu.memref_slice %arg5[%arg1, %dma_wait3A_80, %dma_wait3A_81] : memref<16x160x128xi32, #tpu.memory_space<hbm>> -> memref<1x40x128xi32, #tpu.memory_space<hbm>>
    %dma_wait3A_83 = tpu.memref_squeeze %dma_wait3A_82 : memref<1x40x128xi32, #tpu.memory_space<hbm>> -> memref<40x128xi32, #tpu.memory_space<hbm>>
    tpu.wait_dma2 semaphore(%arg20 : memref<!tpu.dma_semaphore, #tpu.memory_space<semaphore_mem>>) src(%dma_wait3A_83 : memref<40x128xi32, #tpu.memory_space<hbm>>) dst(%dma_wait3A_79 : memref<40x128xi32, #tpu.memory_space<vmem>>)
    %dma_start3A_84 = arith.constant 1 : i32
    %dma_start3A_85 = arith.constant 0 : i32
    %dma_start3A_86 = arith.constant 0 : i32
    %dma_start3A_87 = tpu.memref_slice %arg7[%dma_start3A_84, %dma_start3A_85, %dma_start3A_86] : memref<2x40x128xi32, #tpu.memory_space<vmem>> -> memref<1x40x128xi32, #tpu.memory_space<vmem>>
    %dma_start3A_88 = tpu.memref_squeeze %dma_start3A_87 : memref<1x40x128xi32, #tpu.memory_space<vmem>> -> memref<40x128xi32, #tpu.memory_space<vmem>>
    %dma_start3A_89 = arith.constant 40 : i32
    %dma_start3A_90 = arith.constant 0 : i32
    %dma_start3A_91 = tpu.memref_slice %arg4[%arg1, %dma_start3A_89, %dma_start3A_90] : memref<16x160x128xi32, #tpu.memory_space<hbm>> -> memref<1x40x128xi32, #tpu.memory_space<hbm>>
    %dma_start3A_92 = tpu.memref_squeeze %dma_start3A_91 : memref<1x40x128xi32, #tpu.memory_space<hbm>> -> memref<40x128xi32, #tpu.memory_space<hbm>>
    %dma_start3A_93 = arith.constant 0 : i32
    %dma_start3A_94 = arith.constant 0 : i32
    %dma_start3A_95 = tpu.memref_slice %arg7[%dma_start3A_84, %dma_start3A_93, %dma_start3A_94] : memref<2x40x128xi32, #tpu.memory_space<vmem>> -> memref<1x40x128xi32, #tpu.memory_space<vmem>>
    %dma_start3A_96 = tpu.memref_squeeze %dma_start3A_95 : memref<1x40x128xi32, #tpu.memory_space<vmem>> -> memref<40x128xi32, #tpu.memory_space<vmem>>
    %dma_start3A_97 = arith.constant 40 : i32
    %dma_start3A_98 = arith.constant 0 : i32
    %dma_start3A_99 = tpu.memref_slice %arg4[%arg1, %dma_start3A_97, %dma_start3A_98] : memref<16x160x128xi32, #tpu.memory_space<hbm>> -> memref<1x40x128xi32, #tpu.memory_space<hbm>>
    %dma_start3A_100 = tpu.memref_squeeze %dma_start3A_99 : memref<1x40x128xi32, #tpu.memory_space<hbm>> -> memref<40x128xi32, #tpu.memory_space<hbm>>
    tpu.enqueue_dma source(%dma_start3A_100 : memref<40x128xi32, #tpu.memory_space<hbm>>) target(%dma_start3A_96 : memref<40x128xi32, #tpu.memory_space<vmem>>) target_semaphore(%arg19 : memref<!tpu.dma_semaphore, #tpu.memory_space<semaphore_mem>>)
    %dma_start3A_101 = arith.constant 1 : i32
    %dma_start3A_102 = arith.constant 0 : i32
    %dma_start3A_103 = arith.constant 0 : i32
    %dma_start3A_104 = tpu.memref_slice %arg8[%dma_start3A_101, %dma_start3A_102, %dma_start3A_103] : memref<2x40x128xi32, #tpu.memory_space<vmem>> -> memref<1x40x128xi32, #tpu.memory_space<vmem>>
    %dma_start3A_105 = tpu.memref_squeeze %dma_start3A_104 : memref<1x40x128xi32, #tpu.memory_space<vmem>> -> memref<40x128xi32, #tpu.memory_space<vmem>>
    %dma_start3A_106 = arith.constant 40 : i32
    %dma_start3A_107 = arith.constant 0 : i32
    %dma_start3A_108 = tpu.memref_slice %arg5[%arg1, %dma_start3A_106, %dma_start3A_107] : memref<16x160x128xi32, #tpu.memory_space<hbm>> -> memref<1x40x128xi32, #tpu.memory_space<hbm>>
    %dma_start3A_109 = tpu.memref_squeeze %dma_start3A_108 : memref<1x40x128xi32, #tpu.memory_space<hbm>> -> memref<40x128xi32, #tpu.memory_space<hbm>>
    %dma_start3A_110 = arith.constant 0 : i32
    %dma_start3A_111 = arith.constant 0 : i32
    %dma_start3A_112 = tpu.memref_slice %arg8[%dma_start3A_101, %dma_start3A_110, %dma_start3A_111] : memref<2x40x128xi32, #tpu.memory_space<vmem>> -> memref<1x40x128xi32, #tpu.memory_space<vmem>>
    %dma_start3A_113 = tpu.memref_squeeze %dma_start3A_112 : memref<1x40x128xi32, #tpu.memory_space<vmem>> -> memref<40x128xi32, #tpu.memory_space<vmem>>
    %dma_start3A_114 = arith.constant 40 : i32
    %dma_start3A_115 = arith.constant 0 : i32
    %dma_start3A_116 = tpu.memref_slice %arg5[%arg1, %dma_start3A_114, %dma_start3A_115] : memref<16x160x128xi32, #tpu.memory_space<hbm>> -> memref<1x40x128xi32, #tpu.memory_space<hbm>>
    %dma_start3A_117 = tpu.memref_squeeze %dma_start3A_116 : memref<1x40x128xi32, #tpu.memory_space<hbm>> -> memref<40x128xi32, #tpu.memory_space<hbm>>
    tpu.enqueue_dma source(%dma_start3A_117 : memref<40x128xi32, #tpu.memory_space<hbm>>) target(%dma_start3A_113 : memref<40x128xi32, #tpu.memory_space<vmem>>) target_semaphore(%arg21 : memref<!tpu.dma_semaphore, #tpu.memory_space<semaphore_mem>>)
    %dma_start3A_118 = arith.constant 0 : i32
    %dma_start3A_119 = arith.constant 0 : i32
    %dma_start3A_120 = arith.constant 0 : i32
    %dma_start3A_121 = tpu.memref_slice %arg7[%dma_start3A_118, %dma_start3A_119, %dma_start3A_120] : memref<2x40x128xi32, #tpu.memory_space<vmem>> -> memref<1x1x128xi32, #tpu.memory_space<vmem>>
    %dma_start3A_122 = tpu.memref_squeeze %dma_start3A_121 : memref<1x1x128xi32, #tpu.memory_space<vmem>> -> memref<128xi32, #tpu.memory_space<vmem>>
    %dma_start3A_123 = arith.constant 0 : i32
    %dma_start3A_124 = arith.constant 0 : i32
    %dma_start3A_125 = tpu.memref_slice %arg12[%dma_start3A_123, %dma_start3A_124] : memref<10240x64xf32, #tpu.memory_space<vmem_shared>> -> memref<10240x64xf32, #tpu.memory_space<vmem_shared>>
    tpu.enqueue_indirect_dma source(%dma_start3A_125 : memref<10240x64xf32, #tpu.memory_space<vmem_shared>>) target(%arg9 : memref<128x64xf32, #tpu.memory_space<vmem>>) offsets(%dma_start3A_122 : memref<128xi32, #tpu.memory_space<vmem>>) semaphore(%arg14 : memref<!tpu.dma_semaphore, #tpu.memory_space<semaphore_mem>>)
    %dma_start3A_126 = arith.constant 0 : i32
    %dma_start3A_127 = arith.constant 1 : i32
    %dma_start3A_128 = arith.constant 0 : i32
    %dma_start3A_129 = tpu.memref_slice %arg7[%dma_start3A_126, %dma_start3A_127, %dma_start3A_128] : memref<2x40x128xi32, #tpu.memory_space<vmem>> -> memref<1x1x128xi32, #tpu.memory_space<vmem>>
    %dma_start3A_130 = tpu.memref_squeeze %dma_start3A_129 : memref<1x1x128xi32, #tpu.memory_space<vmem>> -> memref<128xi32, #tpu.memory_space<vmem>>
    %dma_start3A_131 = arith.constant 0 : i32
    %dma_start3A_132 = arith.constant 0 : i32
    %dma_start3A_133 = tpu.memref_slice %arg12[%dma_start3A_131, %dma_start3A_132] : memref<10240x64xf32, #tpu.memory_space<vmem_shared>> -> memref<10240x64xf32, #tpu.memory_space<vmem_shared>>
    tpu.enqueue_indirect_dma source(%dma_start3A_133 : memref<10240x64xf32, #tpu.memory_space<vmem_shared>>) target(%arg10 : memref<128x64xf32, #tpu.memory_space<vmem>>) offsets(%dma_start3A_130 : memref<128xi32, #tpu.memory_space<vmem>>) semaphore(%arg15 : memref<!tpu.dma_semaphore, #tpu.memory_space<semaphore_mem>>)
    %scan3A_134 = arith.constant 0 : i32
    %scan3A_135 = arith.constant 20 : i32
    %scan3A_136 = arith.addi %scan3A_134, %scan3A_135 : i32
    %scan3A_137 = arith.constant 1 : i32
    scf.for %scan3A_441 = %scan3A_134 to %scan3A_136 step %scan3A_137  : i32 {
      %mul3A_442 = arith.constant 1 : i32
      %mul3A_443 = arith.muli %scan3A_441, %mul3A_442 : i32
      %add3A = arith.constant 0 : i32
      %add3A_444 = arith.addi %add3A, %mul3A_443 : i32
      %mul3A_445 = arith.constant 2 : i32
      %mul3A_446 = arith.muli %add3A_444, %mul3A_445 : i32
      %add3A_447 = arith.constant 0 : i32
      %add3A_448 = arith.addi %mul3A_446, %add3A_447 : i32
      %dma_wait3A_449 = arith.constant 0 : i32
      %dma_wait3A_450 = arith.constant 0 : i32
      %dma_wait3A_451 = tpu.memref_slice %arg7[%dma_wait3A_449, %add3A_448, %dma_wait3A_450] : memref<2x40x128xi32, #tpu.memory_space<vmem>> -> memref<1x1x128xi32, #tpu.memory_space<vmem>>
      %dma_wait3A_452 = tpu.memref_squeeze %dma_wait3A_451 : memref<1x1x128xi32, #tpu.memory_space<vmem>> -> memref<128xi32, #tpu.memory_space<vmem>>
      %dma_wait3A_453 = arith.constant 0 : i32
      %dma_wait3A_454 = arith.constant 0 : i32
      %dma_wait3A_455 = tpu.memref_slice %arg12[%dma_wait3A_453, %dma_wait3A_454] : memref<10240x64xf32, #tpu.memory_space<vmem_shared>> -> memref<10240x64xf32, #tpu.memory_space<vmem_shared>>
      tpu.wait_indirect_dma semaphore(%arg14 : memref<!tpu.dma_semaphore, #tpu.memory_space<semaphore_mem>>) src(%dma_wait3A_455 : memref<10240x64xf32, #tpu.memory_space<vmem_shared>>) dst(%arg9 : memref<128x64xf32, #tpu.memory_space<vmem>>)
      %add3A_456 = arith.constant 0 : i32
      %add3A_457 = arith.addi %mul3A_446, %add3A_456 : i32
      %dma_start3A_458 = arith.constant 0 : i32
      %dma_start3A_459 = arith.constant 0 : i32
      %dma_start3A_460 = tpu.memref_slice %arg8[%dma_start3A_458, %add3A_457, %dma_start3A_459] : memref<2x40x128xi32, #tpu.memory_space<vmem>> -> memref<1x1x128xi32, #tpu.memory_space<vmem>>
      %dma_start3A_461 = tpu.memref_squeeze %dma_start3A_460 : memref<1x1x128xi32, #tpu.memory_space<vmem>> -> memref<128xi32, #tpu.memory_space<vmem>>
      %dma_start3A_462 = arith.constant 0 : i32
      %dma_start3A_463 = arith.constant 0 : i32
      %dma_start3A_464 = tpu.memref_slice %arg13[%dma_start3A_462, %dma_start3A_463] : memref<10240x64xf32, #tpu.memory_space<vmem_shared>> -> memref<10240x64xf32, #tpu.memory_space<vmem_shared>>
      tpu.enqueue_indirect_dma source(%arg9 : memref<128x64xf32, #tpu.memory_space<vmem>>) target(%dma_start3A_464 : memref<10240x64xf32, #tpu.memory_space<vmem_shared>>) offsets(%dma_start3A_461 : memref<128xi32, #tpu.memory_space<vmem>>) semaphore(%arg16 : memref<!tpu.dma_semaphore, #tpu.memory_space<semaphore_mem>>) {add = true}
      %add3A_465 = arith.constant 1 : i32
      %add3A_466 = arith.addi %mul3A_446, %add3A_465 : i32
      %dma_wait3A_467 = arith.constant 0 : i32
      %dma_wait3A_468 = arith.constant 0 : i32
      %dma_wait3A_469 = tpu.memref_slice %arg7[%dma_wait3A_467, %add3A_466, %dma_wait3A_468] : memref<2x40x128xi32, #tpu.memory_space<vmem>> -> memref<1x1x128xi32, #tpu.memory_space<vmem>>
      %dma_wait3A_470 = tpu.memref_squeeze %dma_wait3A_469 : memref<1x1x128xi32, #tpu.memory_space<vmem>> -> memref<128xi32, #tpu.memory_space<vmem>>
      %dma_wait3A_471 = arith.constant 0 : i32
      %dma_wait3A_472 = arith.constant 0 : i32
      %dma_wait3A_473 = tpu.memref_slice %arg12[%dma_wait3A_471, %dma_wait3A_472] : memref<10240x64xf32, #tpu.memory_space<vmem_shared>> -> memref<10240x64xf32, #tpu.memory_space<vmem_shared>>
      tpu.wait_indirect_dma semaphore(%arg15 : memref<!tpu.dma_semaphore, #tpu.memory_space<semaphore_mem>>) src(%dma_wait3A_473 : memref<10240x64xf32, #tpu.memory_space<vmem_shared>>) dst(%arg10 : memref<128x64xf32, #tpu.memory_space<vmem>>)
      %add3A_474 = arith.constant 1 : i32
      %add3A_475 = arith.addi %mul3A_446, %add3A_474 : i32
      %dma_start3A_476 = arith.constant 0 : i32
      %dma_start3A_477 = arith.constant 0 : i32
      %dma_start3A_478 = tpu.memref_slice %arg8[%dma_start3A_476, %add3A_475, %dma_start3A_477] : memref<2x40x128xi32, #tpu.memory_space<vmem>> -> memref<1x1x128xi32, #tpu.memory_space<vmem>>
      %dma_start3A_479 = tpu.memref_squeeze %dma_start3A_478 : memref<1x1x128xi32, #tpu.memory_space<vmem>> -> memref<128xi32, #tpu.memory_space<vmem>>
      %dma_start3A_480 = arith.constant 0 : i32
      %dma_start3A_481 = arith.constant 0 : i32
      %dma_start3A_482 = tpu.memref_slice %arg13[%dma_start3A_480, %dma_start3A_481] : memref<10240x64xf32, #tpu.memory_space<vmem_shared>> -> memref<10240x64xf32, #tpu.memory_space<vmem_shared>>
      tpu.enqueue_indirect_dma source(%arg10 : memref<128x64xf32, #tpu.memory_space<vmem>>) target(%dma_start3A_482 : memref<10240x64xf32, #tpu.memory_space<vmem_shared>>) offsets(%dma_start3A_479 : memref<128xi32, #tpu.memory_space<vmem>>) semaphore(%arg17 : memref<!tpu.dma_semaphore, #tpu.memory_space<semaphore_mem>>) {add = true}
      %add3A_483 = arith.constant 1 : i32
      %add3A_484 = arith.addi %add3A_444, %add3A_483 : i32
      %lt3A = arith.constant 20 : i32
      %lt3A_485 = arith.cmpi slt, %add3A_484, %lt3A : i32
      %convert_element_type3A_486 = arith.extui %lt3A_485 : i1 to i32
      %cond3A_487 = arith.constant 0 : i32
      %cond3A_488 = arith.cmpi ne, %convert_element_type3A_486, %cond3A_487 : i32
      scf.if %cond3A_488 {
        %add3A_496 = arith.constant 0 : i32
        %add3A_497 = arith.addi %mul3A_446, %add3A_496 : i32
        %dma_wait3A_498 = arith.constant 0 : i32
        %dma_wait3A_499 = arith.constant 0 : i32
        %dma_wait3A_500 = tpu.memref_slice %arg8[%dma_wait3A_498, %add3A_497, %dma_wait3A_499] : memref<2x40x128xi32, #tpu.memory_space<vmem>> -> memref<1x1x128xi32, #tpu.memory_space<vmem>>
        %dma_wait3A_501 = tpu.memref_squeeze %dma_wait3A_500 : memref<1x1x128xi32, #tpu.memory_space<vmem>> -> memref<128xi32, #tpu.memory_space<vmem>>
        %dma_wait3A_502 = arith.constant 0 : i32
        %dma_wait3A_503 = arith.constant 0 : i32
        %dma_wait3A_504 = tpu.memref_slice %arg13[%dma_wait3A_502, %dma_wait3A_503] : memref<10240x64xf32, #tpu.memory_space<vmem_shared>> -> memref<10240x64xf32, #tpu.memory_space<vmem_shared>>
        tpu.wait_indirect_dma semaphore(%arg16 : memref<!tpu.dma_semaphore, #tpu.memory_space<semaphore_mem>>) src(%arg9 : memref<128x64xf32, #tpu.memory_space<vmem>>) dst(%dma_wait3A_504 : memref<10240x64xf32, #tpu.memory_space<vmem_shared>>)
        %add3A_505 = arith.constant 2 : i32
        %add3A_506 = arith.addi %mul3A_446, %add3A_505 : i32
        %add3A_507 = arith.constant 0 : i32
        %add3A_508 = arith.addi %add3A_506, %add3A_507 : i32
        %dma_start3A_509 = arith.constant 0 : i32
        %dma_start3A_510 = arith.constant 0 : i32
        %dma_start3A_511 = tpu.memref_slice %arg7[%dma_start3A_509, %add3A_508, %dma_start3A_510] : memref<2x40x128xi32, #tpu.memory_space<vmem>> -> memref<1x1x128xi32, #tpu.memory_space<vmem>>
        %dma_start3A_512 = tpu.memref_squeeze %dma_start3A_511 : memref<1x1x128xi32, #tpu.memory_space<vmem>> -> memref<128xi32, #tpu.memory_space<vmem>>
        %dma_start3A_513 = arith.constant 0 : i32
        %dma_start3A_514 = arith.constant 0 : i32
        %dma_start3A_515 = tpu.memref_slice %arg12[%dma_start3A_513, %dma_start3A_514] : memref<10240x64xf32, #tpu.memory_space<vmem_shared>> -> memref<10240x64xf32, #tpu.memory_space<vmem_shared>>
        tpu.enqueue_indirect_dma source(%dma_start3A_515 : memref<10240x64xf32, #tpu.memory_space<vmem_shared>>) target(%arg9 : memref<128x64xf32, #tpu.memory_space<vmem>>) offsets(%dma_start3A_512 : memref<128xi32, #tpu.memory_space<vmem>>) semaphore(%arg14 : memref<!tpu.dma_semaphore, #tpu.memory_space<semaphore_mem>>)
      } else {
      }
      %add3A_489 = arith.constant 1 : i32
      %add3A_490 = arith.addi %add3A_444, %add3A_489 : i32
      %lt3A_491 = arith.constant 20 : i32
      %lt3A_492 = arith.cmpi slt, %add3A_490, %lt3A_491 : i32
      %convert_element_type3A_493 = arith.extui %lt3A_492 : i1 to i32
      %cond3A_494 = arith.constant 0 : i32
      %cond3A_495 = arith.cmpi ne, %convert_element_type3A_493, %cond3A_494 : i32
      scf.if %cond3A_495 {
        %add3A_496 = arith.constant 1 : i32
        %add3A_497 = arith.addi %mul3A_446, %add3A_496 : i32
        %dma_wait3A_498 = arith.constant 0 : i32
        %dma_wait3A_499 = arith.constant 0 : i32
        %dma_wait3A_500 = tpu.memref_slice %arg8[%dma_wait3A_498, %add3A_497, %dma_wait3A_499] : memref<2x40x128xi32, #tpu.memory_space<vmem>> -> memref<1x1x128xi32, #tpu.memory_space<vmem>>
        %dma_wait3A_501 = tpu.memref_squeeze %dma_wait3A_500 : memref<1x1x128xi32, #tpu.memory_space<vmem>> -> memref<128xi32, #tpu.memory_space<vmem>>
        %dma_wait3A_502 = arith.constant 0 : i32
        %dma_wait3A_503 = arith.constant 0 : i32
        %dma_wait3A_504 = tpu.memref_slice %arg13[%dma_wait3A_502, %dma_wait3A_503] : memref<10240x64xf32, #tpu.memory_space<vmem_shared>> -> memref<10240x64xf32, #tpu.memory_space<vmem_shared>>
        tpu.wait_indirect_dma semaphore(%arg17 : memref<!tpu.dma_semaphore, #tpu.memory_space<semaphore_mem>>) src(%arg10 : memref<128x64xf32, #tpu.memory_space<vmem>>) dst(%dma_wait3A_504 : memref<10240x64xf32, #tpu.memory_space<vmem_shared>>)
        %add3A_505 = arith.constant 2 : i32
        %add3A_506 = arith.addi %mul3A_446, %add3A_505 : i32
        %add3A_507 = arith.constant 1 : i32
        %add3A_508 = arith.addi %add3A_506, %add3A_507 : i32
        %dma_start3A_509 = arith.constant 0 : i32
        %dma_start3A_510 = arith.constant 0 : i32
        %dma_start3A_511 = tpu.memref_slice %arg7[%dma_start3A_509, %add3A_508, %dma_start3A_510] : memref<2x40x128xi32, #tpu.memory_space<vmem>> -> memref<1x1x128xi32, #tpu.memory_space<vmem>>
        %dma_start3A_512 = tpu.memref_squeeze %dma_start3A_511 : memref<1x1x128xi32, #tpu.memory_space<vmem>> -> memref<128xi32, #tpu.memory_space<vmem>>
        %dma_start3A_513 = arith.constant 0 : i32
        %dma_start3A_514 = arith.constant 0 : i32
        %dma_start3A_515 = tpu.memref_slice %arg12[%dma_start3A_513, %dma_start3A_514] : memref<10240x64xf32, #tpu.memory_space<vmem_shared>> -> memref<10240x64xf32, #tpu.memory_space<vmem_shared>>
        tpu.enqueue_indirect_dma source(%dma_start3A_515 : memref<10240x64xf32, #tpu.memory_space<vmem_shared>>) target(%arg10 : memref<128x64xf32, #tpu.memory_space<vmem>>) offsets(%dma_start3A_512 : memref<128xi32, #tpu.memory_space<vmem>>) semaphore(%arg15 : memref<!tpu.dma_semaphore, #tpu.memory_space<semaphore_mem>>)
      } else {
      }
    }
    %scan3A_138 = arith.constant 20 : i32
    %dma_wait3A_139 = arith.constant 0 : i32
    %dma_wait3A_140 = arith.constant 38 : i32
    %dma_wait3A_141 = arith.constant 0 : i32
    %dma_wait3A_142 = tpu.memref_slice %arg8[%dma_wait3A_139, %dma_wait3A_140, %dma_wait3A_141] : memref<2x40x128xi32, #tpu.memory_space<vmem>> -> memref<1x1x128xi32, #tpu.memory_space<vmem>>
    %dma_wait3A_143 = tpu.memref_squeeze %dma_wait3A_142 : memref<1x1x128xi32, #tpu.memory_space<vmem>> -> memref<128xi32, #tpu.memory_space<vmem>>
    %dma_wait3A_144 = arith.constant 0 : i32
    %dma_wait3A_145 = arith.constant 0 : i32
    %dma_wait3A_146 = tpu.memref_slice %arg13[%dma_wait3A_144, %dma_wait3A_145] : memref<10240x64xf32, #tpu.memory_space<vmem_shared>> -> memref<10240x64xf32, #tpu.memory_space<vmem_shared>>
    tpu.wait_indirect_dma semaphore(%arg16 : memref<!tpu.dma_semaphore, #tpu.memory_space<semaphore_mem>>) src(%arg9 : memref<128x64xf32, #tpu.memory_space<vmem>>) dst(%dma_wait3A_146 : memref<10240x64xf32, #tpu.memory_space<vmem_shared>>)
    %dma_wait3A_147 = arith.constant 0 : i32
    %dma_wait3A_148 = arith.constant 39 : i32
    %dma_wait3A_149 = arith.constant 0 : i32
    %dma_wait3A_150 = tpu.memref_slice %arg8[%dma_wait3A_147, %dma_wait3A_148, %dma_wait3A_149] : memref<2x40x128xi32, #tpu.memory_space<vmem>> -> memref<1x1x128xi32, #tpu.memory_space<vmem>>
    %dma_wait3A_151 = tpu.memref_squeeze %dma_wait3A_150 : memref<1x1x128xi32, #tpu.memory_space<vmem>> -> memref<128xi32, #tpu.memory_space<vmem>>
    %dma_wait3A_152 = arith.constant 0 : i32
    %dma_wait3A_153 = arith.constant 0 : i32
    %dma_wait3A_154 = tpu.memref_slice %arg13[%dma_wait3A_152, %dma_wait3A_153] : memref<10240x64xf32, #tpu.memory_space<vmem_shared>> -> memref<10240x64xf32, #tpu.memory_space<vmem_shared>>
    tpu.wait_indirect_dma semaphore(%arg17 : memref<!tpu.dma_semaphore, #tpu.memory_space<semaphore_mem>>) src(%arg10 : memref<128x64xf32, #tpu.memory_space<vmem>>) dst(%dma_wait3A_154 : memref<10240x64xf32, #tpu.memory_space<vmem_shared>>)
    %dma_wait3A_155 = arith.constant 1 : i32
    %dma_wait3A_156 = arith.constant 0 : i32
    %dma_wait3A_157 = arith.constant 0 : i32
    %dma_wait3A_158 = tpu.memref_slice %arg7[%dma_wait3A_155, %dma_wait3A_156, %dma_wait3A_157] : memref<2x40x128xi32, #tpu.memory_space<vmem>> -> memref<1x40x128xi32, #tpu.memory_space<vmem>>
    %dma_wait3A_159 = tpu.memref_squeeze %dma_wait3A_158 : memref<1x40x128xi32, #tpu.memory_space<vmem>> -> memref<40x128xi32, #tpu.memory_space<vmem>>
    %dma_wait3A_160 = arith.constant 40 : i32
    %dma_wait3A_161 = arith.constant 0 : i32
    %dma_wait3A_162 = tpu.memref_slice %arg4[%arg1, %dma_wait3A_160, %dma_wait3A_161] : memref<16x160x128xi32, #tpu.memory_space<hbm>> -> memref<1x40x128xi32, #tpu.memory_space<hbm>>
    %dma_wait3A_163 = tpu.memref_squeeze %dma_wait3A_162 : memref<1x40x128xi32, #tpu.memory_space<hbm>> -> memref<40x128xi32, #tpu.memory_space<hbm>>
    %dma_wait3A_164 = arith.constant 0 : i32
    %dma_wait3A_165 = arith.constant 0 : i32
    %dma_wait3A_166 = tpu.memref_slice %arg7[%dma_wait3A_155, %dma_wait3A_164, %dma_wait3A_165] : memref<2x40x128xi32, #tpu.memory_space<vmem>> -> memref<1x40x128xi32, #tpu.memory_space<vmem>>
    %dma_wait3A_167 = tpu.memref_squeeze %dma_wait3A_166 : memref<1x40x128xi32, #tpu.memory_space<vmem>> -> memref<40x128xi32, #tpu.memory_space<vmem>>
    %dma_wait3A_168 = arith.constant 40 : i32
    %dma_wait3A_169 = arith.constant 0 : i32
    %dma_wait3A_170 = tpu.memref_slice %arg4[%arg1, %dma_wait3A_168, %dma_wait3A_169] : memref<16x160x128xi32, #tpu.memory_space<hbm>> -> memref<1x40x128xi32, #tpu.memory_space<hbm>>
    %dma_wait3A_171 = tpu.memref_squeeze %dma_wait3A_170 : memref<1x40x128xi32, #tpu.memory_space<hbm>> -> memref<40x128xi32, #tpu.memory_space<hbm>>
    tpu.wait_dma2 semaphore(%arg19 : memref<!tpu.dma_semaphore, #tpu.memory_space<semaphore_mem>>) src(%dma_wait3A_171 : memref<40x128xi32, #tpu.memory_space<hbm>>) dst(%dma_wait3A_167 : memref<40x128xi32, #tpu.memory_space<vmem>>)
    %dma_wait3A_172 = arith.constant 1 : i32
    %dma_wait3A_173 = arith.constant 0 : i32
    %dma_wait3A_174 = arith.constant 0 : i32
    %dma_wait3A_175 = tpu.memref_slice %arg8[%dma_wait3A_172, %dma_wait3A_173, %dma_wait3A_174] : memref<2x40x128xi32, #tpu.memory_space<vmem>> -> memref<1x40x128xi32, #tpu.memory_space<vmem>>
    %dma_wait3A_176 = tpu.memref_squeeze %dma_wait3A_175 : memref<1x40x128xi32, #tpu.memory_space<vmem>> -> memref<40x128xi32, #tpu.memory_space<vmem>>
    %dma_wait3A_177 = arith.constant 40 : i32
    %dma_wait3A_178 = arith.constant 0 : i32
    %dma_wait3A_179 = tpu.memref_slice %arg5[%arg1, %dma_wait3A_177, %dma_wait3A_178] : memref<16x160x128xi32, #tpu.memory_space<hbm>> -> memref<1x40x128xi32, #tpu.memory_space<hbm>>
    %dma_wait3A_180 = tpu.memref_squeeze %dma_wait3A_179 : memref<1x40x128xi32, #tpu.memory_space<hbm>> -> memref<40x128xi32, #tpu.memory_space<hbm>>
    %dma_wait3A_181 = arith.constant 0 : i32
    %dma_wait3A_182 = arith.constant 0 : i32
    %dma_wait3A_183 = tpu.memref_slice %arg8[%dma_wait3A_172, %dma_wait3A_181, %dma_wait3A_182] : memref<2x40x128xi32, #tpu.memory_space<vmem>> -> memref<1x40x128xi32, #tpu.memory_space<vmem>>
    %dma_wait3A_184 = tpu.memref_squeeze %dma_wait3A_183 : memref<1x40x128xi32, #tpu.memory_space<vmem>> -> memref<40x128xi32, #tpu.memory_space<vmem>>
    %dma_wait3A_185 = arith.constant 40 : i32
    %dma_wait3A_186 = arith.constant 0 : i32
    %dma_wait3A_187 = tpu.memref_slice %arg5[%arg1, %dma_wait3A_185, %dma_wait3A_186] : memref<16x160x128xi32, #tpu.memory_space<hbm>> -> memref<1x40x128xi32, #tpu.memory_space<hbm>>
    %dma_wait3A_188 = tpu.memref_squeeze %dma_wait3A_187 : memref<1x40x128xi32, #tpu.memory_space<hbm>> -> memref<40x128xi32, #tpu.memory_space<hbm>>
    tpu.wait_dma2 semaphore(%arg21 : memref<!tpu.dma_semaphore, #tpu.memory_space<semaphore_mem>>) src(%dma_wait3A_188 : memref<40x128xi32, #tpu.memory_space<hbm>>) dst(%dma_wait3A_184 : memref<40x128xi32, #tpu.memory_space<vmem>>)
    %dma_start3A_189 = arith.constant 0 : i32
    %dma_start3A_190 = arith.constant 0 : i32
    %dma_start3A_191 = arith.constant 0 : i32
    %dma_start3A_192 = tpu.memref_slice %arg7[%dma_start3A_189, %dma_start3A_190, %dma_start3A_191] : memref<2x40x128xi32, #tpu.memory_space<vmem>> -> memref<1x40x128xi32, #tpu.memory_space<vmem>>
    %dma_start3A_193 = tpu.memref_squeeze %dma_start3A_192 : memref<1x40x128xi32, #tpu.memory_space<vmem>> -> memref<40x128xi32, #tpu.memory_space<vmem>>
    %dma_start3A_194 = arith.constant 80 : i32
    %dma_start3A_195 = arith.constant 0 : i32
    %dma_start3A_196 = tpu.memref_slice %arg4[%arg1, %dma_start3A_194, %dma_start3A_195] : memref<16x160x128xi32, #tpu.memory_space<hbm>> -> memref<1x40x128xi32, #tpu.memory_space<hbm>>
    %dma_start3A_197 = tpu.memref_squeeze %dma_start3A_196 : memref<1x40x128xi32, #tpu.memory_space<hbm>> -> memref<40x128xi32, #tpu.memory_space<hbm>>
    %dma_start3A_198 = arith.constant 0 : i32
    %dma_start3A_199 = arith.constant 0 : i32
    %dma_start3A_200 = tpu.memref_slice %arg7[%dma_start3A_189, %dma_start3A_198, %dma_start3A_199] : memref<2x40x128xi32, #tpu.memory_space<vmem>> -> memref<1x40x128xi32, #tpu.memory_space<vmem>>
    %dma_start3A_201 = tpu.memref_squeeze %dma_start3A_200 : memref<1x40x128xi32, #tpu.memory_space<vmem>> -> memref<40x128xi32, #tpu.memory_space<vmem>>
    %dma_start3A_202 = arith.constant 80 : i32
    %dma_start3A_203 = arith.constant 0 : i32
    %dma_start3A_204 = tpu.memref_slice %arg4[%arg1, %dma_start3A_202, %dma_start3A_203] : memref<16x160x128xi32, #tpu.memory_space<hbm>> -> memref<1x40x128xi32, #tpu.memory_space<hbm>>
    %dma_start3A_205 = tpu.memref_squeeze %dma_start3A_204 : memref<1x40x128xi32, #tpu.memory_space<hbm>> -> memref<40x128xi32, #tpu.memory_space<hbm>>
    tpu.enqueue_dma source(%dma_start3A_205 : memref<40x128xi32, #tpu.memory_space<hbm>>) target(%dma_start3A_201 : memref<40x128xi32, #tpu.memory_space<vmem>>) target_semaphore(%arg18 : memref<!tpu.dma_semaphore, #tpu.memory_space<semaphore_mem>>)
    %dma_start3A_206 = arith.constant 0 : i32
    %dma_start3A_207 = arith.constant 0 : i32
    %dma_start3A_208 = arith.constant 0 : i32
    %dma_start3A_209 = tpu.memref_slice %arg8[%dma_start3A_206, %dma_start3A_207, %dma_start3A_208] : memref<2x40x128xi32, #tpu.memory_space<vmem>> -> memref<1x40x128xi32, #tpu.memory_space<vmem>>
    %dma_start3A_210 = tpu.memref_squeeze %dma_start3A_209 : memref<1x40x128xi32, #tpu.memory_space<vmem>> -> memref<40x128xi32, #tpu.memory_space<vmem>>
    %dma_start3A_211 = arith.constant 80 : i32
    %dma_start3A_212 = arith.constant 0 : i32
    %dma_start3A_213 = tpu.memref_slice %arg5[%arg1, %dma_start3A_211, %dma_start3A_212] : memref<16x160x128xi32, #tpu.memory_space<hbm>> -> memref<1x40x128xi32, #tpu.memory_space<hbm>>
    %dma_start3A_214 = tpu.memref_squeeze %dma_start3A_213 : memref<1x40x128xi32, #tpu.memory_space<hbm>> -> memref<40x128xi32, #tpu.memory_space<hbm>>
    %dma_start3A_215 = arith.constant 0 : i32
    %dma_start3A_216 = arith.constant 0 : i32
    %dma_start3A_217 = tpu.memref_slice %arg8[%dma_start3A_206, %dma_start3A_215, %dma_start3A_216] : memref<2x40x128xi32, #tpu.memory_space<vmem>> -> memref<1x40x128xi32, #tpu.memory_space<vmem>>
    %dma_start3A_218 = tpu.memref_squeeze %dma_start3A_217 : memref<1x40x128xi32, #tpu.memory_space<vmem>> -> memref<40x128xi32, #tpu.memory_space<vmem>>
    %dma_start3A_219 = arith.constant 80 : i32
    %dma_start3A_220 = arith.constant 0 : i32
    %dma_start3A_221 = tpu.memref_slice %arg5[%arg1, %dma_start3A_219, %dma_start3A_220] : memref<16x160x128xi32, #tpu.memory_space<hbm>> -> memref<1x40x128xi32, #tpu.memory_space<hbm>>
    %dma_start3A_222 = tpu.memref_squeeze %dma_start3A_221 : memref<1x40x128xi32, #tpu.memory_space<hbm>> -> memref<40x128xi32, #tpu.memory_space<hbm>>
    tpu.enqueue_dma source(%dma_start3A_222 : memref<40x128xi32, #tpu.memory_space<hbm>>) target(%dma_start3A_218 : memref<40x128xi32, #tpu.memory_space<vmem>>) target_semaphore(%arg20 : memref<!tpu.dma_semaphore, #tpu.memory_space<semaphore_mem>>)
    %dma_start3A_223 = arith.constant 1 : i32
    %dma_start3A_224 = arith.constant 0 : i32
    %dma_start3A_225 = arith.constant 0 : i32
    %dma_start3A_226 = tpu.memref_slice %arg7[%dma_start3A_223, %dma_start3A_224, %dma_start3A_225] : memref<2x40x128xi32, #tpu.memory_space<vmem>> -> memref<1x1x128xi32, #tpu.memory_space<vmem>>
    %dma_start3A_227 = tpu.memref_squeeze %dma_start3A_226 : memref<1x1x128xi32, #tpu.memory_space<vmem>> -> memref<128xi32, #tpu.memory_space<vmem>>
    %dma_start3A_228 = arith.constant 0 : i32
    %dma_start3A_229 = arith.constant 0 : i32
    %dma_start3A_230 = tpu.memref_slice %arg12[%dma_start3A_228, %dma_start3A_229] : memref<10240x64xf32, #tpu.memory_space<vmem_shared>> -> memref<10240x64xf32, #tpu.memory_space<vmem_shared>>
    tpu.enqueue_indirect_dma source(%dma_start3A_230 : memref<10240x64xf32, #tpu.memory_space<vmem_shared>>) target(%arg9 : memref<128x64xf32, #tpu.memory_space<vmem>>) offsets(%dma_start3A_227 : memref<128xi32, #tpu.memory_space<vmem>>) semaphore(%arg14 : memref<!tpu.dma_semaphore, #tpu.memory_space<semaphore_mem>>)
    %dma_start3A_231 = arith.constant 1 : i32
    %dma_start3A_232 = arith.constant 1 : i32
    %dma_start3A_233 = arith.constant 0 : i32
    %dma_start3A_234 = tpu.memref_slice %arg7[%dma_start3A_231, %dma_start3A_232, %dma_start3A_233] : memref<2x40x128xi32, #tpu.memory_space<vmem>> -> memref<1x1x128xi32, #tpu.memory_space<vmem>>
    %dma_start3A_235 = tpu.memref_squeeze %dma_start3A_234 : memref<1x1x128xi32, #tpu.memory_space<vmem>> -> memref<128xi32, #tpu.memory_space<vmem>>
    %dma_start3A_236 = arith.constant 0 : i32
    %dma_start3A_237 = arith.constant 0 : i32
    %dma_start3A_238 = tpu.memref_slice %arg12[%dma_start3A_236, %dma_start3A_237] : memref<10240x64xf32, #tpu.memory_space<vmem_shared>> -> memref<10240x64xf32, #tpu.memory_space<vmem_shared>>
    tpu.enqueue_indirect_dma source(%dma_start3A_238 : memref<10240x64xf32, #tpu.memory_space<vmem_shared>>) target(%arg10 : memref<128x64xf32, #tpu.memory_space<vmem>>) offsets(%dma_start3A_235 : memref<128xi32, #tpu.memory_space<vmem>>) semaphore(%arg15 : memref<!tpu.dma_semaphore, #tpu.memory_space<semaphore_mem>>)
    %scan3A_239 = arith.constant 0 : i32
    %scan3A_240 = arith.constant 20 : i32
    %scan3A_241 = arith.addi %scan3A_239, %scan3A_240 : i32
    %scan3A_242 = arith.constant 1 : i32
    scf.for %scan3A_441 = %scan3A_239 to %scan3A_241 step %scan3A_242  : i32 {
      %mul3A_442 = arith.constant 1 : i32
      %mul3A_443 = arith.muli %scan3A_441, %mul3A_442 : i32
      %add3A = arith.constant 0 : i32
      %add3A_444 = arith.addi %add3A, %mul3A_443 : i32
      %mul3A_445 = arith.constant 2 : i32
      %mul3A_446 = arith.muli %add3A_444, %mul3A_445 : i32
      %add3A_447 = arith.constant 0 : i32
      %add3A_448 = arith.addi %mul3A_446, %add3A_447 : i32
      %dma_wait3A_449 = arith.constant 1 : i32
      %dma_wait3A_450 = arith.constant 0 : i32
      %dma_wait3A_451 = tpu.memref_slice %arg7[%dma_wait3A_449, %add3A_448, %dma_wait3A_450] : memref<2x40x128xi32, #tpu.memory_space<vmem>> -> memref<1x1x128xi32, #tpu.memory_space<vmem>>
      %dma_wait3A_452 = tpu.memref_squeeze %dma_wait3A_451 : memref<1x1x128xi32, #tpu.memory_space<vmem>> -> memref<128xi32, #tpu.memory_space<vmem>>
      %dma_wait3A_453 = arith.constant 0 : i32
      %dma_wait3A_454 = arith.constant 0 : i32
      %dma_wait3A_455 = tpu.memref_slice %arg12[%dma_wait3A_453, %dma_wait3A_454] : memref<10240x64xf32, #tpu.memory_space<vmem_shared>> -> memref<10240x64xf32, #tpu.memory_space<vmem_shared>>
      tpu.wait_indirect_dma semaphore(%arg14 : memref<!tpu.dma_semaphore, #tpu.memory_space<semaphore_mem>>) src(%dma_wait3A_455 : memref<10240x64xf32, #tpu.memory_space<vmem_shared>>) dst(%arg9 : memref<128x64xf32, #tpu.memory_space<vmem>>)
      %add3A_456 = arith.constant 0 : i32
      %add3A_457 = arith.addi %mul3A_446, %add3A_456 : i32
      %dma_start3A_458 = arith.constant 1 : i32
      %dma_start3A_459 = arith.constant 0 : i32
      %dma_start3A_460 = tpu.memref_slice %arg8[%dma_start3A_458, %add3A_457, %dma_start3A_459] : memref<2x40x128xi32, #tpu.memory_space<vmem>> -> memref<1x1x128xi32, #tpu.memory_space<vmem>>
      %dma_start3A_461 = tpu.memref_squeeze %dma_start3A_460 : memref<1x1x128xi32, #tpu.memory_space<vmem>> -> memref<128xi32, #tpu.memory_space<vmem>>
      %dma_start3A_462 = arith.constant 0 : i32
      %dma_start3A_463 = arith.constant 0 : i32
      %dma_start3A_464 = tpu.memref_slice %arg13[%dma_start3A_462, %dma_start3A_463] : memref<10240x64xf32, #tpu.memory_space<vmem_shared>> -> memref<10240x64xf32, #tpu.memory_space<vmem_shared>>
      tpu.enqueue_indirect_dma source(%arg9 : memref<128x64xf32, #tpu.memory_space<vmem>>) target(%dma_start3A_464 : memref<10240x64xf32, #tpu.memory_space<vmem_shared>>) offsets(%dma_start3A_461 : memref<128xi32, #tpu.memory_space<vmem>>) semaphore(%arg16 : memref<!tpu.dma_semaphore, #tpu.memory_space<semaphore_mem>>) {add = true}
      %add3A_465 = arith.constant 1 : i32
      %add3A_466 = arith.addi %mul3A_446, %add3A_465 : i32
      %dma_wait3A_467 = arith.constant 1 : i32
      %dma_wait3A_468 = arith.constant 0 : i32
      %dma_wait3A_469 = tpu.memref_slice %arg7[%dma_wait3A_467, %add3A_466, %dma_wait3A_468] : memref<2x40x128xi32, #tpu.memory_space<vmem>> -> memref<1x1x128xi32, #tpu.memory_space<vmem>>
      %dma_wait3A_470 = tpu.memref_squeeze %dma_wait3A_469 : memref<1x1x128xi32, #tpu.memory_space<vmem>> -> memref<128xi32, #tpu.memory_space<vmem>>
      %dma_wait3A_471 = arith.constant 0 : i32
      %dma_wait3A_472 = arith.constant 0 : i32
      %dma_wait3A_473 = tpu.memref_slice %arg12[%dma_wait3A_471, %dma_wait3A_472] : memref<10240x64xf32, #tpu.memory_space<vmem_shared>> -> memref<10240x64xf32, #tpu.memory_space<vmem_shared>>
      tpu.wait_indirect_dma semaphore(%arg15 : memref<!tpu.dma_semaphore, #tpu.memory_space<semaphore_mem>>) src(%dma_wait3A_473 : memref<10240x64xf32, #tpu.memory_space<vmem_shared>>) dst(%arg10 : memref<128x64xf32, #tpu.memory_space<vmem>>)
      %add3A_474 = arith.constant 1 : i32
      %add3A_475 = arith.addi %mul3A_446, %add3A_474 : i32
      %dma_start3A_476 = arith.constant 1 : i32
      %dma_start3A_477 = arith.constant 0 : i32
      %dma_start3A_478 = tpu.memref_slice %arg8[%dma_start3A_476, %add3A_475, %dma_start3A_477] : memref<2x40x128xi32, #tpu.memory_space<vmem>> -> memref<1x1x128xi32, #tpu.memory_space<vmem>>
      %dma_start3A_479 = tpu.memref_squeeze %dma_start3A_478 : memref<1x1x128xi32, #tpu.memory_space<vmem>> -> memref<128xi32, #tpu.memory_space<vmem>>
      %dma_start3A_480 = arith.constant 0 : i32
      %dma_start3A_481 = arith.constant 0 : i32
      %dma_start3A_482 = tpu.memref_slice %arg13[%dma_start3A_480, %dma_start3A_481] : memref<10240x64xf32, #tpu.memory_space<vmem_shared>> -> memref<10240x64xf32, #tpu.memory_space<vmem_shared>>
      tpu.enqueue_indirect_dma source(%arg10 : memref<128x64xf32, #tpu.memory_space<vmem>>) target(%dma_start3A_482 : memref<10240x64xf32, #tpu.memory_space<vmem_shared>>) offsets(%dma_start3A_479 : memref<128xi32, #tpu.memory_space<vmem>>) semaphore(%arg17 : memref<!tpu.dma_semaphore, #tpu.memory_space<semaphore_mem>>) {add = true}
      %add3A_483 = arith.constant 1 : i32
      %add3A_484 = arith.addi %add3A_444, %add3A_483 : i32
      %lt3A = arith.constant 20 : i32
      %lt3A_485 = arith.cmpi slt, %add3A_484, %lt3A : i32
      %convert_element_type3A_486 = arith.extui %lt3A_485 : i1 to i32
      %cond3A_487 = arith.constant 0 : i32
      %cond3A_488 = arith.cmpi ne, %convert_element_type3A_486, %cond3A_487 : i32
      scf.if %cond3A_488 {
        %add3A_496 = arith.constant 0 : i32
        %add3A_497 = arith.addi %mul3A_446, %add3A_496 : i32
        %dma_wait3A_498 = arith.constant 1 : i32
        %dma_wait3A_499 = arith.constant 0 : i32
        %dma_wait3A_500 = tpu.memref_slice %arg8[%dma_wait3A_498, %add3A_497, %dma_wait3A_499] : memref<2x40x128xi32, #tpu.memory_space<vmem>> -> memref<1x1x128xi32, #tpu.memory_space<vmem>>
        %dma_wait3A_501 = tpu.memref_squeeze %dma_wait3A_500 : memref<1x1x128xi32, #tpu.memory_space<vmem>> -> memref<128xi32, #tpu.memory_space<vmem>>
        %dma_wait3A_502 = arith.constant 0 : i32
        %dma_wait3A_503 = arith.constant 0 : i32
        %dma_wait3A_504 = tpu.memref_slice %arg13[%dma_wait3A_502, %dma_wait3A_503] : memref<10240x64xf32, #tpu.memory_space<vmem_shared>> -> memref<10240x64xf32, #tpu.memory_space<vmem_shared>>
        tpu.wait_indirect_dma semaphore(%arg16 : memref<!tpu.dma_semaphore, #tpu.memory_space<semaphore_mem>>) src(%arg9 : memref<128x64xf32, #tpu.memory_space<vmem>>) dst(%dma_wait3A_504 : memref<10240x64xf32, #tpu.memory_space<vmem_shared>>)
        %add3A_505 = arith.constant 2 : i32
        %add3A_506 = arith.addi %mul3A_446, %add3A_505 : i32
        %add3A_507 = arith.constant 0 : i32
        %add3A_508 = arith.addi %add3A_506, %add3A_507 : i32
        %dma_start3A_509 = arith.constant 1 : i32
        %dma_start3A_510 = arith.constant 0 : i32
        %dma_start3A_511 = tpu.memref_slice %arg7[%dma_start3A_509, %add3A_508, %dma_start3A_510] : memref<2x40x128xi32, #tpu.memory_space<vmem>> -> memref<1x1x128xi32, #tpu.memory_space<vmem>>
        %dma_start3A_512 = tpu.memref_squeeze %dma_start3A_511 : memref<1x1x128xi32, #tpu.memory_space<vmem>> -> memref<128xi32, #tpu.memory_space<vmem>>
        %dma_start3A_513 = arith.constant 0 : i32
        %dma_start3A_514 = arith.constant 0 : i32
        %dma_start3A_515 = tpu.memref_slice %arg12[%dma_start3A_513, %dma_start3A_514] : memref<10240x64xf32, #tpu.memory_space<vmem_shared>> -> memref<10240x64xf32, #tpu.memory_space<vmem_shared>>
        tpu.enqueue_indirect_dma source(%dma_start3A_515 : memref<10240x64xf32, #tpu.memory_space<vmem_shared>>) target(%arg9 : memref<128x64xf32, #tpu.memory_space<vmem>>) offsets(%dma_start3A_512 : memref<128xi32, #tpu.memory_space<vmem>>) semaphore(%arg14 : memref<!tpu.dma_semaphore, #tpu.memory_space<semaphore_mem>>)
      } else {
      }
      %add3A_489 = arith.constant 1 : i32
      %add3A_490 = arith.addi %add3A_444, %add3A_489 : i32
      %lt3A_491 = arith.constant 20 : i32
      %lt3A_492 = arith.cmpi slt, %add3A_490, %lt3A_491 : i32
      %convert_element_type3A_493 = arith.extui %lt3A_492 : i1 to i32
      %cond3A_494 = arith.constant 0 : i32
      %cond3A_495 = arith.cmpi ne, %convert_element_type3A_493, %cond3A_494 : i32
      scf.if %cond3A_495 {
        %add3A_496 = arith.constant 1 : i32
        %add3A_497 = arith.addi %mul3A_446, %add3A_496 : i32
        %dma_wait3A_498 = arith.constant 1 : i32
        %dma_wait3A_499 = arith.constant 0 : i32
        %dma_wait3A_500 = tpu.memref_slice %arg8[%dma_wait3A_498, %add3A_497, %dma_wait3A_499] : memref<2x40x128xi32, #tpu.memory_space<vmem>> -> memref<1x1x128xi32, #tpu.memory_space<vmem>>
        %dma_wait3A_501 = tpu.memref_squeeze %dma_wait3A_500 : memref<1x1x128xi32, #tpu.memory_space<vmem>> -> memref<128xi32, #tpu.memory_space<vmem>>
        %dma_wait3A_502 = arith.constant 0 : i32
        %dma_wait3A_503 = arith.constant 0 : i32
        %dma_wait3A_504 = tpu.memref_slice %arg13[%dma_wait3A_502, %dma_wait3A_503] : memref<10240x64xf32, #tpu.memory_space<vmem_shared>> -> memref<10240x64xf32, #tpu.memory_space<vmem_shared>>
        tpu.wait_indirect_dma semaphore(%arg17 : memref<!tpu.dma_semaphore, #tpu.memory_space<semaphore_mem>>) src(%arg10 : memref<128x64xf32, #tpu.memory_space<vmem>>) dst(%dma_wait3A_504 : memref<10240x64xf32, #tpu.memory_space<vmem_shared>>)
        %add3A_505 = arith.constant 2 : i32
        %add3A_506 = arith.addi %mul3A_446, %add3A_505 : i32
        %add3A_507 = arith.constant 1 : i32
        %add3A_508 = arith.addi %add3A_506, %add3A_507 : i32
        %dma_start3A_509 = arith.constant 1 : i32
        %dma_start3A_510 = arith.constant 0 : i32
        %dma_start3A_511 = tpu.memref_slice %arg7[%dma_start3A_509, %add3A_508, %dma_start3A_510] : memref<2x40x128xi32, #tpu.memory_space<vmem>> -> memref<1x1x128xi32, #tpu.memory_space<vmem>>
        %dma_start3A_512 = tpu.memref_squeeze %dma_start3A_511 : memref<1x1x128xi32, #tpu.memory_space<vmem>> -> memref<128xi32, #tpu.memory_space<vmem>>
        %dma_start3A_513 = arith.constant 0 : i32
        %dma_start3A_514 = arith.constant 0 : i32
        %dma_start3A_515 = tpu.memref_slice %arg12[%dma_start3A_513, %dma_start3A_514] : memref<10240x64xf32, #tpu.memory_space<vmem_shared>> -> memref<10240x64xf32, #tpu.memory_space<vmem_shared>>
        tpu.enqueue_indirect_dma source(%dma_start3A_515 : memref<10240x64xf32, #tpu.memory_space<vmem_shared>>) target(%arg10 : memref<128x64xf32, #tpu.memory_space<vmem>>) offsets(%dma_start3A_512 : memref<128xi32, #tpu.memory_space<vmem>>) semaphore(%arg15 : memref<!tpu.dma_semaphore, #tpu.memory_space<semaphore_mem>>)
      } else {
      }
    }
    %scan3A_243 = arith.constant 20 : i32
    %dma_wait3A_244 = arith.constant 1 : i32
    %dma_wait3A_245 = arith.constant 38 : i32
    %dma_wait3A_246 = arith.constant 0 : i32
    %dma_wait3A_247 = tpu.memref_slice %arg8[%dma_wait3A_244, %dma_wait3A_245, %dma_wait3A_246] : memref<2x40x128xi32, #tpu.memory_space<vmem>> -> memref<1x1x128xi32, #tpu.memory_space<vmem>>
    %dma_wait3A_248 = tpu.memref_squeeze %dma_wait3A_247 : memref<1x1x128xi32, #tpu.memory_space<vmem>> -> memref<128xi32, #tpu.memory_space<vmem>>
    %dma_wait3A_249 = arith.constant 0 : i32
    %dma_wait3A_250 = arith.constant 0 : i32
    %dma_wait3A_251 = tpu.memref_slice %arg13[%dma_wait3A_249, %dma_wait3A_250] : memref<10240x64xf32, #tpu.memory_space<vmem_shared>> -> memref<10240x64xf32, #tpu.memory_space<vmem_shared>>
    tpu.wait_indirect_dma semaphore(%arg16 : memref<!tpu.dma_semaphore, #tpu.memory_space<semaphore_mem>>) src(%arg9 : memref<128x64xf32, #tpu.memory_space<vmem>>) dst(%dma_wait3A_251 : memref<10240x64xf32, #tpu.memory_space<vmem_shared>>)
    %dma_wait3A_252 = arith.constant 1 : i32
    %dma_wait3A_253 = arith.constant 39 : i32
    %dma_wait3A_254 = arith.constant 0 : i32
    %dma_wait3A_255 = tpu.memref_slice %arg8[%dma_wait3A_252, %dma_wait3A_253, %dma_wait3A_254] : memref<2x40x128xi32, #tpu.memory_space<vmem>> -> memref<1x1x128xi32, #tpu.memory_space<vmem>>
    %dma_wait3A_256 = tpu.memref_squeeze %dma_wait3A_255 : memref<1x1x128xi32, #tpu.memory_space<vmem>> -> memref<128xi32, #tpu.memory_space<vmem>>
    %dma_wait3A_257 = arith.constant 0 : i32
    %dma_wait3A_258 = arith.constant 0 : i32
    %dma_wait3A_259 = tpu.memref_slice %arg13[%dma_wait3A_257, %dma_wait3A_258] : memref<10240x64xf32, #tpu.memory_space<vmem_shared>> -> memref<10240x64xf32, #tpu.memory_space<vmem_shared>>
    tpu.wait_indirect_dma semaphore(%arg17 : memref<!tpu.dma_semaphore, #tpu.memory_space<semaphore_mem>>) src(%arg10 : memref<128x64xf32, #tpu.memory_space<vmem>>) dst(%dma_wait3A_259 : memref<10240x64xf32, #tpu.memory_space<vmem_shared>>)
    %dma_wait3A_260 = arith.constant 0 : i32
    %dma_wait3A_261 = arith.constant 0 : i32
    %dma_wait3A_262 = arith.constant 0 : i32
    %dma_wait3A_263 = tpu.memref_slice %arg7[%dma_wait3A_260, %dma_wait3A_261, %dma_wait3A_262] : memref<2x40x128xi32, #tpu.memory_space<vmem>> -> memref<1x40x128xi32, #tpu.memory_space<vmem>>
    %dma_wait3A_264 = tpu.memref_squeeze %dma_wait3A_263 : memref<1x40x128xi32, #tpu.memory_space<vmem>> -> memref<40x128xi32, #tpu.memory_space<vmem>>
    %dma_wait3A_265 = arith.constant 80 : i32
    %dma_wait3A_266 = arith.constant 0 : i32
    %dma_wait3A_267 = tpu.memref_slice %arg4[%arg1, %dma_wait3A_265, %dma_wait3A_266] : memref<16x160x128xi32, #tpu.memory_space<hbm>> -> memref<1x40x128xi32, #tpu.memory_space<hbm>>
    %dma_wait3A_268 = tpu.memref_squeeze %dma_wait3A_267 : memref<1x40x128xi32, #tpu.memory_space<hbm>> -> memref<40x128xi32, #tpu.memory_space<hbm>>
    %dma_wait3A_269 = arith.constant 0 : i32
    %dma_wait3A_270 = arith.constant 0 : i32
    %dma_wait3A_271 = tpu.memref_slice %arg7[%dma_wait3A_260, %dma_wait3A_269, %dma_wait3A_270] : memref<2x40x128xi32, #tpu.memory_space<vmem>> -> memref<1x40x128xi32, #tpu.memory_space<vmem>>
    %dma_wait3A_272 = tpu.memref_squeeze %dma_wait3A_271 : memref<1x40x128xi32, #tpu.memory_space<vmem>> -> memref<40x128xi32, #tpu.memory_space<vmem>>
    %dma_wait3A_273 = arith.constant 80 : i32
    %dma_wait3A_274 = arith.constant 0 : i32
    %dma_wait3A_275 = tpu.memref_slice %arg4[%arg1, %dma_wait3A_273, %dma_wait3A_274] : memref<16x160x128xi32, #tpu.memory_space<hbm>> -> memref<1x40x128xi32, #tpu.memory_space<hbm>>
    %dma_wait3A_276 = tpu.memref_squeeze %dma_wait3A_275 : memref<1x40x128xi32, #tpu.memory_space<hbm>> -> memref<40x128xi32, #tpu.memory_space<hbm>>
    tpu.wait_dma2 semaphore(%arg18 : memref<!tpu.dma_semaphore, #tpu.memory_space<semaphore_mem>>) src(%dma_wait3A_276 : memref<40x128xi32, #tpu.memory_space<hbm>>) dst(%dma_wait3A_272 : memref<40x128xi32, #tpu.memory_space<vmem>>)
    %dma_wait3A_277 = arith.constant 0 : i32
    %dma_wait3A_278 = arith.constant 0 : i32
    %dma_wait3A_279 = arith.constant 0 : i32
    %dma_wait3A_280 = tpu.memref_slice %arg8[%dma_wait3A_277, %dma_wait3A_278, %dma_wait3A_279] : memref<2x40x128xi32, #tpu.memory_space<vmem>> -> memref<1x40x128xi32, #tpu.memory_space<vmem>>
    %dma_wait3A_281 = tpu.memref_squeeze %dma_wait3A_280 : memref<1x40x128xi32, #tpu.memory_space<vmem>> -> memref<40x128xi32, #tpu.memory_space<vmem>>
    %dma_wait3A_282 = arith.constant 80 : i32
    %dma_wait3A_283 = arith.constant 0 : i32
    %dma_wait3A_284 = tpu.memref_slice %arg5[%arg1, %dma_wait3A_282, %dma_wait3A_283] : memref<16x160x128xi32, #tpu.memory_space<hbm>> -> memref<1x40x128xi32, #tpu.memory_space<hbm>>
    %dma_wait3A_285 = tpu.memref_squeeze %dma_wait3A_284 : memref<1x40x128xi32, #tpu.memory_space<hbm>> -> memref<40x128xi32, #tpu.memory_space<hbm>>
    %dma_wait3A_286 = arith.constant 0 : i32
    %dma_wait3A_287 = arith.constant 0 : i32
    %dma_wait3A_288 = tpu.memref_slice %arg8[%dma_wait3A_277, %dma_wait3A_286, %dma_wait3A_287] : memref<2x40x128xi32, #tpu.memory_space<vmem>> -> memref<1x40x128xi32, #tpu.memory_space<vmem>>
    %dma_wait3A_289 = tpu.memref_squeeze %dma_wait3A_288 : memref<1x40x128xi32, #tpu.memory_space<vmem>> -> memref<40x128xi32, #tpu.memory_space<vmem>>
    %dma_wait3A_290 = arith.constant 80 : i32
    %dma_wait3A_291 = arith.constant 0 : i32
    %dma_wait3A_292 = tpu.memref_slice %arg5[%arg1, %dma_wait3A_290, %dma_wait3A_291] : memref<16x160x128xi32, #tpu.memory_space<hbm>> -> memref<1x40x128xi32, #tpu.memory_space<hbm>>
    %dma_wait3A_293 = tpu.memref_squeeze %dma_wait3A_292 : memref<1x40x128xi32, #tpu.memory_space<hbm>> -> memref<40x128xi32, #tpu.memory_space<hbm>>
    tpu.wait_dma2 semaphore(%arg20 : memref<!tpu.dma_semaphore, #tpu.memory_space<semaphore_mem>>) src(%dma_wait3A_293 : memref<40x128xi32, #tpu.memory_space<hbm>>) dst(%dma_wait3A_289 : memref<40x128xi32, #tpu.memory_space<vmem>>)
    %dma_start3A_294 = arith.constant 1 : i32
    %dma_start3A_295 = arith.constant 0 : i32
    %dma_start3A_296 = arith.constant 0 : i32
    %dma_start3A_297 = tpu.memref_slice %arg7[%dma_start3A_294, %dma_start3A_295, %dma_start3A_296] : memref<2x40x128xi32, #tpu.memory_space<vmem>> -> memref<1x40x128xi32, #tpu.memory_space<vmem>>
    %dma_start3A_298 = tpu.memref_squeeze %dma_start3A_297 : memref<1x40x128xi32, #tpu.memory_space<vmem>> -> memref<40x128xi32, #tpu.memory_space<vmem>>
    %dma_start3A_299 = arith.constant 120 : i32
    %dma_start3A_300 = arith.constant 0 : i32
    %dma_start3A_301 = tpu.memref_slice %arg4[%arg1, %dma_start3A_299, %dma_start3A_300] : memref<16x160x128xi32, #tpu.memory_space<hbm>> -> memref<1x40x128xi32, #tpu.memory_space<hbm>>
    %dma_start3A_302 = tpu.memref_squeeze %dma_start3A_301 : memref<1x40x128xi32, #tpu.memory_space<hbm>> -> memref<40x128xi32, #tpu.memory_space<hbm>>
    %dma_start3A_303 = arith.constant 0 : i32
    %dma_start3A_304 = arith.constant 0 : i32
    %dma_start3A_305 = tpu.memref_slice %arg7[%dma_start3A_294, %dma_start3A_303, %dma_start3A_304] : memref<2x40x128xi32, #tpu.memory_space<vmem>> -> memref<1x40x128xi32, #tpu.memory_space<vmem>>
    %dma_start3A_306 = tpu.memref_squeeze %dma_start3A_305 : memref<1x40x128xi32, #tpu.memory_space<vmem>> -> memref<40x128xi32, #tpu.memory_space<vmem>>
    %dma_start3A_307 = arith.constant 120 : i32
    %dma_start3A_308 = arith.constant 0 : i32
    %dma_start3A_309 = tpu.memref_slice %arg4[%arg1, %dma_start3A_307, %dma_start3A_308] : memref<16x160x128xi32, #tpu.memory_space<hbm>> -> memref<1x40x128xi32, #tpu.memory_space<hbm>>
    %dma_start3A_310 = tpu.memref_squeeze %dma_start3A_309 : memref<1x40x128xi32, #tpu.memory_space<hbm>> -> memref<40x128xi32, #tpu.memory_space<hbm>>
    tpu.enqueue_dma source(%dma_start3A_310 : memref<40x128xi32, #tpu.memory_space<hbm>>) target(%dma_start3A_306 : memref<40x128xi32, #tpu.memory_space<vmem>>) target_semaphore(%arg19 : memref<!tpu.dma_semaphore, #tpu.memory_space<semaphore_mem>>)
    %dma_start3A_311 = arith.constant 1 : i32
    %dma_start3A_312 = arith.constant 0 : i32
    %dma_start3A_313 = arith.constant 0 : i32
    %dma_start3A_314 = tpu.memref_slice %arg8[%dma_start3A_311, %dma_start3A_312, %dma_start3A_313] : memref<2x40x128xi32, #tpu.memory_space<vmem>> -> memref<1x40x128xi32, #tpu.memory_space<vmem>>
    %dma_start3A_315 = tpu.memref_squeeze %dma_start3A_314 : memref<1x40x128xi32, #tpu.memory_space<vmem>> -> memref<40x128xi32, #tpu.memory_space<vmem>>
    %dma_start3A_316 = arith.constant 120 : i32
    %dma_start3A_317 = arith.constant 0 : i32
    %dma_start3A_318 = tpu.memref_slice %arg5[%arg1, %dma_start3A_316, %dma_start3A_317] : memref<16x160x128xi32, #tpu.memory_space<hbm>> -> memref<1x40x128xi32, #tpu.memory_space<hbm>>
    %dma_start3A_319 = tpu.memref_squeeze %dma_start3A_318 : memref<1x40x128xi32, #tpu.memory_space<hbm>> -> memref<40x128xi32, #tpu.memory_space<hbm>>
    %dma_start3A_320 = arith.constant 0 : i32
    %dma_start3A_321 = arith.constant 0 : i32
    %dma_start3A_322 = tpu.memref_slice %arg8[%dma_start3A_311, %dma_start3A_320, %dma_start3A_321] : memref<2x40x128xi32, #tpu.memory_space<vmem>> -> memref<1x40x128xi32, #tpu.memory_space<vmem>>
    %dma_start3A_323 = tpu.memref_squeeze %dma_start3A_322 : memref<1x40x128xi32, #tpu.memory_space<vmem>> -> memref<40x128xi32, #tpu.memory_space<vmem>>
    %dma_start3A_324 = arith.constant 120 : i32
    %dma_start3A_325 = arith.constant 0 : i32
    %dma_start3A_326 = tpu.memref_slice %arg5[%arg1, %dma_start3A_324, %dma_start3A_325] : memref<16x160x128xi32, #tpu.memory_space<hbm>> -> memref<1x40x128xi32, #tpu.memory_space<hbm>>
    %dma_start3A_327 = tpu.memref_squeeze %dma_start3A_326 : memref<1x40x128xi32, #tpu.memory_space<hbm>> -> memref<40x128xi32, #tpu.memory_space<hbm>>
    tpu.enqueue_dma source(%dma_start3A_327 : memref<40x128xi32, #tpu.memory_space<hbm>>) target(%dma_start3A_323 : memref<40x128xi32, #tpu.memory_space<vmem>>) target_semaphore(%arg21 : memref<!tpu.dma_semaphore, #tpu.memory_space<semaphore_mem>>)
    %dma_start3A_328 = arith.constant 0 : i32
    %dma_start3A_329 = arith.constant 0 : i32
    %dma_start3A_330 = arith.constant 0 : i32
    %dma_start3A_331 = tpu.memref_slice %arg7[%dma_start3A_328, %dma_start3A_329, %dma_start3A_330] : memref<2x40x128xi32, #tpu.memory_space<vmem>> -> memref<1x1x128xi32, #tpu.memory_space<vmem>>
    %dma_start3A_332 = tpu.memref_squeeze %dma_start3A_331 : memref<1x1x128xi32, #tpu.memory_space<vmem>> -> memref<128xi32, #tpu.memory_space<vmem>>
    %dma_start3A_333 = arith.constant 0 : i32
    %dma_start3A_334 = arith.constant 0 : i32
    %dma_start3A_335 = tpu.memref_slice %arg12[%dma_start3A_333, %dma_start3A_334] : memref<10240x64xf32, #tpu.memory_space<vmem_shared>> -> memref<10240x64xf32, #tpu.memory_space<vmem_shared>>
    tpu.enqueue_indirect_dma source(%dma_start3A_335 : memref<10240x64xf32, #tpu.memory_space<vmem_shared>>) target(%arg9 : memref<128x64xf32, #tpu.memory_space<vmem>>) offsets(%dma_start3A_332 : memref<128xi32, #tpu.memory_space<vmem>>) semaphore(%arg14 : memref<!tpu.dma_semaphore, #tpu.memory_space<semaphore_mem>>)
    %dma_start3A_336 = arith.constant 0 : i32
    %dma_start3A_337 = arith.constant 1 : i32
    %dma_start3A_338 = arith.constant 0 : i32
    %dma_start3A_339 = tpu.memref_slice %arg7[%dma_start3A_336, %dma_start3A_337, %dma_start3A_338] : memref<2x40x128xi32, #tpu.memory_space<vmem>> -> memref<1x1x128xi32, #tpu.memory_space<vmem>>
    %dma_start3A_340 = tpu.memref_squeeze %dma_start3A_339 : memref<1x1x128xi32, #tpu.memory_space<vmem>> -> memref<128xi32, #tpu.memory_space<vmem>>
    %dma_start3A_341 = arith.constant 0 : i32
    %dma_start3A_342 = arith.constant 0 : i32
    %dma_start3A_343 = tpu.memref_slice %arg12[%dma_start3A_341, %dma_start3A_342] : memref<10240x64xf32, #tpu.memory_space<vmem_shared>> -> memref<10240x64xf32, #tpu.memory_space<vmem_shared>>
    tpu.enqueue_indirect_dma source(%dma_start3A_343 : memref<10240x64xf32, #tpu.memory_space<vmem_shared>>) target(%arg10 : memref<128x64xf32, #tpu.memory_space<vmem>>) offsets(%dma_start3A_340 : memref<128xi32, #tpu.memory_space<vmem>>) semaphore(%arg15 : memref<!tpu.dma_semaphore, #tpu.memory_space<semaphore_mem>>)
    %scan3A_344 = arith.constant 0 : i32
    %scan3A_345 = arith.constant 20 : i32
    %scan3A_346 = arith.addi %scan3A_344, %scan3A_345 : i32
    %scan3A_347 = arith.constant 1 : i32
    scf.for %scan3A_441 = %scan3A_344 to %scan3A_346 step %scan3A_347  : i32 {
      %mul3A_442 = arith.constant 1 : i32
      %mul3A_443 = arith.muli %scan3A_441, %mul3A_442 : i32
      %add3A = arith.constant 0 : i32
      %add3A_444 = arith.addi %add3A, %mul3A_443 : i32
      %mul3A_445 = arith.constant 2 : i32
      %mul3A_446 = arith.muli %add3A_444, %mul3A_445 : i32
      %add3A_447 = arith.constant 0 : i32
      %add3A_448 = arith.addi %mul3A_446, %add3A_447 : i32
      %dma_wait3A_449 = arith.constant 0 : i32
      %dma_wait3A_450 = arith.constant 0 : i32
      %dma_wait3A_451 = tpu.memref_slice %arg7[%dma_wait3A_449, %add3A_448, %dma_wait3A_450] : memref<2x40x128xi32, #tpu.memory_space<vmem>> -> memref<1x1x128xi32, #tpu.memory_space<vmem>>
      %dma_wait3A_452 = tpu.memref_squeeze %dma_wait3A_451 : memref<1x1x128xi32, #tpu.memory_space<vmem>> -> memref<128xi32, #tpu.memory_space<vmem>>
      %dma_wait3A_453 = arith.constant 0 : i32
      %dma_wait3A_454 = arith.constant 0 : i32
      %dma_wait3A_455 = tpu.memref_slice %arg12[%dma_wait3A_453, %dma_wait3A_454] : memref<10240x64xf32, #tpu.memory_space<vmem_shared>> -> memref<10240x64xf32, #tpu.memory_space<vmem_shared>>
      tpu.wait_indirect_dma semaphore(%arg14 : memref<!tpu.dma_semaphore, #tpu.memory_space<semaphore_mem>>) src(%dma_wait3A_455 : memref<10240x64xf32, #tpu.memory_space<vmem_shared>>) dst(%arg9 : memref<128x64xf32, #tpu.memory_space<vmem>>)
      %add3A_456 = arith.constant 0 : i32
      %add3A_457 = arith.addi %mul3A_446, %add3A_456 : i32
      %dma_start3A_458 = arith.constant 0 : i32
      %dma_start3A_459 = arith.constant 0 : i32
      %dma_start3A_460 = tpu.memref_slice %arg8[%dma_start3A_458, %add3A_457, %dma_start3A_459] : memref<2x40x128xi32, #tpu.memory_space<vmem>> -> memref<1x1x128xi32, #tpu.memory_space<vmem>>
      %dma_start3A_461 = tpu.memref_squeeze %dma_start3A_460 : memref<1x1x128xi32, #tpu.memory_space<vmem>> -> memref<128xi32, #tpu.memory_space<vmem>>
      %dma_start3A_462 = arith.constant 0 : i32
      %dma_start3A_463 = arith.constant 0 : i32
      %dma_start3A_464 = tpu.memref_slice %arg13[%dma_start3A_462, %dma_start3A_463] : memref<10240x64xf32, #tpu.memory_space<vmem_shared>> -> memref<10240x64xf32, #tpu.memory_space<vmem_shared>>
      tpu.enqueue_indirect_dma source(%arg9 : memref<128x64xf32, #tpu.memory_space<vmem>>) target(%dma_start3A_464 : memref<10240x64xf32, #tpu.memory_space<vmem_shared>>) offsets(%dma_start3A_461 : memref<128xi32, #tpu.memory_space<vmem>>) semaphore(%arg16 : memref<!tpu.dma_semaphore, #tpu.memory_space<semaphore_mem>>) {add = true}
      %add3A_465 = arith.constant 1 : i32
      %add3A_466 = arith.addi %mul3A_446, %add3A_465 : i32
      %dma_wait3A_467 = arith.constant 0 : i32
      %dma_wait3A_468 = arith.constant 0 : i32
      %dma_wait3A_469 = tpu.memref_slice %arg7[%dma_wait3A_467, %add3A_466, %dma_wait3A_468] : memref<2x40x128xi32, #tpu.memory_space<vmem>> -> memref<1x1x128xi32, #tpu.memory_space<vmem>>
      %dma_wait3A_470 = tpu.memref_squeeze %dma_wait3A_469 : memref<1x1x128xi32, #tpu.memory_space<vmem>> -> memref<128xi32, #tpu.memory_space<vmem>>
      %dma_wait3A_471 = arith.constant 0 : i32
      %dma_wait3A_472 = arith.constant 0 : i32
      %dma_wait3A_473 = tpu.memref_slice %arg12[%dma_wait3A_471, %dma_wait3A_472] : memref<10240x64xf32, #tpu.memory_space<vmem_shared>> -> memref<10240x64xf32, #tpu.memory_space<vmem_shared>>
      tpu.wait_indirect_dma semaphore(%arg15 : memref<!tpu.dma_semaphore, #tpu.memory_space<semaphore_mem>>) src(%dma_wait3A_473 : memref<10240x64xf32, #tpu.memory_space<vmem_shared>>) dst(%arg10 : memref<128x64xf32, #tpu.memory_space<vmem>>)
      %add3A_474 = arith.constant 1 : i32
      %add3A_475 = arith.addi %mul3A_446, %add3A_474 : i32
      %dma_start3A_476 = arith.constant 0 : i32
      %dma_start3A_477 = arith.constant 0 : i32
      %dma_start3A_478 = tpu.memref_slice %arg8[%dma_start3A_476, %add3A_475, %dma_start3A_477] : memref<2x40x128xi32, #tpu.memory_space<vmem>> -> memref<1x1x128xi32, #tpu.memory_space<vmem>>
      %dma_start3A_479 = tpu.memref_squeeze %dma_start3A_478 : memref<1x1x128xi32, #tpu.memory_space<vmem>> -> memref<128xi32, #tpu.memory_space<vmem>>
      %dma_start3A_480 = arith.constant 0 : i32
      %dma_start3A_481 = arith.constant 0 : i32
      %dma_start3A_482 = tpu.memref_slice %arg13[%dma_start3A_480, %dma_start3A_481] : memref<10240x64xf32, #tpu.memory_space<vmem_shared>> -> memref<10240x64xf32, #tpu.memory_space<vmem_shared>>
      tpu.enqueue_indirect_dma source(%arg10 : memref<128x64xf32, #tpu.memory_space<vmem>>) target(%dma_start3A_482 : memref<10240x64xf32, #tpu.memory_space<vmem_shared>>) offsets(%dma_start3A_479 : memref<128xi32, #tpu.memory_space<vmem>>) semaphore(%arg17 : memref<!tpu.dma_semaphore, #tpu.memory_space<semaphore_mem>>) {add = true}
      %add3A_483 = arith.constant 1 : i32
      %add3A_484 = arith.addi %add3A_444, %add3A_483 : i32
      %lt3A = arith.constant 20 : i32
      %lt3A_485 = arith.cmpi slt, %add3A_484, %lt3A : i32
      %convert_element_type3A_486 = arith.extui %lt3A_485 : i1 to i32
      %cond3A_487 = arith.constant 0 : i32
      %cond3A_488 = arith.cmpi ne, %convert_element_type3A_486, %cond3A_487 : i32
      scf.if %cond3A_488 {
        %add3A_496 = arith.constant 0 : i32
        %add3A_497 = arith.addi %mul3A_446, %add3A_496 : i32
        %dma_wait3A_498 = arith.constant 0 : i32
        %dma_wait3A_499 = arith.constant 0 : i32
        %dma_wait3A_500 = tpu.memref_slice %arg8[%dma_wait3A_498, %add3A_497, %dma_wait3A_499] : memref<2x40x128xi32, #tpu.memory_space<vmem>> -> memref<1x1x128xi32, #tpu.memory_space<vmem>>
        %dma_wait3A_501 = tpu.memref_squeeze %dma_wait3A_500 : memref<1x1x128xi32, #tpu.memory_space<vmem>> -> memref<128xi32, #tpu.memory_space<vmem>>
        %dma_wait3A_502 = arith.constant 0 : i32
        %dma_wait3A_503 = arith.constant 0 : i32
        %dma_wait3A_504 = tpu.memref_slice %arg13[%dma_wait3A_502, %dma_wait3A_503] : memref<10240x64xf32, #tpu.memory_space<vmem_shared>> -> memref<10240x64xf32, #tpu.memory_space<vmem_shared>>
        tpu.wait_indirect_dma semaphore(%arg16 : memref<!tpu.dma_semaphore, #tpu.memory_space<semaphore_mem>>) src(%arg9 : memref<128x64xf32, #tpu.memory_space<vmem>>) dst(%dma_wait3A_504 : memref<10240x64xf32, #tpu.memory_space<vmem_shared>>)
        %add3A_505 = arith.constant 2 : i32
        %add3A_506 = arith.addi %mul3A_446, %add3A_505 : i32
        %add3A_507 = arith.constant 0 : i32
        %add3A_508 = arith.addi %add3A_506, %add3A_507 : i32
        %dma_start3A_509 = arith.constant 0 : i32
        %dma_start3A_510 = arith.constant 0 : i32
        %dma_start3A_511 = tpu.memref_slice %arg7[%dma_start3A_509, %add3A_508, %dma_start3A_510] : memref<2x40x128xi32, #tpu.memory_space<vmem>> -> memref<1x1x128xi32, #tpu.memory_space<vmem>>
        %dma_start3A_512 = tpu.memref_squeeze %dma_start3A_511 : memref<1x1x128xi32, #tpu.memory_space<vmem>> -> memref<128xi32, #tpu.memory_space<vmem>>
        %dma_start3A_513 = arith.constant 0 : i32
        %dma_start3A_514 = arith.constant 0 : i32
        %dma_start3A_515 = tpu.memref_slice %arg12[%dma_start3A_513, %dma_start3A_514] : memref<10240x64xf32, #tpu.memory_space<vmem_shared>> -> memref<10240x64xf32, #tpu.memory_space<vmem_shared>>
        tpu.enqueue_indirect_dma source(%dma_start3A_515 : memref<10240x64xf32, #tpu.memory_space<vmem_shared>>) target(%arg9 : memref<128x64xf32, #tpu.memory_space<vmem>>) offsets(%dma_start3A_512 : memref<128xi32, #tpu.memory_space<vmem>>) semaphore(%arg14 : memref<!tpu.dma_semaphore, #tpu.memory_space<semaphore_mem>>)
      } else {
      }
      %add3A_489 = arith.constant 1 : i32
      %add3A_490 = arith.addi %add3A_444, %add3A_489 : i32
      %lt3A_491 = arith.constant 20 : i32
      %lt3A_492 = arith.cmpi slt, %add3A_490, %lt3A_491 : i32
      %convert_element_type3A_493 = arith.extui %lt3A_492 : i1 to i32
      %cond3A_494 = arith.constant 0 : i32
      %cond3A_495 = arith.cmpi ne, %convert_element_type3A_493, %cond3A_494 : i32
      scf.if %cond3A_495 {
        %add3A_496 = arith.constant 1 : i32
        %add3A_497 = arith.addi %mul3A_446, %add3A_496 : i32
        %dma_wait3A_498 = arith.constant 0 : i32
        %dma_wait3A_499 = arith.constant 0 : i32
        %dma_wait3A_500 = tpu.memref_slice %arg8[%dma_wait3A_498, %add3A_497, %dma_wait3A_499] : memref<2x40x128xi32, #tpu.memory_space<vmem>> -> memref<1x1x128xi32, #tpu.memory_space<vmem>>
        %dma_wait3A_501 = tpu.memref_squeeze %dma_wait3A_500 : memref<1x1x128xi32, #tpu.memory_space<vmem>> -> memref<128xi32, #tpu.memory_space<vmem>>
        %dma_wait3A_502 = arith.constant 0 : i32
        %dma_wait3A_503 = arith.constant 0 : i32
        %dma_wait3A_504 = tpu.memref_slice %arg13[%dma_wait3A_502, %dma_wait3A_503] : memref<10240x64xf32, #tpu.memory_space<vmem_shared>> -> memref<10240x64xf32, #tpu.memory_space<vmem_shared>>
        tpu.wait_indirect_dma semaphore(%arg17 : memref<!tpu.dma_semaphore, #tpu.memory_space<semaphore_mem>>) src(%arg10 : memref<128x64xf32, #tpu.memory_space<vmem>>) dst(%dma_wait3A_504 : memref<10240x64xf32, #tpu.memory_space<vmem_shared>>)
        %add3A_505 = arith.constant 2 : i32
        %add3A_506 = arith.addi %mul3A_446, %add3A_505 : i32
        %add3A_507 = arith.constant 1 : i32
        %add3A_508 = arith.addi %add3A_506, %add3A_507 : i32
        %dma_start3A_509 = arith.constant 0 : i32
        %dma_start3A_510 = arith.constant 0 : i32
        %dma_start3A_511 = tpu.memref_slice %arg7[%dma_start3A_509, %add3A_508, %dma_start3A_510] : memref<2x40x128xi32, #tpu.memory_space<vmem>> -> memref<1x1x128xi32, #tpu.memory_space<vmem>>
        %dma_start3A_512 = tpu.memref_squeeze %dma_start3A_511 : memref<1x1x128xi32, #tpu.memory_space<vmem>> -> memref<128xi32, #tpu.memory_space<vmem>>
        %dma_start3A_513 = arith.constant 0 : i32
        %dma_start3A_514 = arith.constant 0 : i32
        %dma_start3A_515 = tpu.memref_slice %arg12[%dma_start3A_513, %dma_start3A_514] : memref<10240x64xf32, #tpu.memory_space<vmem_shared>> -> memref<10240x64xf32, #tpu.memory_space<vmem_shared>>
        tpu.enqueue_indirect_dma source(%dma_start3A_515 : memref<10240x64xf32, #tpu.memory_space<vmem_shared>>) target(%arg10 : memref<128x64xf32, #tpu.memory_space<vmem>>) offsets(%dma_start3A_512 : memref<128xi32, #tpu.memory_space<vmem>>) semaphore(%arg15 : memref<!tpu.dma_semaphore, #tpu.memory_space<semaphore_mem>>)
      } else {
      }
    }
    %scan3A_348 = arith.constant 20 : i32
    %dma_wait3A_349 = arith.constant 0 : i32
    %dma_wait3A_350 = arith.constant 38 : i32
    %dma_wait3A_351 = arith.constant 0 : i32
    %dma_wait3A_352 = tpu.memref_slice %arg8[%dma_wait3A_349, %dma_wait3A_350, %dma_wait3A_351] : memref<2x40x128xi32, #tpu.memory_space<vmem>> -> memref<1x1x128xi32, #tpu.memory_space<vmem>>
    %dma_wait3A_353 = tpu.memref_squeeze %dma_wait3A_352 : memref<1x1x128xi32, #tpu.memory_space<vmem>> -> memref<128xi32, #tpu.memory_space<vmem>>
    %dma_wait3A_354 = arith.constant 0 : i32
    %dma_wait3A_355 = arith.constant 0 : i32
    %dma_wait3A_356 = tpu.memref_slice %arg13[%dma_wait3A_354, %dma_wait3A_355] : memref<10240x64xf32, #tpu.memory_space<vmem_shared>> -> memref<10240x64xf32, #tpu.memory_space<vmem_shared>>
    tpu.wait_indirect_dma semaphore(%arg16 : memref<!tpu.dma_semaphore, #tpu.memory_space<semaphore_mem>>) src(%arg9 : memref<128x64xf32, #tpu.memory_space<vmem>>) dst(%dma_wait3A_356 : memref<10240x64xf32, #tpu.memory_space<vmem_shared>>)
    %dma_wait3A_357 = arith.constant 0 : i32
    %dma_wait3A_358 = arith.constant 39 : i32
    %dma_wait3A_359 = arith.constant 0 : i32
    %dma_wait3A_360 = tpu.memref_slice %arg8[%dma_wait3A_357, %dma_wait3A_358, %dma_wait3A_359] : memref<2x40x128xi32, #tpu.memory_space<vmem>> -> memref<1x1x128xi32, #tpu.memory_space<vmem>>
    %dma_wait3A_361 = tpu.memref_squeeze %dma_wait3A_360 : memref<1x1x128xi32, #tpu.memory_space<vmem>> -> memref<128xi32, #tpu.memory_space<vmem>>
    %dma_wait3A_362 = arith.constant 0 : i32
    %dma_wait3A_363 = arith.constant 0 : i32
    %dma_wait3A_364 = tpu.memref_slice %arg13[%dma_wait3A_362, %dma_wait3A_363] : memref<10240x64xf32, #tpu.memory_space<vmem_shared>> -> memref<10240x64xf32, #tpu.memory_space<vmem_shared>>
    tpu.wait_indirect_dma semaphore(%arg17 : memref<!tpu.dma_semaphore, #tpu.memory_space<semaphore_mem>>) src(%arg10 : memref<128x64xf32, #tpu.memory_space<vmem>>) dst(%dma_wait3A_364 : memref<10240x64xf32, #tpu.memory_space<vmem_shared>>)
    %dma_wait3A_365 = arith.constant 1 : i32
    %dma_wait3A_366 = arith.constant 0 : i32
    %dma_wait3A_367 = arith.constant 0 : i32
    %dma_wait3A_368 = tpu.memref_slice %arg7[%dma_wait3A_365, %dma_wait3A_366, %dma_wait3A_367] : memref<2x40x128xi32, #tpu.memory_space<vmem>> -> memref<1x40x128xi32, #tpu.memory_space<vmem>>
    %dma_wait3A_369 = tpu.memref_squeeze %dma_wait3A_368 : memref<1x40x128xi32, #tpu.memory_space<vmem>> -> memref<40x128xi32, #tpu.memory_space<vmem>>
    %dma_wait3A_370 = arith.constant 120 : i32
    %dma_wait3A_371 = arith.constant 0 : i32
    %dma_wait3A_372 = tpu.memref_slice %arg4[%arg1, %dma_wait3A_370, %dma_wait3A_371] : memref<16x160x128xi32, #tpu.memory_space<hbm>> -> memref<1x40x128xi32, #tpu.memory_space<hbm>>
    %dma_wait3A_373 = tpu.memref_squeeze %dma_wait3A_372 : memref<1x40x128xi32, #tpu.memory_space<hbm>> -> memref<40x128xi32, #tpu.memory_space<hbm>>
    %dma_wait3A_374 = arith.constant 0 : i32
    %dma_wait3A_375 = arith.constant 0 : i32
    %dma_wait3A_376 = tpu.memref_slice %arg7[%dma_wait3A_365, %dma_wait3A_374, %dma_wait3A_375] : memref<2x40x128xi32, #tpu.memory_space<vmem>> -> memref<1x40x128xi32, #tpu.memory_space<vmem>>
    %dma_wait3A_377 = tpu.memref_squeeze %dma_wait3A_376 : memref<1x40x128xi32, #tpu.memory_space<vmem>> -> memref<40x128xi32, #tpu.memory_space<vmem>>
    %dma_wait3A_378 = arith.constant 120 : i32
    %dma_wait3A_379 = arith.constant 0 : i32
    %dma_wait3A_380 = tpu.memref_slice %arg4[%arg1, %dma_wait3A_378, %dma_wait3A_379] : memref<16x160x128xi32, #tpu.memory_space<hbm>> -> memref<1x40x128xi32, #tpu.memory_space<hbm>>
    %dma_wait3A_381 = tpu.memref_squeeze %dma_wait3A_380 : memref<1x40x128xi32, #tpu.memory_space<hbm>> -> memref<40x128xi32, #tpu.memory_space<hbm>>
    tpu.wait_dma2 semaphore(%arg19 : memref<!tpu.dma_semaphore, #tpu.memory_space<semaphore_mem>>) src(%dma_wait3A_381 : memref<40x128xi32, #tpu.memory_space<hbm>>) dst(%dma_wait3A_377 : memref<40x128xi32, #tpu.memory_space<vmem>>)
    %dma_wait3A_382 = arith.constant 1 : i32
    %dma_wait3A_383 = arith.constant 0 : i32
    %dma_wait3A_384 = arith.constant 0 : i32
    %dma_wait3A_385 = tpu.memref_slice %arg8[%dma_wait3A_382, %dma_wait3A_383, %dma_wait3A_384] : memref<2x40x128xi32, #tpu.memory_space<vmem>> -> memref<1x40x128xi32, #tpu.memory_space<vmem>>
    %dma_wait3A_386 = tpu.memref_squeeze %dma_wait3A_385 : memref<1x40x128xi32, #tpu.memory_space<vmem>> -> memref<40x128xi32, #tpu.memory_space<vmem>>
    %dma_wait3A_387 = arith.constant 120 : i32
    %dma_wait3A_388 = arith.constant 0 : i32
    %dma_wait3A_389 = tpu.memref_slice %arg5[%arg1, %dma_wait3A_387, %dma_wait3A_388] : memref<16x160x128xi32, #tpu.memory_space<hbm>> -> memref<1x40x128xi32, #tpu.memory_space<hbm>>
    %dma_wait3A_390 = tpu.memref_squeeze %dma_wait3A_389 : memref<1x40x128xi32, #tpu.memory_space<hbm>> -> memref<40x128xi32, #tpu.memory_space<hbm>>
    %dma_wait3A_391 = arith.constant 0 : i32
    %dma_wait3A_392 = arith.constant 0 : i32
    %dma_wait3A_393 = tpu.memref_slice %arg8[%dma_wait3A_382, %dma_wait3A_391, %dma_wait3A_392] : memref<2x40x128xi32, #tpu.memory_space<vmem>> -> memref<1x40x128xi32, #tpu.memory_space<vmem>>
    %dma_wait3A_394 = tpu.memref_squeeze %dma_wait3A_393 : memref<1x40x128xi32, #tpu.memory_space<vmem>> -> memref<40x128xi32, #tpu.memory_space<vmem>>
    %dma_wait3A_395 = arith.constant 120 : i32
    %dma_wait3A_396 = arith.constant 0 : i32
    %dma_wait3A_397 = tpu.memref_slice %arg5[%arg1, %dma_wait3A_395, %dma_wait3A_396] : memref<16x160x128xi32, #tpu.memory_space<hbm>> -> memref<1x40x128xi32, #tpu.memory_space<hbm>>
    %dma_wait3A_398 = tpu.memref_squeeze %dma_wait3A_397 : memref<1x40x128xi32, #tpu.memory_space<hbm>> -> memref<40x128xi32, #tpu.memory_space<hbm>>
    tpu.wait_dma2 semaphore(%arg21 : memref<!tpu.dma_semaphore, #tpu.memory_space<semaphore_mem>>) src(%dma_wait3A_398 : memref<40x128xi32, #tpu.memory_space<hbm>>) dst(%dma_wait3A_394 : memref<40x128xi32, #tpu.memory_space<vmem>>)
    %dma_start3A_399 = arith.constant 1 : i32
    %dma_start3A_400 = arith.constant 0 : i32
    %dma_start3A_401 = arith.constant 0 : i32
    %dma_start3A_402 = tpu.memref_slice %arg7[%dma_start3A_399, %dma_start3A_400, %dma_start3A_401] : memref<2x40x128xi32, #tpu.memory_space<vmem>> -> memref<1x1x128xi32, #tpu.memory_space<vmem>>
    %dma_start3A_403 = tpu.memref_squeeze %dma_start3A_402 : memref<1x1x128xi32, #tpu.memory_space<vmem>> -> memref<128xi32, #tpu.memory_space<vmem>>
    %dma_start3A_404 = arith.constant 0 : i32
    %dma_start3A_405 = arith.constant 0 : i32
    %dma_start3A_406 = tpu.memref_slice %arg12[%dma_start3A_404, %dma_start3A_405] : memref<10240x64xf32, #tpu.memory_space<vmem_shared>> -> memref<10240x64xf32, #tpu.memory_space<vmem_shared>>
    tpu.enqueue_indirect_dma source(%dma_start3A_406 : memref<10240x64xf32, #tpu.memory_space<vmem_shared>>) target(%arg9 : memref<128x64xf32, #tpu.memory_space<vmem>>) offsets(%dma_start3A_403 : memref<128xi32, #tpu.memory_space<vmem>>) semaphore(%arg14 : memref<!tpu.dma_semaphore, #tpu.memory_space<semaphore_mem>>)
    %dma_start3A_407 = arith.constant 1 : i32
    %dma_start3A_408 = arith.constant 1 : i32
    %dma_start3A_409 = arith.constant 0 : i32
    %dma_start3A_410 = tpu.memref_slice %arg7[%dma_start3A_407, %dma_start3A_408, %dma_start3A_409] : memref<2x40x128xi32, #tpu.memory_space<vmem>> -> memref<1x1x128xi32, #tpu.memory_space<vmem>>
    %dma_start3A_411 = tpu.memref_squeeze %dma_start3A_410 : memref<1x1x128xi32, #tpu.memory_space<vmem>> -> memref<128xi32, #tpu.memory_space<vmem>>
    %dma_start3A_412 = arith.constant 0 : i32
    %dma_start3A_413 = arith.constant 0 : i32
    %dma_start3A_414 = tpu.memref_slice %arg12[%dma_start3A_412, %dma_start3A_413] : memref<10240x64xf32, #tpu.memory_space<vmem_shared>> -> memref<10240x64xf32, #tpu.memory_space<vmem_shared>>
    tpu.enqueue_indirect_dma source(%dma_start3A_414 : memref<10240x64xf32, #tpu.memory_space<vmem_shared>>) target(%arg10 : memref<128x64xf32, #tpu.memory_space<vmem>>) offsets(%dma_start3A_411 : memref<128xi32, #tpu.memory_space<vmem>>) semaphore(%arg15 : memref<!tpu.dma_semaphore, #tpu.memory_space<semaphore_mem>>)
    %scan3A_415 = arith.constant 0 : i32
    %scan3A_416 = arith.constant 20 : i32
    %scan3A_417 = arith.addi %scan3A_415, %scan3A_416 : i32
    %scan3A_418 = arith.constant 1 : i32
    scf.for %scan3A_441 = %scan3A_415 to %scan3A_417 step %scan3A_418  : i32 {
      %mul3A_442 = arith.constant 1 : i32
      %mul3A_443 = arith.muli %scan3A_441, %mul3A_442 : i32
      %add3A = arith.constant 0 : i32
      %add3A_444 = arith.addi %add3A, %mul3A_443 : i32
      %mul3A_445 = arith.constant 2 : i32
      %mul3A_446 = arith.muli %add3A_444, %mul3A_445 : i32
      %add3A_447 = arith.constant 0 : i32
      %add3A_448 = arith.addi %mul3A_446, %add3A_447 : i32
      %dma_wait3A_449 = arith.constant 1 : i32
      %dma_wait3A_450 = arith.constant 0 : i32
      %dma_wait3A_451 = tpu.memref_slice %arg7[%dma_wait3A_449, %add3A_448, %dma_wait3A_450] : memref<2x40x128xi32, #tpu.memory_space<vmem>> -> memref<1x1x128xi32, #tpu.memory_space<vmem>>
      %dma_wait3A_452 = tpu.memref_squeeze %dma_wait3A_451 : memref<1x1x128xi32, #tpu.memory_space<vmem>> -> memref<128xi32, #tpu.memory_space<vmem>>
      %dma_wait3A_453 = arith.constant 0 : i32
      %dma_wait3A_454 = arith.constant 0 : i32
      %dma_wait3A_455 = tpu.memref_slice %arg12[%dma_wait3A_453, %dma_wait3A_454] : memref<10240x64xf32, #tpu.memory_space<vmem_shared>> -> memref<10240x64xf32, #tpu.memory_space<vmem_shared>>
      tpu.wait_indirect_dma semaphore(%arg14 : memref<!tpu.dma_semaphore, #tpu.memory_space<semaphore_mem>>) src(%dma_wait3A_455 : memref<10240x64xf32, #tpu.memory_space<vmem_shared>>) dst(%arg9 : memref<128x64xf32, #tpu.memory_space<vmem>>)
      %add3A_456 = arith.constant 0 : i32
      %add3A_457 = arith.addi %mul3A_446, %add3A_456 : i32
      %dma_start3A_458 = arith.constant 1 : i32
      %dma_start3A_459 = arith.constant 0 : i32
      %dma_start3A_460 = tpu.memref_slice %arg8[%dma_start3A_458, %add3A_457, %dma_start3A_459] : memref<2x40x128xi32, #tpu.memory_space<vmem>> -> memref<1x1x128xi32, #tpu.memory_space<vmem>>
      %dma_start3A_461 = tpu.memref_squeeze %dma_start3A_460 : memref<1x1x128xi32, #tpu.memory_space<vmem>> -> memref<128xi32, #tpu.memory_space<vmem>>
      %dma_start3A_462 = arith.constant 0 : i32
      %dma_start3A_463 = arith.constant 0 : i32
      %dma_start3A_464 = tpu.memref_slice %arg13[%dma_start3A_462, %dma_start3A_463] : memref<10240x64xf32, #tpu.memory_space<vmem_shared>> -> memref<10240x64xf32, #tpu.memory_space<vmem_shared>>
      tpu.enqueue_indirect_dma source(%arg9 : memref<128x64xf32, #tpu.memory_space<vmem>>) target(%dma_start3A_464 : memref<10240x64xf32, #tpu.memory_space<vmem_shared>>) offsets(%dma_start3A_461 : memref<128xi32, #tpu.memory_space<vmem>>) semaphore(%arg16 : memref<!tpu.dma_semaphore, #tpu.memory_space<semaphore_mem>>) {add = true}
      %add3A_465 = arith.constant 1 : i32
      %add3A_466 = arith.addi %mul3A_446, %add3A_465 : i32
      %dma_wait3A_467 = arith.constant 1 : i32
      %dma_wait3A_468 = arith.constant 0 : i32
      %dma_wait3A_469 = tpu.memref_slice %arg7[%dma_wait3A_467, %add3A_466, %dma_wait3A_468] : memref<2x40x128xi32, #tpu.memory_space<vmem>> -> memref<1x1x128xi32, #tpu.memory_space<vmem>>
      %dma_wait3A_470 = tpu.memref_squeeze %dma_wait3A_469 : memref<1x1x128xi32, #tpu.memory_space<vmem>> -> memref<128xi32, #tpu.memory_space<vmem>>
      %dma_wait3A_471 = arith.constant 0 : i32
      %dma_wait3A_472 = arith.constant 0 : i32
      %dma_wait3A_473 = tpu.memref_slice %arg12[%dma_wait3A_471, %dma_wait3A_472] : memref<10240x64xf32, #tpu.memory_space<vmem_shared>> -> memref<10240x64xf32, #tpu.memory_space<vmem_shared>>
      tpu.wait_indirect_dma semaphore(%arg15 : memref<!tpu.dma_semaphore, #tpu.memory_space<semaphore_mem>>) src(%dma_wait3A_473 : memref<10240x64xf32, #tpu.memory_space<vmem_shared>>) dst(%arg10 : memref<128x64xf32, #tpu.memory_space<vmem>>)
      %add3A_474 = arith.constant 1 : i32
      %add3A_475 = arith.addi %mul3A_446, %add3A_474 : i32
      %dma_start3A_476 = arith.constant 1 : i32
      %dma_start3A_477 = arith.constant 0 : i32
      %dma_start3A_478 = tpu.memref_slice %arg8[%dma_start3A_476, %add3A_475, %dma_start3A_477] : memref<2x40x128xi32, #tpu.memory_space<vmem>> -> memref<1x1x128xi32, #tpu.memory_space<vmem>>
      %dma_start3A_479 = tpu.memref_squeeze %dma_start3A_478 : memref<1x1x128xi32, #tpu.memory_space<vmem>> -> memref<128xi32, #tpu.memory_space<vmem>>
      %dma_start3A_480 = arith.constant 0 : i32
      %dma_start3A_481 = arith.constant 0 : i32
      %dma_start3A_482 = tpu.memref_slice %arg13[%dma_start3A_480, %dma_start3A_481] : memref<10240x64xf32, #tpu.memory_space<vmem_shared>> -> memref<10240x64xf32, #tpu.memory_space<vmem_shared>>
      tpu.enqueue_indirect_dma source(%arg10 : memref<128x64xf32, #tpu.memory_space<vmem>>) target(%dma_start3A_482 : memref<10240x64xf32, #tpu.memory_space<vmem_shared>>) offsets(%dma_start3A_479 : memref<128xi32, #tpu.memory_space<vmem>>) semaphore(%arg17 : memref<!tpu.dma_semaphore, #tpu.memory_space<semaphore_mem>>) {add = true}
      %add3A_483 = arith.constant 1 : i32
      %add3A_484 = arith.addi %add3A_444, %add3A_483 : i32
      %lt3A = arith.constant 20 : i32
      %lt3A_485 = arith.cmpi slt, %add3A_484, %lt3A : i32
      %convert_element_type3A_486 = arith.extui %lt3A_485 : i1 to i32
      %cond3A_487 = arith.constant 0 : i32
      %cond3A_488 = arith.cmpi ne, %convert_element_type3A_486, %cond3A_487 : i32
      scf.if %cond3A_488 {
        %add3A_496 = arith.constant 0 : i32
        %add3A_497 = arith.addi %mul3A_446, %add3A_496 : i32
        %dma_wait3A_498 = arith.constant 1 : i32
        %dma_wait3A_499 = arith.constant 0 : i32
        %dma_wait3A_500 = tpu.memref_slice %arg8[%dma_wait3A_498, %add3A_497, %dma_wait3A_499] : memref<2x40x128xi32, #tpu.memory_space<vmem>> -> memref<1x1x128xi32, #tpu.memory_space<vmem>>
        %dma_wait3A_501 = tpu.memref_squeeze %dma_wait3A_500 : memref<1x1x128xi32, #tpu.memory_space<vmem>> -> memref<128xi32, #tpu.memory_space<vmem>>
        %dma_wait3A_502 = arith.constant 0 : i32
        %dma_wait3A_503 = arith.constant 0 : i32
        %dma_wait3A_504 = tpu.memref_slice %arg13[%dma_wait3A_502, %dma_wait3A_503] : memref<10240x64xf32, #tpu.memory_space<vmem_shared>> -> memref<10240x64xf32, #tpu.memory_space<vmem_shared>>
        tpu.wait_indirect_dma semaphore(%arg16 : memref<!tpu.dma_semaphore, #tpu.memory_space<semaphore_mem>>) src(%arg9 : memref<128x64xf32, #tpu.memory_space<vmem>>) dst(%dma_wait3A_504 : memref<10240x64xf32, #tpu.memory_space<vmem_shared>>)
        %add3A_505 = arith.constant 2 : i32
        %add3A_506 = arith.addi %mul3A_446, %add3A_505 : i32
        %add3A_507 = arith.constant 0 : i32
        %add3A_508 = arith.addi %add3A_506, %add3A_507 : i32
        %dma_start3A_509 = arith.constant 1 : i32
        %dma_start3A_510 = arith.constant 0 : i32
        %dma_start3A_511 = tpu.memref_slice %arg7[%dma_start3A_509, %add3A_508, %dma_start3A_510] : memref<2x40x128xi32, #tpu.memory_space<vmem>> -> memref<1x1x128xi32, #tpu.memory_space<vmem>>
        %dma_start3A_512 = tpu.memref_squeeze %dma_start3A_511 : memref<1x1x128xi32, #tpu.memory_space<vmem>> -> memref<128xi32, #tpu.memory_space<vmem>>
        %dma_start3A_513 = arith.constant 0 : i32
        %dma_start3A_514 = arith.constant 0 : i32
        %dma_start3A_515 = tpu.memref_slice %arg12[%dma_start3A_513, %dma_start3A_514] : memref<10240x64xf32, #tpu.memory_space<vmem_shared>> -> memref<10240x64xf32, #tpu.memory_space<vmem_shared>>
        tpu.enqueue_indirect_dma source(%dma_start3A_515 : memref<10240x64xf32, #tpu.memory_space<vmem_shared>>) target(%arg9 : memref<128x64xf32, #tpu.memory_space<vmem>>) offsets(%dma_start3A_512 : memref<128xi32, #tpu.memory_space<vmem>>) semaphore(%arg14 : memref<!tpu.dma_semaphore, #tpu.memory_space<semaphore_mem>>)
      } else {
      }
      %add3A_489 = arith.constant 1 : i32
      %add3A_490 = arith.addi %add3A_444, %add3A_489 : i32
      %lt3A_491 = arith.constant 20 : i32
      %lt3A_492 = arith.cmpi slt, %add3A_490, %lt3A_491 : i32
      %convert_element_type3A_493 = arith.extui %lt3A_492 : i1 to i32
      %cond3A_494 = arith.constant 0 : i32
      %cond3A_495 = arith.cmpi ne, %convert_element_type3A_493, %cond3A_494 : i32
      scf.if %cond3A_495 {
        %add3A_496 = arith.constant 1 : i32
        %add3A_497 = arith.addi %mul3A_446, %add3A_496 : i32
        %dma_wait3A_498 = arith.constant 1 : i32
        %dma_wait3A_499 = arith.constant 0 : i32
        %dma_wait3A_500 = tpu.memref_slice %arg8[%dma_wait3A_498, %add3A_497, %dma_wait3A_499] : memref<2x40x128xi32, #tpu.memory_space<vmem>> -> memref<1x1x128xi32, #tpu.memory_space<vmem>>
        %dma_wait3A_501 = tpu.memref_squeeze %dma_wait3A_500 : memref<1x1x128xi32, #tpu.memory_space<vmem>> -> memref<128xi32, #tpu.memory_space<vmem>>
        %dma_wait3A_502 = arith.constant 0 : i32
        %dma_wait3A_503 = arith.constant 0 : i32
        %dma_wait3A_504 = tpu.memref_slice %arg13[%dma_wait3A_502, %dma_wait3A_503] : memref<10240x64xf32, #tpu.memory_space<vmem_shared>> -> memref<10240x64xf32, #tpu.memory_space<vmem_shared>>
        tpu.wait_indirect_dma semaphore(%arg17 : memref<!tpu.dma_semaphore, #tpu.memory_space<semaphore_mem>>) src(%arg10 : memref<128x64xf32, #tpu.memory_space<vmem>>) dst(%dma_wait3A_504 : memref<10240x64xf32, #tpu.memory_space<vmem_shared>>)
        %add3A_505 = arith.constant 2 : i32
        %add3A_506 = arith.addi %mul3A_446, %add3A_505 : i32
        %add3A_507 = arith.constant 1 : i32
        %add3A_508 = arith.addi %add3A_506, %add3A_507 : i32
        %dma_start3A_509 = arith.constant 1 : i32
        %dma_start3A_510 = arith.constant 0 : i32
        %dma_start3A_511 = tpu.memref_slice %arg7[%dma_start3A_509, %add3A_508, %dma_start3A_510] : memref<2x40x128xi32, #tpu.memory_space<vmem>> -> memref<1x1x128xi32, #tpu.memory_space<vmem>>
        %dma_start3A_512 = tpu.memref_squeeze %dma_start3A_511 : memref<1x1x128xi32, #tpu.memory_space<vmem>> -> memref<128xi32, #tpu.memory_space<vmem>>
        %dma_start3A_513 = arith.constant 0 : i32
        %dma_start3A_514 = arith.constant 0 : i32
        %dma_start3A_515 = tpu.memref_slice %arg12[%dma_start3A_513, %dma_start3A_514] : memref<10240x64xf32, #tpu.memory_space<vmem_shared>> -> memref<10240x64xf32, #tpu.memory_space<vmem_shared>>
        tpu.enqueue_indirect_dma source(%dma_start3A_515 : memref<10240x64xf32, #tpu.memory_space<vmem_shared>>) target(%arg10 : memref<128x64xf32, #tpu.memory_space<vmem>>) offsets(%dma_start3A_512 : memref<128xi32, #tpu.memory_space<vmem>>) semaphore(%arg15 : memref<!tpu.dma_semaphore, #tpu.memory_space<semaphore_mem>>)
      } else {
      }
    }
    %scan3A_419 = arith.constant 20 : i32
    %dma_wait3A_420 = arith.constant 1 : i32
    %dma_wait3A_421 = arith.constant 38 : i32
    %dma_wait3A_422 = arith.constant 0 : i32
    %dma_wait3A_423 = tpu.memref_slice %arg8[%dma_wait3A_420, %dma_wait3A_421, %dma_wait3A_422] : memref<2x40x128xi32, #tpu.memory_space<vmem>> -> memref<1x1x128xi32, #tpu.memory_space<vmem>>
    %dma_wait3A_424 = tpu.memref_squeeze %dma_wait3A_423 : memref<1x1x128xi32, #tpu.memory_space<vmem>> -> memref<128xi32, #tpu.memory_space<vmem>>
    %dma_wait3A_425 = arith.constant 0 : i32
    %dma_wait3A_426 = arith.constant 0 : i32
    %dma_wait3A_427 = tpu.memref_slice %arg13[%dma_wait3A_425, %dma_wait3A_426] : memref<10240x64xf32, #tpu.memory_space<vmem_shared>> -> memref<10240x64xf32, #tpu.memory_space<vmem_shared>>
    tpu.wait_indirect_dma semaphore(%arg16 : memref<!tpu.dma_semaphore, #tpu.memory_space<semaphore_mem>>) src(%arg9 : memref<128x64xf32, #tpu.memory_space<vmem>>) dst(%dma_wait3A_427 : memref<10240x64xf32, #tpu.memory_space<vmem_shared>>)
    %dma_wait3A_428 = arith.constant 1 : i32
    %dma_wait3A_429 = arith.constant 39 : i32
    %dma_wait3A_430 = arith.constant 0 : i32
    %dma_wait3A_431 = tpu.memref_slice %arg8[%dma_wait3A_428, %dma_wait3A_429, %dma_wait3A_430] : memref<2x40x128xi32, #tpu.memory_space<vmem>> -> memref<1x1x128xi32, #tpu.memory_space<vmem>>
    %dma_wait3A_432 = tpu.memref_squeeze %dma_wait3A_431 : memref<1x1x128xi32, #tpu.memory_space<vmem>> -> memref<128xi32, #tpu.memory_space<vmem>>
    %dma_wait3A_433 = arith.constant 0 : i32
    %dma_wait3A_434 = arith.constant 0 : i32
    %dma_wait3A_435 = tpu.memref_slice %arg13[%dma_wait3A_433, %dma_wait3A_434] : memref<10240x64xf32, #tpu.memory_space<vmem_shared>> -> memref<10240x64xf32, #tpu.memory_space<vmem_shared>>
    tpu.wait_indirect_dma semaphore(%arg17 : memref<!tpu.dma_semaphore, #tpu.memory_space<semaphore_mem>>) src(%arg10 : memref<128x64xf32, #tpu.memory_space<vmem>>) dst(%dma_wait3A_435 : memref<10240x64xf32, #tpu.memory_space<vmem_shared>>)
    %barrier3A_436 = arith.constant 0 : index
    tpu.barrier barrier_id(%barrier3A_436)
    %mul3A_437 = arith.constant 640 : i32
    %mul3A_438 = arith.muli %arg1, %mul3A_437 : i32
    %mul3A_439 = arith.constant 640 : i32
    %mul3A_440 = arith.muli %arg1, %mul3A_439 : i32
    "tpu.region"() ({
      %run_scoped3A = tpu.sem_alloc : memref<!tpu.dma_semaphore, #tpu.memory_space<semaphore_mem>>
      %dma_start3A_441 = arith.constant 0 : i32
      %dma_start3A_442 = tpu.memref_slice %arg6[%arg0, %mul3A_440, %dma_start3A_441] : memref<2x10240x64xf32, #tpu.memory_space<hbm>> -> memref<1x640x64xf32, #tpu.memory_space<hbm>>
      %dma_start3A_443 = tpu.memref_squeeze %dma_start3A_442 : memref<1x640x64xf32, #tpu.memory_space<hbm>> -> memref<640x64xf32, #tpu.memory_space<hbm>>
      %dma_start3A_444 = arith.constant 0 : i32
      %dma_start3A_445 = tpu.memref_slice %arg13[%mul3A_438, %dma_start3A_444] : memref<10240x64xf32, #tpu.memory_space<vmem_shared>> -> memref<640x64xf32, #tpu.memory_space<vmem_shared>>
      tpu.enqueue_dma source(%dma_start3A_445 : memref<640x64xf32, #tpu.memory_space<vmem_shared>>) target(%dma_start3A_443 : memref<640x64xf32, #tpu.memory_space<hbm>>) target_semaphore(%run_scoped3A : memref<!tpu.dma_semaphore, #tpu.memory_space<semaphore_mem>>)
      %dma_wait3A_446 = arith.constant 0 : i32
      %dma_wait3A_447 = tpu.memref_slice %arg6[%arg0, %mul3A_440, %dma_wait3A_446] : memref<2x10240x64xf32, #tpu.memory_space<hbm>> -> memref<1x640x64xf32, #tpu.memory_space<hbm>>
      %dma_wait3A_448 = tpu.memref_squeeze %dma_wait3A_447 : memref<1x640x64xf32, #tpu.memory_space<hbm>> -> memref<640x64xf32, #tpu.memory_space<hbm>>
      %dma_wait3A_449 = arith.constant 0 : i32
      %dma_wait3A_450 = tpu.memref_slice %arg13[%mul3A_438, %dma_wait3A_449] : memref<10240x64xf32, #tpu.memory_space<vmem_shared>> -> memref<640x64xf32, #tpu.memory_space<vmem_shared>>
      tpu.wait_dma2 semaphore(%run_scoped3A : memref<!tpu.dma_semaphore, #tpu.memory_space<semaphore_mem>>) src(%dma_wait3A_450 : memref<640x64xf32, #tpu.memory_space<vmem_shared>>) dst(%dma_wait3A_448 : memref<640x64xf32, #tpu.memory_space<hbm>>)
      tpu.yield
    }) : () -> ()
    return
  }
}

#map = affine_map<(d0, d1) -> (0, 0)>
#map1 = affine_map<(d0, d1) -> (0, 0, 0)>
module attributes {stable_mosaic.version = 14 : i64} {
  func.func @_sc_aggregate(%arg0: i32, %arg1: i32, %arg2: memref<10240x64xf32, #tpu.memory_space<hbm>>, %arg3: memref<10240x64xf32, #tpu.memory_space<hbm>>, %arg4: memref<16x160x128xi32, #tpu.memory_space<hbm>>, %arg5: memref<16x160x128xi32, #tpu.memory_space<hbm>>, %arg6: memref<2x10240x64xf32, #tpu.memory_space<hbm>>, %arg7: memref<2x40x128xi32, #tpu.memory_space<vmem>>, %arg8: memref<2x40x128xi32, #tpu.memory_space<vmem>>, %arg9: memref<128x64xf32, #tpu.memory_space<vmem>>, %arg10: memref<128x64xf32, #tpu.memory_space<vmem>>, %arg11: memref<16x64xf32, #tpu.memory_space<vmem>>, %arg12: memref<10240x64xf32, #tpu.memory_space<vmem_shared>>, %arg13: memref<10240x64xf32, #tpu.memory_space<vmem_shared>>, %arg14: memref<!tpu.dma_semaphore, #tpu.memory_space<semaphore_mem>>, %arg15: memref<!tpu.dma_semaphore, #tpu.memory_space<semaphore_mem>>, %arg16: memref<!tpu.dma_semaphore, #tpu.memory_space<semaphore_mem>>, %arg17: memref<!tpu.dma_semaphore, #tpu.memory_space<semaphore_mem>>, %arg18: memref<!tpu.dma_semaphore, #tpu.memory_space<semaphore_mem>>, %arg19: memref<!tpu.dma_semaphore, #tpu.memory_space<semaphore_mem>>, %arg20: memref<!tpu.dma_semaphore, #tpu.memory_space<semaphore_mem>>, %arg21: memref<!tpu.dma_semaphore, #tpu.memory_space<semaphore_mem>>) attributes {dimension_semantics = [#tpu.dimension_semantics<core_parallel>, #tpu.dimension_semantics<subcore_parallel>], iteration_bounds = array<i64: 2, 16>, scalar_prefetch = 0 : i64, scratch_operands = 15 : i64, tpu.core_type = #tpu.core_type<sc_vector_subcore>, window_params = [{transform_indices = #map}, {transform_indices = #map}, {transform_indices = #map1}, {transform_indices = #map1}, {transform_indices = #map1}]} {
    %broadcast_in_dim3A = arith.constant 0.000000e+00 : f32
    %broadcast_in_dim3A_0 = vector.broadcast %broadcast_in_dim3A : f32 to vector<16xf32>
    %scan3A = arith.constant 0 : i32
    %scan3A_1 = arith.constant 16 : i32
    %scan3A_2 = arith.addi %scan3A, %scan3A_1 : i32
    %scan3A_3 = arith.constant 1 : i32
    scf.for %scan3A_441 = %scan3A to %scan3A_2 step %scan3A_3  : i32 {
      %mul3A_442 = arith.constant 1 : i32
      %mul3A_443 = arith.muli %scan3A_441, %mul3A_442 : i32
      %add3A = arith.constant 0 : i32
      %add3A_444 = arith.addi %add3A, %mul3A_443 : i32
      %swap3A = arith.index_cast %add3A_444 : i32 to index
      %swap3A_445 = arith.constant 0 : index
      %swap3A_446 = tpu.vector_load %arg11[%swap3A, %swap3A_445] {strides = array<i32>} : memref<16x64xf32, #tpu.memory_space<vmem>>, vector<1x16xf32>,
      %swap3A_447 = vector.shape_cast %swap3A_446 : vector<1x16xf32> to vector<16xf32>
      %swap3A_448 = vector.shape_cast %broadcast_in_dim3A_0 : vector<16xf32> to vector<1x16xf32>
      tpu.vector_store %arg11[%swap3A, %swap3A_445], %swap3A_448 {strides = array<i32>} : memref<16x64xf32, #tpu.memory_space<vmem>>, vector<1x16xf32>,
      %swap3A_449 = arith.index_cast %add3A_444 : i32 to index
      %swap3A_450 = arith.constant 16 : index
      %swap3A_451 = tpu.vector_load %arg11[%swap3A_449, %swap3A_450] {strides = array<i32>} : memref<16x64xf32, #tpu.memory_space<vmem>>, vector<1x16xf32>,
      %swap3A_452 = vector.shape_cast %swap3A_451 : vector<1x16xf32> to vector<16xf32>
      %swap3A_453 = vector.shape_cast %broadcast_in_dim3A_0 : vector<16xf32> to vector<1x16xf32>
      tpu.vector_store %arg11[%swap3A_449, %swap3A_450], %swap3A_453 {strides = array<i32>} : memref<16x64xf32, #tpu.memory_space<vmem>>, vector<1x16xf32>,
      %swap3A_454 = arith.index_cast %add3A_444 : i32 to index
      %swap3A_455 = arith.constant 32 : index
      %swap3A_456 = tpu.vector_load %arg11[%swap3A_454, %swap3A_455] {strides = array<i32>} : memref<16x64xf32, #tpu.memory_space<vmem>>, vector<1x16xf32>,
      %swap3A_457 = vector.shape_cast %swap3A_456 : vector<1x16xf32> to vector<16xf32>
      %swap3A_458 = vector.shape_cast %broadcast_in_dim3A_0 : vector<16xf32> to vector<1x16xf32>
      tpu.vector_store %arg11[%swap3A_454, %swap3A_455], %swap3A_458 {strides = array<i32>} : memref<16x64xf32, #tpu.memory_space<vmem>>, vector<1x16xf32>,
      %swap3A_459 = arith.index_cast %add3A_444 : i32 to index
      %swap3A_460 = arith.constant 48 : index
      %swap3A_461 = tpu.vector_load %arg11[%swap3A_459, %swap3A_460] {strides = array<i32>} : memref<16x64xf32, #tpu.memory_space<vmem>>, vector<1x16xf32>,
      %swap3A_462 = vector.shape_cast %swap3A_461 : vector<1x16xf32> to vector<16xf32>
      %swap3A_463 = vector.shape_cast %broadcast_in_dim3A_0 : vector<16xf32> to vector<1x16xf32>
      tpu.vector_store %arg11[%swap3A_459, %swap3A_460], %swap3A_463 {strides = array<i32>} : memref<16x64xf32, #tpu.memory_space<vmem>>, vector<1x16xf32>,
    }
    %scan3A_4 = arith.constant 16 : i32
    %scan3A_5 = arith.constant 0 : i32
    %scan3A_6 = arith.constant 40 : i32
    %scan3A_7 = arith.addi %scan3A_5, %scan3A_6 : i32
    %scan3A_8 = arith.constant 1 : i32
    scf.for %scan3A_441 = %scan3A_5 to %scan3A_7 step %scan3A_8  : i32 {
      %mul3A_442 = arith.constant 1 : i32
      %mul3A_443 = arith.muli %scan3A_441, %mul3A_442 : i32
      %add3A = arith.constant 0 : i32
      %add3A_444 = arith.addi %add3A, %mul3A_443 : i32
      %mul3A_445 = arith.constant 640 : i32
      %mul3A_446 = arith.muli %arg1, %mul3A_445 : i32
      %mul3A_447 = arith.constant 16 : i32
      %mul3A_448 = arith.muli %add3A_444, %mul3A_447 : i32
      %add3A_449 = arith.addi %mul3A_446, %mul3A_448 : i32
      "tpu.region"() ({
        %run_scoped3A = tpu.sem_alloc : memref<!tpu.dma_semaphore, #tpu.memory_space<semaphore_mem>>
        %dma_start3A_450 = arith.constant 0 : i32
        %dma_start3A_451 = tpu.memref_slice %arg13[%add3A_449, %dma_start3A_450] : memref<10240x64xf32, #tpu.memory_space<vmem_shared>> -> memref<16x64xf32, #tpu.memory_space<vmem_shared>>
        %dma_start3A_452 = arith.constant 0 : i32
        %dma_start3A_453 = tpu.memref_slice %arg13[%add3A_449, %dma_start3A_452] : memref<10240x64xf32, #tpu.memory_space<vmem_shared>> -> memref<16x64xf32, #tpu.memory_space<vmem_shared>>
        tpu.enqueue_dma source(%arg11 : memref<16x64xf32, #tpu.memory_space<vmem>>) target(%dma_start3A_453 : memref<16x64xf32, #tpu.memory_space<vmem_shared>>) target_semaphore(%run_scoped3A : memref<!tpu.dma_semaphore, #tpu.memory_space<semaphore_mem>>)
        %dma_wait3A_454 = arith.constant 0 : i32
        %dma_wait3A_455 = tpu.memref_slice %arg13[%add3A_449, %dma_wait3A_454] : memref<10240x64xf32, #tpu.memory_space<vmem_shared>> -> memref<16x64xf32, #tpu.memory_space<vmem_shared>>
        %dma_wait3A_456 = arith.constant 0 : i32
        %dma_wait3A_457 = tpu.memref_slice %arg13[%add3A_449, %dma_wait3A_456] : memref<10240x64xf32, #tpu.memory_space<vmem_shared>> -> memref<16x64xf32, #tpu.memory_space<vmem_shared>>
        tpu.wait_dma2 semaphore(%run_scoped3A : memref<!tpu.dma_semaphore, #tpu.memory_space<semaphore_mem>>) src(%arg11 : memref<16x64xf32, #tpu.memory_space<vmem>>) dst(%dma_wait3A_457 : memref<16x64xf32, #tpu.memory_space<vmem_shared>>)
        tpu.yield
      }) : () -> ()
    }
    %scan3A_9 = arith.constant 40 : i32
    %mul3A = arith.constant 640 : i32
    %mul3A_10 = arith.muli %arg1, %mul3A : i32
    %eq3A = arith.constant 0 : i32
    %eq3A_11 = arith.cmpi eq, %arg0, %eq3A : i32
    %convert_element_type3A = arith.extui %eq3A_11 : i1 to i32
    %cond3A = arith.constant 0 : i32
    %cond3A_12 = arith.cmpi ne, %convert_element_type3A, %cond3A : i32
    scf.if %cond3A_12 {
      "tpu.region"() ({
        %run_scoped3A = tpu.sem_alloc : memref<!tpu.dma_semaphore, #tpu.memory_space<semaphore_mem>>
        %dma_start3A_441 = arith.constant 0 : i32
        %dma_start3A_442 = tpu.memref_slice %arg12[%mul3A_10, %dma_start3A_441] : memref<10240x64xf32, #tpu.memory_space<vmem_shared>> -> memref<640x64xf32, #tpu.memory_space<vmem_shared>>
        %dma_start3A_443 = arith.constant 0 : i32
        %dma_start3A_444 = tpu.memref_slice %arg2[%mul3A_10, %dma_start3A_443] : memref<10240x64xf32, #tpu.memory_space<hbm>> -> memref<640x64xf32, #tpu.memory_space<hbm>>
        tpu.enqueue_dma source(%dma_start3A_444 : memref<640x64xf32, #tpu.memory_space<hbm>>) target(%dma_start3A_442 : memref<640x64xf32, #tpu.memory_space<vmem_shared>>) target_semaphore(%run_scoped3A : memref<!tpu.dma_semaphore, #tpu.memory_space<semaphore_mem>>)
        %dma_wait3A_445 = arith.constant 0 : i32
        %dma_wait3A_446 = tpu.memref_slice %arg12[%mul3A_10, %dma_wait3A_445] : memref<10240x64xf32, #tpu.memory_space<vmem_shared>> -> memref<640x64xf32, #tpu.memory_space<vmem_shared>>
        %dma_wait3A_447 = arith.constant 0 : i32
        %dma_wait3A_448 = tpu.memref_slice %arg2[%mul3A_10, %dma_wait3A_447] : memref<10240x64xf32, #tpu.memory_space<hbm>> -> memref<640x64xf32, #tpu.memory_space<hbm>>
        tpu.wait_dma2 semaphore(%run_scoped3A : memref<!tpu.dma_semaphore, #tpu.memory_space<semaphore_mem>>) src(%dma_wait3A_448 : memref<640x64xf32, #tpu.memory_space<hbm>>) dst(%dma_wait3A_446 : memref<640x64xf32, #tpu.memory_space<vmem_shared>>)
        tpu.yield
      }) : () -> ()
    } else {
    }
    %eq3A_13 = arith.constant 1 : i32
    %eq3A_14 = arith.cmpi eq, %arg0, %eq3A_13 : i32
    %convert_element_type3A_15 = arith.extui %eq3A_14 : i1 to i32
    %cond3A_16 = arith.constant 0 : i32
    %cond3A_17 = arith.cmpi ne, %convert_element_type3A_15, %cond3A_16 : i32
    scf.if %cond3A_17 {
      "tpu.region"() ({
        %run_scoped3A = tpu.sem_alloc : memref<!tpu.dma_semaphore, #tpu.memory_space<semaphore_mem>>
        %dma_start3A_441 = arith.constant 0 : i32
        %dma_start3A_442 = tpu.memref_slice %arg12[%mul3A_10, %dma_start3A_441] : memref<10240x64xf32, #tpu.memory_space<vmem_shared>> -> memref<640x64xf32, #tpu.memory_space<vmem_shared>>
        %dma_start3A_443 = arith.constant 0 : i32
        %dma_start3A_444 = tpu.memref_slice %arg3[%mul3A_10, %dma_start3A_443] : memref<10240x64xf32, #tpu.memory_space<hbm>> -> memref<640x64xf32, #tpu.memory_space<hbm>>
        tpu.enqueue_dma source(%dma_start3A_444 : memref<640x64xf32, #tpu.memory_space<hbm>>) target(%dma_start3A_442 : memref<640x64xf32, #tpu.memory_space<vmem_shared>>) target_semaphore(%run_scoped3A : memref<!tpu.dma_semaphore, #tpu.memory_space<semaphore_mem>>)
        %dma_wait3A_445 = arith.constant 0 : i32
        %dma_wait3A_446 = tpu.memref_slice %arg12[%mul3A_10, %dma_wait3A_445] : memref<10240x64xf32, #tpu.memory_space<vmem_shared>> -> memref<640x64xf32, #tpu.memory_space<vmem_shared>>
        %dma_wait3A_447 = arith.constant 0 : i32
        %dma_wait3A_448 = tpu.memref_slice %arg3[%mul3A_10, %dma_wait3A_447] : memref<10240x64xf32, #tpu.memory_space<hbm>> -> memref<640x64xf32, #tpu.memory_space<hbm>>
        tpu.wait_dma2 semaphore(%run_scoped3A : memref<!tpu.dma_semaphore, #tpu.memory_space<semaphore_mem>>) src(%dma_wait3A_448 : memref<640x64xf32, #tpu.memory_space<hbm>>) dst(%dma_wait3A_446 : memref<640x64xf32, #tpu.memory_space<vmem_shared>>)
        tpu.yield
      }) : () -> ()
    } else {
    }
    %dma_start3A = arith.constant 0 : i32
    %dma_start3A_18 = arith.constant 0 : i32
    %dma_start3A_19 = arith.constant 0 : i32
    %dma_start3A_20 = tpu.memref_slice %arg7[%dma_start3A, %dma_start3A_18, %dma_start3A_19] : memref<2x40x128xi32, #tpu.memory_space<vmem>> -> memref<1x40x128xi32, #tpu.memory_space<vmem>>
    %dma_start3A_21 = tpu.memref_squeeze %dma_start3A_20 : memref<1x40x128xi32, #tpu.memory_space<vmem>> -> memref<40x128xi32, #tpu.memory_space<vmem>>
    %dma_start3A_22 = arith.constant 0 : i32
    %dma_start3A_23 = arith.constant 0 : i32
    %dma_start3A_24 = tpu.memref_slice %arg4[%arg1, %dma_start3A_22, %dma_start3A_23] : memref<16x160x128xi32, #tpu.memory_space<hbm>> -> memref<1x40x128xi32, #tpu.memory_space<hbm>>
    %dma_start3A_25 = tpu.memref_squeeze %dma_start3A_24 : memref<1x40x128xi32, #tpu.memory_space<hbm>> -> memref<40x128xi32, #tpu.memory_space<hbm>>
    %dma_start3A_26 = arith.constant 0 : i32
    %dma_start3A_27 = arith.constant 0 : i32
    %dma_start3A_28 = tpu.memref_slice %arg7[%dma_start3A, %dma_start3A_26, %dma_start3A_27] : memref<2x40x128xi32, #tpu.memory_space<vmem>> -> memref<1x40x128xi32, #tpu.memory_space<vmem>>
    %dma_start3A_29 = tpu.memref_squeeze %dma_start3A_28 : memref<1x40x128xi32, #tpu.memory_space<vmem>> -> memref<40x128xi32, #tpu.memory_space<vmem>>
    %dma_start3A_30 = arith.constant 0 : i32
    %dma_start3A_31 = arith.constant 0 : i32
    %dma_start3A_32 = tpu.memref_slice %arg4[%arg1, %dma_start3A_30, %dma_start3A_31] : memref<16x160x128xi32, #tpu.memory_space<hbm>> -> memref<1x40x128xi32, #tpu.memory_space<hbm>>
    %dma_start3A_33 = tpu.memref_squeeze %dma_start3A_32 : memref<1x40x128xi32, #tpu.memory_space<hbm>> -> memref<40x128xi32, #tpu.memory_space<hbm>>
    tpu.enqueue_dma source(%dma_start3A_33 : memref<40x128xi32, #tpu.memory_space<hbm>>) target(%dma_start3A_29 : memref<40x128xi32, #tpu.memory_space<vmem>>) target_semaphore(%arg18 : memref<!tpu.dma_semaphore, #tpu.memory_space<semaphore_mem>>)
    %dma_start3A_34 = arith.constant 0 : i32
    %dma_start3A_35 = arith.constant 0 : i32
    %dma_start3A_36 = arith.constant 0 : i32
    %dma_start3A_37 = tpu.memref_slice %arg8[%dma_start3A_34, %dma_start3A_35, %dma_start3A_36] : memref<2x40x128xi32, #tpu.memory_space<vmem>> -> memref<1x40x128xi32, #tpu.memory_space<vmem>>
    %dma_start3A_38 = tpu.memref_squeeze %dma_start3A_37 : memref<1x40x128xi32, #tpu.memory_space<vmem>> -> memref<40x128xi32, #tpu.memory_space<vmem>>
    %dma_start3A_39 = arith.constant 0 : i32
    %dma_start3A_40 = arith.constant 0 : i32
    %dma_start3A_41 = tpu.memref_slice %arg5[%arg1, %dma_start3A_39, %dma_start3A_40] : memref<16x160x128xi32, #tpu.memory_space<hbm>> -> memref<1x40x128xi32, #tpu.memory_space<hbm>>
    %dma_start3A_42 = tpu.memref_squeeze %dma_start3A_41 : memref<1x40x128xi32, #tpu.memory_space<hbm>> -> memref<40x128xi32, #tpu.memory_space<hbm>>
    %dma_start3A_43 = arith.constant 0 : i32
    %dma_start3A_44 = arith.constant 0 : i32
    %dma_start3A_45 = tpu.memref_slice %arg8[%dma_start3A_34, %dma_start3A_43, %dma_start3A_44] : memref<2x40x128xi32, #tpu.memory_space<vmem>> -> memref<1x40x128xi32, #tpu.memory_space<vmem>>
    %dma_start3A_46 = tpu.memref_squeeze %dma_start3A_45 : memref<1x40x128xi32, #tpu.memory_space<vmem>> -> memref<40x128xi32, #tpu.memory_space<vmem>>
    %dma_start3A_47 = arith.constant 0 : i32
    %dma_start3A_48 = arith.constant 0 : i32
    %dma_start3A_49 = tpu.memref_slice %arg5[%arg1, %dma_start3A_47, %dma_start3A_48] : memref<16x160x128xi32, #tpu.memory_space<hbm>> -> memref<1x40x128xi32, #tpu.memory_space<hbm>>
    %dma_start3A_50 = tpu.memref_squeeze %dma_start3A_49 : memref<1x40x128xi32, #tpu.memory_space<hbm>> -> memref<40x128xi32, #tpu.memory_space<hbm>>
    tpu.enqueue_dma source(%dma_start3A_50 : memref<40x128xi32, #tpu.memory_space<hbm>>) target(%dma_start3A_46 : memref<40x128xi32, #tpu.memory_space<vmem>>) target_semaphore(%arg20 : memref<!tpu.dma_semaphore, #tpu.memory_space<semaphore_mem>>)
    %barrier3A = arith.constant 0 : index
    tpu.barrier barrier_id(%barrier3A)
    %dma_wait3A = arith.constant 0 : i32
    %dma_wait3A_51 = arith.constant 0 : i32
    %dma_wait3A_52 = arith.constant 0 : i32
    %dma_wait3A_53 = tpu.memref_slice %arg7[%dma_wait3A, %dma_wait3A_51, %dma_wait3A_52] : memref<2x40x128xi32, #tpu.memory_space<vmem>> -> memref<1x40x128xi32, #tpu.memory_space<vmem>>
    %dma_wait3A_54 = tpu.memref_squeeze %dma_wait3A_53 : memref<1x40x128xi32, #tpu.memory_space<vmem>> -> memref<40x128xi32, #tpu.memory_space<vmem>>
    %dma_wait3A_55 = arith.constant 0 : i32
    %dma_wait3A_56 = arith.constant 0 : i32
    %dma_wait3A_57 = tpu.memref_slice %arg4[%arg1, %dma_wait3A_55, %dma_wait3A_56] : memref<16x160x128xi32, #tpu.memory_space<hbm>> -> memref<1x40x128xi32, #tpu.memory_space<hbm>>
    %dma_wait3A_58 = tpu.memref_squeeze %dma_wait3A_57 : memref<1x40x128xi32, #tpu.memory_space<hbm>> -> memref<40x128xi32, #tpu.memory_space<hbm>>
    %dma_wait3A_59 = arith.constant 0 : i32
    %dma_wait3A_60 = arith.constant 0 : i32
    %dma_wait3A_61 = tpu.memref_slice %arg7[%dma_wait3A, %dma_wait3A_59, %dma_wait3A_60] : memref<2x40x128xi32, #tpu.memory_space<vmem>> -> memref<1x40x128xi32, #tpu.memory_space<vmem>>
    %dma_wait3A_62 = tpu.memref_squeeze %dma_wait3A_61 : memref<1x40x128xi32, #tpu.memory_space<vmem>> -> memref<40x128xi32, #tpu.memory_space<vmem>>
    %dma_wait3A_63 = arith.constant 0 : i32
    %dma_wait3A_64 = arith.constant 0 : i32
    %dma_wait3A_65 = tpu.memref_slice %arg4[%arg1, %dma_wait3A_63, %dma_wait3A_64] : memref<16x160x128xi32, #tpu.memory_space<hbm>> -> memref<1x40x128xi32, #tpu.memory_space<hbm>>
    %dma_wait3A_66 = tpu.memref_squeeze %dma_wait3A_65 : memref<1x40x128xi32, #tpu.memory_space<hbm>> -> memref<40x128xi32, #tpu.memory_space<hbm>>
    tpu.wait_dma2 semaphore(%arg18 : memref<!tpu.dma_semaphore, #tpu.memory_space<semaphore_mem>>) src(%dma_wait3A_66 : memref<40x128xi32, #tpu.memory_space<hbm>>) dst(%dma_wait3A_62 : memref<40x128xi32, #tpu.memory_space<vmem>>)
    %dma_wait3A_67 = arith.constant 0 : i32
    %dma_wait3A_68 = arith.constant 0 : i32
    %dma_wait3A_69 = arith.constant 0 : i32
    %dma_wait3A_70 = tpu.memref_slice %arg8[%dma_wait3A_67, %dma_wait3A_68, %dma_wait3A_69] : memref<2x40x128xi32, #tpu.memory_space<vmem>> -> memref<1x40x128xi32, #tpu.memory_space<vmem>>
    %dma_wait3A_71 = tpu.memref_squeeze %dma_wait3A_70 : memref<1x40x128xi32, #tpu.memory_space<vmem>> -> memref<40x128xi32, #tpu.memory_space<vmem>>
    %dma_wait3A_72 = arith.constant 0 : i32
    %dma_wait3A_73 = arith.constant 0 : i32
    %dma_wait3A_74 = tpu.memref_slice %arg5[%arg1, %dma_wait3A_72, %dma_wait3A_73] : memref<16x160x128xi32, #tpu.memory_space<hbm>> -> memref<1x40x128xi32, #tpu.memory_space<hbm>>
    %dma_wait3A_75 = tpu.memref_squeeze %dma_wait3A_74 : memref<1x40x128xi32, #tpu.memory_space<hbm>> -> memref<40x128xi32, #tpu.memory_space<hbm>>
    %dma_wait3A_76 = arith.constant 0 : i32
    %dma_wait3A_77 = arith.constant 0 : i32
    %dma_wait3A_78 = tpu.memref_slice %arg8[%dma_wait3A_67, %dma_wait3A_76, %dma_wait3A_77] : memref<2x40x128xi32, #tpu.memory_space<vmem>> -> memref<1x40x128xi32, #tpu.memory_space<vmem>>
    %dma_wait3A_79 = tpu.memref_squeeze %dma_wait3A_78 : memref<1x40x128xi32, #tpu.memory_space<vmem>> -> memref<40x128xi32, #tpu.memory_space<vmem>>
    %dma_wait3A_80 = arith.constant 0 : i32
    %dma_wait3A_81 = arith.constant 0 : i32
    %dma_wait3A_82 = tpu.memref_slice %arg5[%arg1, %dma_wait3A_80, %dma_wait3A_81] : memref<16x160x128xi32, #tpu.memory_space<hbm>> -> memref<1x40x128xi32, #tpu.memory_space<hbm>>
    %dma_wait3A_83 = tpu.memref_squeeze %dma_wait3A_82 : memref<1x40x128xi32, #tpu.memory_space<hbm>> -> memref<40x128xi32, #tpu.memory_space<hbm>>
    tpu.wait_dma2 semaphore(%arg20 : memref<!tpu.dma_semaphore, #tpu.memory_space<semaphore_mem>>) src(%dma_wait3A_83 : memref<40x128xi32, #tpu.memory_space<hbm>>) dst(%dma_wait3A_79 : memref<40x128xi32, #tpu.memory_space<vmem>>)
    %dma_start3A_84 = arith.constant 1 : i32
    %dma_start3A_85 = arith.constant 0 : i32
    %dma_start3A_86 = arith.constant 0 : i32
    %dma_start3A_87 = tpu.memref_slice %arg7[%dma_start3A_84, %dma_start3A_85, %dma_start3A_86] : memref<2x40x128xi32, #tpu.memory_space<vmem>> -> memref<1x40x128xi32, #tpu.memory_space<vmem>>
    %dma_start3A_88 = tpu.memref_squeeze %dma_start3A_87 : memref<1x40x128xi32, #tpu.memory_space<vmem>> -> memref<40x128xi32, #tpu.memory_space<vmem>>
    %dma_start3A_89 = arith.constant 40 : i32
    %dma_start3A_90 = arith.constant 0 : i32
    %dma_start3A_91 = tpu.memref_slice %arg4[%arg1, %dma_start3A_89, %dma_start3A_90] : memref<16x160x128xi32, #tpu.memory_space<hbm>> -> memref<1x40x128xi32, #tpu.memory_space<hbm>>
    %dma_start3A_92 = tpu.memref_squeeze %dma_start3A_91 : memref<1x40x128xi32, #tpu.memory_space<hbm>> -> memref<40x128xi32, #tpu.memory_space<hbm>>
    %dma_start3A_93 = arith.constant 0 : i32
    %dma_start3A_94 = arith.constant 0 : i32
    %dma_start3A_95 = tpu.memref_slice %arg7[%dma_start3A_84, %dma_start3A_93, %dma_start3A_94] : memref<2x40x128xi32, #tpu.memory_space<vmem>> -> memref<1x40x128xi32, #tpu.memory_space<vmem>>
    %dma_start3A_96 = tpu.memref_squeeze %dma_start3A_95 : memref<1x40x128xi32, #tpu.memory_space<vmem>> -> memref<40x128xi32, #tpu.memory_space<vmem>>
    %dma_start3A_97 = arith.constant 40 : i32
    %dma_start3A_98 = arith.constant 0 : i32
    %dma_start3A_99 = tpu.memref_slice %arg4[%arg1, %dma_start3A_97, %dma_start3A_98] : memref<16x160x128xi32, #tpu.memory_space<hbm>> -> memref<1x40x128xi32, #tpu.memory_space<hbm>>
    %dma_start3A_100 = tpu.memref_squeeze %dma_start3A_99 : memref<1x40x128xi32, #tpu.memory_space<hbm>> -> memref<40x128xi32, #tpu.memory_space<hbm>>
    tpu.enqueue_dma source(%dma_start3A_100 : memref<40x128xi32, #tpu.memory_space<hbm>>) target(%dma_start3A_96 : memref<40x128xi32, #tpu.memory_space<vmem>>) target_semaphore(%arg19 : memref<!tpu.dma_semaphore, #tpu.memory_space<semaphore_mem>>)
    %dma_start3A_101 = arith.constant 1 : i32
    %dma_start3A_102 = arith.constant 0 : i32
    %dma_start3A_103 = arith.constant 0 : i32
    %dma_start3A_104 = tpu.memref_slice %arg8[%dma_start3A_101, %dma_start3A_102, %dma_start3A_103] : memref<2x40x128xi32, #tpu.memory_space<vmem>> -> memref<1x40x128xi32, #tpu.memory_space<vmem>>
    %dma_start3A_105 = tpu.memref_squeeze %dma_start3A_104 : memref<1x40x128xi32, #tpu.memory_space<vmem>> -> memref<40x128xi32, #tpu.memory_space<vmem>>
    %dma_start3A_106 = arith.constant 40 : i32
    %dma_start3A_107 = arith.constant 0 : i32
    %dma_start3A_108 = tpu.memref_slice %arg5[%arg1, %dma_start3A_106, %dma_start3A_107] : memref<16x160x128xi32, #tpu.memory_space<hbm>> -> memref<1x40x128xi32, #tpu.memory_space<hbm>>
    %dma_start3A_109 = tpu.memref_squeeze %dma_start3A_108 : memref<1x40x128xi32, #tpu.memory_space<hbm>> -> memref<40x128xi32, #tpu.memory_space<hbm>>
    %dma_start3A_110 = arith.constant 0 : i32
    %dma_start3A_111 = arith.constant 0 : i32
    %dma_start3A_112 = tpu.memref_slice %arg8[%dma_start3A_101, %dma_start3A_110, %dma_start3A_111] : memref<2x40x128xi32, #tpu.memory_space<vmem>> -> memref<1x40x128xi32, #tpu.memory_space<vmem>>
    %dma_start3A_113 = tpu.memref_squeeze %dma_start3A_112 : memref<1x40x128xi32, #tpu.memory_space<vmem>> -> memref<40x128xi32, #tpu.memory_space<vmem>>
    %dma_start3A_114 = arith.constant 40 : i32
    %dma_start3A_115 = arith.constant 0 : i32
    %dma_start3A_116 = tpu.memref_slice %arg5[%arg1, %dma_start3A_114, %dma_start3A_115] : memref<16x160x128xi32, #tpu.memory_space<hbm>> -> memref<1x40x128xi32, #tpu.memory_space<hbm>>
    %dma_start3A_117 = tpu.memref_squeeze %dma_start3A_116 : memref<1x40x128xi32, #tpu.memory_space<hbm>> -> memref<40x128xi32, #tpu.memory_space<hbm>>
    tpu.enqueue_dma source(%dma_start3A_117 : memref<40x128xi32, #tpu.memory_space<hbm>>) target(%dma_start3A_113 : memref<40x128xi32, #tpu.memory_space<vmem>>) target_semaphore(%arg21 : memref<!tpu.dma_semaphore, #tpu.memory_space<semaphore_mem>>)
    %dma_start3A_118 = arith.constant 0 : i32
    %dma_start3A_119 = arith.constant 0 : i32
    %dma_start3A_120 = arith.constant 0 : i32
    %dma_start3A_121 = tpu.memref_slice %arg7[%dma_start3A_118, %dma_start3A_119, %dma_start3A_120] : memref<2x40x128xi32, #tpu.memory_space<vmem>> -> memref<1x1x128xi32, #tpu.memory_space<vmem>>
    %dma_start3A_122 = tpu.memref_squeeze %dma_start3A_121 : memref<1x1x128xi32, #tpu.memory_space<vmem>> -> memref<128xi32, #tpu.memory_space<vmem>>
    %dma_start3A_123 = arith.constant 0 : i32
    %dma_start3A_124 = arith.constant 0 : i32
    %dma_start3A_125 = tpu.memref_slice %arg12[%dma_start3A_123, %dma_start3A_124] : memref<10240x64xf32, #tpu.memory_space<vmem_shared>> -> memref<10240x64xf32, #tpu.memory_space<vmem_shared>>
    tpu.enqueue_indirect_dma source(%dma_start3A_125 : memref<10240x64xf32, #tpu.memory_space<vmem_shared>>) target(%arg9 : memref<128x64xf32, #tpu.memory_space<vmem>>) offsets(%dma_start3A_122 : memref<128xi32, #tpu.memory_space<vmem>>) semaphore(%arg14 : memref<!tpu.dma_semaphore, #tpu.memory_space<semaphore_mem>>)
    %dma_start3A_126 = arith.constant 0 : i32
    %dma_start3A_127 = arith.constant 1 : i32
    %dma_start3A_128 = arith.constant 0 : i32
    %dma_start3A_129 = tpu.memref_slice %arg7[%dma_start3A_126, %dma_start3A_127, %dma_start3A_128] : memref<2x40x128xi32, #tpu.memory_space<vmem>> -> memref<1x1x128xi32, #tpu.memory_space<vmem>>
    %dma_start3A_130 = tpu.memref_squeeze %dma_start3A_129 : memref<1x1x128xi32, #tpu.memory_space<vmem>> -> memref<128xi32, #tpu.memory_space<vmem>>
    %dma_start3A_131 = arith.constant 0 : i32
    %dma_start3A_132 = arith.constant 0 : i32
    %dma_start3A_133 = tpu.memref_slice %arg12[%dma_start3A_131, %dma_start3A_132] : memref<10240x64xf32, #tpu.memory_space<vmem_shared>> -> memref<10240x64xf32, #tpu.memory_space<vmem_shared>>
    tpu.enqueue_indirect_dma source(%dma_start3A_133 : memref<10240x64xf32, #tpu.memory_space<vmem_shared>>) target(%arg10 : memref<128x64xf32, #tpu.memory_space<vmem>>) offsets(%dma_start3A_130 : memref<128xi32, #tpu.memory_space<vmem>>) semaphore(%arg15 : memref<!tpu.dma_semaphore, #tpu.memory_space<semaphore_mem>>)
    %scan3A_134 = arith.constant 0 : i32
    %scan3A_135 = arith.constant 20 : i32
    %scan3A_136 = arith.addi %scan3A_134, %scan3A_135 : i32
    %scan3A_137 = arith.constant 1 : i32
    scf.for %scan3A_441 = %scan3A_134 to %scan3A_136 step %scan3A_137  : i32 {
      %mul3A_442 = arith.constant 1 : i32
      %mul3A_443 = arith.muli %scan3A_441, %mul3A_442 : i32
      %add3A = arith.constant 0 : i32
      %add3A_444 = arith.addi %add3A, %mul3A_443 : i32
      %mul3A_445 = arith.constant 2 : i32
      %mul3A_446 = arith.muli %add3A_444, %mul3A_445 : i32
      %add3A_447 = arith.constant 0 : i32
      %add3A_448 = arith.addi %mul3A_446, %add3A_447 : i32
      %dma_wait3A_449 = arith.constant 0 : i32
      %dma_wait3A_450 = arith.constant 0 : i32
      %dma_wait3A_451 = tpu.memref_slice %arg7[%dma_wait3A_449, %add3A_448, %dma_wait3A_450] : memref<2x40x128xi32, #tpu.memory_space<vmem>> -> memref<1x1x128xi32, #tpu.memory_space<vmem>>
      %dma_wait3A_452 = tpu.memref_squeeze %dma_wait3A_451 : memref<1x1x128xi32, #tpu.memory_space<vmem>> -> memref<128xi32, #tpu.memory_space<vmem>>
      %dma_wait3A_453 = arith.constant 0 : i32
      %dma_wait3A_454 = arith.constant 0 : i32
      %dma_wait3A_455 = tpu.memref_slice %arg12[%dma_wait3A_453, %dma_wait3A_454] : memref<10240x64xf32, #tpu.memory_space<vmem_shared>> -> memref<10240x64xf32, #tpu.memory_space<vmem_shared>>
      tpu.wait_indirect_dma semaphore(%arg14 : memref<!tpu.dma_semaphore, #tpu.memory_space<semaphore_mem>>) src(%dma_wait3A_455 : memref<10240x64xf32, #tpu.memory_space<vmem_shared>>) dst(%arg9 : memref<128x64xf32, #tpu.memory_space<vmem>>)
      %add3A_456 = arith.constant 0 : i32
      %add3A_457 = arith.addi %mul3A_446, %add3A_456 : i32
      %dma_start3A_458 = arith.constant 0 : i32
      %dma_start3A_459 = arith.constant 0 : i32
      %dma_start3A_460 = tpu.memref_slice %arg8[%dma_start3A_458, %add3A_457, %dma_start3A_459] : memref<2x40x128xi32, #tpu.memory_space<vmem>> -> memref<1x1x128xi32, #tpu.memory_space<vmem>>
      %dma_start3A_461 = tpu.memref_squeeze %dma_start3A_460 : memref<1x1x128xi32, #tpu.memory_space<vmem>> -> memref<128xi32, #tpu.memory_space<vmem>>
      %dma_start3A_462 = arith.constant 0 : i32
      %dma_start3A_463 = arith.constant 0 : i32
      %dma_start3A_464 = tpu.memref_slice %arg13[%dma_start3A_462, %dma_start3A_463] : memref<10240x64xf32, #tpu.memory_space<vmem_shared>> -> memref<10240x64xf32, #tpu.memory_space<vmem_shared>>
      tpu.enqueue_indirect_dma source(%arg9 : memref<128x64xf32, #tpu.memory_space<vmem>>) target(%dma_start3A_464 : memref<10240x64xf32, #tpu.memory_space<vmem_shared>>) offsets(%dma_start3A_461 : memref<128xi32, #tpu.memory_space<vmem>>) semaphore(%arg16 : memref<!tpu.dma_semaphore, #tpu.memory_space<semaphore_mem>>) {add = true}
      %add3A_465 = arith.constant 1 : i32
      %add3A_466 = arith.addi %mul3A_446, %add3A_465 : i32
      %dma_wait3A_467 = arith.constant 0 : i32
      %dma_wait3A_468 = arith.constant 0 : i32
      %dma_wait3A_469 = tpu.memref_slice %arg7[%dma_wait3A_467, %add3A_466, %dma_wait3A_468] : memref<2x40x128xi32, #tpu.memory_space<vmem>> -> memref<1x1x128xi32, #tpu.memory_space<vmem>>
      %dma_wait3A_470 = tpu.memref_squeeze %dma_wait3A_469 : memref<1x1x128xi32, #tpu.memory_space<vmem>> -> memref<128xi32, #tpu.memory_space<vmem>>
      %dma_wait3A_471 = arith.constant 0 : i32
      %dma_wait3A_472 = arith.constant 0 : i32
      %dma_wait3A_473 = tpu.memref_slice %arg12[%dma_wait3A_471, %dma_wait3A_472] : memref<10240x64xf32, #tpu.memory_space<vmem_shared>> -> memref<10240x64xf32, #tpu.memory_space<vmem_shared>>
      tpu.wait_indirect_dma semaphore(%arg15 : memref<!tpu.dma_semaphore, #tpu.memory_space<semaphore_mem>>) src(%dma_wait3A_473 : memref<10240x64xf32, #tpu.memory_space<vmem_shared>>) dst(%arg10 : memref<128x64xf32, #tpu.memory_space<vmem>>)
      %add3A_474 = arith.constant 1 : i32
      %add3A_475 = arith.addi %mul3A_446, %add3A_474 : i32
      %dma_start3A_476 = arith.constant 0 : i32
      %dma_start3A_477 = arith.constant 0 : i32
      %dma_start3A_478 = tpu.memref_slice %arg8[%dma_start3A_476, %add3A_475, %dma_start3A_477] : memref<2x40x128xi32, #tpu.memory_space<vmem>> -> memref<1x1x128xi32, #tpu.memory_space<vmem>>
      %dma_start3A_479 = tpu.memref_squeeze %dma_start3A_478 : memref<1x1x128xi32, #tpu.memory_space<vmem>> -> memref<128xi32, #tpu.memory_space<vmem>>
      %dma_start3A_480 = arith.constant 0 : i32
      %dma_start3A_481 = arith.constant 0 : i32
      %dma_start3A_482 = tpu.memref_slice %arg13[%dma_start3A_480, %dma_start3A_481] : memref<10240x64xf32, #tpu.memory_space<vmem_shared>> -> memref<10240x64xf32, #tpu.memory_space<vmem_shared>>
      tpu.enqueue_indirect_dma source(%arg10 : memref<128x64xf32, #tpu.memory_space<vmem>>) target(%dma_start3A_482 : memref<10240x64xf32, #tpu.memory_space<vmem_shared>>) offsets(%dma_start3A_479 : memref<128xi32, #tpu.memory_space<vmem>>) semaphore(%arg17 : memref<!tpu.dma_semaphore, #tpu.memory_space<semaphore_mem>>) {add = true}
      %add3A_483 = arith.constant 1 : i32
      %add3A_484 = arith.addi %add3A_444, %add3A_483 : i32
      %lt3A = arith.constant 20 : i32
      %lt3A_485 = arith.cmpi slt, %add3A_484, %lt3A : i32
      %convert_element_type3A_486 = arith.extui %lt3A_485 : i1 to i32
      %cond3A_487 = arith.constant 0 : i32
      %cond3A_488 = arith.cmpi ne, %convert_element_type3A_486, %cond3A_487 : i32
      scf.if %cond3A_488 {
        %add3A_496 = arith.constant 0 : i32
        %add3A_497 = arith.addi %mul3A_446, %add3A_496 : i32
        %dma_wait3A_498 = arith.constant 0 : i32
        %dma_wait3A_499 = arith.constant 0 : i32
        %dma_wait3A_500 = tpu.memref_slice %arg8[%dma_wait3A_498, %add3A_497, %dma_wait3A_499] : memref<2x40x128xi32, #tpu.memory_space<vmem>> -> memref<1x1x128xi32, #tpu.memory_space<vmem>>
        %dma_wait3A_501 = tpu.memref_squeeze %dma_wait3A_500 : memref<1x1x128xi32, #tpu.memory_space<vmem>> -> memref<128xi32, #tpu.memory_space<vmem>>
        %dma_wait3A_502 = arith.constant 0 : i32
        %dma_wait3A_503 = arith.constant 0 : i32
        %dma_wait3A_504 = tpu.memref_slice %arg13[%dma_wait3A_502, %dma_wait3A_503] : memref<10240x64xf32, #tpu.memory_space<vmem_shared>> -> memref<10240x64xf32, #tpu.memory_space<vmem_shared>>
        tpu.wait_indirect_dma semaphore(%arg16 : memref<!tpu.dma_semaphore, #tpu.memory_space<semaphore_mem>>) src(%arg9 : memref<128x64xf32, #tpu.memory_space<vmem>>) dst(%dma_wait3A_504 : memref<10240x64xf32, #tpu.memory_space<vmem_shared>>)
        %add3A_505 = arith.constant 2 : i32
        %add3A_506 = arith.addi %mul3A_446, %add3A_505 : i32
        %add3A_507 = arith.constant 0 : i32
        %add3A_508 = arith.addi %add3A_506, %add3A_507 : i32
        %dma_start3A_509 = arith.constant 0 : i32
        %dma_start3A_510 = arith.constant 0 : i32
        %dma_start3A_511 = tpu.memref_slice %arg7[%dma_start3A_509, %add3A_508, %dma_start3A_510] : memref<2x40x128xi32, #tpu.memory_space<vmem>> -> memref<1x1x128xi32, #tpu.memory_space<vmem>>
        %dma_start3A_512 = tpu.memref_squeeze %dma_start3A_511 : memref<1x1x128xi32, #tpu.memory_space<vmem>> -> memref<128xi32, #tpu.memory_space<vmem>>
        %dma_start3A_513 = arith.constant 0 : i32
        %dma_start3A_514 = arith.constant 0 : i32
        %dma_start3A_515 = tpu.memref_slice %arg12[%dma_start3A_513, %dma_start3A_514] : memref<10240x64xf32, #tpu.memory_space<vmem_shared>> -> memref<10240x64xf32, #tpu.memory_space<vmem_shared>>
        tpu.enqueue_indirect_dma source(%dma_start3A_515 : memref<10240x64xf32, #tpu.memory_space<vmem_shared>>) target(%arg9 : memref<128x64xf32, #tpu.memory_space<vmem>>) offsets(%dma_start3A_512 : memref<128xi32, #tpu.memory_space<vmem>>) semaphore(%arg14 : memref<!tpu.dma_semaphore, #tpu.memory_space<semaphore_mem>>)
      } else {
      }
      %add3A_489 = arith.constant 1 : i32
      %add3A_490 = arith.addi %add3A_444, %add3A_489 : i32
      %lt3A_491 = arith.constant 20 : i32
      %lt3A_492 = arith.cmpi slt, %add3A_490, %lt3A_491 : i32
      %convert_element_type3A_493 = arith.extui %lt3A_492 : i1 to i32
      %cond3A_494 = arith.constant 0 : i32
      %cond3A_495 = arith.cmpi ne, %convert_element_type3A_493, %cond3A_494 : i32
      scf.if %cond3A_495 {
        %add3A_496 = arith.constant 1 : i32
        %add3A_497 = arith.addi %mul3A_446, %add3A_496 : i32
        %dma_wait3A_498 = arith.constant 0 : i32
        %dma_wait3A_499 = arith.constant 0 : i32
        %dma_wait3A_500 = tpu.memref_slice %arg8[%dma_wait3A_498, %add3A_497, %dma_wait3A_499] : memref<2x40x128xi32, #tpu.memory_space<vmem>> -> memref<1x1x128xi32, #tpu.memory_space<vmem>>
        %dma_wait3A_501 = tpu.memref_squeeze %dma_wait3A_500 : memref<1x1x128xi32, #tpu.memory_space<vmem>> -> memref<128xi32, #tpu.memory_space<vmem>>
        %dma_wait3A_502 = arith.constant 0 : i32
        %dma_wait3A_503 = arith.constant 0 : i32
        %dma_wait3A_504 = tpu.memref_slice %arg13[%dma_wait3A_502, %dma_wait3A_503] : memref<10240x64xf32, #tpu.memory_space<vmem_shared>> -> memref<10240x64xf32, #tpu.memory_space<vmem_shared>>
        tpu.wait_indirect_dma semaphore(%arg17 : memref<!tpu.dma_semaphore, #tpu.memory_space<semaphore_mem>>) src(%arg10 : memref<128x64xf32, #tpu.memory_space<vmem>>) dst(%dma_wait3A_504 : memref<10240x64xf32, #tpu.memory_space<vmem_shared>>)
        %add3A_505 = arith.constant 2 : i32
        %add3A_506 = arith.addi %mul3A_446, %add3A_505 : i32
        %add3A_507 = arith.constant 1 : i32
        %add3A_508 = arith.addi %add3A_506, %add3A_507 : i32
        %dma_start3A_509 = arith.constant 0 : i32
        %dma_start3A_510 = arith.constant 0 : i32
        %dma_start3A_511 = tpu.memref_slice %arg7[%dma_start3A_509, %add3A_508, %dma_start3A_510] : memref<2x40x128xi32, #tpu.memory_space<vmem>> -> memref<1x1x128xi32, #tpu.memory_space<vmem>>
        %dma_start3A_512 = tpu.memref_squeeze %dma_start3A_511 : memref<1x1x128xi32, #tpu.memory_space<vmem>> -> memref<128xi32, #tpu.memory_space<vmem>>
        %dma_start3A_513 = arith.constant 0 : i32
        %dma_start3A_514 = arith.constant 0 : i32
        %dma_start3A_515 = tpu.memref_slice %arg12[%dma_start3A_513, %dma_start3A_514] : memref<10240x64xf32, #tpu.memory_space<vmem_shared>> -> memref<10240x64xf32, #tpu.memory_space<vmem_shared>>
        tpu.enqueue_indirect_dma source(%dma_start3A_515 : memref<10240x64xf32, #tpu.memory_space<vmem_shared>>) target(%arg10 : memref<128x64xf32, #tpu.memory_space<vmem>>) offsets(%dma_start3A_512 : memref<128xi32, #tpu.memory_space<vmem>>) semaphore(%arg15 : memref<!tpu.dma_semaphore, #tpu.memory_space<semaphore_mem>>)
      } else {
      }
    }
    %scan3A_138 = arith.constant 20 : i32
    %dma_wait3A_139 = arith.constant 0 : i32
    %dma_wait3A_140 = arith.constant 38 : i32
    %dma_wait3A_141 = arith.constant 0 : i32
    %dma_wait3A_142 = tpu.memref_slice %arg8[%dma_wait3A_139, %dma_wait3A_140, %dma_wait3A_141] : memref<2x40x128xi32, #tpu.memory_space<vmem>> -> memref<1x1x128xi32, #tpu.memory_space<vmem>>
    %dma_wait3A_143 = tpu.memref_squeeze %dma_wait3A_142 : memref<1x1x128xi32, #tpu.memory_space<vmem>> -> memref<128xi32, #tpu.memory_space<vmem>>
    %dma_wait3A_144 = arith.constant 0 : i32
    %dma_wait3A_145 = arith.constant 0 : i32
    %dma_wait3A_146 = tpu.memref_slice %arg13[%dma_wait3A_144, %dma_wait3A_145] : memref<10240x64xf32, #tpu.memory_space<vmem_shared>> -> memref<10240x64xf32, #tpu.memory_space<vmem_shared>>
    tpu.wait_indirect_dma semaphore(%arg16 : memref<!tpu.dma_semaphore, #tpu.memory_space<semaphore_mem>>) src(%arg9 : memref<128x64xf32, #tpu.memory_space<vmem>>) dst(%dma_wait3A_146 : memref<10240x64xf32, #tpu.memory_space<vmem_shared>>)
    %dma_wait3A_147 = arith.constant 0 : i32
    %dma_wait3A_148 = arith.constant 39 : i32
    %dma_wait3A_149 = arith.constant 0 : i32
    %dma_wait3A_150 = tpu.memref_slice %arg8[%dma_wait3A_147, %dma_wait3A_148, %dma_wait3A_149] : memref<2x40x128xi32, #tpu.memory_space<vmem>> -> memref<1x1x128xi32, #tpu.memory_space<vmem>>
    %dma_wait3A_151 = tpu.memref_squeeze %dma_wait3A_150 : memref<1x1x128xi32, #tpu.memory_space<vmem>> -> memref<128xi32, #tpu.memory_space<vmem>>
    %dma_wait3A_152 = arith.constant 0 : i32
    %dma_wait3A_153 = arith.constant 0 : i32
    %dma_wait3A_154 = tpu.memref_slice %arg13[%dma_wait3A_152, %dma_wait3A_153] : memref<10240x64xf32, #tpu.memory_space<vmem_shared>> -> memref<10240x64xf32, #tpu.memory_space<vmem_shared>>
    tpu.wait_indirect_dma semaphore(%arg17 : memref<!tpu.dma_semaphore, #tpu.memory_space<semaphore_mem>>) src(%arg10 : memref<128x64xf32, #tpu.memory_space<vmem>>) dst(%dma_wait3A_154 : memref<10240x64xf32, #tpu.memory_space<vmem_shared>>)
    %dma_wait3A_155 = arith.constant 1 : i32
    %dma_wait3A_156 = arith.constant 0 : i32
    %dma_wait3A_157 = arith.constant 0 : i32
    %dma_wait3A_158 = tpu.memref_slice %arg7[%dma_wait3A_155, %dma_wait3A_156, %dma_wait3A_157] : memref<2x40x128xi32, #tpu.memory_space<vmem>> -> memref<1x40x128xi32, #tpu.memory_space<vmem>>
    %dma_wait3A_159 = tpu.memref_squeeze %dma_wait3A_158 : memref<1x40x128xi32, #tpu.memory_space<vmem>> -> memref<40x128xi32, #tpu.memory_space<vmem>>
    %dma_wait3A_160 = arith.constant 40 : i32
    %dma_wait3A_161 = arith.constant 0 : i32
    %dma_wait3A_162 = tpu.memref_slice %arg4[%arg1, %dma_wait3A_160, %dma_wait3A_161] : memref<16x160x128xi32, #tpu.memory_space<hbm>> -> memref<1x40x128xi32, #tpu.memory_space<hbm>>
    %dma_wait3A_163 = tpu.memref_squeeze %dma_wait3A_162 : memref<1x40x128xi32, #tpu.memory_space<hbm>> -> memref<40x128xi32, #tpu.memory_space<hbm>>
    %dma_wait3A_164 = arith.constant 0 : i32
    %dma_wait3A_165 = arith.constant 0 : i32
    %dma_wait3A_166 = tpu.memref_slice %arg7[%dma_wait3A_155, %dma_wait3A_164, %dma_wait3A_165] : memref<2x40x128xi32, #tpu.memory_space<vmem>> -> memref<1x40x128xi32, #tpu.memory_space<vmem>>
    %dma_wait3A_167 = tpu.memref_squeeze %dma_wait3A_166 : memref<1x40x128xi32, #tpu.memory_space<vmem>> -> memref<40x128xi32, #tpu.memory_space<vmem>>
    %dma_wait3A_168 = arith.constant 40 : i32
    %dma_wait3A_169 = arith.constant 0 : i32
    %dma_wait3A_170 = tpu.memref_slice %arg4[%arg1, %dma_wait3A_168, %dma_wait3A_169] : memref<16x160x128xi32, #tpu.memory_space<hbm>> -> memref<1x40x128xi32, #tpu.memory_space<hbm>>
    %dma_wait3A_171 = tpu.memref_squeeze %dma_wait3A_170 : memref<1x40x128xi32, #tpu.memory_space<hbm>> -> memref<40x128xi32, #tpu.memory_space<hbm>>
    tpu.wait_dma2 semaphore(%arg19 : memref<!tpu.dma_semaphore, #tpu.memory_space<semaphore_mem>>) src(%dma_wait3A_171 : memref<40x128xi32, #tpu.memory_space<hbm>>) dst(%dma_wait3A_167 : memref<40x128xi32, #tpu.memory_space<vmem>>)
    %dma_wait3A_172 = arith.constant 1 : i32
    %dma_wait3A_173 = arith.constant 0 : i32
    %dma_wait3A_174 = arith.constant 0 : i32
    %dma_wait3A_175 = tpu.memref_slice %arg8[%dma_wait3A_172, %dma_wait3A_173, %dma_wait3A_174] : memref<2x40x128xi32, #tpu.memory_space<vmem>> -> memref<1x40x128xi32, #tpu.memory_space<vmem>>
    %dma_wait3A_176 = tpu.memref_squeeze %dma_wait3A_175 : memref<1x40x128xi32, #tpu.memory_space<vmem>> -> memref<40x128xi32, #tpu.memory_space<vmem>>
    %dma_wait3A_177 = arith.constant 40 : i32
    %dma_wait3A_178 = arith.constant 0 : i32
    %dma_wait3A_179 = tpu.memref_slice %arg5[%arg1, %dma_wait3A_177, %dma_wait3A_178] : memref<16x160x128xi32, #tpu.memory_space<hbm>> -> memref<1x40x128xi32, #tpu.memory_space<hbm>>
    %dma_wait3A_180 = tpu.memref_squeeze %dma_wait3A_179 : memref<1x40x128xi32, #tpu.memory_space<hbm>> -> memref<40x128xi32, #tpu.memory_space<hbm>>
    %dma_wait3A_181 = arith.constant 0 : i32
    %dma_wait3A_182 = arith.constant 0 : i32
    %dma_wait3A_183 = tpu.memref_slice %arg8[%dma_wait3A_172, %dma_wait3A_181, %dma_wait3A_182] : memref<2x40x128xi32, #tpu.memory_space<vmem>> -> memref<1x40x128xi32, #tpu.memory_space<vmem>>
    %dma_wait3A_184 = tpu.memref_squeeze %dma_wait3A_183 : memref<1x40x128xi32, #tpu.memory_space<vmem>> -> memref<40x128xi32, #tpu.memory_space<vmem>>
    %dma_wait3A_185 = arith.constant 40 : i32
    %dma_wait3A_186 = arith.constant 0 : i32
    %dma_wait3A_187 = tpu.memref_slice %arg5[%arg1, %dma_wait3A_185, %dma_wait3A_186] : memref<16x160x128xi32, #tpu.memory_space<hbm>> -> memref<1x40x128xi32, #tpu.memory_space<hbm>>
    %dma_wait3A_188 = tpu.memref_squeeze %dma_wait3A_187 : memref<1x40x128xi32, #tpu.memory_space<hbm>> -> memref<40x128xi32, #tpu.memory_space<hbm>>
    tpu.wait_dma2 semaphore(%arg21 : memref<!tpu.dma_semaphore, #tpu.memory_space<semaphore_mem>>) src(%dma_wait3A_188 : memref<40x128xi32, #tpu.memory_space<hbm>>) dst(%dma_wait3A_184 : memref<40x128xi32, #tpu.memory_space<vmem>>)
    %dma_start3A_189 = arith.constant 0 : i32
    %dma_start3A_190 = arith.constant 0 : i32
    %dma_start3A_191 = arith.constant 0 : i32
    %dma_start3A_192 = tpu.memref_slice %arg7[%dma_start3A_189, %dma_start3A_190, %dma_start3A_191] : memref<2x40x128xi32, #tpu.memory_space<vmem>> -> memref<1x40x128xi32, #tpu.memory_space<vmem>>
    %dma_start3A_193 = tpu.memref_squeeze %dma_start3A_192 : memref<1x40x128xi32, #tpu.memory_space<vmem>> -> memref<40x128xi32, #tpu.memory_space<vmem>>
    %dma_start3A_194 = arith.constant 80 : i32
    %dma_start3A_195 = arith.constant 0 : i32
    %dma_start3A_196 = tpu.memref_slice %arg4[%arg1, %dma_start3A_194, %dma_start3A_195] : memref<16x160x128xi32, #tpu.memory_space<hbm>> -> memref<1x40x128xi32, #tpu.memory_space<hbm>>
    %dma_start3A_197 = tpu.memref_squeeze %dma_start3A_196 : memref<1x40x128xi32, #tpu.memory_space<hbm>> -> memref<40x128xi32, #tpu.memory_space<hbm>>
    %dma_start3A_198 = arith.constant 0 : i32
    %dma_start3A_199 = arith.constant 0 : i32
    %dma_start3A_200 = tpu.memref_slice %arg7[%dma_start3A_189, %dma_start3A_198, %dma_start3A_199] : memref<2x40x128xi32, #tpu.memory_space<vmem>> -> memref<1x40x128xi32, #tpu.memory_space<vmem>>
    %dma_start3A_201 = tpu.memref_squeeze %dma_start3A_200 : memref<1x40x128xi32, #tpu.memory_space<vmem>> -> memref<40x128xi32, #tpu.memory_space<vmem>>
    %dma_start3A_202 = arith.constant 80 : i32
    %dma_start3A_203 = arith.constant 0 : i32
    %dma_start3A_204 = tpu.memref_slice %arg4[%arg1, %dma_start3A_202, %dma_start3A_203] : memref<16x160x128xi32, #tpu.memory_space<hbm>> -> memref<1x40x128xi32, #tpu.memory_space<hbm>>
    %dma_start3A_205 = tpu.memref_squeeze %dma_start3A_204 : memref<1x40x128xi32, #tpu.memory_space<hbm>> -> memref<40x128xi32, #tpu.memory_space<hbm>>
    tpu.enqueue_dma source(%dma_start3A_205 : memref<40x128xi32, #tpu.memory_space<hbm>>) target(%dma_start3A_201 : memref<40x128xi32, #tpu.memory_space<vmem>>) target_semaphore(%arg18 : memref<!tpu.dma_semaphore, #tpu.memory_space<semaphore_mem>>)
    %dma_start3A_206 = arith.constant 0 : i32
    %dma_start3A_207 = arith.constant 0 : i32
    %dma_start3A_208 = arith.constant 0 : i32
    %dma_start3A_209 = tpu.memref_slice %arg8[%dma_start3A_206, %dma_start3A_207, %dma_start3A_208] : memref<2x40x128xi32, #tpu.memory_space<vmem>> -> memref<1x40x128xi32, #tpu.memory_space<vmem>>
    %dma_start3A_210 = tpu.memref_squeeze %dma_start3A_209 : memref<1x40x128xi32, #tpu.memory_space<vmem>> -> memref<40x128xi32, #tpu.memory_space<vmem>>
    %dma_start3A_211 = arith.constant 80 : i32
    %dma_start3A_212 = arith.constant 0 : i32
    %dma_start3A_213 = tpu.memref_slice %arg5[%arg1, %dma_start3A_211, %dma_start3A_212] : memref<16x160x128xi32, #tpu.memory_space<hbm>> -> memref<1x40x128xi32, #tpu.memory_space<hbm>>
    %dma_start3A_214 = tpu.memref_squeeze %dma_start3A_213 : memref<1x40x128xi32, #tpu.memory_space<hbm>> -> memref<40x128xi32, #tpu.memory_space<hbm>>
    %dma_start3A_215 = arith.constant 0 : i32
    %dma_start3A_216 = arith.constant 0 : i32
    %dma_start3A_217 = tpu.memref_slice %arg8[%dma_start3A_206, %dma_start3A_215, %dma_start3A_216] : memref<2x40x128xi32, #tpu.memory_space<vmem>> -> memref<1x40x128xi32, #tpu.memory_space<vmem>>
    %dma_start3A_218 = tpu.memref_squeeze %dma_start3A_217 : memref<1x40x128xi32, #tpu.memory_space<vmem>> -> memref<40x128xi32, #tpu.memory_space<vmem>>
    %dma_start3A_219 = arith.constant 80 : i32
    %dma_start3A_220 = arith.constant 0 : i32
    %dma_start3A_221 = tpu.memref_slice %arg5[%arg1, %dma_start3A_219, %dma_start3A_220] : memref<16x160x128xi32, #tpu.memory_space<hbm>> -> memref<1x40x128xi32, #tpu.memory_space<hbm>>
    %dma_start3A_222 = tpu.memref_squeeze %dma_start3A_221 : memref<1x40x128xi32, #tpu.memory_space<hbm>> -> memref<40x128xi32, #tpu.memory_space<hbm>>
    tpu.enqueue_dma source(%dma_start3A_222 : memref<40x128xi32, #tpu.memory_space<hbm>>) target(%dma_start3A_218 : memref<40x128xi32, #tpu.memory_space<vmem>>) target_semaphore(%arg20 : memref<!tpu.dma_semaphore, #tpu.memory_space<semaphore_mem>>)
    %dma_start3A_223 = arith.constant 1 : i32
    %dma_start3A_224 = arith.constant 0 : i32
    %dma_start3A_225 = arith.constant 0 : i32
    %dma_start3A_226 = tpu.memref_slice %arg7[%dma_start3A_223, %dma_start3A_224, %dma_start3A_225] : memref<2x40x128xi32, #tpu.memory_space<vmem>> -> memref<1x1x128xi32, #tpu.memory_space<vmem>>
    %dma_start3A_227 = tpu.memref_squeeze %dma_start3A_226 : memref<1x1x128xi32, #tpu.memory_space<vmem>> -> memref<128xi32, #tpu.memory_space<vmem>>
    %dma_start3A_228 = arith.constant 0 : i32
    %dma_start3A_229 = arith.constant 0 : i32
    %dma_start3A_230 = tpu.memref_slice %arg12[%dma_start3A_228, %dma_start3A_229] : memref<10240x64xf32, #tpu.memory_space<vmem_shared>> -> memref<10240x64xf32, #tpu.memory_space<vmem_shared>>
    tpu.enqueue_indirect_dma source(%dma_start3A_230 : memref<10240x64xf32, #tpu.memory_space<vmem_shared>>) target(%arg9 : memref<128x64xf32, #tpu.memory_space<vmem>>) offsets(%dma_start3A_227 : memref<128xi32, #tpu.memory_space<vmem>>) semaphore(%arg14 : memref<!tpu.dma_semaphore, #tpu.memory_space<semaphore_mem>>)
    %dma_start3A_231 = arith.constant 1 : i32
    %dma_start3A_232 = arith.constant 1 : i32
    %dma_start3A_233 = arith.constant 0 : i32
    %dma_start3A_234 = tpu.memref_slice %arg7[%dma_start3A_231, %dma_start3A_232, %dma_start3A_233] : memref<2x40x128xi32, #tpu.memory_space<vmem>> -> memref<1x1x128xi32, #tpu.memory_space<vmem>>
    %dma_start3A_235 = tpu.memref_squeeze %dma_start3A_234 : memref<1x1x128xi32, #tpu.memory_space<vmem>> -> memref<128xi32, #tpu.memory_space<vmem>>
    %dma_start3A_236 = arith.constant 0 : i32
    %dma_start3A_237 = arith.constant 0 : i32
    %dma_start3A_238 = tpu.memref_slice %arg12[%dma_start3A_236, %dma_start3A_237] : memref<10240x64xf32, #tpu.memory_space<vmem_shared>> -> memref<10240x64xf32, #tpu.memory_space<vmem_shared>>
    tpu.enqueue_indirect_dma source(%dma_start3A_238 : memref<10240x64xf32, #tpu.memory_space<vmem_shared>>) target(%arg10 : memref<128x64xf32, #tpu.memory_space<vmem>>) offsets(%dma_start3A_235 : memref<128xi32, #tpu.memory_space<vmem>>) semaphore(%arg15 : memref<!tpu.dma_semaphore, #tpu.memory_space<semaphore_mem>>)
    %scan3A_239 = arith.constant 0 : i32
    %scan3A_240 = arith.constant 20 : i32
    %scan3A_241 = arith.addi %scan3A_239, %scan3A_240 : i32
    %scan3A_242 = arith.constant 1 : i32
    scf.for %scan3A_441 = %scan3A_239 to %scan3A_241 step %scan3A_242  : i32 {
      %mul3A_442 = arith.constant 1 : i32
      %mul3A_443 = arith.muli %scan3A_441, %mul3A_442 : i32
      %add3A = arith.constant 0 : i32
      %add3A_444 = arith.addi %add3A, %mul3A_443 : i32
      %mul3A_445 = arith.constant 2 : i32
      %mul3A_446 = arith.muli %add3A_444, %mul3A_445 : i32
      %add3A_447 = arith.constant 0 : i32
      %add3A_448 = arith.addi %mul3A_446, %add3A_447 : i32
      %dma_wait3A_449 = arith.constant 1 : i32
      %dma_wait3A_450 = arith.constant 0 : i32
      %dma_wait3A_451 = tpu.memref_slice %arg7[%dma_wait3A_449, %add3A_448, %dma_wait3A_450] : memref<2x40x128xi32, #tpu.memory_space<vmem>> -> memref<1x1x128xi32, #tpu.memory_space<vmem>>
      %dma_wait3A_452 = tpu.memref_squeeze %dma_wait3A_451 : memref<1x1x128xi32, #tpu.memory_space<vmem>> -> memref<128xi32, #tpu.memory_space<vmem>>
      %dma_wait3A_453 = arith.constant 0 : i32
      %dma_wait3A_454 = arith.constant 0 : i32
      %dma_wait3A_455 = tpu.memref_slice %arg12[%dma_wait3A_453, %dma_wait3A_454] : memref<10240x64xf32, #tpu.memory_space<vmem_shared>> -> memref<10240x64xf32, #tpu.memory_space<vmem_shared>>
      tpu.wait_indirect_dma semaphore(%arg14 : memref<!tpu.dma_semaphore, #tpu.memory_space<semaphore_mem>>) src(%dma_wait3A_455 : memref<10240x64xf32, #tpu.memory_space<vmem_shared>>) dst(%arg9 : memref<128x64xf32, #tpu.memory_space<vmem>>)
      %add3A_456 = arith.constant 0 : i32
      %add3A_457 = arith.addi %mul3A_446, %add3A_456 : i32
      %dma_start3A_458 = arith.constant 1 : i32
      %dma_start3A_459 = arith.constant 0 : i32
      %dma_start3A_460 = tpu.memref_slice %arg8[%dma_start3A_458, %add3A_457, %dma_start3A_459] : memref<2x40x128xi32, #tpu.memory_space<vmem>> -> memref<1x1x128xi32, #tpu.memory_space<vmem>>
      %dma_start3A_461 = tpu.memref_squeeze %dma_start3A_460 : memref<1x1x128xi32, #tpu.memory_space<vmem>> -> memref<128xi32, #tpu.memory_space<vmem>>
      %dma_start3A_462 = arith.constant 0 : i32
      %dma_start3A_463 = arith.constant 0 : i32
      %dma_start3A_464 = tpu.memref_slice %arg13[%dma_start3A_462, %dma_start3A_463] : memref<10240x64xf32, #tpu.memory_space<vmem_shared>> -> memref<10240x64xf32, #tpu.memory_space<vmem_shared>>
      tpu.enqueue_indirect_dma source(%arg9 : memref<128x64xf32, #tpu.memory_space<vmem>>) target(%dma_start3A_464 : memref<10240x64xf32, #tpu.memory_space<vmem_shared>>) offsets(%dma_start3A_461 : memref<128xi32, #tpu.memory_space<vmem>>) semaphore(%arg16 : memref<!tpu.dma_semaphore, #tpu.memory_space<semaphore_mem>>) {add = true}
      %add3A_465 = arith.constant 1 : i32
      %add3A_466 = arith.addi %mul3A_446, %add3A_465 : i32
      %dma_wait3A_467 = arith.constant 1 : i32
      %dma_wait3A_468 = arith.constant 0 : i32
      %dma_wait3A_469 = tpu.memref_slice %arg7[%dma_wait3A_467, %add3A_466, %dma_wait3A_468] : memref<2x40x128xi32, #tpu.memory_space<vmem>> -> memref<1x1x128xi32, #tpu.memory_space<vmem>>
      %dma_wait3A_470 = tpu.memref_squeeze %dma_wait3A_469 : memref<1x1x128xi32, #tpu.memory_space<vmem>> -> memref<128xi32, #tpu.memory_space<vmem>>
      %dma_wait3A_471 = arith.constant 0 : i32
      %dma_wait3A_472 = arith.constant 0 : i32
      %dma_wait3A_473 = tpu.memref_slice %arg12[%dma_wait3A_471, %dma_wait3A_472] : memref<10240x64xf32, #tpu.memory_space<vmem_shared>> -> memref<10240x64xf32, #tpu.memory_space<vmem_shared>>
      tpu.wait_indirect_dma semaphore(%arg15 : memref<!tpu.dma_semaphore, #tpu.memory_space<semaphore_mem>>) src(%dma_wait3A_473 : memref<10240x64xf32, #tpu.memory_space<vmem_shared>>) dst(%arg10 : memref<128x64xf32, #tpu.memory_space<vmem>>)
      %add3A_474 = arith.constant 1 : i32
      %add3A_475 = arith.addi %mul3A_446, %add3A_474 : i32
      %dma_start3A_476 = arith.constant 1 : i32
      %dma_start3A_477 = arith.constant 0 : i32
      %dma_start3A_478 = tpu.memref_slice %arg8[%dma_start3A_476, %add3A_475, %dma_start3A_477] : memref<2x40x128xi32, #tpu.memory_space<vmem>> -> memref<1x1x128xi32, #tpu.memory_space<vmem>>
      %dma_start3A_479 = tpu.memref_squeeze %dma_start3A_478 : memref<1x1x128xi32, #tpu.memory_space<vmem>> -> memref<128xi32, #tpu.memory_space<vmem>>
      %dma_start3A_480 = arith.constant 0 : i32
      %dma_start3A_481 = arith.constant 0 : i32
      %dma_start3A_482 = tpu.memref_slice %arg13[%dma_start3A_480, %dma_start3A_481] : memref<10240x64xf32, #tpu.memory_space<vmem_shared>> -> memref<10240x64xf32, #tpu.memory_space<vmem_shared>>
      tpu.enqueue_indirect_dma source(%arg10 : memref<128x64xf32, #tpu.memory_space<vmem>>) target(%dma_start3A_482 : memref<10240x64xf32, #tpu.memory_space<vmem_shared>>) offsets(%dma_start3A_479 : memref<128xi32, #tpu.memory_space<vmem>>) semaphore(%arg17 : memref<!tpu.dma_semaphore, #tpu.memory_space<semaphore_mem>>) {add = true}
      %add3A_483 = arith.constant 1 : i32
      %add3A_484 = arith.addi %add3A_444, %add3A_483 : i32
      %lt3A = arith.constant 20 : i32
      %lt3A_485 = arith.cmpi slt, %add3A_484, %lt3A : i32
      %convert_element_type3A_486 = arith.extui %lt3A_485 : i1 to i32
      %cond3A_487 = arith.constant 0 : i32
      %cond3A_488 = arith.cmpi ne, %convert_element_type3A_486, %cond3A_487 : i32
      scf.if %cond3A_488 {
        %add3A_496 = arith.constant 0 : i32
        %add3A_497 = arith.addi %mul3A_446, %add3A_496 : i32
        %dma_wait3A_498 = arith.constant 1 : i32
        %dma_wait3A_499 = arith.constant 0 : i32
        %dma_wait3A_500 = tpu.memref_slice %arg8[%dma_wait3A_498, %add3A_497, %dma_wait3A_499] : memref<2x40x128xi32, #tpu.memory_space<vmem>> -> memref<1x1x128xi32, #tpu.memory_space<vmem>>
        %dma_wait3A_501 = tpu.memref_squeeze %dma_wait3A_500 : memref<1x1x128xi32, #tpu.memory_space<vmem>> -> memref<128xi32, #tpu.memory_space<vmem>>
        %dma_wait3A_502 = arith.constant 0 : i32
        %dma_wait3A_503 = arith.constant 0 : i32
        %dma_wait3A_504 = tpu.memref_slice %arg13[%dma_wait3A_502, %dma_wait3A_503] : memref<10240x64xf32, #tpu.memory_space<vmem_shared>> -> memref<10240x64xf32, #tpu.memory_space<vmem_shared>>
        tpu.wait_indirect_dma semaphore(%arg16 : memref<!tpu.dma_semaphore, #tpu.memory_space<semaphore_mem>>) src(%arg9 : memref<128x64xf32, #tpu.memory_space<vmem>>) dst(%dma_wait3A_504 : memref<10240x64xf32, #tpu.memory_space<vmem_shared>>)
        %add3A_505 = arith.constant 2 : i32
        %add3A_506 = arith.addi %mul3A_446, %add3A_505 : i32
        %add3A_507 = arith.constant 0 : i32
        %add3A_508 = arith.addi %add3A_506, %add3A_507 : i32
        %dma_start3A_509 = arith.constant 1 : i32
        %dma_start3A_510 = arith.constant 0 : i32
        %dma_start3A_511 = tpu.memref_slice %arg7[%dma_start3A_509, %add3A_508, %dma_start3A_510] : memref<2x40x128xi32, #tpu.memory_space<vmem>> -> memref<1x1x128xi32, #tpu.memory_space<vmem>>
        %dma_start3A_512 = tpu.memref_squeeze %dma_start3A_511 : memref<1x1x128xi32, #tpu.memory_space<vmem>> -> memref<128xi32, #tpu.memory_space<vmem>>
        %dma_start3A_513 = arith.constant 0 : i32
        %dma_start3A_514 = arith.constant 0 : i32
        %dma_start3A_515 = tpu.memref_slice %arg12[%dma_start3A_513, %dma_start3A_514] : memref<10240x64xf32, #tpu.memory_space<vmem_shared>> -> memref<10240x64xf32, #tpu.memory_space<vmem_shared>>
        tpu.enqueue_indirect_dma source(%dma_start3A_515 : memref<10240x64xf32, #tpu.memory_space<vmem_shared>>) target(%arg9 : memref<128x64xf32, #tpu.memory_space<vmem>>) offsets(%dma_start3A_512 : memref<128xi32, #tpu.memory_space<vmem>>) semaphore(%arg14 : memref<!tpu.dma_semaphore, #tpu.memory_space<semaphore_mem>>)
      } else {
      }
      %add3A_489 = arith.constant 1 : i32
      %add3A_490 = arith.addi %add3A_444, %add3A_489 : i32
      %lt3A_491 = arith.constant 20 : i32
      %lt3A_492 = arith.cmpi slt, %add3A_490, %lt3A_491 : i32
      %convert_element_type3A_493 = arith.extui %lt3A_492 : i1 to i32
      %cond3A_494 = arith.constant 0 : i32
      %cond3A_495 = arith.cmpi ne, %convert_element_type3A_493, %cond3A_494 : i32
      scf.if %cond3A_495 {
        %add3A_496 = arith.constant 1 : i32
        %add3A_497 = arith.addi %mul3A_446, %add3A_496 : i32
        %dma_wait3A_498 = arith.constant 1 : i32
        %dma_wait3A_499 = arith.constant 0 : i32
        %dma_wait3A_500 = tpu.memref_slice %arg8[%dma_wait3A_498, %add3A_497, %dma_wait3A_499] : memref<2x40x128xi32, #tpu.memory_space<vmem>> -> memref<1x1x128xi32, #tpu.memory_space<vmem>>
        %dma_wait3A_501 = tpu.memref_squeeze %dma_wait3A_500 : memref<1x1x128xi32, #tpu.memory_space<vmem>> -> memref<128xi32, #tpu.memory_space<vmem>>
        %dma_wait3A_502 = arith.constant 0 : i32
        %dma_wait3A_503 = arith.constant 0 : i32
        %dma_wait3A_504 = tpu.memref_slice %arg13[%dma_wait3A_502, %dma_wait3A_503] : memref<10240x64xf32, #tpu.memory_space<vmem_shared>> -> memref<10240x64xf32, #tpu.memory_space<vmem_shared>>
        tpu.wait_indirect_dma semaphore(%arg17 : memref<!tpu.dma_semaphore, #tpu.memory_space<semaphore_mem>>) src(%arg10 : memref<128x64xf32, #tpu.memory_space<vmem>>) dst(%dma_wait3A_504 : memref<10240x64xf32, #tpu.memory_space<vmem_shared>>)
        %add3A_505 = arith.constant 2 : i32
        %add3A_506 = arith.addi %mul3A_446, %add3A_505 : i32
        %add3A_507 = arith.constant 1 : i32
        %add3A_508 = arith.addi %add3A_506, %add3A_507 : i32
        %dma_start3A_509 = arith.constant 1 : i32
        %dma_start3A_510 = arith.constant 0 : i32
        %dma_start3A_511 = tpu.memref_slice %arg7[%dma_start3A_509, %add3A_508, %dma_start3A_510] : memref<2x40x128xi32, #tpu.memory_space<vmem>> -> memref<1x1x128xi32, #tpu.memory_space<vmem>>
        %dma_start3A_512 = tpu.memref_squeeze %dma_start3A_511 : memref<1x1x128xi32, #tpu.memory_space<vmem>> -> memref<128xi32, #tpu.memory_space<vmem>>
        %dma_start3A_513 = arith.constant 0 : i32
        %dma_start3A_514 = arith.constant 0 : i32
        %dma_start3A_515 = tpu.memref_slice %arg12[%dma_start3A_513, %dma_start3A_514] : memref<10240x64xf32, #tpu.memory_space<vmem_shared>> -> memref<10240x64xf32, #tpu.memory_space<vmem_shared>>
        tpu.enqueue_indirect_dma source(%dma_start3A_515 : memref<10240x64xf32, #tpu.memory_space<vmem_shared>>) target(%arg10 : memref<128x64xf32, #tpu.memory_space<vmem>>) offsets(%dma_start3A_512 : memref<128xi32, #tpu.memory_space<vmem>>) semaphore(%arg15 : memref<!tpu.dma_semaphore, #tpu.memory_space<semaphore_mem>>)
      } else {
      }
    }
    %scan3A_243 = arith.constant 20 : i32
    %dma_wait3A_244 = arith.constant 1 : i32
    %dma_wait3A_245 = arith.constant 38 : i32
    %dma_wait3A_246 = arith.constant 0 : i32
    %dma_wait3A_247 = tpu.memref_slice %arg8[%dma_wait3A_244, %dma_wait3A_245, %dma_wait3A_246] : memref<2x40x128xi32, #tpu.memory_space<vmem>> -> memref<1x1x128xi32, #tpu.memory_space<vmem>>
    %dma_wait3A_248 = tpu.memref_squeeze %dma_wait3A_247 : memref<1x1x128xi32, #tpu.memory_space<vmem>> -> memref<128xi32, #tpu.memory_space<vmem>>
    %dma_wait3A_249 = arith.constant 0 : i32
    %dma_wait3A_250 = arith.constant 0 : i32
    %dma_wait3A_251 = tpu.memref_slice %arg13[%dma_wait3A_249, %dma_wait3A_250] : memref<10240x64xf32, #tpu.memory_space<vmem_shared>> -> memref<10240x64xf32, #tpu.memory_space<vmem_shared>>
    tpu.wait_indirect_dma semaphore(%arg16 : memref<!tpu.dma_semaphore, #tpu.memory_space<semaphore_mem>>) src(%arg9 : memref<128x64xf32, #tpu.memory_space<vmem>>) dst(%dma_wait3A_251 : memref<10240x64xf32, #tpu.memory_space<vmem_shared>>)
    %dma_wait3A_252 = arith.constant 1 : i32
    %dma_wait3A_253 = arith.constant 39 : i32
    %dma_wait3A_254 = arith.constant 0 : i32
    %dma_wait3A_255 = tpu.memref_slice %arg8[%dma_wait3A_252, %dma_wait3A_253, %dma_wait3A_254] : memref<2x40x128xi32, #tpu.memory_space<vmem>> -> memref<1x1x128xi32, #tpu.memory_space<vmem>>
    %dma_wait3A_256 = tpu.memref_squeeze %dma_wait3A_255 : memref<1x1x128xi32, #tpu.memory_space<vmem>> -> memref<128xi32, #tpu.memory_space<vmem>>
    %dma_wait3A_257 = arith.constant 0 : i32
    %dma_wait3A_258 = arith.constant 0 : i32
    %dma_wait3A_259 = tpu.memref_slice %arg13[%dma_wait3A_257, %dma_wait3A_258] : memref<10240x64xf32, #tpu.memory_space<vmem_shared>> -> memref<10240x64xf32, #tpu.memory_space<vmem_shared>>
    tpu.wait_indirect_dma semaphore(%arg17 : memref<!tpu.dma_semaphore, #tpu.memory_space<semaphore_mem>>) src(%arg10 : memref<128x64xf32, #tpu.memory_space<vmem>>) dst(%dma_wait3A_259 : memref<10240x64xf32, #tpu.memory_space<vmem_shared>>)
    %dma_wait3A_260 = arith.constant 0 : i32
    %dma_wait3A_261 = arith.constant 0 : i32
    %dma_wait3A_262 = arith.constant 0 : i32
    %dma_wait3A_263 = tpu.memref_slice %arg7[%dma_wait3A_260, %dma_wait3A_261, %dma_wait3A_262] : memref<2x40x128xi32, #tpu.memory_space<vmem>> -> memref<1x40x128xi32, #tpu.memory_space<vmem>>
    %dma_wait3A_264 = tpu.memref_squeeze %dma_wait3A_263 : memref<1x40x128xi32, #tpu.memory_space<vmem>> -> memref<40x128xi32, #tpu.memory_space<vmem>>
    %dma_wait3A_265 = arith.constant 80 : i32
    %dma_wait3A_266 = arith.constant 0 : i32
    %dma_wait3A_267 = tpu.memref_slice %arg4[%arg1, %dma_wait3A_265, %dma_wait3A_266] : memref<16x160x128xi32, #tpu.memory_space<hbm>> -> memref<1x40x128xi32, #tpu.memory_space<hbm>>
    %dma_wait3A_268 = tpu.memref_squeeze %dma_wait3A_267 : memref<1x40x128xi32, #tpu.memory_space<hbm>> -> memref<40x128xi32, #tpu.memory_space<hbm>>
    %dma_wait3A_269 = arith.constant 0 : i32
    %dma_wait3A_270 = arith.constant 0 : i32
    %dma_wait3A_271 = tpu.memref_slice %arg7[%dma_wait3A_260, %dma_wait3A_269, %dma_wait3A_270] : memref<2x40x128xi32, #tpu.memory_space<vmem>> -> memref<1x40x128xi32, #tpu.memory_space<vmem>>
    %dma_wait3A_272 = tpu.memref_squeeze %dma_wait3A_271 : memref<1x40x128xi32, #tpu.memory_space<vmem>> -> memref<40x128xi32, #tpu.memory_space<vmem>>
    %dma_wait3A_273 = arith.constant 80 : i32
    %dma_wait3A_274 = arith.constant 0 : i32
    %dma_wait3A_275 = tpu.memref_slice %arg4[%arg1, %dma_wait3A_273, %dma_wait3A_274] : memref<16x160x128xi32, #tpu.memory_space<hbm>> -> memref<1x40x128xi32, #tpu.memory_space<hbm>>
    %dma_wait3A_276 = tpu.memref_squeeze %dma_wait3A_275 : memref<1x40x128xi32, #tpu.memory_space<hbm>> -> memref<40x128xi32, #tpu.memory_space<hbm>>
    tpu.wait_dma2 semaphore(%arg18 : memref<!tpu.dma_semaphore, #tpu.memory_space<semaphore_mem>>) src(%dma_wait3A_276 : memref<40x128xi32, #tpu.memory_space<hbm>>) dst(%dma_wait3A_272 : memref<40x128xi32, #tpu.memory_space<vmem>>)
    %dma_wait3A_277 = arith.constant 0 : i32
    %dma_wait3A_278 = arith.constant 0 : i32
    %dma_wait3A_279 = arith.constant 0 : i32
    %dma_wait3A_280 = tpu.memref_slice %arg8[%dma_wait3A_277, %dma_wait3A_278, %dma_wait3A_279] : memref<2x40x128xi32, #tpu.memory_space<vmem>> -> memref<1x40x128xi32, #tpu.memory_space<vmem>>
    %dma_wait3A_281 = tpu.memref_squeeze %dma_wait3A_280 : memref<1x40x128xi32, #tpu.memory_space<vmem>> -> memref<40x128xi32, #tpu.memory_space<vmem>>
    %dma_wait3A_282 = arith.constant 80 : i32
    %dma_wait3A_283 = arith.constant 0 : i32
    %dma_wait3A_284 = tpu.memref_slice %arg5[%arg1, %dma_wait3A_282, %dma_wait3A_283] : memref<16x160x128xi32, #tpu.memory_space<hbm>> -> memref<1x40x128xi32, #tpu.memory_space<hbm>>
    %dma_wait3A_285 = tpu.memref_squeeze %dma_wait3A_284 : memref<1x40x128xi32, #tpu.memory_space<hbm>> -> memref<40x128xi32, #tpu.memory_space<hbm>>
    %dma_wait3A_286 = arith.constant 0 : i32
    %dma_wait3A_287 = arith.constant 0 : i32
    %dma_wait3A_288 = tpu.memref_slice %arg8[%dma_wait3A_277, %dma_wait3A_286, %dma_wait3A_287] : memref<2x40x128xi32, #tpu.memory_space<vmem>> -> memref<1x40x128xi32, #tpu.memory_space<vmem>>
    %dma_wait3A_289 = tpu.memref_squeeze %dma_wait3A_288 : memref<1x40x128xi32, #tpu.memory_space<vmem>> -> memref<40x128xi32, #tpu.memory_space<vmem>>
    %dma_wait3A_290 = arith.constant 80 : i32
    %dma_wait3A_291 = arith.constant 0 : i32
    %dma_wait3A_292 = tpu.memref_slice %arg5[%arg1, %dma_wait3A_290, %dma_wait3A_291] : memref<16x160x128xi32, #tpu.memory_space<hbm>> -> memref<1x40x128xi32, #tpu.memory_space<hbm>>
    %dma_wait3A_293 = tpu.memref_squeeze %dma_wait3A_292 : memref<1x40x128xi32, #tpu.memory_space<hbm>> -> memref<40x128xi32, #tpu.memory_space<hbm>>
    tpu.wait_dma2 semaphore(%arg20 : memref<!tpu.dma_semaphore, #tpu.memory_space<semaphore_mem>>) src(%dma_wait3A_293 : memref<40x128xi32, #tpu.memory_space<hbm>>) dst(%dma_wait3A_289 : memref<40x128xi32, #tpu.memory_space<vmem>>)
    %dma_start3A_294 = arith.constant 1 : i32
    %dma_start3A_295 = arith.constant 0 : i32
    %dma_start3A_296 = arith.constant 0 : i32
    %dma_start3A_297 = tpu.memref_slice %arg7[%dma_start3A_294, %dma_start3A_295, %dma_start3A_296] : memref<2x40x128xi32, #tpu.memory_space<vmem>> -> memref<1x40x128xi32, #tpu.memory_space<vmem>>
    %dma_start3A_298 = tpu.memref_squeeze %dma_start3A_297 : memref<1x40x128xi32, #tpu.memory_space<vmem>> -> memref<40x128xi32, #tpu.memory_space<vmem>>
    %dma_start3A_299 = arith.constant 120 : i32
    %dma_start3A_300 = arith.constant 0 : i32
    %dma_start3A_301 = tpu.memref_slice %arg4[%arg1, %dma_start3A_299, %dma_start3A_300] : memref<16x160x128xi32, #tpu.memory_space<hbm>> -> memref<1x40x128xi32, #tpu.memory_space<hbm>>
    %dma_start3A_302 = tpu.memref_squeeze %dma_start3A_301 : memref<1x40x128xi32, #tpu.memory_space<hbm>> -> memref<40x128xi32, #tpu.memory_space<hbm>>
    %dma_start3A_303 = arith.constant 0 : i32
    %dma_start3A_304 = arith.constant 0 : i32
    %dma_start3A_305 = tpu.memref_slice %arg7[%dma_start3A_294, %dma_start3A_303, %dma_start3A_304] : memref<2x40x128xi32, #tpu.memory_space<vmem>> -> memref<1x40x128xi32, #tpu.memory_space<vmem>>
    %dma_start3A_306 = tpu.memref_squeeze %dma_start3A_305 : memref<1x40x128xi32, #tpu.memory_space<vmem>> -> memref<40x128xi32, #tpu.memory_space<vmem>>
    %dma_start3A_307 = arith.constant 120 : i32
    %dma_start3A_308 = arith.constant 0 : i32
    %dma_start3A_309 = tpu.memref_slice %arg4[%arg1, %dma_start3A_307, %dma_start3A_308] : memref<16x160x128xi32, #tpu.memory_space<hbm>> -> memref<1x40x128xi32, #tpu.memory_space<hbm>>
    %dma_start3A_310 = tpu.memref_squeeze %dma_start3A_309 : memref<1x40x128xi32, #tpu.memory_space<hbm>> -> memref<40x128xi32, #tpu.memory_space<hbm>>
    tpu.enqueue_dma source(%dma_start3A_310 : memref<40x128xi32, #tpu.memory_space<hbm>>) target(%dma_start3A_306 : memref<40x128xi32, #tpu.memory_space<vmem>>) target_semaphore(%arg19 : memref<!tpu.dma_semaphore, #tpu.memory_space<semaphore_mem>>)
    %dma_start3A_311 = arith.constant 1 : i32
    %dma_start3A_312 = arith.constant 0 : i32
    %dma_start3A_313 = arith.constant 0 : i32
    %dma_start3A_314 = tpu.memref_slice %arg8[%dma_start3A_311, %dma_start3A_312, %dma_start3A_313] : memref<2x40x128xi32, #tpu.memory_space<vmem>> -> memref<1x40x128xi32, #tpu.memory_space<vmem>>
    %dma_start3A_315 = tpu.memref_squeeze %dma_start3A_314 : memref<1x40x128xi32, #tpu.memory_space<vmem>> -> memref<40x128xi32, #tpu.memory_space<vmem>>
    %dma_start3A_316 = arith.constant 120 : i32
    %dma_start3A_317 = arith.constant 0 : i32
    %dma_start3A_318 = tpu.memref_slice %arg5[%arg1, %dma_start3A_316, %dma_start3A_317] : memref<16x160x128xi32, #tpu.memory_space<hbm>> -> memref<1x40x128xi32, #tpu.memory_space<hbm>>
    %dma_start3A_319 = tpu.memref_squeeze %dma_start3A_318 : memref<1x40x128xi32, #tpu.memory_space<hbm>> -> memref<40x128xi32, #tpu.memory_space<hbm>>
    %dma_start3A_320 = arith.constant 0 : i32
    %dma_start3A_321 = arith.constant 0 : i32
    %dma_start3A_322 = tpu.memref_slice %arg8[%dma_start3A_311, %dma_start3A_320, %dma_start3A_321] : memref<2x40x128xi32, #tpu.memory_space<vmem>> -> memref<1x40x128xi32, #tpu.memory_space<vmem>>
    %dma_start3A_323 = tpu.memref_squeeze %dma_start3A_322 : memref<1x40x128xi32, #tpu.memory_space<vmem>> -> memref<40x128xi32, #tpu.memory_space<vmem>>
    %dma_start3A_324 = arith.constant 120 : i32
    %dma_start3A_325 = arith.constant 0 : i32
    %dma_start3A_326 = tpu.memref_slice %arg5[%arg1, %dma_start3A_324, %dma_start3A_325] : memref<16x160x128xi32, #tpu.memory_space<hbm>> -> memref<1x40x128xi32, #tpu.memory_space<hbm>>
    %dma_start3A_327 = tpu.memref_squeeze %dma_start3A_326 : memref<1x40x128xi32, #tpu.memory_space<hbm>> -> memref<40x128xi32, #tpu.memory_space<hbm>>
    tpu.enqueue_dma source(%dma_start3A_327 : memref<40x128xi32, #tpu.memory_space<hbm>>) target(%dma_start3A_323 : memref<40x128xi32, #tpu.memory_space<vmem>>) target_semaphore(%arg21 : memref<!tpu.dma_semaphore, #tpu.memory_space<semaphore_mem>>)
    %dma_start3A_328 = arith.constant 0 : i32
    %dma_start3A_329 = arith.constant 0 : i32
    %dma_start3A_330 = arith.constant 0 : i32
    %dma_start3A_331 = tpu.memref_slice %arg7[%dma_start3A_328, %dma_start3A_329, %dma_start3A_330] : memref<2x40x128xi32, #tpu.memory_space<vmem>> -> memref<1x1x128xi32, #tpu.memory_space<vmem>>
    %dma_start3A_332 = tpu.memref_squeeze %dma_start3A_331 : memref<1x1x128xi32, #tpu.memory_space<vmem>> -> memref<128xi32, #tpu.memory_space<vmem>>
    %dma_start3A_333 = arith.constant 0 : i32
    %dma_start3A_334 = arith.constant 0 : i32
    %dma_start3A_335 = tpu.memref_slice %arg12[%dma_start3A_333, %dma_start3A_334] : memref<10240x64xf32, #tpu.memory_space<vmem_shared>> -> memref<10240x64xf32, #tpu.memory_space<vmem_shared>>
    tpu.enqueue_indirect_dma source(%dma_start3A_335 : memref<10240x64xf32, #tpu.memory_space<vmem_shared>>) target(%arg9 : memref<128x64xf32, #tpu.memory_space<vmem>>) offsets(%dma_start3A_332 : memref<128xi32, #tpu.memory_space<vmem>>) semaphore(%arg14 : memref<!tpu.dma_semaphore, #tpu.memory_space<semaphore_mem>>)
    %dma_start3A_336 = arith.constant 0 : i32
    %dma_start3A_337 = arith.constant 1 : i32
    %dma_start3A_338 = arith.constant 0 : i32
    %dma_start3A_339 = tpu.memref_slice %arg7[%dma_start3A_336, %dma_start3A_337, %dma_start3A_338] : memref<2x40x128xi32, #tpu.memory_space<vmem>> -> memref<1x1x128xi32, #tpu.memory_space<vmem>>
    %dma_start3A_340 = tpu.memref_squeeze %dma_start3A_339 : memref<1x1x128xi32, #tpu.memory_space<vmem>> -> memref<128xi32, #tpu.memory_space<vmem>>
    %dma_start3A_341 = arith.constant 0 : i32
    %dma_start3A_342 = arith.constant 0 : i32
    %dma_start3A_343 = tpu.memref_slice %arg12[%dma_start3A_341, %dma_start3A_342] : memref<10240x64xf32, #tpu.memory_space<vmem_shared>> -> memref<10240x64xf32, #tpu.memory_space<vmem_shared>>
    tpu.enqueue_indirect_dma source(%dma_start3A_343 : memref<10240x64xf32, #tpu.memory_space<vmem_shared>>) target(%arg10 : memref<128x64xf32, #tpu.memory_space<vmem>>) offsets(%dma_start3A_340 : memref<128xi32, #tpu.memory_space<vmem>>) semaphore(%arg15 : memref<!tpu.dma_semaphore, #tpu.memory_space<semaphore_mem>>)
    %scan3A_344 = arith.constant 0 : i32
    %scan3A_345 = arith.constant 20 : i32
    %scan3A_346 = arith.addi %scan3A_344, %scan3A_345 : i32
    %scan3A_347 = arith.constant 1 : i32
    scf.for %scan3A_441 = %scan3A_344 to %scan3A_346 step %scan3A_347  : i32 {
      %mul3A_442 = arith.constant 1 : i32
      %mul3A_443 = arith.muli %scan3A_441, %mul3A_442 : i32
      %add3A = arith.constant 0 : i32
      %add3A_444 = arith.addi %add3A, %mul3A_443 : i32
      %mul3A_445 = arith.constant 2 : i32
      %mul3A_446 = arith.muli %add3A_444, %mul3A_445 : i32
      %add3A_447 = arith.constant 0 : i32
      %add3A_448 = arith.addi %mul3A_446, %add3A_447 : i32
      %dma_wait3A_449 = arith.constant 0 : i32
      %dma_wait3A_450 = arith.constant 0 : i32
      %dma_wait3A_451 = tpu.memref_slice %arg7[%dma_wait3A_449, %add3A_448, %dma_wait3A_450] : memref<2x40x128xi32, #tpu.memory_space<vmem>> -> memref<1x1x128xi32, #tpu.memory_space<vmem>>
      %dma_wait3A_452 = tpu.memref_squeeze %dma_wait3A_451 : memref<1x1x128xi32, #tpu.memory_space<vmem>> -> memref<128xi32, #tpu.memory_space<vmem>>
      %dma_wait3A_453 = arith.constant 0 : i32
      %dma_wait3A_454 = arith.constant 0 : i32
      %dma_wait3A_455 = tpu.memref_slice %arg12[%dma_wait3A_453, %dma_wait3A_454] : memref<10240x64xf32, #tpu.memory_space<vmem_shared>> -> memref<10240x64xf32, #tpu.memory_space<vmem_shared>>
      tpu.wait_indirect_dma semaphore(%arg14 : memref<!tpu.dma_semaphore, #tpu.memory_space<semaphore_mem>>) src(%dma_wait3A_455 : memref<10240x64xf32, #tpu.memory_space<vmem_shared>>) dst(%arg9 : memref<128x64xf32, #tpu.memory_space<vmem>>)
      %add3A_456 = arith.constant 0 : i32
      %add3A_457 = arith.addi %mul3A_446, %add3A_456 : i32
      %dma_start3A_458 = arith.constant 0 : i32
      %dma_start3A_459 = arith.constant 0 : i32
      %dma_start3A_460 = tpu.memref_slice %arg8[%dma_start3A_458, %add3A_457, %dma_start3A_459] : memref<2x40x128xi32, #tpu.memory_space<vmem>> -> memref<1x1x128xi32, #tpu.memory_space<vmem>>
      %dma_start3A_461 = tpu.memref_squeeze %dma_start3A_460 : memref<1x1x128xi32, #tpu.memory_space<vmem>> -> memref<128xi32, #tpu.memory_space<vmem>>
      %dma_start3A_462 = arith.constant 0 : i32
      %dma_start3A_463 = arith.constant 0 : i32
      %dma_start3A_464 = tpu.memref_slice %arg13[%dma_start3A_462, %dma_start3A_463] : memref<10240x64xf32, #tpu.memory_space<vmem_shared>> -> memref<10240x64xf32, #tpu.memory_space<vmem_shared>>
      tpu.enqueue_indirect_dma source(%arg9 : memref<128x64xf32, #tpu.memory_space<vmem>>) target(%dma_start3A_464 : memref<10240x64xf32, #tpu.memory_space<vmem_shared>>) offsets(%dma_start3A_461 : memref<128xi32, #tpu.memory_space<vmem>>) semaphore(%arg16 : memref<!tpu.dma_semaphore, #tpu.memory_space<semaphore_mem>>) {add = true}
      %add3A_465 = arith.constant 1 : i32
      %add3A_466 = arith.addi %mul3A_446, %add3A_465 : i32
      %dma_wait3A_467 = arith.constant 0 : i32
      %dma_wait3A_468 = arith.constant 0 : i32
      %dma_wait3A_469 = tpu.memref_slice %arg7[%dma_wait3A_467, %add3A_466, %dma_wait3A_468] : memref<2x40x128xi32, #tpu.memory_space<vmem>> -> memref<1x1x128xi32, #tpu.memory_space<vmem>>
      %dma_wait3A_470 = tpu.memref_squeeze %dma_wait3A_469 : memref<1x1x128xi32, #tpu.memory_space<vmem>> -> memref<128xi32, #tpu.memory_space<vmem>>
      %dma_wait3A_471 = arith.constant 0 : i32
      %dma_wait3A_472 = arith.constant 0 : i32
      %dma_wait3A_473 = tpu.memref_slice %arg12[%dma_wait3A_471, %dma_wait3A_472] : memref<10240x64xf32, #tpu.memory_space<vmem_shared>> -> memref<10240x64xf32, #tpu.memory_space<vmem_shared>>
      tpu.wait_indirect_dma semaphore(%arg15 : memref<!tpu.dma_semaphore, #tpu.memory_space<semaphore_mem>>) src(%dma_wait3A_473 : memref<10240x64xf32, #tpu.memory_space<vmem_shared>>) dst(%arg10 : memref<128x64xf32, #tpu.memory_space<vmem>>)
      %add3A_474 = arith.constant 1 : i32
      %add3A_475 = arith.addi %mul3A_446, %add3A_474 : i32
      %dma_start3A_476 = arith.constant 0 : i32
      %dma_start3A_477 = arith.constant 0 : i32
      %dma_start3A_478 = tpu.memref_slice %arg8[%dma_start3A_476, %add3A_475, %dma_start3A_477] : memref<2x40x128xi32, #tpu.memory_space<vmem>> -> memref<1x1x128xi32, #tpu.memory_space<vmem>>
      %dma_start3A_479 = tpu.memref_squeeze %dma_start3A_478 : memref<1x1x128xi32, #tpu.memory_space<vmem>> -> memref<128xi32, #tpu.memory_space<vmem>>
      %dma_start3A_480 = arith.constant 0 : i32
      %dma_start3A_481 = arith.constant 0 : i32
      %dma_start3A_482 = tpu.memref_slice %arg13[%dma_start3A_480, %dma_start3A_481] : memref<10240x64xf32, #tpu.memory_space<vmem_shared>> -> memref<10240x64xf32, #tpu.memory_space<vmem_shared>>
      tpu.enqueue_indirect_dma source(%arg10 : memref<128x64xf32, #tpu.memory_space<vmem>>) target(%dma_start3A_482 : memref<10240x64xf32, #tpu.memory_space<vmem_shared>>) offsets(%dma_start3A_479 : memref<128xi32, #tpu.memory_space<vmem>>) semaphore(%arg17 : memref<!tpu.dma_semaphore, #tpu.memory_space<semaphore_mem>>) {add = true}
      %add3A_483 = arith.constant 1 : i32
      %add3A_484 = arith.addi %add3A_444, %add3A_483 : i32
      %lt3A = arith.constant 20 : i32
      %lt3A_485 = arith.cmpi slt, %add3A_484, %lt3A : i32
      %convert_element_type3A_486 = arith.extui %lt3A_485 : i1 to i32
      %cond3A_487 = arith.constant 0 : i32
      %cond3A_488 = arith.cmpi ne, %convert_element_type3A_486, %cond3A_487 : i32
      scf.if %cond3A_488 {
        %add3A_496 = arith.constant 0 : i32
        %add3A_497 = arith.addi %mul3A_446, %add3A_496 : i32
        %dma_wait3A_498 = arith.constant 0 : i32
        %dma_wait3A_499 = arith.constant 0 : i32
        %dma_wait3A_500 = tpu.memref_slice %arg8[%dma_wait3A_498, %add3A_497, %dma_wait3A_499] : memref<2x40x128xi32, #tpu.memory_space<vmem>> -> memref<1x1x128xi32, #tpu.memory_space<vmem>>
        %dma_wait3A_501 = tpu.memref_squeeze %dma_wait3A_500 : memref<1x1x128xi32, #tpu.memory_space<vmem>> -> memref<128xi32, #tpu.memory_space<vmem>>
        %dma_wait3A_502 = arith.constant 0 : i32
        %dma_wait3A_503 = arith.constant 0 : i32
        %dma_wait3A_504 = tpu.memref_slice %arg13[%dma_wait3A_502, %dma_wait3A_503] : memref<10240x64xf32, #tpu.memory_space<vmem_shared>> -> memref<10240x64xf32, #tpu.memory_space<vmem_shared>>
        tpu.wait_indirect_dma semaphore(%arg16 : memref<!tpu.dma_semaphore, #tpu.memory_space<semaphore_mem>>) src(%arg9 : memref<128x64xf32, #tpu.memory_space<vmem>>) dst(%dma_wait3A_504 : memref<10240x64xf32, #tpu.memory_space<vmem_shared>>)
        %add3A_505 = arith.constant 2 : i32
        %add3A_506 = arith.addi %mul3A_446, %add3A_505 : i32
        %add3A_507 = arith.constant 0 : i32
        %add3A_508 = arith.addi %add3A_506, %add3A_507 : i32
        %dma_start3A_509 = arith.constant 0 : i32
        %dma_start3A_510 = arith.constant 0 : i32
        %dma_start3A_511 = tpu.memref_slice %arg7[%dma_start3A_509, %add3A_508, %dma_start3A_510] : memref<2x40x128xi32, #tpu.memory_space<vmem>> -> memref<1x1x128xi32, #tpu.memory_space<vmem>>
        %dma_start3A_512 = tpu.memref_squeeze %dma_start3A_511 : memref<1x1x128xi32, #tpu.memory_space<vmem>> -> memref<128xi32, #tpu.memory_space<vmem>>
        %dma_start3A_513 = arith.constant 0 : i32
        %dma_start3A_514 = arith.constant 0 : i32
        %dma_start3A_515 = tpu.memref_slice %arg12[%dma_start3A_513, %dma_start3A_514] : memref<10240x64xf32, #tpu.memory_space<vmem_shared>> -> memref<10240x64xf32, #tpu.memory_space<vmem_shared>>
        tpu.enqueue_indirect_dma source(%dma_start3A_515 : memref<10240x64xf32, #tpu.memory_space<vmem_shared>>) target(%arg9 : memref<128x64xf32, #tpu.memory_space<vmem>>) offsets(%dma_start3A_512 : memref<128xi32, #tpu.memory_space<vmem>>) semaphore(%arg14 : memref<!tpu.dma_semaphore, #tpu.memory_space<semaphore_mem>>)
      } else {
      }
      %add3A_489 = arith.constant 1 : i32
      %add3A_490 = arith.addi %add3A_444, %add3A_489 : i32
      %lt3A_491 = arith.constant 20 : i32
      %lt3A_492 = arith.cmpi slt, %add3A_490, %lt3A_491 : i32
      %convert_element_type3A_493 = arith.extui %lt3A_492 : i1 to i32
      %cond3A_494 = arith.constant 0 : i32
      %cond3A_495 = arith.cmpi ne, %convert_element_type3A_493, %cond3A_494 : i32
      scf.if %cond3A_495 {
        %add3A_496 = arith.constant 1 : i32
        %add3A_497 = arith.addi %mul3A_446, %add3A_496 : i32
        %dma_wait3A_498 = arith.constant 0 : i32
        %dma_wait3A_499 = arith.constant 0 : i32
        %dma_wait3A_500 = tpu.memref_slice %arg8[%dma_wait3A_498, %add3A_497, %dma_wait3A_499] : memref<2x40x128xi32, #tpu.memory_space<vmem>> -> memref<1x1x128xi32, #tpu.memory_space<vmem>>
        %dma_wait3A_501 = tpu.memref_squeeze %dma_wait3A_500 : memref<1x1x128xi32, #tpu.memory_space<vmem>> -> memref<128xi32, #tpu.memory_space<vmem>>
        %dma_wait3A_502 = arith.constant 0 : i32
        %dma_wait3A_503 = arith.constant 0 : i32
        %dma_wait3A_504 = tpu.memref_slice %arg13[%dma_wait3A_502, %dma_wait3A_503] : memref<10240x64xf32, #tpu.memory_space<vmem_shared>> -> memref<10240x64xf32, #tpu.memory_space<vmem_shared>>
        tpu.wait_indirect_dma semaphore(%arg17 : memref<!tpu.dma_semaphore, #tpu.memory_space<semaphore_mem>>) src(%arg10 : memref<128x64xf32, #tpu.memory_space<vmem>>) dst(%dma_wait3A_504 : memref<10240x64xf32, #tpu.memory_space<vmem_shared>>)
        %add3A_505 = arith.constant 2 : i32
        %add3A_506 = arith.addi %mul3A_446, %add3A_505 : i32
        %add3A_507 = arith.constant 1 : i32
        %add3A_508 = arith.addi %add3A_506, %add3A_507 : i32
        %dma_start3A_509 = arith.constant 0 : i32
        %dma_start3A_510 = arith.constant 0 : i32
        %dma_start3A_511 = tpu.memref_slice %arg7[%dma_start3A_509, %add3A_508, %dma_start3A_510] : memref<2x40x128xi32, #tpu.memory_space<vmem>> -> memref<1x1x128xi32, #tpu.memory_space<vmem>>
        %dma_start3A_512 = tpu.memref_squeeze %dma_start3A_511 : memref<1x1x128xi32, #tpu.memory_space<vmem>> -> memref<128xi32, #tpu.memory_space<vmem>>
        %dma_start3A_513 = arith.constant 0 : i32
        %dma_start3A_514 = arith.constant 0 : i32
        %dma_start3A_515 = tpu.memref_slice %arg12[%dma_start3A_513, %dma_start3A_514] : memref<10240x64xf32, #tpu.memory_space<vmem_shared>> -> memref<10240x64xf32, #tpu.memory_space<vmem_shared>>
        tpu.enqueue_indirect_dma source(%dma_start3A_515 : memref<10240x64xf32, #tpu.memory_space<vmem_shared>>) target(%arg10 : memref<128x64xf32, #tpu.memory_space<vmem>>) offsets(%dma_start3A_512 : memref<128xi32, #tpu.memory_space<vmem>>) semaphore(%arg15 : memref<!tpu.dma_semaphore, #tpu.memory_space<semaphore_mem>>)
      } else {
      }
    }
    %scan3A_348 = arith.constant 20 : i32
    %dma_wait3A_349 = arith.constant 0 : i32
    %dma_wait3A_350 = arith.constant 38 : i32
    %dma_wait3A_351 = arith.constant 0 : i32
    %dma_wait3A_352 = tpu.memref_slice %arg8[%dma_wait3A_349, %dma_wait3A_350, %dma_wait3A_351] : memref<2x40x128xi32, #tpu.memory_space<vmem>> -> memref<1x1x128xi32, #tpu.memory_space<vmem>>
    %dma_wait3A_353 = tpu.memref_squeeze %dma_wait3A_352 : memref<1x1x128xi32, #tpu.memory_space<vmem>> -> memref<128xi32, #tpu.memory_space<vmem>>
    %dma_wait3A_354 = arith.constant 0 : i32
    %dma_wait3A_355 = arith.constant 0 : i32
    %dma_wait3A_356 = tpu.memref_slice %arg13[%dma_wait3A_354, %dma_wait3A_355] : memref<10240x64xf32, #tpu.memory_space<vmem_shared>> -> memref<10240x64xf32, #tpu.memory_space<vmem_shared>>
    tpu.wait_indirect_dma semaphore(%arg16 : memref<!tpu.dma_semaphore, #tpu.memory_space<semaphore_mem>>) src(%arg9 : memref<128x64xf32, #tpu.memory_space<vmem>>) dst(%dma_wait3A_356 : memref<10240x64xf32, #tpu.memory_space<vmem_shared>>)
    %dma_wait3A_357 = arith.constant 0 : i32
    %dma_wait3A_358 = arith.constant 39 : i32
    %dma_wait3A_359 = arith.constant 0 : i32
    %dma_wait3A_360 = tpu.memref_slice %arg8[%dma_wait3A_357, %dma_wait3A_358, %dma_wait3A_359] : memref<2x40x128xi32, #tpu.memory_space<vmem>> -> memref<1x1x128xi32, #tpu.memory_space<vmem>>
    %dma_wait3A_361 = tpu.memref_squeeze %dma_wait3A_360 : memref<1x1x128xi32, #tpu.memory_space<vmem>> -> memref<128xi32, #tpu.memory_space<vmem>>
    %dma_wait3A_362 = arith.constant 0 : i32
    %dma_wait3A_363 = arith.constant 0 : i32
    %dma_wait3A_364 = tpu.memref_slice %arg13[%dma_wait3A_362, %dma_wait3A_363] : memref<10240x64xf32, #tpu.memory_space<vmem_shared>> -> memref<10240x64xf32, #tpu.memory_space<vmem_shared>>
    tpu.wait_indirect_dma semaphore(%arg17 : memref<!tpu.dma_semaphore, #tpu.memory_space<semaphore_mem>>) src(%arg10 : memref<128x64xf32, #tpu.memory_space<vmem>>) dst(%dma_wait3A_364 : memref<10240x64xf32, #tpu.memory_space<vmem_shared>>)
    %dma_wait3A_365 = arith.constant 1 : i32
    %dma_wait3A_366 = arith.constant 0 : i32
    %dma_wait3A_367 = arith.constant 0 : i32
    %dma_wait3A_368 = tpu.memref_slice %arg7[%dma_wait3A_365, %dma_wait3A_366, %dma_wait3A_367] : memref<2x40x128xi32, #tpu.memory_space<vmem>> -> memref<1x40x128xi32, #tpu.memory_space<vmem>>
    %dma_wait3A_369 = tpu.memref_squeeze %dma_wait3A_368 : memref<1x40x128xi32, #tpu.memory_space<vmem>> -> memref<40x128xi32, #tpu.memory_space<vmem>>
    %dma_wait3A_370 = arith.constant 120 : i32
    %dma_wait3A_371 = arith.constant 0 : i32
    %dma_wait3A_372 = tpu.memref_slice %arg4[%arg1, %dma_wait3A_370, %dma_wait3A_371] : memref<16x160x128xi32, #tpu.memory_space<hbm>> -> memref<1x40x128xi32, #tpu.memory_space<hbm>>
    %dma_wait3A_373 = tpu.memref_squeeze %dma_wait3A_372 : memref<1x40x128xi32, #tpu.memory_space<hbm>> -> memref<40x128xi32, #tpu.memory_space<hbm>>
    %dma_wait3A_374 = arith.constant 0 : i32
    %dma_wait3A_375 = arith.constant 0 : i32
    %dma_wait3A_376 = tpu.memref_slice %arg7[%dma_wait3A_365, %dma_wait3A_374, %dma_wait3A_375] : memref<2x40x128xi32, #tpu.memory_space<vmem>> -> memref<1x40x128xi32, #tpu.memory_space<vmem>>
    %dma_wait3A_377 = tpu.memref_squeeze %dma_wait3A_376 : memref<1x40x128xi32, #tpu.memory_space<vmem>> -> memref<40x128xi32, #tpu.memory_space<vmem>>
    %dma_wait3A_378 = arith.constant 120 : i32
    %dma_wait3A_379 = arith.constant 0 : i32
    %dma_wait3A_380 = tpu.memref_slice %arg4[%arg1, %dma_wait3A_378, %dma_wait3A_379] : memref<16x160x128xi32, #tpu.memory_space<hbm>> -> memref<1x40x128xi32, #tpu.memory_space<hbm>>
    %dma_wait3A_381 = tpu.memref_squeeze %dma_wait3A_380 : memref<1x40x128xi32, #tpu.memory_space<hbm>> -> memref<40x128xi32, #tpu.memory_space<hbm>>
    tpu.wait_dma2 semaphore(%arg19 : memref<!tpu.dma_semaphore, #tpu.memory_space<semaphore_mem>>) src(%dma_wait3A_381 : memref<40x128xi32, #tpu.memory_space<hbm>>) dst(%dma_wait3A_377 : memref<40x128xi32, #tpu.memory_space<vmem>>)
    %dma_wait3A_382 = arith.constant 1 : i32
    %dma_wait3A_383 = arith.constant 0 : i32
    %dma_wait3A_384 = arith.constant 0 : i32
    %dma_wait3A_385 = tpu.memref_slice %arg8[%dma_wait3A_382, %dma_wait3A_383, %dma_wait3A_384] : memref<2x40x128xi32, #tpu.memory_space<vmem>> -> memref<1x40x128xi32, #tpu.memory_space<vmem>>
    %dma_wait3A_386 = tpu.memref_squeeze %dma_wait3A_385 : memref<1x40x128xi32, #tpu.memory_space<vmem>> -> memref<40x128xi32, #tpu.memory_space<vmem>>
    %dma_wait3A_387 = arith.constant 120 : i32
    %dma_wait3A_388 = arith.constant 0 : i32
    %dma_wait3A_389 = tpu.memref_slice %arg5[%arg1, %dma_wait3A_387, %dma_wait3A_388] : memref<16x160x128xi32, #tpu.memory_space<hbm>> -> memref<1x40x128xi32, #tpu.memory_space<hbm>>
    %dma_wait3A_390 = tpu.memref_squeeze %dma_wait3A_389 : memref<1x40x128xi32, #tpu.memory_space<hbm>> -> memref<40x128xi32, #tpu.memory_space<hbm>>
    %dma_wait3A_391 = arith.constant 0 : i32
    %dma_wait3A_392 = arith.constant 0 : i32
    %dma_wait3A_393 = tpu.memref_slice %arg8[%dma_wait3A_382, %dma_wait3A_391, %dma_wait3A_392] : memref<2x40x128xi32, #tpu.memory_space<vmem>> -> memref<1x40x128xi32, #tpu.memory_space<vmem>>
    %dma_wait3A_394 = tpu.memref_squeeze %dma_wait3A_393 : memref<1x40x128xi32, #tpu.memory_space<vmem>> -> memref<40x128xi32, #tpu.memory_space<vmem>>
    %dma_wait3A_395 = arith.constant 120 : i32
    %dma_wait3A_396 = arith.constant 0 : i32
    %dma_wait3A_397 = tpu.memref_slice %arg5[%arg1, %dma_wait3A_395, %dma_wait3A_396] : memref<16x160x128xi32, #tpu.memory_space<hbm>> -> memref<1x40x128xi32, #tpu.memory_space<hbm>>
    %dma_wait3A_398 = tpu.memref_squeeze %dma_wait3A_397 : memref<1x40x128xi32, #tpu.memory_space<hbm>> -> memref<40x128xi32, #tpu.memory_space<hbm>>
    tpu.wait_dma2 semaphore(%arg21 : memref<!tpu.dma_semaphore, #tpu.memory_space<semaphore_mem>>) src(%dma_wait3A_398 : memref<40x128xi32, #tpu.memory_space<hbm>>) dst(%dma_wait3A_394 : memref<40x128xi32, #tpu.memory_space<vmem>>)
    %dma_start3A_399 = arith.constant 1 : i32
    %dma_start3A_400 = arith.constant 0 : i32
    %dma_start3A_401 = arith.constant 0 : i32
    %dma_start3A_402 = tpu.memref_slice %arg7[%dma_start3A_399, %dma_start3A_400, %dma_start3A_401] : memref<2x40x128xi32, #tpu.memory_space<vmem>> -> memref<1x1x128xi32, #tpu.memory_space<vmem>>
    %dma_start3A_403 = tpu.memref_squeeze %dma_start3A_402 : memref<1x1x128xi32, #tpu.memory_space<vmem>> -> memref<128xi32, #tpu.memory_space<vmem>>
    %dma_start3A_404 = arith.constant 0 : i32
    %dma_start3A_405 = arith.constant 0 : i32
    %dma_start3A_406 = tpu.memref_slice %arg12[%dma_start3A_404, %dma_start3A_405] : memref<10240x64xf32, #tpu.memory_space<vmem_shared>> -> memref<10240x64xf32, #tpu.memory_space<vmem_shared>>
    tpu.enqueue_indirect_dma source(%dma_start3A_406 : memref<10240x64xf32, #tpu.memory_space<vmem_shared>>) target(%arg9 : memref<128x64xf32, #tpu.memory_space<vmem>>) offsets(%dma_start3A_403 : memref<128xi32, #tpu.memory_space<vmem>>) semaphore(%arg14 : memref<!tpu.dma_semaphore, #tpu.memory_space<semaphore_mem>>)
    %dma_start3A_407 = arith.constant 1 : i32
    %dma_start3A_408 = arith.constant 1 : i32
    %dma_start3A_409 = arith.constant 0 : i32
    %dma_start3A_410 = tpu.memref_slice %arg7[%dma_start3A_407, %dma_start3A_408, %dma_start3A_409] : memref<2x40x128xi32, #tpu.memory_space<vmem>> -> memref<1x1x128xi32, #tpu.memory_space<vmem>>
    %dma_start3A_411 = tpu.memref_squeeze %dma_start3A_410 : memref<1x1x128xi32, #tpu.memory_space<vmem>> -> memref<128xi32, #tpu.memory_space<vmem>>
    %dma_start3A_412 = arith.constant 0 : i32
    %dma_start3A_413 = arith.constant 0 : i32
    %dma_start3A_414 = tpu.memref_slice %arg12[%dma_start3A_412, %dma_start3A_413] : memref<10240x64xf32, #tpu.memory_space<vmem_shared>> -> memref<10240x64xf32, #tpu.memory_space<vmem_shared>>
    tpu.enqueue_indirect_dma source(%dma_start3A_414 : memref<10240x64xf32, #tpu.memory_space<vmem_shared>>) target(%arg10 : memref<128x64xf32, #tpu.memory_space<vmem>>) offsets(%dma_start3A_411 : memref<128xi32, #tpu.memory_space<vmem>>) semaphore(%arg15 : memref<!tpu.dma_semaphore, #tpu.memory_space<semaphore_mem>>)
    %scan3A_415 = arith.constant 0 : i32
    %scan3A_416 = arith.constant 20 : i32
    %scan3A_417 = arith.addi %scan3A_415, %scan3A_416 : i32
    %scan3A_418 = arith.constant 1 : i32
    scf.for %scan3A_441 = %scan3A_415 to %scan3A_417 step %scan3A_418  : i32 {
      %mul3A_442 = arith.constant 1 : i32
      %mul3A_443 = arith.muli %scan3A_441, %mul3A_442 : i32
      %add3A = arith.constant 0 : i32
      %add3A_444 = arith.addi %add3A, %mul3A_443 : i32
      %mul3A_445 = arith.constant 2 : i32
      %mul3A_446 = arith.muli %add3A_444, %mul3A_445 : i32
      %add3A_447 = arith.constant 0 : i32
      %add3A_448 = arith.addi %mul3A_446, %add3A_447 : i32
      %dma_wait3A_449 = arith.constant 1 : i32
      %dma_wait3A_450 = arith.constant 0 : i32
      %dma_wait3A_451 = tpu.memref_slice %arg7[%dma_wait3A_449, %add3A_448, %dma_wait3A_450] : memref<2x40x128xi32, #tpu.memory_space<vmem>> -> memref<1x1x128xi32, #tpu.memory_space<vmem>>
      %dma_wait3A_452 = tpu.memref_squeeze %dma_wait3A_451 : memref<1x1x128xi32, #tpu.memory_space<vmem>> -> memref<128xi32, #tpu.memory_space<vmem>>
      %dma_wait3A_453 = arith.constant 0 : i32
      %dma_wait3A_454 = arith.constant 0 : i32
      %dma_wait3A_455 = tpu.memref_slice %arg12[%dma_wait3A_453, %dma_wait3A_454] : memref<10240x64xf32, #tpu.memory_space<vmem_shared>> -> memref<10240x64xf32, #tpu.memory_space<vmem_shared>>
      tpu.wait_indirect_dma semaphore(%arg14 : memref<!tpu.dma_semaphore, #tpu.memory_space<semaphore_mem>>) src(%dma_wait3A_455 : memref<10240x64xf32, #tpu.memory_space<vmem_shared>>) dst(%arg9 : memref<128x64xf32, #tpu.memory_space<vmem>>)
      %add3A_456 = arith.constant 0 : i32
      %add3A_457 = arith.addi %mul3A_446, %add3A_456 : i32
      %dma_start3A_458 = arith.constant 1 : i32
      %dma_start3A_459 = arith.constant 0 : i32
      %dma_start3A_460 = tpu.memref_slice %arg8[%dma_start3A_458, %add3A_457, %dma_start3A_459] : memref<2x40x128xi32, #tpu.memory_space<vmem>> -> memref<1x1x128xi32, #tpu.memory_space<vmem>>
      %dma_start3A_461 = tpu.memref_squeeze %dma_start3A_460 : memref<1x1x128xi32, #tpu.memory_space<vmem>> -> memref<128xi32, #tpu.memory_space<vmem>>
      %dma_start3A_462 = arith.constant 0 : i32
      %dma_start3A_463 = arith.constant 0 : i32
      %dma_start3A_464 = tpu.memref_slice %arg13[%dma_start3A_462, %dma_start3A_463] : memref<10240x64xf32, #tpu.memory_space<vmem_shared>> -> memref<10240x64xf32, #tpu.memory_space<vmem_shared>>
      tpu.enqueue_indirect_dma source(%arg9 : memref<128x64xf32, #tpu.memory_space<vmem>>) target(%dma_start3A_464 : memref<10240x64xf32, #tpu.memory_space<vmem_shared>>) offsets(%dma_start3A_461 : memref<128xi32, #tpu.memory_space<vmem>>) semaphore(%arg16 : memref<!tpu.dma_semaphore, #tpu.memory_space<semaphore_mem>>) {add = true}
      %add3A_465 = arith.constant 1 : i32
      %add3A_466 = arith.addi %mul3A_446, %add3A_465 : i32
      %dma_wait3A_467 = arith.constant 1 : i32
      %dma_wait3A_468 = arith.constant 0 : i32
      %dma_wait3A_469 = tpu.memref_slice %arg7[%dma_wait3A_467, %add3A_466, %dma_wait3A_468] : memref<2x40x128xi32, #tpu.memory_space<vmem>> -> memref<1x1x128xi32, #tpu.memory_space<vmem>>
      %dma_wait3A_470 = tpu.memref_squeeze %dma_wait3A_469 : memref<1x1x128xi32, #tpu.memory_space<vmem>> -> memref<128xi32, #tpu.memory_space<vmem>>
      %dma_wait3A_471 = arith.constant 0 : i32
      %dma_wait3A_472 = arith.constant 0 : i32
      %dma_wait3A_473 = tpu.memref_slice %arg12[%dma_wait3A_471, %dma_wait3A_472] : memref<10240x64xf32, #tpu.memory_space<vmem_shared>> -> memref<10240x64xf32, #tpu.memory_space<vmem_shared>>
      tpu.wait_indirect_dma semaphore(%arg15 : memref<!tpu.dma_semaphore, #tpu.memory_space<semaphore_mem>>) src(%dma_wait3A_473 : memref<10240x64xf32, #tpu.memory_space<vmem_shared>>) dst(%arg10 : memref<128x64xf32, #tpu.memory_space<vmem>>)
      %add3A_474 = arith.constant 1 : i32
      %add3A_475 = arith.addi %mul3A_446, %add3A_474 : i32
      %dma_start3A_476 = arith.constant 1 : i32
      %dma_start3A_477 = arith.constant 0 : i32
      %dma_start3A_478 = tpu.memref_slice %arg8[%dma_start3A_476, %add3A_475, %dma_start3A_477] : memref<2x40x128xi32, #tpu.memory_space<vmem>> -> memref<1x1x128xi32, #tpu.memory_space<vmem>>
      %dma_start3A_479 = tpu.memref_squeeze %dma_start3A_478 : memref<1x1x128xi32, #tpu.memory_space<vmem>> -> memref<128xi32, #tpu.memory_space<vmem>>
      %dma_start3A_480 = arith.constant 0 : i32
      %dma_start3A_481 = arith.constant 0 : i32
      %dma_start3A_482 = tpu.memref_slice %arg13[%dma_start3A_480, %dma_start3A_481] : memref<10240x64xf32, #tpu.memory_space<vmem_shared>> -> memref<10240x64xf32, #tpu.memory_space<vmem_shared>>
      tpu.enqueue_indirect_dma source(%arg10 : memref<128x64xf32, #tpu.memory_space<vmem>>) target(%dma_start3A_482 : memref<10240x64xf32, #tpu.memory_space<vmem_shared>>) offsets(%dma_start3A_479 : memref<128xi32, #tpu.memory_space<vmem>>) semaphore(%arg17 : memref<!tpu.dma_semaphore, #tpu.memory_space<semaphore_mem>>) {add = true}
      %add3A_483 = arith.constant 1 : i32
      %add3A_484 = arith.addi %add3A_444, %add3A_483 : i32
      %lt3A = arith.constant 20 : i32
      %lt3A_485 = arith.cmpi slt, %add3A_484, %lt3A : i32
      %convert_element_type3A_486 = arith.extui %lt3A_485 : i1 to i32
      %cond3A_487 = arith.constant 0 : i32
      %cond3A_488 = arith.cmpi ne, %convert_element_type3A_486, %cond3A_487 : i32
      scf.if %cond3A_488 {
        %add3A_496 = arith.constant 0 : i32
        %add3A_497 = arith.addi %mul3A_446, %add3A_496 : i32
        %dma_wait3A_498 = arith.constant 1 : i32
        %dma_wait3A_499 = arith.constant 0 : i32
        %dma_wait3A_500 = tpu.memref_slice %arg8[%dma_wait3A_498, %add3A_497, %dma_wait3A_499] : memref<2x40x128xi32, #tpu.memory_space<vmem>> -> memref<1x1x128xi32, #tpu.memory_space<vmem>>
        %dma_wait3A_501 = tpu.memref_squeeze %dma_wait3A_500 : memref<1x1x128xi32, #tpu.memory_space<vmem>> -> memref<128xi32, #tpu.memory_space<vmem>>
        %dma_wait3A_502 = arith.constant 0 : i32
        %dma_wait3A_503 = arith.constant 0 : i32
        %dma_wait3A_504 = tpu.memref_slice %arg13[%dma_wait3A_502, %dma_wait3A_503] : memref<10240x64xf32, #tpu.memory_space<vmem_shared>> -> memref<10240x64xf32, #tpu.memory_space<vmem_shared>>
        tpu.wait_indirect_dma semaphore(%arg16 : memref<!tpu.dma_semaphore, #tpu.memory_space<semaphore_mem>>) src(%arg9 : memref<128x64xf32, #tpu.memory_space<vmem>>) dst(%dma_wait3A_504 : memref<10240x64xf32, #tpu.memory_space<vmem_shared>>)
        %add3A_505 = arith.constant 2 : i32
        %add3A_506 = arith.addi %mul3A_446, %add3A_505 : i32
        %add3A_507 = arith.constant 0 : i32
        %add3A_508 = arith.addi %add3A_506, %add3A_507 : i32
        %dma_start3A_509 = arith.constant 1 : i32
        %dma_start3A_510 = arith.constant 0 : i32
        %dma_start3A_511 = tpu.memref_slice %arg7[%dma_start3A_509, %add3A_508, %dma_start3A_510] : memref<2x40x128xi32, #tpu.memory_space<vmem>> -> memref<1x1x128xi32, #tpu.memory_space<vmem>>
        %dma_start3A_512 = tpu.memref_squeeze %dma_start3A_511 : memref<1x1x128xi32, #tpu.memory_space<vmem>> -> memref<128xi32, #tpu.memory_space<vmem>>
        %dma_start3A_513 = arith.constant 0 : i32
        %dma_start3A_514 = arith.constant 0 : i32
        %dma_start3A_515 = tpu.memref_slice %arg12[%dma_start3A_513, %dma_start3A_514] : memref<10240x64xf32, #tpu.memory_space<vmem_shared>> -> memref<10240x64xf32, #tpu.memory_space<vmem_shared>>
        tpu.enqueue_indirect_dma source(%dma_start3A_515 : memref<10240x64xf32, #tpu.memory_space<vmem_shared>>) target(%arg9 : memref<128x64xf32, #tpu.memory_space<vmem>>) offsets(%dma_start3A_512 : memref<128xi32, #tpu.memory_space<vmem>>) semaphore(%arg14 : memref<!tpu.dma_semaphore, #tpu.memory_space<semaphore_mem>>)
      } else {
      }
      %add3A_489 = arith.constant 1 : i32
      %add3A_490 = arith.addi %add3A_444, %add3A_489 : i32
      %lt3A_491 = arith.constant 20 : i32
      %lt3A_492 = arith.cmpi slt, %add3A_490, %lt3A_491 : i32
      %convert_element_type3A_493 = arith.extui %lt3A_492 : i1 to i32
      %cond3A_494 = arith.constant 0 : i32
      %cond3A_495 = arith.cmpi ne, %convert_element_type3A_493, %cond3A_494 : i32
      scf.if %cond3A_495 {
        %add3A_496 = arith.constant 1 : i32
        %add3A_497 = arith.addi %mul3A_446, %add3A_496 : i32
        %dma_wait3A_498 = arith.constant 1 : i32
        %dma_wait3A_499 = arith.constant 0 : i32
        %dma_wait3A_500 = tpu.memref_slice %arg8[%dma_wait3A_498, %add3A_497, %dma_wait3A_499] : memref<2x40x128xi32, #tpu.memory_space<vmem>> -> memref<1x1x128xi32, #tpu.memory_space<vmem>>
        %dma_wait3A_501 = tpu.memref_squeeze %dma_wait3A_500 : memref<1x1x128xi32, #tpu.memory_space<vmem>> -> memref<128xi32, #tpu.memory_space<vmem>>
        %dma_wait3A_502 = arith.constant 0 : i32
        %dma_wait3A_503 = arith.constant 0 : i32
        %dma_wait3A_504 = tpu.memref_slice %arg13[%dma_wait3A_502, %dma_wait3A_503] : memref<10240x64xf32, #tpu.memory_space<vmem_shared>> -> memref<10240x64xf32, #tpu.memory_space<vmem_shared>>
        tpu.wait_indirect_dma semaphore(%arg17 : memref<!tpu.dma_semaphore, #tpu.memory_space<semaphore_mem>>) src(%arg10 : memref<128x64xf32, #tpu.memory_space<vmem>>) dst(%dma_wait3A_504 : memref<10240x64xf32, #tpu.memory_space<vmem_shared>>)
        %add3A_505 = arith.constant 2 : i32
        %add3A_506 = arith.addi %mul3A_446, %add3A_505 : i32
        %add3A_507 = arith.constant 1 : i32
        %add3A_508 = arith.addi %add3A_506, %add3A_507 : i32
        %dma_start3A_509 = arith.constant 1 : i32
        %dma_start3A_510 = arith.constant 0 : i32
        %dma_start3A_511 = tpu.memref_slice %arg7[%dma_start3A_509, %add3A_508, %dma_start3A_510] : memref<2x40x128xi32, #tpu.memory_space<vmem>> -> memref<1x1x128xi32, #tpu.memory_space<vmem>>
        %dma_start3A_512 = tpu.memref_squeeze %dma_start3A_511 : memref<1x1x128xi32, #tpu.memory_space<vmem>> -> memref<128xi32, #tpu.memory_space<vmem>>
        %dma_start3A_513 = arith.constant 0 : i32
        %dma_start3A_514 = arith.constant 0 : i32
        %dma_start3A_515 = tpu.memref_slice %arg12[%dma_start3A_513, %dma_start3A_514] : memref<10240x64xf32, #tpu.memory_space<vmem_shared>> -> memref<10240x64xf32, #tpu.memory_space<vmem_shared>>
        tpu.enqueue_indirect_dma source(%dma_start3A_515 : memref<10240x64xf32, #tpu.memory_space<vmem_shared>>) target(%arg10 : memref<128x64xf32, #tpu.memory_space<vmem>>) offsets(%dma_start3A_512 : memref<128xi32, #tpu.memory_space<vmem>>) semaphore(%arg15 : memref<!tpu.dma_semaphore, #tpu.memory_space<semaphore_mem>>)
      } else {
      }
    }
    %scan3A_419 = arith.constant 20 : i32
    %dma_wait3A_420 = arith.constant 1 : i32
    %dma_wait3A_421 = arith.constant 38 : i32
    %dma_wait3A_422 = arith.constant 0 : i32
    %dma_wait3A_423 = tpu.memref_slice %arg8[%dma_wait3A_420, %dma_wait3A_421, %dma_wait3A_422] : memref<2x40x128xi32, #tpu.memory_space<vmem>> -> memref<1x1x128xi32, #tpu.memory_space<vmem>>
    %dma_wait3A_424 = tpu.memref_squeeze %dma_wait3A_423 : memref<1x1x128xi32, #tpu.memory_space<vmem>> -> memref<128xi32, #tpu.memory_space<vmem>>
    %dma_wait3A_425 = arith.constant 0 : i32
    %dma_wait3A_426 = arith.constant 0 : i32
    %dma_wait3A_427 = tpu.memref_slice %arg13[%dma_wait3A_425, %dma_wait3A_426] : memref<10240x64xf32, #tpu.memory_space<vmem_shared>> -> memref<10240x64xf32, #tpu.memory_space<vmem_shared>>
    tpu.wait_indirect_dma semaphore(%arg16 : memref<!tpu.dma_semaphore, #tpu.memory_space<semaphore_mem>>) src(%arg9 : memref<128x64xf32, #tpu.memory_space<vmem>>) dst(%dma_wait3A_427 : memref<10240x64xf32, #tpu.memory_space<vmem_shared>>)
    %dma_wait3A_428 = arith.constant 1 : i32
    %dma_wait3A_429 = arith.constant 39 : i32
    %dma_wait3A_430 = arith.constant 0 : i32
    %dma_wait3A_431 = tpu.memref_slice %arg8[%dma_wait3A_428, %dma_wait3A_429, %dma_wait3A_430] : memref<2x40x128xi32, #tpu.memory_space<vmem>> -> memref<1x1x128xi32, #tpu.memory_space<vmem>>
    %dma_wait3A_432 = tpu.memref_squeeze %dma_wait3A_431 : memref<1x1x128xi32, #tpu.memory_space<vmem>> -> memref<128xi32, #tpu.memory_space<vmem>>
    %dma_wait3A_433 = arith.constant 0 : i32
    %dma_wait3A_434 = arith.constant 0 : i32
    %dma_wait3A_435 = tpu.memref_slice %arg13[%dma_wait3A_433, %dma_wait3A_434] : memref<10240x64xf32, #tpu.memory_space<vmem_shared>> -> memref<10240x64xf32, #tpu.memory_space<vmem_shared>>
    tpu.wait_indirect_dma semaphore(%arg17 : memref<!tpu.dma_semaphore, #tpu.memory_space<semaphore_mem>>) src(%arg10 : memref<128x64xf32, #tpu.memory_space<vmem>>) dst(%dma_wait3A_435 : memref<10240x64xf32, #tpu.memory_space<vmem_shared>>)
    %barrier3A_436 = arith.constant 0 : index
    tpu.barrier barrier_id(%barrier3A_436)
    %mul3A_437 = arith.constant 640 : i32
    %mul3A_438 = arith.muli %arg1, %mul3A_437 : i32
    %mul3A_439 = arith.constant 640 : i32
    %mul3A_440 = arith.muli %arg1, %mul3A_439 : i32
    "tpu.region"() ({
      %run_scoped3A = tpu.sem_alloc : memref<!tpu.dma_semaphore, #tpu.memory_space<semaphore_mem>>
      %dma_start3A_441 = arith.constant 0 : i32
      %dma_start3A_442 = tpu.memref_slice %arg6[%arg0, %mul3A_440, %dma_start3A_441] : memref<2x10240x64xf32, #tpu.memory_space<hbm>> -> memref<1x640x64xf32, #tpu.memory_space<hbm>>
      %dma_start3A_443 = tpu.memref_squeeze %dma_start3A_442 : memref<1x640x64xf32, #tpu.memory_space<hbm>> -> memref<640x64xf32, #tpu.memory_space<hbm>>
      %dma_start3A_444 = arith.constant 0 : i32
      %dma_start3A_445 = tpu.memref_slice %arg13[%mul3A_438, %dma_start3A_444] : memref<10240x64xf32, #tpu.memory_space<vmem_shared>> -> memref<640x64xf32, #tpu.memory_space<vmem_shared>>
      tpu.enqueue_dma source(%dma_start3A_445 : memref<640x64xf32, #tpu.memory_space<vmem_shared>>) target(%dma_start3A_443 : memref<640x64xf32, #tpu.memory_space<hbm>>) target_semaphore(%run_scoped3A : memref<!tpu.dma_semaphore, #tpu.memory_space<semaphore_mem>>)
      %dma_wait3A_446 = arith.constant 0 : i32
      %dma_wait3A_447 = tpu.memref_slice %arg6[%arg0, %mul3A_440, %dma_wait3A_446] : memref<2x10240x64xf32, #tpu.memory_space<hbm>> -> memref<1x640x64xf32, #tpu.memory_space<hbm>>
      %dma_wait3A_448 = tpu.memref_squeeze %dma_wait3A_447 : memref<1x640x64xf32, #tpu.memory_space<hbm>> -> memref<640x64xf32, #tpu.memory_space<hbm>>
      %dma_wait3A_449 = arith.constant 0 : i32
      %dma_wait3A_450 = tpu.memref_slice %arg13[%mul3A_438, %dma_wait3A_449] : memref<10240x64xf32, #tpu.memory_space<vmem_shared>> -> memref<640x64xf32, #tpu.memory_space<vmem_shared>>
      tpu.wait_dma2 semaphore(%run_scoped3A : memref<!tpu.dma_semaphore, #tpu.memory_space<semaphore_mem>>) src(%dma_wait3A_450 : memref<640x64xf32, #tpu.memory_space<vmem_shared>>) dst(%dma_wait3A_448 : memref<640x64xf32, #tpu.memory_space<hbm>>)
      tpu.yield
    }) : () -> ()
    return
  }
}

module attributes {stable_mosaic.version = 14 : i64} {
  func.func @_tc_first_body(%arg0: i32, %arg1: memref<1024x128xf32, #tpu.memory_space<vmem>>, %arg2: memref<1024x1xf32, #tpu.memory_space<vmem>>, %arg3: memref<1024x1xf32, #tpu.memory_space<vmem>>, %arg4: memref<1024x1xf32, #tpu.memory_space<vmem>>, %arg5: memref<1024x1xf32, #tpu.memory_space<vmem>>, %arg6: memref<1024x64xf32, #tpu.memory_space<vmem>>, %arg7: memref<1024x64xf32, #tpu.memory_space<vmem>>, %arg8: memref<1024x1xf32, #tpu.memory_space<vmem>>, %arg9: memref<1024x1xf32, #tpu.memory_space<vmem>>) attributes {dimension_semantics = [#tpu.dimension_semantics<arbitrary>], iteration_bounds = array<i64: 10>, scalar_prefetch = 0 : i64, scratch_operands = 0 : i64, tpu.core_type = #tpu.core_type<tc>, window_params = [{transform_indices = @transform_0, window_bounds = array<i64: 1024, 128>}, {transform_indices = @transform_1, window_bounds = array<i64: 1024, 1>}, {transform_indices = @transform_2, window_bounds = array<i64: 1024, 1>}, {transform_indices = @transform_3, window_bounds = array<i64: 1024, 1>}, {transform_indices = @transform_4, window_bounds = array<i64: 1024, 1>}, {transform_indices = @transform_5, window_bounds = array<i64: 1024, 64>}, {transform_indices = @transform_6, window_bounds = array<i64: 1024, 64>}, {transform_indices = @transform_7, window_bounds = array<i64: 1024, 1>}, {transform_indices = @transform_8, window_bounds = array<i64: 1024, 1>}]} {
    %get3A = arith.constant 0 : index
    %get3A_0 = arith.constant 0 : index
    %get3A_1 = vector.load %arg2[%get3A, %get3A_0] : memref<1024x1xf32, #tpu.memory_space<vmem>>, vector<1024x1xf32>
    %get3A_2 = arith.constant 0 : index
    %get3A_3 = arith.constant 0 : index
    %get3A_4 = vector.load %arg3[%get3A_2, %get3A_3] : memref<1024x1xf32, #tpu.memory_space<vmem>>, vector<1024x1xf32>
    %add3A = arith.addf %get3A_1, %get3A_4 : vector<1024x1xf32>
    %gt3A = arith.constant 0.000000e+00 : f32
    %gt3A_5 = vector.broadcast %gt3A : f32 to vector<1024x1xf32>
    %gt3A_6 = arith.cmpf ogt, %add3A, %gt3A_5 : vector<1024x1xf32>
    %max3A = arith.constant 1.000000e+00 : f32
    %max3A_7 = vector.broadcast %max3A : f32 to vector<1024x1xf32>
    %max3A_8 = arith.maximumf %add3A, %max3A_7 : vector<1024x1xf32>
    %rsqrt3A = math.rsqrt %max3A_8 : vector<1024x1xf32>
    %jit3A = arith.constant 0.000000e+00 : f32
    %broadcast_in_dim3A = vector.broadcast %jit3A : f32 to vector<1024x1xf32>
    %select_n3A = arith.select %gt3A_6, %rsqrt3A, %broadcast_in_dim3A : vector<1024x1xi1>, vector<1024x1xf32>
    %get3A_9 = arith.constant 0 : index
    %get3A_10 = arith.constant 0 : index
    %get3A_11 = vector.load %arg4[%get3A_9, %get3A_10] : memref<1024x1xf32, #tpu.memory_space<vmem>>, vector<1024x1xf32>
    %get3A_12 = arith.constant 0 : index
    %get3A_13 = arith.constant 0 : index
    %get3A_14 = vector.load %arg5[%get3A_12, %get3A_13] : memref<1024x1xf32, #tpu.memory_space<vmem>>, vector<1024x1xf32>
    %add3A_15 = arith.addf %get3A_11, %get3A_14 : vector<1024x1xf32>
    %gt3A_16 = arith.constant 0.000000e+00 : f32
    %gt3A_17 = vector.broadcast %gt3A_16 : f32 to vector<1024x1xf32>
    %gt3A_18 = arith.cmpf ogt, %add3A_15, %gt3A_17 : vector<1024x1xf32>
    %max3A_19 = arith.constant 1.000000e+00 : f32
    %max3A_20 = vector.broadcast %max3A_19 : f32 to vector<1024x1xf32>
    %max3A_21 = arith.maximumf %add3A_15, %max3A_20 : vector<1024x1xf32>
    %rsqrt3A_22 = math.rsqrt %max3A_21 : vector<1024x1xf32>
    %jit3A_23 = arith.constant 0.000000e+00 : f32
    %broadcast_in_dim3A_24 = vector.broadcast %jit3A_23 : f32 to vector<1024x1xf32>
    %select_n3A_25 = arith.select %gt3A_18, %rsqrt3A_22, %broadcast_in_dim3A_24 : vector<1024x1xi1>, vector<1024x1xf32>
    %get3A_26 = arith.constant 0 : index
    %get3A_27 = arith.constant 0 : index
    %get3A_28 = vector.load %arg1[%get3A_26, %get3A_27] : memref<1024x128xf32, #tpu.memory_space<vmem>>, vector<1024x128xf32>
    %mul3A = vector.broadcast %select_n3A : vector<1024x1xf32> to vector<1024x128xf32>
    %mul3A_29 = arith.mulf %get3A_28, %mul3A : vector<1024x128xf32>
    %slice3A = vector.extract_strided_slice %mul3A_29 {offsets = [0, 0], sizes = [1024, 64], strides = [1, 1]} : vector<1024x128xf32> to vector<1024x64xf32>
    %swap3A = arith.constant 0 : index
    %swap3A_30 = arith.constant 0 : index
    %swap3A_31 = vector.load %arg6[%swap3A, %swap3A_30] : memref<1024x64xf32, #tpu.memory_space<vmem>>, vector<1024x64xf32>
    tpu.vector_store %arg6[%swap3A, %swap3A_30], %slice3A {strides = array<i32>} : memref<1024x64xf32, #tpu.memory_space<vmem>>, vector<1024x64xf32>,
    %slice3A_32 = vector.extract_strided_slice %mul3A_29 {offsets = [0, 64], sizes = [1024, 64], strides = [1, 1]} : vector<1024x128xf32> to vector<1024x64xf32>
    %swap3A_33 = arith.constant 0 : index
    %swap3A_34 = arith.constant 0 : index
    %swap3A_35 = vector.load %arg7[%swap3A_33, %swap3A_34] : memref<1024x64xf32, #tpu.memory_space<vmem>>, vector<1024x64xf32>
    tpu.vector_store %arg7[%swap3A_33, %swap3A_34], %slice3A_32 {strides = array<i32>} : memref<1024x64xf32, #tpu.memory_space<vmem>>, vector<1024x64xf32>,
    %swap3A_36 = arith.constant 0 : index
    %swap3A_37 = arith.constant 0 : index
    %swap3A_38 = vector.load %arg8[%swap3A_36, %swap3A_37] : memref<1024x1xf32, #tpu.memory_space<vmem>>, vector<1024x1xf32>
    tpu.vector_store %arg8[%swap3A_36, %swap3A_37], %select_n3A {strides = array<i32>} : memref<1024x1xf32, #tpu.memory_space<vmem>>, vector<1024x1xf32>,
    %swap3A_39 = arith.constant 0 : index
    %swap3A_40 = arith.constant 0 : index
    %swap3A_41 = vector.load %arg9[%swap3A_39, %swap3A_40] : memref<1024x1xf32, #tpu.memory_space<vmem>>, vector<1024x1xf32>
    tpu.vector_store %arg9[%swap3A_39, %swap3A_40], %select_n3A_25 {strides = array<i32>} : memref<1024x1xf32, #tpu.memory_space<vmem>>, vector<1024x1xf32>,
    return
  }
  func.func @transform_0(%arg0: i32) -> (i32, i32) {
    %c0_i32 = arith.constant 0 : i32
    %c0_i32_0 = arith.constant 0 : i32
    return %arg0, %c0_i32 : i32, i32
  }
  func.func @transform_1(%arg0: i32) -> (i32, i32) {
    %c0_i32 = arith.constant 0 : i32
    %c0_i32_0 = arith.constant 0 : i32
    return %arg0, %c0_i32 : i32, i32
  }
  func.func @transform_2(%arg0: i32) -> (i32, i32) {
    %c0_i32 = arith.constant 0 : i32
    %c0_i32_0 = arith.constant 0 : i32
    return %arg0, %c0_i32 : i32, i32
  }
  func.func @transform_3(%arg0: i32) -> (i32, i32) {
    %c0_i32 = arith.constant 0 : i32
    %c0_i32_0 = arith.constant 0 : i32
    return %arg0, %c0_i32 : i32, i32
  }
  func.func @transform_4(%arg0: i32) -> (i32, i32) {
    %c0_i32 = arith.constant 0 : i32
    %c0_i32_0 = arith.constant 0 : i32
    return %arg0, %c0_i32 : i32, i32
  }
  func.func @transform_5(%arg0: i32) -> (i32, i32) {
    %c0_i32 = arith.constant 0 : i32
    %c0_i32_0 = arith.constant 0 : i32
    return %arg0, %c0_i32 : i32, i32
  }
  func.func @transform_6(%arg0: i32) -> (i32, i32) {
    %c0_i32 = arith.constant 0 : i32
    %c0_i32_0 = arith.constant 0 : i32
    return %arg0, %c0_i32 : i32, i32
  }
  func.func @transform_7(%arg0: i32) -> (i32, i32) {
    %c0_i32 = arith.constant 0 : i32
    %c0_i32_0 = arith.constant 0 : i32
    return %arg0, %c0_i32 : i32, i32
  }
  func.func @transform_8(%arg0: i32) -> (i32, i32) {
    %c0_i32 = arith.constant 0 : i32
    %c0_i32_0 = arith.constant 0 : i32
    return %arg0, %c0_i32 : i32, i32
  }
}

module attributes {stable_mosaic.version = 14 : i64} {
  func.func @_tc_mid_body(%arg0: i32, %arg1: memref<1024x64xf32, #tpu.memory_space<vmem>>, %arg2: memref<1024x64xf32, #tpu.memory_space<vmem>>, %arg3: memref<64x128xf32, #tpu.memory_space<vmem>>, %arg4: memref<64x128xf32, #tpu.memory_space<vmem>>, %arg5: memref<1x128xf32, #tpu.memory_space<vmem>>, %arg6: memref<1024x1xf32, #tpu.memory_space<vmem>>, %arg7: memref<1024x1xf32, #tpu.memory_space<vmem>>, %arg8: memref<1024x64xf32, #tpu.memory_space<vmem>>, %arg9: memref<1024x64xf32, #tpu.memory_space<vmem>>) attributes {dimension_semantics = [#tpu.dimension_semantics<arbitrary>], iteration_bounds = array<i64: 10>, scalar_prefetch = 0 : i64, scratch_operands = 0 : i64, tpu.core_type = #tpu.core_type<tc>, window_params = [{transform_indices = @transform_0, window_bounds = array<i64: 1024, 64>}, {transform_indices = @transform_1, window_bounds = array<i64: 1024, 64>}, {pipeline_mode = #tpu.pipeline_mode<synchronous>, transform_indices = @transform_2, window_bounds = array<i64: 64, 128>}, {pipeline_mode = #tpu.pipeline_mode<synchronous>, transform_indices = @transform_3, window_bounds = array<i64: 64, 128>}, {pipeline_mode = #tpu.pipeline_mode<synchronous>, transform_indices = @transform_4, window_bounds = array<i64: 1, 128>}, {transform_indices = @transform_5, window_bounds = array<i64: 1024, 1>}, {transform_indices = @transform_6, window_bounds = array<i64: 1024, 1>}, {transform_indices = @transform_7, window_bounds = array<i64: 1024, 64>}, {transform_indices = @transform_8, window_bounds = array<i64: 1024, 64>}]} {
    %get3A = arith.constant 0 : index
    %get3A_0 = arith.constant 0 : index
    %get3A_1 = vector.load %arg1[%get3A, %get3A_0] : memref<1024x64xf32, #tpu.memory_space<vmem>>, vector<1024x64xf32>
    %get3A_2 = arith.constant 0 : index
    %get3A_3 = arith.constant 0 : index
    %get3A_4 = vector.load %arg3[%get3A_2, %get3A_3] : memref<64x128xf32, #tpu.memory_space<vmem>>, vector<64x128xf32>
    %dot_general3A = arith.constant dense<0.000000e+00> : vector<1024x128xf32>
    %dot_general3A_5 = tpu.matmul %get3A_1, %get3A_4, %dot_general3A {dimension_numbers = #tpu.dot_dimension_numbers<[1], [0], [0], [1], [0, 0, 1, 1], [], []>, precision = #tpu.contract_precision<fp32>, transpose_lhs_hint = false} : vector<1024x64xf32>, vector<64x128xf32>, vector<1024x128xf32> -> vector<1024x128xf32>
    %get3A_6 = arith.constant 0 : index
    %get3A_7 = arith.constant 0 : index
    %get3A_8 = vector.load %arg2[%get3A_6, %get3A_7] : memref<1024x64xf32, #tpu.memory_space<vmem>>, vector<1024x64xf32>
    %get3A_9 = arith.constant 0 : index
    %get3A_10 = arith.constant 0 : index
    %get3A_11 = vector.load %arg4[%get3A_9, %get3A_10] : memref<64x128xf32, #tpu.memory_space<vmem>>, vector<64x128xf32>
    %dot_general3A_12 = arith.constant dense<0.000000e+00> : vector<1024x128xf32>
    %dot_general3A_13 = tpu.matmul %get3A_8, %get3A_11, %dot_general3A_12 {dimension_numbers = #tpu.dot_dimension_numbers<[1], [0], [0], [1], [0, 0, 1, 1], [], []>, precision = #tpu.contract_precision<fp32>, transpose_lhs_hint = false} : vector<1024x64xf32>, vector<64x128xf32>, vector<1024x128xf32> -> vector<1024x128xf32>
    %add3A = arith.addf %dot_general3A_5, %dot_general3A_13 : vector<1024x128xf32>
    %get3A_14 = arith.constant 0 : index
    %get3A_15 = arith.constant 0 : index
    %get3A_16 = vector.load %arg6[%get3A_14, %get3A_15] : memref<1024x1xf32, #tpu.memory_space<vmem>>, vector<1024x1xf32>
    %get3A_17 = arith.constant 0 : index
    %get3A_18 = arith.constant 0 : index
    %get3A_19 = vector.load %arg7[%get3A_17, %get3A_18] : memref<1024x1xf32, #tpu.memory_space<vmem>>, vector<1024x1xf32>
    %mul3A = arith.mulf %get3A_16, %get3A_19 : vector<1024x1xf32>
    %mul3A_20 = vector.broadcast %mul3A : vector<1024x1xf32> to vector<1024x128xf32>
    %mul3A_21 = arith.mulf %mul3A_20, %add3A : vector<1024x128xf32>
    %get3A_22 = arith.constant 0 : index
    %get3A_23 = arith.constant 0 : index
    %get3A_24 = vector.load %arg5[%get3A_22, %get3A_23] : memref<1x128xf32, #tpu.memory_space<vmem>>, vector<1x128xf32>
    %mul3A_25 = vector.broadcast %get3A_16 : vector<1024x1xf32> to vector<1024x128xf32>
    %mul3A_26 = vector.broadcast %get3A_24 : vector<1x128xf32> to vector<1024x128xf32>
    %mul3A_27 = arith.mulf %mul3A_25, %mul3A_26 : vector<1024x128xf32>
    %add3A_28 = arith.addf %mul3A_21, %mul3A_27 : vector<1024x128xf32>
    %slice3A = vector.extract_strided_slice %add3A_28 {offsets = [0, 0], sizes = [1024, 64], strides = [1, 1]} : vector<1024x128xf32> to vector<1024x64xf32>
    %swap3A = arith.constant 0 : index
    %swap3A_29 = arith.constant 0 : index
    %swap3A_30 = vector.load %arg8[%swap3A, %swap3A_29] : memref<1024x64xf32, #tpu.memory_space<vmem>>, vector<1024x64xf32>
    tpu.vector_store %arg8[%swap3A, %swap3A_29], %slice3A {strides = array<i32>} : memref<1024x64xf32, #tpu.memory_space<vmem>>, vector<1024x64xf32>,
    %slice3A_31 = vector.extract_strided_slice %add3A_28 {offsets = [0, 64], sizes = [1024, 64], strides = [1, 1]} : vector<1024x128xf32> to vector<1024x64xf32>
    %swap3A_32 = arith.constant 0 : index
    %swap3A_33 = arith.constant 0 : index
    %swap3A_34 = vector.load %arg9[%swap3A_32, %swap3A_33] : memref<1024x64xf32, #tpu.memory_space<vmem>>, vector<1024x64xf32>
    tpu.vector_store %arg9[%swap3A_32, %swap3A_33], %slice3A_31 {strides = array<i32>} : memref<1024x64xf32, #tpu.memory_space<vmem>>, vector<1024x64xf32>,
    return
  }
  func.func @transform_0(%arg0: i32) -> (i32, i32) {
    %c0_i32 = arith.constant 0 : i32
    %c0_i32_0 = arith.constant 0 : i32
    return %arg0, %c0_i32 : i32, i32
  }
  func.func @transform_1(%arg0: i32) -> (i32, i32) {
    %c0_i32 = arith.constant 0 : i32
    %c0_i32_0 = arith.constant 0 : i32
    return %arg0, %c0_i32 : i32, i32
  }
  func.func @transform_2(%arg0: i32) -> (i32, i32) {
    %c0_i32 = arith.constant 0 : i32
    %c0_i32_0 = arith.constant 0 : i32
    %c0_i32_1 = arith.constant 0 : i32
    return %c0_i32, %c0_i32_0 : i32, i32
  }
  func.func @transform_3(%arg0: i32) -> (i32, i32) {
    %c0_i32 = arith.constant 0 : i32
    %c0_i32_0 = arith.constant 0 : i32
    %c0_i32_1 = arith.constant 0 : i32
    return %c0_i32, %c0_i32_0 : i32, i32
  }
  func.func @transform_4(%arg0: i32) -> (i32, i32) {
    %c0_i32 = arith.constant 0 : i32
    %c0_i32_0 = arith.constant 0 : i32
    %c0_i32_1 = arith.constant 0 : i32
    return %c0_i32, %c0_i32_0 : i32, i32
  }
  func.func @transform_5(%arg0: i32) -> (i32, i32) {
    %c0_i32 = arith.constant 0 : i32
    %c0_i32_0 = arith.constant 0 : i32
    return %arg0, %c0_i32 : i32, i32
  }
  func.func @transform_6(%arg0: i32) -> (i32, i32) {
    %c0_i32 = arith.constant 0 : i32
    %c0_i32_0 = arith.constant 0 : i32
    return %arg0, %c0_i32 : i32, i32
  }
  func.func @transform_7(%arg0: i32) -> (i32, i32) {
    %c0_i32 = arith.constant 0 : i32
    %c0_i32_0 = arith.constant 0 : i32
    return %arg0, %c0_i32 : i32, i32
  }
  func.func @transform_8(%arg0: i32) -> (i32, i32) {
    %c0_i32 = arith.constant 0 : i32
    %c0_i32_0 = arith.constant 0 : i32
    return %arg0, %c0_i32 : i32, i32
  }
}

module attributes {stable_mosaic.version = 14 : i64} {
  func.func @_tc_final_body(%arg0: i32, %arg1: memref<1024x64xf32, #tpu.memory_space<vmem>>, %arg2: memref<1024x64xf32, #tpu.memory_space<vmem>>, %arg3: memref<64x128xf32, #tpu.memory_space<vmem>>, %arg4: memref<64x128xf32, #tpu.memory_space<vmem>>, %arg5: memref<1x128xf32, #tpu.memory_space<vmem>>, %arg6: memref<1024x1xf32, #tpu.memory_space<vmem>>, %arg7: memref<1x128xf32, #tpu.memory_space<vmem>>, %arg8: memref<1x128xf32, #tpu.memory_space<vmem>>, %arg9: memref<1024x128xf32, #tpu.memory_space<vmem>>) attributes {dimension_semantics = [#tpu.dimension_semantics<arbitrary>], iteration_bounds = array<i64: 10>, scalar_prefetch = 0 : i64, scratch_operands = 0 : i64, tpu.core_type = #tpu.core_type<tc>, window_params = [{transform_indices = @transform_0, window_bounds = array<i64: 1024, 64>}, {transform_indices = @transform_1, window_bounds = array<i64: 1024, 64>}, {pipeline_mode = #tpu.pipeline_mode<synchronous>, transform_indices = @transform_2, window_bounds = array<i64: 64, 128>}, {pipeline_mode = #tpu.pipeline_mode<synchronous>, transform_indices = @transform_3, window_bounds = array<i64: 64, 128>}, {pipeline_mode = #tpu.pipeline_mode<synchronous>, transform_indices = @transform_4, window_bounds = array<i64: 1, 128>}, {transform_indices = @transform_5, window_bounds = array<i64: 1024, 1>}, {pipeline_mode = #tpu.pipeline_mode<synchronous>, transform_indices = @transform_6, window_bounds = array<i64: 1, 128>}, {pipeline_mode = #tpu.pipeline_mode<synchronous>, transform_indices = @transform_7, window_bounds = array<i64: 1, 128>}, {transform_indices = @transform_8, window_bounds = array<i64: 1024, 128>}]} {
    %get3A = arith.constant 0 : index
    %get3A_0 = arith.constant 0 : index
    %get3A_1 = vector.load %arg1[%get3A, %get3A_0] : memref<1024x64xf32, #tpu.memory_space<vmem>>, vector<1024x64xf32>
    %get3A_2 = arith.constant 0 : index
    %get3A_3 = arith.constant 0 : index
    %get3A_4 = vector.load %arg3[%get3A_2, %get3A_3] : memref<64x128xf32, #tpu.memory_space<vmem>>, vector<64x128xf32>
    %dot_general3A = arith.constant dense<0.000000e+00> : vector<1024x128xf32>
    %dot_general3A_5 = tpu.matmul %get3A_1, %get3A_4, %dot_general3A {dimension_numbers = #tpu.dot_dimension_numbers<[1], [0], [0], [1], [0, 0, 1, 1], [], []>, precision = #tpu.contract_precision<fp32>, transpose_lhs_hint = false} : vector<1024x64xf32>, vector<64x128xf32>, vector<1024x128xf32> -> vector<1024x128xf32>
    %get3A_6 = arith.constant 0 : index
    %get3A_7 = arith.constant 0 : index
    %get3A_8 = vector.load %arg2[%get3A_6, %get3A_7] : memref<1024x64xf32, #tpu.memory_space<vmem>>, vector<1024x64xf32>
    %get3A_9 = arith.constant 0 : index
    %get3A_10 = arith.constant 0 : index
    %get3A_11 = vector.load %arg4[%get3A_9, %get3A_10] : memref<64x128xf32, #tpu.memory_space<vmem>>, vector<64x128xf32>
    %dot_general3A_12 = arith.constant dense<0.000000e+00> : vector<1024x128xf32>
    %dot_general3A_13 = tpu.matmul %get3A_8, %get3A_11, %dot_general3A_12 {dimension_numbers = #tpu.dot_dimension_numbers<[1], [0], [0], [1], [0, 0, 1, 1], [], []>, precision = #tpu.contract_precision<fp32>, transpose_lhs_hint = false} : vector<1024x64xf32>, vector<64x128xf32>, vector<1024x128xf32> -> vector<1024x128xf32>
    %add3A = arith.addf %dot_general3A_5, %dot_general3A_13 : vector<1024x128xf32>
    %get3A_14 = arith.constant 0 : index
    %get3A_15 = arith.constant 0 : index
    %get3A_16 = vector.load %arg6[%get3A_14, %get3A_15] : memref<1024x1xf32, #tpu.memory_space<vmem>>, vector<1024x1xf32>
    %mul3A = vector.broadcast %get3A_16 : vector<1024x1xf32> to vector<1024x128xf32>
    %mul3A_17 = arith.mulf %mul3A, %add3A : vector<1024x128xf32>
    %get3A_18 = arith.constant 0 : index
    %get3A_19 = arith.constant 0 : index
    %get3A_20 = vector.load %arg5[%get3A_18, %get3A_19] : memref<1x128xf32, #tpu.memory_space<vmem>>, vector<1x128xf32>
    %add3A_21 = vector.broadcast %get3A_20 : vector<1x128xf32> to vector<1024x128xf32>
    %add3A_22 = arith.addf %mul3A_17, %add3A_21 : vector<1024x128xf32>
    %reduce_sum3A = arith.constant dense<0.000000e+00> : vector<1024xf32>
    %reduce_sum3A_23 = vector.multi_reduction <add>, %add3A_22, %reduce_sum3A [1] : vector<1024x128xf32> to vector<1024xf32>
    %broadcast_in_dim3A = vector.shape_cast %reduce_sum3A_23 : vector<1024xf32> to vector<1024x1xf32>
    %div3A = arith.constant 1.280000e+02 : f32
    %div3A_24 = vector.broadcast %div3A : f32 to vector<1024x1xf32>
    %div3A_25 = arith.divf %broadcast_in_dim3A, %div3A_24 : vector<1024x1xf32>
    %sub3A = vector.broadcast %div3A_25 : vector<1024x1xf32> to vector<1024x128xf32>
    %sub3A_26 = arith.subf %add3A_22, %sub3A : vector<1024x128xf32>
    %mul3A_27 = arith.mulf %sub3A_26, %sub3A_26 : vector<1024x128xf32>
    %reduce_sum3A_28 = arith.constant dense<0.000000e+00> : vector<1024xf32>
    %reduce_sum3A_29 = vector.multi_reduction <add>, %mul3A_27, %reduce_sum3A_28 [1] : vector<1024x128xf32> to vector<1024xf32>
    %broadcast_in_dim3A_30 = vector.shape_cast %reduce_sum3A_29 : vector<1024xf32> to vector<1024x1xf32>
    %div3A_31 = arith.constant 1.280000e+02 : f32
    %div3A_32 = vector.broadcast %div3A_31 : f32 to vector<1024x1xf32>
    %div3A_33 = arith.divf %broadcast_in_dim3A_30, %div3A_32 : vector<1024x1xf32>
    %add3A_34 = arith.constant 9.99999974E-6 : f32
    %add3A_35 = vector.broadcast %add3A_34 : f32 to vector<1024x1xf32>
    %add3A_36 = arith.addf %div3A_33, %add3A_35 : vector<1024x1xf32>
    %rsqrt3A = math.rsqrt %add3A_36 : vector<1024x1xf32>
    %mul3A_37 = vector.broadcast %rsqrt3A : vector<1024x1xf32> to vector<1024x128xf32>
    %mul3A_38 = arith.mulf %sub3A_26, %mul3A_37 : vector<1024x128xf32>
    %get3A_39 = arith.constant 0 : index
    %get3A_40 = arith.constant 0 : index
    %get3A_41 = vector.load %arg7[%get3A_39, %get3A_40] : memref<1x128xf32, #tpu.memory_space<vmem>>, vector<1x128xf32>
    %mul3A_42 = vector.broadcast %get3A_41 : vector<1x128xf32> to vector<1024x128xf32>
    %mul3A_43 = arith.mulf %mul3A_38, %mul3A_42 : vector<1024x128xf32>
    %get3A_44 = arith.constant 0 : index
    %get3A_45 = arith.constant 0 : index
    %get3A_46 = vector.load %arg8[%get3A_44, %get3A_45] : memref<1x128xf32, #tpu.memory_space<vmem>>, vector<1x128xf32>
    %add3A_47 = vector.broadcast %get3A_46 : vector<1x128xf32> to vector<1024x128xf32>
    %add3A_48 = arith.addf %mul3A_43, %add3A_47 : vector<1024x128xf32>
    %swap3A = arith.constant 0 : index
    %swap3A_49 = arith.constant 0 : index
    %swap3A_50 = vector.load %arg9[%swap3A, %swap3A_49] : memref<1024x128xf32, #tpu.memory_space<vmem>>, vector<1024x128xf32>
    tpu.vector_store %arg9[%swap3A, %swap3A_49], %add3A_48 {strides = array<i32>} : memref<1024x128xf32, #tpu.memory_space<vmem>>, vector<1024x128xf32>,
    return
  }
  func.func @transform_0(%arg0: i32) -> (i32, i32) {
    %c0_i32 = arith.constant 0 : i32
    %c0_i32_0 = arith.constant 0 : i32
    return %arg0, %c0_i32 : i32, i32
  }
  func.func @transform_1(%arg0: i32) -> (i32, i32) {
    %c0_i32 = arith.constant 0 : i32
    %c0_i32_0 = arith.constant 0 : i32
    return %arg0, %c0_i32 : i32, i32
  }
  func.func @transform_2(%arg0: i32) -> (i32, i32) {
    %c0_i32 = arith.constant 0 : i32
    %c0_i32_0 = arith.constant 0 : i32
    %c0_i32_1 = arith.constant 0 : i32
    return %c0_i32, %c0_i32_0 : i32, i32
  }
  func.func @transform_3(%arg0: i32) -> (i32, i32) {
    %c0_i32 = arith.constant 0 : i32
    %c0_i32_0 = arith.constant 0 : i32
    %c0_i32_1 = arith.constant 0 : i32
    return %c0_i32, %c0_i32_0 : i32, i32
  }
  func.func @transform_4(%arg0: i32) -> (i32, i32) {
    %c0_i32 = arith.constant 0 : i32
    %c0_i32_0 = arith.constant 0 : i32
    %c0_i32_1 = arith.constant 0 : i32
    return %c0_i32, %c0_i32_0 : i32, i32
  }
  func.func @transform_5(%arg0: i32) -> (i32, i32) {
    %c0_i32 = arith.constant 0 : i32
    %c0_i32_0 = arith.constant 0 : i32
    return %arg0, %c0_i32 : i32, i32
  }
  func.func @transform_6(%arg0: i32) -> (i32, i32) {
    %c0_i32 = arith.constant 0 : i32
    %c0_i32_0 = arith.constant 0 : i32
    %c0_i32_1 = arith.constant 0 : i32
    return %c0_i32, %c0_i32_0 : i32, i32
  }
  func.func @transform_7(%arg0: i32) -> (i32, i32) {
    %c0_i32 = arith.constant 0 : i32
    %c0_i32_0 = arith.constant 0 : i32
    %c0_i32_1 = arith.constant 0 : i32
    return %c0_i32, %c0_i32_0 : i32, i32
  }
  func.func @transform_8(%arg0: i32) -> (i32, i32) {
    %c0_i32 = arith.constant 0 : i32
    %c0_i32_0 = arith.constant 0 : i32
    return %arg0, %c0_i32 : i32, i32
  }
}

</mosaic_0001>

<sc_bundles>
// kernel: kernel.10.cloned.1.call-start
scs
__scs_entry_jumppad:
0x0: {  	(pc) =	sbr.rel $0x88, $3  }
0x1: {  	(tag) =	ssettag $0x0;
	lr =	simm.s32 $0x1  }
0x2: {  	[smem:$0x3F97] =	sst lr;
	_ =	strace $0xD0000000  }
0x3: {  	_ = 	snop  }
0x4: {  	_ = 	snop  }
0x5: {  	_ = 	snop  }
0x6: {  	_ = 	snop  }
0x7: {  	_ = 	snop  }
__scs_overlays_trampoline_lowered:
0x8: {  	[smem:$0x3FA6] =	sst s0  }
0x9: {  	[smem:$0x3FA7] =	sst s1  }
0xa: {  	[smem:$0x3FA8] =	sst s2  }
0xb: {  	[smem:$0x3FA9] =	sst s3  }
0xc: {  	[smem:$0x3FAA] =	sst s4  }
0xd: {  	[smem:$0x3FAB] =	sst s5  }
0xe: {  	[smem:$0x3FAC] =	sst s6  }
0xf: {  	[smem:$0x3FAD] =	sst s7  }
0x10: {  	[smem:$0x3FAE] =	sst s8  }
0x11: {  	[smem:$0x3FAF] =	sst s9;
	s0 =	simm.s32 @!p0 $0x0  }
0x12: {  	s1 =	sld [smem:$0x3F95];
	s0 =	simm.s32 @p0 $0x1  }
0x13: {  	[smem:$0x3FB0] =	sst s0;
	s0 =	simm.s32 @!p1 $0x0  }
0x14: {  	s2 =	sld [smem:$0x3F94];
	s0 =	simm.s32 @p1 $0x1  }
0x15: {  	[smem:$0x3FB1] =	sst s0;
	s0 =	simm.s32 @!p2 $0x0  }
0x16: {  	s3 =	sld [smem:$0x3FDB];
	s0 =	simm.s32 @p2 $0x1  }
0x17: {  	s4 =	simm.s32 $0x1BF5;
	[smem:$0x3FB3] =	sst s0  }
0x18: {  	s0 =	sld [smem:$0x3F96];
	_ =	swait.ge [sflag:s4], $0x0  }
0x19: {  	s7 =	sld [smem:$0x3F97]  }
0x1a: {  	s8 =	sadd.s32 $0xFFFFE003, lr  }
0x1b: {  	s9 =	sadd.s32 $0xFFFFFEF7, lr;
	s5 =	simm.s32 $0xFFFFFFFF;
	p2 =	slt.u32 s8, $0xFFFFF086  }
0x1c: {  	p1 =	slt.u32 s9, $0xF7A;
	s5 =	simm.s32 @!p2 $0x0  }
0x1d: {  	s5 =	simm.s32 @p1 $0x1;
	p0 =	seq.s32 s7, s2  }
0x1e: {  	s7 =	smul.u32 @!p0 $0xF7A, s2;
	p2 =	seq.s32 @!p0 s5, $0x0  }
0x1f: {  	s9 =	smul.u32 $0xF7A, s1;
	s8 =	simm.s32 @!p0 $0x1BF5;
	p2 =	por !p2, p0  }
0x20: {  	[sflag:s8] =	ssyncset.s32 @!p0 $0xFFFFF086;
	s6 =	sadd.s32 @!p0 s3, s7;
	s7 =	simm.s32 @!p0 $0x108  }
0x21: {  	s3 =	sadd.s32 s3, s9;
	s6 =	sadd.s32 @!p0 $0x88, s6;
	s7 =	simm.s32 @p2 $0x1082  }
0x22: {  	[simem:s7], [sflag:s8] =	dma.local @!p0 [hbm:s6], $0xF7A  }
0x23: {  	s9 =	sor.u32 $0xD0000000, s2;
	s6 =	simm.s32 $0x108;
	_ =	swait.ge @!p0 [sflag:s8], $0x0  }
0x24: {  	s3 =	sadd.s32 $0x88, s3;
	s6 =	simm.s32 @!p1 $0x1082;
	[sflag:s4] =	ssyncset.s32 $0xFFFFF086  }
0x25: {  	[simem:s6], [sflag:s4] =	dma.local [hbm:s3], $0xF7A  }
0x26: {  	[smem:$0x3F97] =	sst s1;
	(tag) =	ssettag s2;
	_ =	strace s9  }
0x27: {  	s1 =	sld [smem:$0x3FA7]  }
0x28: {  	s2 =	sld [smem:$0x3FA8]  }
0x29: {  	s4 =	sld [smem:$0x3FAA]  }
0x2a: {  	p0 =	seq.s32 s5, $0x0;
	s5 =	sld [smem:$0x3FAB]  }
0x2b: {  	s6 =	sld [smem:$0x3FAC]  }
0x2c: {  	s7 =	sld [smem:$0x3FAD]  }
0x2d: {  	s3 =	simm.s32 $0x108;
	s8 =	sld [smem:$0x3FAE]  }
0x2e: {  	s3 =	simm.s32 @!p0 $0x1082;
	s9 =	sld [smem:$0x3FAF]  }
0x2f: {  	lr =	sadd.s32 s0, s3;
	s0 =	sld [smem:$0x3FA6]  }
0x30: {  	s3 =	sld [smem:$0x3FA9]  }
0x31: {  	[smem:$0x3FB2] =	sst s10  }
0x32: {  	s10 =	sld [smem:$0x3FB0];
	_ =	sdelay $0x3  }
0x33: {  	p0 =	seq.s32 s10, $0x1;
	s10 =	sld [smem:$0x3FB2];
	_ =	sdelay $0x3  }
0x34: {  	[smem:$0x3FB2] =	sst s10  }
0x35: {  	s10 =	sld [smem:$0x3FB1];
	_ =	sdelay $0x3  }
0x36: {  	p1 =	seq.s32 s10, $0x1;
	s10 =	sld [smem:$0x3FB2];
	_ =	sdelay $0x3  }
0x37: {  	[smem:$0x3FB2] =	sst s10  }
0x38: {  	s10 =	sld [smem:$0x3FB3]  }
0x39: {  	_ = 	snop;
	(pc) =	sbr.ind lr, $3  }
0x3a: {  	_ = 	snop  }
0x3b: {  	_ = 	snop  }
0x3c: {  	p2 =	seq.s32 s10, $0x1;
	s10 =	sld [smem:$0x3FB2]  }
0x3d: {  	_ =	shalt  }
0x3e: {  	_ =	shalt  }
0x3f: {  	_ =	shalt  }
0x40: {  	_ =	shalt  }
0x41: {  	_ =	shalt  }
0x42: {  	_ =	shalt  }
0x43: {  	_ =	shalt  }
0x44: {  	_ =	shalt  }
0x45: {  	_ =	shalt  }
0x46: {  	_ =	shalt  }
0x47: {  	_ =	shalt  }
0x48: {  	_ =	shalt  }
0x49: {  	_ =	shalt  }
0x4a: {  	_ =	shalt  }
0x4b: {  	_ =	shalt  }
0x4c: {  	_ =	shalt  }
0x4d: {  	_ =	shalt  }
0x4e: {  	_ =	shalt  }
0x4f: {  	_ =	shalt  }
0x50: {  	_ =	shalt  }
0x51: {  	_ =	shalt  }
0x52: {  	_ =	shalt  }
0x53: {  	_ =	shalt  }
0x54: {  	_ =	shalt  }
0x55: {  	_ =	shalt  }
0x56: {  	_ =	shalt  }
0x57: {  	_ =	shalt  }
0x58: {  	_ =	shalt  }
0x59: {  	_ =	shalt  }
0x5a: {  	_ =	shalt  }
0x5b: {  	_ =	shalt  }
0x5c: {  	_ =	shalt  }
0x5d: {  	_ =	shalt  }
0x5e: {  	_ =	shalt  }
0x5f: {  	_ =	shalt  }
0x60: {  	_ =	shalt  }
0x61: {  	_ =	shalt  }
0x62: {  	_ =	shalt  }
0x63: {  	_ =	shalt  }
0x64: {  	_ =	shalt  }
0x65: {  	_ =	shalt  }
0x66: {  	_ =	shalt  }
0x67: {  	_ =	shalt  }
0x68: {  	_ =	shalt  }
0x69: {  	_ =	shalt  }
0x6a: {  	_ =	shalt  }
0x6b: {  	_ =	shalt  }
0x6c: {  	_ =	shalt  }
0x6d: {  	_ =	shalt  }
0x6e: {  	_ =	shalt  }
0x6f: {  	_ =	shalt  }
0x70: {  	_ =	shalt  }
0x71: {  	_ =	shalt  }
0x72: {  	_ =	shalt  }
0x73: {  	_ =	shalt  }
0x74: {  	_ =	shalt  }
0x75: {  	_ =	shalt  }
0x76: {  	_ =	shalt  }
0x77: {  	_ =	shalt  }
0x78: {  	_ =	shalt  }
0x79: {  	_ =	shalt  }
0x7a: {  	_ =	shalt  }
0x7b: {  	_ =	shalt  }
0x7c: {  	_ =	shalt  }
0x7d: {  	_ =	shalt  }
0x7e: {  	_ =	shalt  }
0x7f: {  	_ =	shalt  }
0x80: {  	_ =	shalt  }
0x81: {  	_ =	shalt  }
0x82: {  	_ =	shalt  }
0x83: {  	_ =	shalt  }
0x84: {  	_ =	shalt  }
0x85: {  	_ =	shalt  }
0x86: {  	_ =	shalt  }
0x87: {  	_ =	shalt  }
.Lfunc_end0:
.L_simem_size_0:
called_computation_lowered:
.L_overlay_start_0:
0x88: {  	s2 =	sld [smem:$0x3FD9]  }
0x89: {  	s3 =	sld [smem:$0x3FFE];
	_ =	sdelay $0x1  }
0x8a: {  	s1 =	srdreg.scid  }
0x8b: {  	s0 =	sand.u32 $0x1, s1  }
0x8c: {  	s17 =	sshll.u32 s0, $0xA;
	s2 =	sadd.s32 s3, s2  }
0x8d: {  	s2 =	sadd.s32 s2, s17  }
0x8e: {  	[smem:$0x3FBE] =	sst s2  }
0x8f: {  	_ = 	snop  }
0x90: {  	s2 =	sld [smem:$0x3FD0];
	(tm) =	ssettm $0x1  }
0x91: {  	s18 =	sld [smem:$0x3FFB];
	_ =	sdelay $0x3  }
0x92: {  	_ =	strace s18  }
0x93: {  	s3 =	sld [smem:$0x3FFC];
	_ =	sdelay $0x3  }
0x94: {  	_ =	strace s3  }
0x95: {  	s3 =	sld [smem:$0x3FFD];
	_ =	sdelay $0x3  }
0x96: {  	_ =	strace s3  }
0x97: {  	_ =	strace $0x8FFFFFFF  }
0x98: {  	s19 =	sld [smem:$0x3FDB];
	_ =	sdelay $0x1  }
0x99: {  	s4 =	simm.s32 $_scs_section_size  }
0x9a: {  	s5 =	simm.s32 $_size__tile_overlayer_lowered;
	s6 =	simm.s32 $_tile_overlayer_lowered  }
0x9b: {  	s22 =	simm.s32 $0x1BFF;
	s21 =	sshll.u32 s6, $0x1;
	s3 =	sadd.s32 s4, s19  }
0x9c: {  	s7 =	simm.s32 $0x0;
	s20 =	sshll.u32 s5, $0x1;
	s5 =	sadd.s32 s21, s3  }
0x9d: {  	[timem:s7], [sflag:s22] =	dma.local [hbm:s5], s20  }
0x9e: {  	_ =	swait.ge [sflag:s22], s20  }
0x9f: {  	s4 =	ssub.s32 $0x0, s20;
	[sflag:s22] =	ssyncset.done $0x0  }
0xa0: {  	[sflag:s22] =	ssyncadd.s32 s4;
	_ =	sdelay $0x1  }
0xa1: {  	s23 =	simm.s32 $0x1B8B  }
0xa2: {  	_ =	swait.ge [sflag:s23], $0x1  }
0xa3: {  	[sflag:s23] =	ssyncset.done $0x0  }
0xa4: {  	s25 =	simm.s32 $0x1B8E;
	s24 =	sld [smem:$0x3FFE];
	[sflag:s23] =	ssyncadd.s32 $0xFFFFFFFF  }
0xa5: {  	s26 =	simm.s32 $execute0_lowered;
	[smem:$0x3FD2] =	sst s25  }
0xa6: {  	s5 =	sshll.u32 s26, $0x1;
	_ =	strace $0x80000046;
	[dreg:$0x1] =	wrdreg $0xFFFFFFFF  }
0xa7: {  	s28 =	simm.s32 $_size_execute0_lowered;
	s3 =	sadd.s32 s3, s5;
	[dreg:$0x0] =	wrdreg $0x0  }
0xa8: {  	s5 =	sshll.u32 s28, $0x1;
	[dreg:$0x2] =	wrdreg s3  }
0xa9: {  	[dreg:$0x3] =	wrdreg s5  }
0xaa: {  	[dreg:$0x4] =	wrdreg $0xC0  }
0xab: {  	_ =	task [dreg:s7], $0x5FFFF  }
0xac: {  	[dreg:$0x1] =	wrdreg $0xFFFFFFFF  }
0xad: {  	[dreg:$0x0] =	wrdreg $0x60  }
0xae: {  	[dreg:$0x2] =	wrdreg s2  }
0xaf: {  	[dreg:$0x3] =	wrdreg s24  }
0xb0: {  	[dreg:$0x4] =	wrdreg $0x55800  }
0xb1: {  	[dreg:$0x5] =	wrdreg $0x9  }
0xb2: {  	_ =	task.clear_ibuf [dreg:s7], $0x6FFFF;
	_ =	strace $0x90000046  }
0xb3: {  	s29 =	simm.s32 $0x9;
	_ =	strace $0x80000048  }
0xb4: {  	_ =	swait.ge [sflag:s29], $0x1  }
0xb5: {  	[sflag:s29] =	ssyncadd.s32 $0xFFFFFFFF  }
0xb6: {  	_ =	strace $0x90000048  }
0xb7: {  	_ =	sfence  }
0xb8: {  	s30 =	sld [smem:$0x0];
	_ =	sdelay $0x2  }
0xb9: {  	s31 =	sshll.u32 s1, $0xD;
	s1 =	sshrl.u32 s1, $0x2  }
0xba: {  	s3 =	sand.u32 $0x4000, s31;
	s1 =	sadd.s32 s1, s30  }
0xbb: {  	s0 =	sor.u32 s3, s0;
	s1 =	sshll.u32 s1, $0x11  }
0xbc: {  	s0 =	sor.u32 s1, s0  }
0xbd: {  	s0 =	sadd.s32 $0x8F2B, s0  }
0xbe: {  	[sflag:s0] =	ssyncadd.remote.s32 $0x1  }
0xbf: {  	_ =	sfence.sel $0xFFFF  }
0xc0: {  	[dreg:$0x0] =	wrdreg $0xFFFFFFFF;
	(pc) =	sbr.abs _section_cstart, $3  }
0xc1: {  	[dreg:$0x1] =	wrdreg $0xFFFFFFFF  }
0xc2: {  	_ =	task.clear_ibuf [dreg:s7], $0x2FFFF;
	_ =	strace $0x9FFFFFFF  }
0xc3: {  	(tm) =	ssettm $0x7FFFFFFF  }
tec
execute0_lowered:
.L_overlay_start_1:
0x0: {  	(tag) =	ssettag $0x1  }
0x1: {  	s5 =	rddreg [dreg:$0x0]  }
0x2: {  	s4 =	rddreg [dreg:$0x1];
	s1 =	srdreg.scid  }
0x3: {  	s0 =	stileid.u32;
	s2 =	rddreg [dreg:$0x2];
	s3 =	simm.s32 $0x0  }
0x4: {  	s11 =	simm.s32 $0x80;
	s6 =	sand.u32 $0x1, s1;
	s1 =	rddreg [dreg:$0x3]  }
0x5: {  	s12 =	simm.s32 $0x5000;
	s7 =	smul.u32 $0x500, s0;
	[smem:$0x7FF] =	sst s3  }
0x6: {  	s9 =	sshll.u32 s0, $0x1;
	s13 =	sshll.u32 s0, $0x6;
	s8 =	smul.u32 $0x5000, s6  }
0x7: {  	s10 =	ssub.s32 $0x2, s6;
	s6 =	sor.u32 s6, s9;
	_ =	strace $0x80000047  }
0x8: {  	s31 =	sshrl.u32 s10, $0x1;
	s6 =	smul.u32 $0xA00, s6;
	s8 =	sadd.s32 s7, s8  }
0x9: {  	s13 =	sor.u32 $0x1C02, s13;
	s9 =	ssub.s32 s10, s31;
	s8 =	sshrl.u32 s8, $0x3  }
0xa: {  	s10 =	simm.s32 $0x1;
	s5 =	sadd.s32 s5, s6;
	s8 =	sadd.s32 s8, s4  }
0xb: {  	s4 =	sadd.s32 s7, s2;
	s7 =	smax.u32 s9, $0x1;
	s9 =	simm.s32 $0x2  }
0xc: {  	v0 =	vimm.f32 $1.000000000e+00;
	v1 =	vimm.f32 $0.0e+00;
	s6 =	sadd.s32 $0x18400, s8;
	s8 =	simm.s32 $0x5080;
	s14 =	sshrl.u32 s4, $0x3  }
.LBB2_1:
0xd: {  	[tilespmem:$0x5000] =	vst v0  }
0xe: {  	[tilespmem:$0x5010] =	vst v0  }
0xf: {  	[tilespmem:$0x5020] =	vst v0  }
0x10: {  	[tilespmem:$0x5030] =	vst v0  }
0x11: {  	[tilespmem:$0x5040] =	vst v0  }
0x12: {  	[tilespmem:$0x5050] =	vst v0  }
0x13: {  	[tilespmem:$0x5060] =	vst v0  }
0x14: {  	[tilespmem:$0x5070] =	vst v0;
	s15 =	simm.s32 $0x40;
	s16 =	simm.s32 $0x0  }
.LBB2_2:
0x15: {  	p0 =	sne.s32 s15, $0x13C0;
	[tilespmem:s16+$0x5080] =	vst v1;
	s16 =	smov.u32 s15;
	s15 =	sadd.s32 $0x40, s15  }
.Ltmp0:
0x16: {  	(pc) =	sbr.rel @p0 .LBB2_2-.Ltmp0, $2  }
0x17: {  	_ =	sdelay $0x2  }
0x18: {  	s16 =	sshra.s32 s16, $0x2  }
0x19: {  	[tilespmem:s16+$0x5080] =	vst v1  }
0x1a: {  	[spmem:s4] =	stream.linear.scatter [tilespmem:s8], [sflag:$0x2], $0x500, $0x38;
	[tilespmem:$0x5A80] =	vst v63  }
0x1b: {  	_ =	swait.ge [sflag:s9], $0x500  }
0x1c: {  	[sflag:s9] =	ssyncset.done $0x0  }
0x1d: {  	[sflag:s9] =	ssyncadd.s32 $0xFFFFFB00  }
0x1e: {  	s15 =	simm.s32 $0x0;
	[bflag:$0x0] =	sbarrier.arrive $0xFFFF  }
0x1f: {  	[tilespmem:s15], [sflag:$0x1] =	stream.linear.gather [hbm4b:s5+s15], $0x5000, $0x38;
	[tilespmem:$0x5A80] =	vst v63  }
0x20: {  	_ =	swait.ge [sflag:s10], $0x5000  }
0x21: {  	[sflag:s10] =	ssyncset.done $0x0  }
0x22: {  	s31 =	simm.s32 $0x0;
	[sflag:s10] =	ssyncadd.s32 $0xFFFFB000  }
0x23: {  	[spmem:s2] =	stream.indirect.scatter.add.f32 [tilespmem:s12], [sflag:$0x2], $0x1, s31, s11, $0xb8;
	[tilespmem:$0x5A80] =	vst v63  }
0x24: {  	_ =	swait.ge [sflag:s9], $0x80  }
0x25: {  	s15 =	simm.s32 $0x200;
	[sflag:s9] =	ssyncset.done $0x0  }
.LBB2_4:
0x26: {  	s16 =	sshra.s32 s15, $0x2;
	[sflag:s9] =	ssyncadd.s32 $0xFFFFFF80;
	p0 =	sne.s32 s15, $0x13E00  }
0x27: {  	[spmem:s2] =	stream.indirect.scatter.add.f32 [tilespmem:s12], [sflag:$0x2], $0x1, s16, s11, $0xb8;
	[tilespmem:$0x5A80] =	vst v63  }
.Ltmp1:
0x28: {  	_ = 	snop;
	(pc) =	sbr.rel @p0 .LBB2_4-.Ltmp1, $4  }
0x29: {  	_ = 	snop  }
0x2a: {  	s15 =	sadd.s32 $0x200, s15  }
0x2b: {  	_ =	swait.ge [sflag:s9], $0x80  }
0x2c: {  	[sflag:s9] =	ssyncset.done $0x0  }
0x2d: {  	s3 =	sadd.s32 $0x1, s3  }
0x2e: {  	[sflag:s9] =	ssyncadd.s32 $0xFFFFFF80;
	p0 =	sne.s32 s3, s7  }
.Ltmp2:
0x2f: {  	[bflag:$0x0] =	sbarrier.arrive $0xFFFF;
	(pc) =	sbr.rel @p0 .LBB2_1-.Ltmp2, $4  }
0x30: {  	[hbm:s6], [sflag:s13] =	dma.local [spmem:s14], $0xA0  }
0x31: {  	_ =	swait.ge [sflag:s9], $0xA0  }
0x32: {  	[sflag:s9] =	ssyncset.done $0x0  }
0x33: {  	[sflag:s9] =	ssyncadd.s32 $0xFFFFFF60  }
0x34: {  	_ =	sfence.sel $0x180000  }
0x35: {  	[bflag:$0x0] =	sbarrier.arrive $0xFFFF  }
0x36: {  	p0 =	sne.s32 s0, $0x0;
	_ =	strace $0x90000047  }
0x37: {  	s0 =	sadd.s32 @!p0 $0x100000, s1;
	[bflag:$0x2] =	sbarrier.arrive $0xFFFF  }
0x38: {  	[sflag:s0] =	ssyncadd.tile.s32 @!p0 $0x1;
	_ =	shalt  }
.Lfunc_end2:
_tile_overlayer_lowered:
.L_overlay_start_2:
0x39: {  	(tag) =	ssettag $0x2  }
0x3a: {  	s0 =	rddreg [dreg:$0x0];
	s2 =	stileid.u32  }
0x3b: {  	s1 =	rddreg [dreg:$0x1];
	p0 =	sne.s32 s2, $0x0  }
0x3c: {  	s3 =	rddreg [dreg:$0x2];
	[bflag:$0x3] =	sbarrier.arrive $0xFFFF;
	s2 =	simm.s32 @!p0 $0x1C02  }
0x3d: {  	[timem:s3], [sflag:s2] =	dma.local @!p0 [hbm:s0], s1  }
0x3e: {  	s0 =	simm.s32 @!p0 $0x2  }
0x3f: {  	_ =	swait.ge @!p0 [sflag:s0], s1  }
0x40: {  	s1 =	ssub.s32 @!p0 $0x0, s1;
	[sflag:s0] =	ssyncset.done @!p0 $0x0  }
0x41: {  	[sflag:s0] =	ssyncadd.s32 @!p0 s1  }
0x42: {  	[bflag:$0x3] =	sbarrier.arrive $0xFFFF  }
0x43: {  	_ =	shalt  }

// kernel: kernel.13.cloned.1.call-start
scs
__scs_entry_jumppad:
0x0: {  	(pc) =	sbr.rel $0x88, $3  }
0x1: {  	(tag) =	ssettag $0x0;
	lr =	simm.s32 $0x1  }
0x2: {  	[smem:$0x3F97] =	sst lr;
	_ =	strace $0xD0000000  }
0x3: {  	_ = 	snop  }
0x4: {  	_ = 	snop  }
0x5: {  	_ = 	snop  }
0x6: {  	_ = 	snop  }
0x7: {  	_ = 	snop  }
__scs_overlays_trampoline_lowered:
0x8: {  	[smem:$0x3FA6] =	sst s0  }
0x9: {  	[smem:$0x3FA7] =	sst s1  }
0xa: {  	[smem:$0x3FA8] =	sst s2  }
0xb: {  	[smem:$0x3FA9] =	sst s3  }
0xc: {  	[smem:$0x3FAA] =	sst s4  }
0xd: {  	[smem:$0x3FAB] =	sst s5  }
0xe: {  	[smem:$0x3FAC] =	sst s6  }
0xf: {  	[smem:$0x3FAD] =	sst s7  }
0x10: {  	[smem:$0x3FAE] =	sst s8  }
0x11: {  	[smem:$0x3FAF] =	sst s9;
	s0 =	simm.s32 @!p0 $0x0  }
0x12: {  	s1 =	sld [smem:$0x3F95];
	s0 =	simm.s32 @p0 $0x1  }
0x13: {  	[smem:$0x3FB0] =	sst s0;
	s0 =	simm.s32 @!p1 $0x0  }
0x14: {  	s2 =	sld [smem:$0x3F94];
	s0 =	simm.s32 @p1 $0x1  }
0x15: {  	[smem:$0x3FB1] =	sst s0;
	s0 =	simm.s32 @!p2 $0x0  }
0x16: {  	s3 =	sld [smem:$0x3FDB];
	s0 =	simm.s32 @p2 $0x1  }
0x17: {  	s4 =	simm.s32 $0x1BF5;
	[smem:$0x3FB3] =	sst s0  }
0x18: {  	s0 =	sld [smem:$0x3F96];
	_ =	swait.ge [sflag:s4], $0x0  }
0x19: {  	s7 =	sld [smem:$0x3F97]  }
0x1a: {  	s8 =	sadd.s32 $0xFFFFE003, lr  }
0x1b: {  	s9 =	sadd.s32 $0xFFFFFEF7, lr;
	s5 =	simm.s32 $0xFFFFFFFF;
	p2 =	slt.u32 s8, $0xFFFFF086  }
0x1c: {  	p1 =	slt.u32 s9, $0xF7A;
	s5 =	simm.s32 @!p2 $0x0  }
0x1d: {  	s5 =	simm.s32 @p1 $0x1;
	p0 =	seq.s32 s7, s2  }
0x1e: {  	s7 =	smul.u32 @!p0 $0xF7A, s2;
	p2 =	seq.s32 @!p0 s5, $0x0  }
0x1f: {  	s9 =	smul.u32 $0xF7A, s1;
	s8 =	simm.s32 @!p0 $0x1BF5;
	p2 =	por !p2, p0  }
0x20: {  	[sflag:s8] =	ssyncset.s32 @!p0 $0xFFFFF086;
	s6 =	sadd.s32 @!p0 s3, s7;
	s7 =	simm.s32 @!p0 $0x108  }
0x21: {  	s3 =	sadd.s32 s3, s9;
	s6 =	sadd.s32 @!p0 $0x88, s6;
	s7 =	simm.s32 @p2 $0x1082  }
0x22: {  	[simem:s7], [sflag:s8] =	dma.local @!p0 [hbm:s6], $0xF7A  }
0x23: {  	s9 =	sor.u32 $0xD0000000, s2;
	s6 =	simm.s32 $0x108;
	_ =	swait.ge @!p0 [sflag:s8], $0x0  }
0x24: {  	s3 =	sadd.s32 $0x88, s3;
	s6 =	simm.s32 @!p1 $0x1082;
	[sflag:s4] =	ssyncset.s32 $0xFFFFF086  }
0x25: {  	[simem:s6], [sflag:s4] =	dma.local [hbm:s3], $0xF7A  }
0x26: {  	[smem:$0x3F97] =	sst s1;
	(tag) =	ssettag s2;
	_ =	strace s9  }
0x27: {  	s1 =	sld [smem:$0x3FA7]  }
0x28: {  	s2 =	sld [smem:$0x3FA8]  }
0x29: {  	s4 =	sld [smem:$0x3FAA]  }
0x2a: {  	p0 =	seq.s32 s5, $0x0;
	s5 =	sld [smem:$0x3FAB]  }
0x2b: {  	s6 =	sld [smem:$0x3FAC]  }
0x2c: {  	s7 =	sld [smem:$0x3FAD]  }
0x2d: {  	s3 =	simm.s32 $0x108;
	s8 =	sld [smem:$0x3FAE]  }
0x2e: {  	s3 =	simm.s32 @!p0 $0x1082;
	s9 =	sld [smem:$0x3FAF]  }
0x2f: {  	lr =	sadd.s32 s0, s3;
	s0 =	sld [smem:$0x3FA6]  }
0x30: {  	s3 =	sld [smem:$0x3FA9]  }
0x31: {  	[smem:$0x3FB2] =	sst s10  }
0x32: {  	s10 =	sld [smem:$0x3FB0];
	_ =	sdelay $0x3  }
0x33: {  	p0 =	seq.s32 s10, $0x1;
	s10 =	sld [smem:$0x3FB2];
	_ =	sdelay $0x3  }
0x34: {  	[smem:$0x3FB2] =	sst s10  }
0x35: {  	s10 =	sld [smem:$0x3FB1];
	_ =	sdelay $0x3  }
0x36: {  	p1 =	seq.s32 s10, $0x1;
	s10 =	sld [smem:$0x3FB2];
	_ =	sdelay $0x3  }
0x37: {  	[smem:$0x3FB2] =	sst s10  }
0x38: {  	s10 =	sld [smem:$0x3FB3]  }
0x39: {  	_ = 	snop;
	(pc) =	sbr.ind lr, $3  }
0x3a: {  	_ = 	snop  }
0x3b: {  	_ = 	snop  }
0x3c: {  	p2 =	seq.s32 s10, $0x1;
	s10 =	sld [smem:$0x3FB2]  }
0x3d: {  	_ =	shalt  }
0x3e: {  	_ =	shalt  }
0x3f: {  	_ =	shalt  }
0x40: {  	_ =	shalt  }
0x41: {  	_ =	shalt  }
0x42: {  	_ =	shalt  }
0x43: {  	_ =	shalt  }
0x44: {  	_ =	shalt  }
0x45: {  	_ =	shalt  }
0x46: {  	_ =	shalt  }
0x47: {  	_ =	shalt  }
0x48: {  	_ =	shalt  }
0x49: {  	_ =	shalt  }
0x4a: {  	_ =	shalt  }
0x4b: {  	_ =	shalt  }
0x4c: {  	_ =	shalt  }
0x4d: {  	_ =	shalt  }
0x4e: {  	_ =	shalt  }
0x4f: {  	_ =	shalt  }
0x50: {  	_ =	shalt  }
0x51: {  	_ =	shalt  }
0x52: {  	_ =	shalt  }
0x53: {  	_ =	shalt  }
0x54: {  	_ =	shalt  }
0x55: {  	_ =	shalt  }
0x56: {  	_ =	shalt  }
0x57: {  	_ =	shalt  }
0x58: {  	_ =	shalt  }
0x59: {  	_ =	shalt  }
0x5a: {  	_ =	shalt  }
0x5b: {  	_ =	shalt  }
0x5c: {  	_ =	shalt  }
0x5d: {  	_ =	shalt  }
0x5e: {  	_ =	shalt  }
0x5f: {  	_ =	shalt  }
0x60: {  	_ =	shalt  }
0x61: {  	_ =	shalt  }
0x62: {  	_ =	shalt  }
0x63: {  	_ =	shalt  }
0x64: {  	_ =	shalt  }
0x65: {  	_ =	shalt  }
0x66: {  	_ =	shalt  }
0x67: {  	_ =	shalt  }
0x68: {  	_ =	shalt  }
0x69: {  	_ =	shalt  }
0x6a: {  	_ =	shalt  }
0x6b: {  	_ =	shalt  }
0x6c: {  	_ =	shalt  }
0x6d: {  	_ =	shalt  }
0x6e: {  	_ =	shalt  }
0x6f: {  	_ =	shalt  }
0x70: {  	_ =	shalt  }
0x71: {  	_ =	shalt  }
0x72: {  	_ =	shalt  }
0x73: {  	_ =	shalt  }
0x74: {  	_ =	shalt  }
0x75: {  	_ =	shalt  }
0x76: {  	_ =	shalt  }
0x77: {  	_ =	shalt  }
0x78: {  	_ =	shalt  }
0x79: {  	_ =	shalt  }
0x7a: {  	_ =	shalt  }
0x7b: {  	_ =	shalt  }
0x7c: {  	_ =	shalt  }
0x7d: {  	_ =	shalt  }
0x7e: {  	_ =	shalt  }
0x7f: {  	_ =	shalt  }
0x80: {  	_ =	shalt  }
0x81: {  	_ =	shalt  }
0x82: {  	_ =	shalt  }
0x83: {  	_ =	shalt  }
0x84: {  	_ =	shalt  }
0x85: {  	_ =	shalt  }
0x86: {  	_ =	shalt  }
0x87: {  	_ =	shalt  }
.Lfunc_end0:
.L_simem_size_0:
called_computation.1_lowered:
.L_overlay_start_0:
0x88: {  	s2 =	sld [smem:$0x3FD9]  }
0x89: {  	s3 =	sld [smem:$0x3FFE];
	_ =	sdelay $0x1  }
0x8a: {  	s1 =	srdreg.scid  }
0x8b: {  	s0 =	sand.u32 $0x1, s1  }
0x8c: {  	s17 =	sshll.u32 s0, $0xA;
	s2 =	sadd.s32 s3, s2  }
0x8d: {  	s2 =	sadd.s32 s2, s17  }
0x8e: {  	[smem:$0x3FBE] =	sst s2  }
0x8f: {  	_ = 	snop  }
0x90: {  	s2 =	sld [smem:$0x3FD0];
	(tm) =	ssettm $0x1  }
0x91: {  	s18 =	sld [smem:$0x3FFB];
	_ =	sdelay $0x3  }
0x92: {  	_ =	strace s18  }
0x93: {  	s3 =	sld [smem:$0x3FFC];
	_ =	sdelay $0x3  }
0x94: {  	_ =	strace s3  }
0x95: {  	s3 =	sld [smem:$0x3FFD];
	_ =	sdelay $0x3  }
0x96: {  	_ =	strace s3  }
0x97: {  	_ =	strace $0x8FFFFFFF  }
0x98: {  	s19 =	sld [smem:$0x3FDB];
	_ =	sdelay $0x1  }
0x99: {  	s4 =	simm.s32 $_scs_section_size  }
0x9a: {  	s5 =	simm.s32 $_size__tile_overlayer_lowered;
	s6 =	simm.s32 $_tile_overlayer_lowered  }
0x9b: {  	s22 =	simm.s32 $0x1BFF;
	s21 =	sshll.u32 s6, $0x1;
	s3 =	sadd.s32 s4, s19  }
0x9c: {  	s7 =	simm.s32 $0x0;
	s20 =	sshll.u32 s5, $0x1;
	s5 =	sadd.s32 s21, s3  }
0x9d: {  	[timem:s7], [sflag:s22] =	dma.local [hbm:s5], s20  }
0x9e: {  	_ =	swait.ge [sflag:s22], s20  }
0x9f: {  	s4 =	ssub.s32 $0x0, s20;
	[sflag:s22] =	ssyncset.done $0x0  }
0xa0: {  	[sflag:s22] =	ssyncadd.s32 s4;
	_ =	sdelay $0x1  }
0xa1: {  	s23 =	simm.s32 $0x1B8B  }
0xa2: {  	_ =	swait.ge [sflag:s23], $0x1  }
0xa3: {  	[sflag:s23] =	ssyncset.done $0x0  }
0xa4: {  	s25 =	simm.s32 $0x1B8E;
	s24 =	sld [smem:$0x3FFE];
	[sflag:s23] =	ssyncadd.s32 $0xFFFFFFFF  }
0xa5: {  	s26 =	simm.s32 $execute0_lowered;
	[smem:$0x3FD2] =	sst s25  }
0xa6: {  	s5 =	sshll.u32 s26, $0x1;
	_ =	strace $0x80000049;
	[dreg:$0x1] =	wrdreg $0xFFFFFFFF  }
0xa7: {  	s28 =	simm.s32 $_size_execute0_lowered;
	s3 =	sadd.s32 s3, s5;
	[dreg:$0x0] =	wrdreg $0x0  }
0xa8: {  	s5 =	sshll.u32 s28, $0x1;
	[dreg:$0x2] =	wrdreg s3  }
0xa9: {  	[dreg:$0x3] =	wrdreg s5  }
0xaa: {  	[dreg:$0x4] =	wrdreg $0xC0  }
0xab: {  	_ =	task [dreg:s7], $0x5FFFF  }
0xac: {  	[dreg:$0x1] =	wrdreg $0xFFFFFFFF  }
0xad: {  	[dreg:$0x0] =	wrdreg $0x60  }
0xae: {  	[dreg:$0x2] =	wrdreg s2  }
0xaf: {  	[dreg:$0x3] =	wrdreg s24  }
0xb0: {  	[dreg:$0x4] =	wrdreg $0x134000  }
0xb1: {  	[dreg:$0x5] =	wrdreg $0x94000  }
0xb2: {  	[dreg:$0x6] =	wrdreg $0x9  }
0xb3: {  	_ =	task.clear_ibuf [dreg:s7], $0x7FFFF;
	_ =	strace $0x90000049  }
0xb4: {  	s29 =	simm.s32 $0x9;
	_ =	strace $0x8000004B  }
0xb5: {  	_ =	swait.ge [sflag:s29], $0x1  }
0xb6: {  	[sflag:s29] =	ssyncadd.s32 $0xFFFFFFFF  }
0xb7: {  	_ =	strace $0x9000004B  }
0xb8: {  	_ =	sfence  }
0xb9: {  	s30 =	sld [smem:$0x0];
	_ =	sdelay $0x2  }
0xba: {  	s31 =	sshll.u32 s1, $0xD;
	s1 =	sshrl.u32 s1, $0x2  }
0xbb: {  	s3 =	sand.u32 $0x4000, s31;
	s1 =	sadd.s32 s1, s30  }
0xbc: {  	s0 =	sor.u32 s3, s0;
	s1 =	sshll.u32 s1, $0x11  }
0xbd: {  	s0 =	sor.u32 s1, s0  }
0xbe: {  	s0 =	sadd.s32 $0x8F2B, s0  }
0xbf: {  	[sflag:s0] =	ssyncadd.remote.s32 $0x1  }
0xc0: {  	_ =	sfence.sel $0xFFFF  }
0xc1: {  	[dreg:$0x0] =	wrdreg $0xFFFFFFFF;
	(pc) =	sbr.abs _section_cstart, $3  }
0xc2: {  	[dreg:$0x1] =	wrdreg $0xFFFFFFFF  }
0xc3: {  	_ =	task.clear_ibuf [dreg:s7], $0x2FFFF;
	_ =	strace $0x9FFFFFFF  }
0xc4: {  	(tm) =	ssettm $0x7FFFFFFF  }
0xc5: {  	_ =	shalt  }
tec
execute0_lowered:
.L_overlay_start_1:
0x0: {  	(tag) =	ssettag $0x1  }
0x1: {  	s0 =	rddreg [dreg:$0x0]  }
0x2: {  	s2 =	rddreg [dreg:$0x1]  }
0x3: {  	s1 =	rddreg [dreg:$0x2]  }
0x4: {  	s3 =	rddreg [dreg:$0x3];
	s5 =	simm.s32 $0x0;
	s4 =	srdreg.scid  }
0x5: {  	s13 =	stileid.u32;
	s28 =	simm.s32 $0x5000;
	s29 =	simm.s32 $0x7000  }
0x6: {  	s30 =	simm.s32 $0x1;
	s31 =	simm.s32 $0x2;
	[smem:$0x7FF] =	sst s5  }
0x7: {  	s4 =	sand.u32 $0x1, s4;
	s6 =	smul.u32 $0xA000, s13;
	s7 =	sadd.s32 $0x68400, s2  }
0x8: {  	s8 =	sadd.s32 $0xE400, s2;
	s9 =	sadd.s32 $0x4400, s2;
	s11 =	smul.u32 $0x28000, s13  }
0x9: {  	s13 =	smul.u32 $0x5000, s13;
	_ =	strace $0x8000004A;
	s10 =	ssub.s32 $0x2, s4  }
0xa: {  	s16 =	smul.u32 $0xA0000, s4;
	p0 =	seq.s32 s4, $0x1;
	s12 =	sshrl.u32 s10, $0x1  }
0xb: {  	s17 =	sshrl.u32 s11, $0x2;
	s18 =	sshrl.u32 s13, $0x3;
	s19 =	sadd.s32 s6, s3  }
0xc: {  	s20 =	sshrl.u32 s6, $0x3;
	s0 =	smov.u32 @p0 s7;
	s25 =	sadd.s32 s6, s1  }
0xd: {  	s7 =	simm.s32 $0x6;
	s11 =	simm.s32 $0x4F80;
	s5 =	sadd.s32 s6, s16  }
0xe: {  	s10 =	ssub.s32 s10, s12;
	s13 =	sadd.s32 $0x280, s18;
	s14 =	sadd.s32 s8, s18  }
0xf: {  	s21 =	sadd.s32 s9, s18;
	s23 =	sadd.s32 $0x500, s18;
	s4 =	sadd.s32 $0x780, s18  }
0x10: {  	s16 =	sadd.s32 s0, s20;
	s18 =	simm.s32 $0x9;
	s19 =	sshrl.u32 s19, $0x3  }
0x11: {  	s25 =	sshrl.u32 s25, $0x3;
	s0 =	simm.s32 $0x3;
	[dreg:$0x5] =	wrdreg s14  }
0x12: {  	s6 =	simm.s32 $0x3B80;
	[dreg:$0x6] =	wrdreg s21;
	s22 =	sadd.s32 s8, s13  }
0x13: {  	s12 =	simm.s32 $0x0;
	s13 =	sadd.s32 s9, s13;
	[dreg:$0x7] =	wrdreg s22  }
0x14: {  	s5 =	sshrl.u32 s5, $0x3;
	s24 =	sadd.s32 s8, s23;
	[dreg:$0x8] =	wrdreg s13  }
0x15: {  	s8 =	sadd.s32 s8, s4;
	s4 =	sadd.s32 s9, s4;
	[dreg:$0x9] =	wrdreg s24  }
0x16: {  	s26 =	smax.u32 s10, $0x1;
	s21 =	simm.s32 $0x5;
	[dreg:$0xb] =	wrdreg s8  }
0x17: {  	s10 =	simm.s32 $0x4F00;
	s2 =	sadd.s32 s5, s2;
	[dreg:$0xc] =	wrdreg s4  }
0x18: {  	s5 =	sadd.s32 s17, s1;
	s13 =	sadd.s32 s9, s23;
	[dreg:$0xe] =	wrdreg s26  }
0x19: {  	s17 =	simm.s32 $0x9000;
	s22 =	simm.s32 $0x7;
	s23 =	simm.s32 $0x1400  }
0x1a: {  	s24 =	simm.s32 $0x3C00;
	s26 =	simm.s32 $0x80;
	s4 =	simm.s32 $0x3B00  }
0x1b: {  	s8 =	simm.s32 $0x8;
	[dreg:$0xa] =	wrdreg s13;
	s2 =	sadd.s32 $0x7C400, s2  }
0x1c: {  	v0 =	vimm.f32 $0.0e+00;
	s9 =	simm.s32 $0x1480;
	[dreg:$0xd] =	wrdreg s2;
	s2 =	simm.s32 $0x4  }
.LBB2_1:
0x1d: {  	[tilespmem:$0x9000] =	vst v0  }
0x1e: {  	[tilespmem:$0x9010] =	vst v0  }
0x1f: {  	[tilespmem:$0x9020] =	vst v0  }
0x20: {  	[tilespmem:$0x9030] =	vst v0  }
0x21: {  	[tilespmem:$0x9040] =	vst v0  }
0x22: {  	[tilespmem:$0x9050] =	vst v0  }
0x23: {  	[tilespmem:$0x9060] =	vst v0  }
0x24: {  	[tilespmem:$0x9070] =	vst v0  }
0x25: {  	[tilespmem:$0x9080] =	vst v0  }
0x26: {  	[tilespmem:$0x9090] =	vst v0  }
0x27: {  	[tilespmem:$0x90A0] =	vst v0  }
0x28: {  	[tilespmem:$0x90B0] =	vst v0  }
0x29: {  	[tilespmem:$0x90C0] =	vst v0  }
0x2a: {  	[tilespmem:$0x90D0] =	vst v0  }
0x2b: {  	[tilespmem:$0x90E0] =	vst v0  }
0x2c: {  	[tilespmem:$0x90F0] =	vst v0  }
0x2d: {  	[tilespmem:$0x9100] =	vst v0  }
0x2e: {  	[tilespmem:$0x9110] =	vst v0  }
0x2f: {  	[tilespmem:$0x9120] =	vst v0  }
0x30: {  	[tilespmem:$0x9130] =	vst v0  }
0x31: {  	[tilespmem:$0x9140] =	vst v0  }
0x32: {  	[tilespmem:$0x9150] =	vst v0  }
0x33: {  	[tilespmem:$0x9160] =	vst v0  }
0x34: {  	[tilespmem:$0x9170] =	vst v0  }
0x35: {  	[tilespmem:$0x9180] =	vst v0  }
0x36: {  	[tilespmem:$0x9190] =	vst v0  }
0x37: {  	[tilespmem:$0x91A0] =	vst v0  }
0x38: {  	[tilespmem:$0x91B0] =	vst v0  }
0x39: {  	[tilespmem:$0x91C0] =	vst v0  }
0x3a: {  	[tilespmem:$0x91D0] =	vst v0  }
0x3b: {  	[tilespmem:$0x91E0] =	vst v0  }
0x3c: {  	[tilespmem:$0x91F0] =	vst v0  }
0x3d: {  	[tilespmem:$0x9200] =	vst v0  }
0x3e: {  	[tilespmem:$0x9210] =	vst v0  }
0x3f: {  	[tilespmem:$0x9220] =	vst v0  }
0x40: {  	[tilespmem:$0x9230] =	vst v0  }
0x41: {  	[tilespmem:$0x9240] =	vst v0  }
0x42: {  	[tilespmem:$0x9250] =	vst v0  }
0x43: {  	[tilespmem:$0x9260] =	vst v0  }
0x44: {  	[tilespmem:$0x9270] =	vst v0  }
0x45: {  	[tilespmem:$0x9280] =	vst v0  }
0x46: {  	[tilespmem:$0x9290] =	vst v0  }
0x47: {  	[tilespmem:$0x92A0] =	vst v0  }
0x48: {  	[tilespmem:$0x92B0] =	vst v0  }
0x49: {  	[tilespmem:$0x92C0] =	vst v0  }
0x4a: {  	[tilespmem:$0x92D0] =	vst v0  }
0x4b: {  	[tilespmem:$0x92E0] =	vst v0  }
0x4c: {  	[tilespmem:$0x92F0] =	vst v0  }
0x4d: {  	[tilespmem:$0x9300] =	vst v0  }
0x4e: {  	[tilespmem:$0x9310] =	vst v0  }
0x4f: {  	[tilespmem:$0x9320] =	vst v0  }
0x50: {  	[tilespmem:$0x9330] =	vst v0  }
0x51: {  	[tilespmem:$0x9340] =	vst v0  }
0x52: {  	[tilespmem:$0x9350] =	vst v0  }
0x53: {  	[tilespmem:$0x9360] =	vst v0  }
0x54: {  	[tilespmem:$0x9370] =	vst v0  }
0x55: {  	[tilespmem:$0x9380] =	vst v0  }
0x56: {  	[tilespmem:$0x9390] =	vst v0  }
0x57: {  	[tilespmem:$0x93A0] =	vst v0  }
0x58: {  	[tilespmem:$0x93B0] =	vst v0  }
0x59: {  	[tilespmem:$0x93C0] =	vst v0  }
0x5a: {  	[tilespmem:$0x93D0] =	vst v0  }
0x5b: {  	[tilespmem:$0x93E0] =	vst v0  }
0x5c: {  	[tilespmem:$0x93F0] =	vst v0;
	s13 =	sadd.s32 $0x0, s5  }
0x5d: {  	[spmem:s13] =	stream.linear.scatter [tilespmem:s17], [sflag:$0x9], $0x400, $0x38;
	[tilespmem:$0x1D400] =	vst v63  }
0x5e: {  	s13 =	simm.s32 $0x1000;
	_ =	swait.ge [sflag:s18], $0x400  }
.LBB2_2:
0x5f: {  	s14 =	sshra.s32 s13, $0x2;
	[sflag:s18] =	ssyncset.done $0x0;
	p0 =	sne.s32 s13, $0x27000  }
.Ltmp0:
0x60: {  	s14 =	sadd.s32 s14, s5;
	[sflag:s18] =	ssyncadd.s32 $0xFFFFFC00;
	(pc) =	sbr.rel @p0 .LBB2_2-.Ltmp0, $3  }
0x61: {  	[spmem:s14] =	stream.linear.scatter [tilespmem:s17], [sflag:$0x9], $0x400, $0x38;
	[tilespmem:$0x1D400] =	vst v63  }
0x62: {  	s13 =	sadd.s32 $0x1000, s13;
	_ =	sdelay $0x1  }
0x63: {  	_ =	swait.ge [sflag:s18], $0x400  }
0x64: {  	s13 =	stileid.u32  }
0x65: {  	[sflag:s18] =	ssyncset.done $0x0;
	s13 =	sshll.u32 s13, $0x6  }
0x66: {  	[sflag:s18] =	ssyncadd.s32 $0xFFFFFC00;
	s13 =	sor.u32 $0x1C09, s13  }
0x67: {  	[spmem:s19], [sflag:s13] =	dma.local [hbm:s16], $0x1400  }
0x68: {  	_ =	swait.ge [sflag:s18], $0x1400  }
0x69: {  	[sflag:s18] =	ssyncset.done $0x0  }
0x6a: {  	s14 =	simm.s32 $0x0;
	s15 =	rddreg [dreg:$0x5];
	[sflag:s18] =	ssyncadd.s32 $0xFFFFEC00  }
0x6b: {  	[tilespmem:s14], [sflag:$0x5] =	stream.linear.gather [hbm4b:s15+s14], $0x1400, $0x38;
	[tilespmem:$0x1D400] =	vst v63  }
0x6c: {  	s20 =	simm.s32 $0x2800;
	s15 =	rddreg [dreg:$0x6]  }
0x6d: {  	[tilespmem:s20], [sflag:$0x7] =	stream.linear.gather [hbm4b:s15+s14], $0x1400, $0x38;
	[tilespmem:$0x1D400] =	vst v63  }
0x6e: {  	[bflag:$0x0] =	sbarrier.arrive $0xFFFF  }
0x6f: {  	_ =	swait.ge [sflag:s21], $0x1400  }
0x70: {  	[sflag:s21] =	ssyncset.done $0x0  }
0x71: {  	[sflag:s21] =	ssyncadd.s32 $0xFFFFEC00  }
0x72: {  	_ =	swait.ge [sflag:s22], $0x1400  }
0x73: {  	[sflag:s22] =	ssyncset.done $0x0  }
0x74: {  	s20 =	rddreg [dreg:$0x7];
	[sflag:s22] =	ssyncadd.s32 $0xFFFFEC00  }
0x75: {  	[tilespmem:s23], [sflag:$0x6] =	stream.linear.gather [hbm4b:s20+s14], $0x1400, $0x38;
	[tilespmem:$0x1D400] =	vst v63  }
0x76: {  	s20 =	rddreg [dreg:$0x8]  }
0x77: {  	[tilespmem:s24], [sflag:$0x8] =	stream.linear.gather [hbm4b:s20+s14], $0x1400, $0x38;
	[tilespmem:$0x1D400] =	vst v63  }
0x78: {  	_ = 	snop  }
0x79: {  	[tilespmem:s28], [sflag:$0x1] =	stream.indirect.gather [spmem:s3], $0x40, s14, s26, $0xb8;
	[tilespmem:$0x1D400] =	vst v63  }
0x7a: {  	_ = 	snop  }
0x7b: {  	[tilespmem:s29], [sflag:$0x2] =	stream.indirect.gather [spmem:s3], $0x40, s26, s26, $0xb8;
	[tilespmem:$0x1D400] =	vst v63  }
0x7c: {  	_ =	swait.ge [sflag:s30], $0x2000  }
0x7d: {  	[sflag:s30] =	ssyncset.done $0x0  }
0x7e: {  	s20 =	simm.s32 $0x2800;
	[sflag:s30] =	ssyncadd.s32 $0xFFFFE000  }
0x7f: {  	[spmem:s1] =	stream.indirect.scatter.add.f32 [tilespmem:s28], [sflag:$0x3], $0x40, s20, s26, $0xb8;
	[tilespmem:$0x1D400] =	vst v63  }
0x80: {  	_ =	swait.ge [sflag:s31], $0x2000  }
0x81: {  	[sflag:s31] =	ssyncset.done $0x0  }
0x82: {  	s15 =	simm.s32 $0x2880;
	[sflag:s31] =	ssyncadd.s32 $0xFFFFE000  }
0x83: {  	[spmem:s1] =	stream.indirect.scatter.add.f32 [tilespmem:s29], [sflag:$0x4], $0x40, s15, s26, $0xb8;
	[tilespmem:$0x1D400] =	vst v63  }
0x84: {  	_ =	swait.ge [sflag:s0], $0x2000  }
0x85: {  	[sflag:s0] =	ssyncset.done $0x0  }
0x86: {  	s20 =	simm.s32 $0x100;
	[sflag:s0] =	ssyncadd.s32 $0xFFFFE000  }
0x87: {  	[tilespmem:s28], [sflag:$0x1] =	stream.indirect.gather [spmem:s3], $0x40, s20, s26, $0xb8;
	[tilespmem:$0x1D400] =	vst v63  }
0x88: {  	_ =	swait.ge [sflag:s2], $0x2000  }
0x89: {  	[sflag:s2] =	ssyncset.done $0x0  }
0x8a: {  	s14 =	simm.s32 $0x400;
	s20 =	simm.s32 $0x180;
	[sflag:s2] =	ssyncadd.s32 $0xFFFFE000  }
.LBB2_4:
0x8b: {  	[tilespmem:s29], [sflag:$0x2] =	stream.indirect.gather [spmem:s3], $0x40, s20, s26, $0xb8;
	[tilespmem:$0x1D400] =	vst v63  }
0x8c: {  	s20 =	smov.u32 s14  }
0x8d: {  	p0 =	sne.s32 s14, $0x4800;
	s14 =	sadd.s32 $0x400, s14;
	_ =	swait.ge [sflag:s30], $0x2000  }
0x8e: {  	s20 =	sshra.s32 s20, $0x2;
	[sflag:s30] =	ssyncset.done $0x0  }
0x8f: {  	s15 =	sadd.s32 $0x2800, s20;
	[sflag:s30] =	ssyncadd.s32 $0xFFFFE000  }
0x90: {  	[spmem:s1] =	stream.indirect.scatter.add.f32 [tilespmem:s28], [sflag:$0x3], $0x40, s15, s26, $0xb8;
	[tilespmem:$0x1D400] =	vst v63  }
0x91: {  	_ =	swait.ge [sflag:s31], $0x2000  }
0x92: {  	[sflag:s31] =	ssyncset.done $0x0  }
0x93: {  	s15 =	sadd.s32 $0x2880, s20;
	[sflag:s31] =	ssyncadd.s32 $0xFFFFE000  }
0x94: {  	[spmem:s1] =	stream.indirect.scatter.add.f32 [tilespmem:s29], [sflag:$0x4], $0x40, s15, s26, $0xb8;
	[tilespmem:$0x1D400] =	vst v63  }
0x95: {  	_ =	swait.ge [sflag:s0], $0x2000  }
0x96: {  	[sflag:s0] =	ssyncset.done $0x0  }
.Ltmp1:
0x97: {  	s15 =	sadd.s32 $0x100, s20;
	[sflag:s0] =	ssyncadd.s32 $0xFFFFE000;
	(pc) =	sbr.rel @p0 .LBB2_4-.Ltmp1, $4  }
0x98: {  	[tilespmem:s28], [sflag:$0x1] =	stream.indirect.gather [spmem:s3], $0x40, s15, s26, $0xb8;
	[tilespmem:$0x1D400] =	vst v63  }
0x99: {  	_ =	swait.ge [sflag:s2], $0x2000  }
0x9a: {  	[sflag:s2] =	ssyncset.done $0x0  }
0x9b: {  	s20 =	sadd.s32 $0x180, s20;
	[sflag:s2] =	ssyncadd.s32 $0xFFFFE000  }
0x9c: {  	[tilespmem:s29], [sflag:$0x2] =	stream.indirect.gather [spmem:s3], $0x40, s20, s26, $0xb8;
	[tilespmem:$0x1D400] =	vst v63  }
0x9d: {  	_ =	swait.ge [sflag:s30], $0x2000  }
0x9e: {  	[sflag:s30] =	ssyncset.done $0x0  }
0x9f: {  	[sflag:s30] =	ssyncadd.s32 $0xFFFFE000  }
0xa0: {  	[spmem:s1] =	stream.indirect.scatter.add.f32 [tilespmem:s28], [sflag:$0x3], $0x40, s4, s26, $0xb8;
	[tilespmem:$0x1D400] =	vst v63  }
0xa1: {  	_ =	swait.ge [sflag:s31], $0x2000  }
0xa2: {  	[sflag:s31] =	ssyncset.done $0x0  }
0xa3: {  	[sflag:s31] =	ssyncadd.s32 $0xFFFFE000  }
0xa4: {  	[spmem:s1] =	stream.indirect.scatter.add.f32 [tilespmem:s29], [sflag:$0x4], $0x40, s6, s26, $0xb8;
	[tilespmem:$0x1D400] =	vst v63  }
0xa5: {  	_ =	swait.ge [sflag:s0], $0x2000  }
0xa6: {  	[sflag:s0] =	ssyncset.done $0x0  }
0xa7: {  	[sflag:s0] =	ssyncadd.s32 $0xFFFFE000  }
0xa8: {  	_ =	swait.ge [sflag:s2], $0x2000  }
0xa9: {  	[sflag:s2] =	ssyncset.done $0x0  }
0xaa: {  	[sflag:s2] =	ssyncadd.s32 $0xFFFFE000  }
0xab: {  	_ =	swait.ge [sflag:s7], $0x1400  }
0xac: {  	[sflag:s7] =	ssyncset.done $0x0  }
0xad: {  	[sflag:s7] =	ssyncadd.s32 $0xFFFFEC00  }
0xae: {  	_ =	swait.ge [sflag:s8], $0x1400  }
0xaf: {  	[sflag:s8] =	ssyncset.done $0x0  }
0xb0: {  	s14 =	simm.s32 $0x0;
	s15 =	rddreg [dreg:$0x9];
	[sflag:s8] =	ssyncadd.s32 $0xFFFFEC00  }
0xb1: {  	[tilespmem:s14], [sflag:$0x5] =	stream.linear.gather [hbm4b:s15+s14], $0x1400, $0x38;
	[tilespmem:$0x1D400] =	vst v63  }
0xb2: {  	s20 =	simm.s32 $0x2800;
	s15 =	rddreg [dreg:$0xa]  }
0xb3: {  	[tilespmem:s20], [sflag:$0x7] =	stream.linear.gather [hbm4b:s15+s14], $0x1400, $0x38;
	[tilespmem:$0x1D400] =	vst v63  }
0xb4: {  	_ = 	snop  }
0xb5: {  	[tilespmem:s28], [sflag:$0x1] =	stream.indirect.gather [spmem:s3], $0x40, s23, s26, $0xb8;
	[tilespmem:$0x1D400] =	vst v63  }
0xb6: {  	_ = 	snop  }
0xb7: {  	[tilespmem:s29], [sflag:$0x2] =	stream.indirect.gather [spmem:s3], $0x40, s9, s26, $0xb8;
	[tilespmem:$0x1D400] =	vst v63  }
0xb8: {  	_ =	swait.ge [sflag:s30], $0x2000  }
0xb9: {  	[sflag:s30] =	ssyncset.done $0x0  }
0xba: {  	s20 =	simm.s32 $0x3C00;
	[sflag:s30] =	ssyncadd.s32 $0xFFFFE000  }
0xbb: {  	[spmem:s1] =	stream.indirect.scatter.add.f32 [tilespmem:s28], [sflag:$0x3], $0x40, s20, s26, $0xb8;
	[tilespmem:$0x1D400] =	vst v63  }
0xbc: {  	_ =	swait.ge [sflag:s31], $0x2000  }
0xbd: {  	[sflag:s31] =	ssyncset.done $0x0  }
0xbe: {  	s15 =	simm.s32 $0x3C80;
	[sflag:s31] =	ssyncadd.s32 $0xFFFFE000  }
0xbf: {  	[spmem:s1] =	stream.indirect.scatter.add.f32 [tilespmem:s29], [sflag:$0x4], $0x40, s15, s26, $0xb8;
	[tilespmem:$0x1D400] =	vst v63  }
0xc0: {  	_ =	swait.ge [sflag:s0], $0x2000  }
0xc1: {  	[sflag:s0] =	ssyncset.done $0x0  }
0xc2: {  	s20 =	simm.s32 $0x1500;
	[sflag:s0] =	ssyncadd.s32 $0xFFFFE000  }
0xc3: {  	[tilespmem:s28], [sflag:$0x1] =	stream.indirect.gather [spmem:s3], $0x40, s20, s26, $0xb8;
	[tilespmem:$0x1D400] =	vst v63  }
0xc4: {  	_ =	swait.ge [sflag:s2], $0x2000  }
0xc5: {  	[sflag:s2] =	ssyncset.done $0x0  }
0xc6: {  	s14 =	simm.s32 $0xFFFFB800;
	s20 =	simm.s32 $0x1580;
	[sflag:s2] =	ssyncadd.s32 $0xFFFFE000  }
.LBB2_6:
0xc7: {  	[tilespmem:s29], [sflag:$0x2] =	stream.indirect.gather [spmem:s3], $0x40, s20, s26, $0xb8;
	[tilespmem:$0x1D400] =	vst v63  }
0xc8: {  	s15 =	smov.u32 s14  }
0xc9: {  	p0 =	sne.s32 s14, $0xFFFFFC00;
	s14 =	sadd.s32 $0x400, s14;
	_ =	swait.ge [sflag:s30], $0x2000  }
0xca: {  	s15 =	sshra.s32 s15, $0x2;
	[sflag:s30] =	ssyncset.done $0x0  }
0xcb: {  	s20 =	sadd.s32 $0x4F00, s15;
	[sflag:s30] =	ssyncadd.s32 $0xFFFFE000  }
0xcc: {  	[spmem:s1] =	stream.indirect.scatter.add.f32 [tilespmem:s28], [sflag:$0x3], $0x40, s20, s26, $0xb8;
	[tilespmem:$0x1D400] =	vst v63  }
0xcd: {  	_ =	swait.ge [sflag:s31], $0x2000  }
0xce: {  	[sflag:s31] =	ssyncset.done $0x0  }
0xcf: {  	s20 =	sadd.s32 $0x4F80, s15;
	[sflag:s31] =	ssyncadd.s32 $0xFFFFE000  }
0xd0: {  	[spmem:s1] =	stream.indirect.scatter.add.f32 [tilespmem:s29], [sflag:$0x4], $0x40, s20, s26, $0xb8;
	[tilespmem:$0x1D400] =	vst v63  }
0xd1: {  	_ =	swait.ge [sflag:s0], $0x2000  }
0xd2: {  	[sflag:s0] =	ssyncset.done $0x0  }
.Ltmp2:
0xd3: {  	s20 =	sadd.s32 $0x2800, s15;
	[sflag:s0] =	ssyncadd.s32 $0xFFFFE000;
	(pc) =	sbr.rel @p0 .LBB2_6-.Ltmp2, $4  }
0xd4: {  	[tilespmem:s28], [sflag:$0x1] =	stream.indirect.gather [spmem:s3], $0x40, s20, s26, $0xb8;
	[tilespmem:$0x1D400] =	vst v63  }
0xd5: {  	_ =	swait.ge [sflag:s2], $0x2000  }
0xd6: {  	[sflag:s2] =	ssyncset.done $0x0  }
0xd7: {  	s20 =	sadd.s32 $0x2880, s15;
	[sflag:s2] =	ssyncadd.s32 $0xFFFFE000  }
0xd8: {  	[tilespmem:s29], [sflag:$0x2] =	stream.indirect.gather [spmem:s3], $0x40, s20, s26, $0xb8;
	[tilespmem:$0x1D400] =	vst v63  }
0xd9: {  	_ =	swait.ge [sflag:s30], $0x2000  }
0xda: {  	[sflag:s30] =	ssyncset.done $0x0  }
0xdb: {  	[sflag:s30] =	ssyncadd.s32 $0xFFFFE000  }
0xdc: {  	[spmem:s1] =	stream.indirect.scatter.add.f32 [tilespmem:s28], [sflag:$0x3], $0x40, s10, s26, $0xb8;
	[tilespmem:$0x1D400] =	vst v63  }
0xdd: {  	_ =	swait.ge [sflag:s31], $0x2000  }
0xde: {  	[sflag:s31] =	ssyncset.done $0x0  }
0xdf: {  	[sflag:s31] =	ssyncadd.s32 $0xFFFFE000  }
0xe0: {  	[spmem:s1] =	stream.indirect.scatter.add.f32 [tilespmem:s29], [sflag:$0x4], $0x40, s11, s26, $0xb8;
	[tilespmem:$0x1D400] =	vst v63  }
0xe1: {  	_ =	swait.ge [sflag:s0], $0x2000  }
0xe2: {  	[sflag:s0] =	ssyncset.done $0x0  }
0xe3: {  	[sflag:s0] =	ssyncadd.s32 $0xFFFFE000  }
0xe4: {  	_ =	swait.ge [sflag:s2], $0x2000  }
0xe5: {  	[sflag:s2] =	ssyncset.done $0x0  }
0xe6: {  	[sflag:s2] =	ssyncadd.s32 $0xFFFFE000  }
0xe7: {  	_ =	swait.ge [sflag:s21], $0x1400  }
0xe8: {  	[sflag:s21] =	ssyncset.done $0x0  }
0xe9: {  	[sflag:s21] =	ssyncadd.s32 $0xFFFFEC00  }
0xea: {  	_ =	swait.ge [sflag:s22], $0x1400  }
0xeb: {  	[sflag:s22] =	ssyncset.done $0x0  }
0xec: {  	s14 =	simm.s32 $0x0;
	s15 =	rddreg [dreg:$0xb];
	[sflag:s22] =	ssyncadd.s32 $0xFFFFEC00  }
0xed: {  	[tilespmem:s23], [sflag:$0x6] =	stream.linear.gather [hbm4b:s15+s14], $0x1400, $0x38;
	[tilespmem:$0x1D400] =	vst v63  }
0xee: {  	s20 =	rddreg [dreg:$0xc]  }
0xef: {  	[tilespmem:s24], [sflag:$0x8] =	stream.linear.gather [hbm4b:s20+s14], $0x1400, $0x38;
	[tilespmem:$0x1D400] =	vst v63  }
0xf0: {  	_ = 	snop  }
0xf1: {  	[tilespmem:s28], [sflag:$0x1] =	stream.indirect.gather [spmem:s3], $0x40, s14, s26, $0xb8;
	[tilespmem:$0x1D400] =	vst v63  }
0xf2: {  	_ = 	snop  }
0xf3: {  	[tilespmem:s29], [sflag:$0x2] =	stream.indirect.gather [spmem:s3], $0x40, s26, s26, $0xb8;
	[tilespmem:$0x1D400] =	vst v63  }
0xf4: {  	_ =	swait.ge [sflag:s30], $0x2000  }
0xf5: {  	[sflag:s30] =	ssyncset.done $0x0  }
0xf6: {  	s20 =	simm.s32 $0x2800;
	[sflag:s30] =	ssyncadd.s32 $0xFFFFE000  }
0xf7: {  	[spmem:s1] =	stream.indirect.scatter.add.f32 [tilespmem:s28], [sflag:$0x3], $0x40, s20, s26, $0xb8;
	[tilespmem:$0x1D400] =	vst v63  }
0xf8: {  	_ =	swait.ge [sflag:s31], $0x2000  }
0xf9: {  	[sflag:s31] =	ssyncset.done $0x0  }
0xfa: {  	s15 =	simm.s32 $0x2880;
	[sflag:s31] =	ssyncadd.s32 $0xFFFFE000  }
0xfb: {  	[spmem:s1] =	stream.indirect.scatter.add.f32 [tilespmem:s29], [sflag:$0x4], $0x40, s15, s26, $0xb8;
	[tilespmem:$0x1D400] =	vst v63  }
0xfc: {  	_ =	swait.ge [sflag:s0], $0x2000  }
0xfd: {  	[sflag:s0] =	ssyncset.done $0x0  }
0xfe: {  	s20 =	simm.s32 $0x100;
	[sflag:s0] =	ssyncadd.s32 $0xFFFFE000  }
0xff: {  	[tilespmem:s28], [sflag:$0x1] =	stream.indirect.gather [spmem:s3], $0x40, s20, s26, $0xb8;
	[tilespmem:$0x1D400] =	vst v63  }
0x100: {  	_ =	swait.ge [sflag:s2], $0x2000  }
0x101: {  	[sflag:s2] =	ssyncset.done $0x0  }
0x102: {  	s14 =	simm.s32 $0x400;
	s20 =	simm.s32 $0x180;
	[sflag:s2] =	ssyncadd.s32 $0xFFFFE000  }
.LBB2_8:
0x103: {  	[tilespmem:s29], [sflag:$0x2] =	stream.indirect.gather [spmem:s3], $0x40, s20, s26, $0xb8;
	[tilespmem:$0x1D400] =	vst v63  }
0x104: {  	s15 =	smov.u32 s14  }
0x105: {  	p0 =	sne.s32 s14, $0x4800;
	s14 =	sadd.s32 $0x400, s14;
	_ =	swait.ge [sflag:s30], $0x2000  }
0x106: {  	s15 =	sshra.s32 s15, $0x2;
	[sflag:s30] =	ssyncset.done $0x0  }
0x107: {  	s20 =	sadd.s32 $0x2800, s15;
	[sflag:s30] =	ssyncadd.s32 $0xFFFFE000  }
0x108: {  	[spmem:s1] =	stream.indirect.scatter.add.f32 [tilespmem:s28], [sflag:$0x3], $0x40, s20, s26, $0xb8;
	[tilespmem:$0x1D400] =	vst v63  }
0x109: {  	_ =	swait.ge [sflag:s31], $0x2000  }
0x10a: {  	[sflag:s31] =	ssyncset.done $0x0  }
0x10b: {  	s20 =	sadd.s32 $0x2880, s15;
	[sflag:s31] =	ssyncadd.s32 $0xFFFFE000  }
0x10c: {  	[spmem:s1] =	stream.indirect.scatter.add.f32 [tilespmem:s29], [sflag:$0x4], $0x40, s20, s26, $0xb8;
	[tilespmem:$0x1D400] =	vst v63  }
0x10d: {  	_ =	swait.ge [sflag:s0], $0x2000  }
0x10e: {  	[sflag:s0] =	ssyncset.done $0x0  }
.Ltmp3:
0x10f: {  	s20 =	sadd.s32 $0x100, s15;
	[sflag:s0] =	ssyncadd.s32 $0xFFFFE000;
	(pc) =	sbr.rel @p0 .LBB2_8-.Ltmp3, $4  }
0x110: {  	[tilespmem:s28], [sflag:$0x1] =	stream.indirect.gather [spmem:s3], $0x40, s20, s26, $0xb8;
	[tilespmem:$0x1D400] =	vst v63  }
0x111: {  	_ =	swait.ge [sflag:s2], $0x2000  }
0x112: {  	[sflag:s2] =	ssyncset.done $0x0  }
0x113: {  	s20 =	sadd.s32 $0x180, s15;
	[sflag:s2] =	ssyncadd.s32 $0xFFFFE000  }
0x114: {  	[tilespmem:s29], [sflag:$0x2] =	stream.indirect.gather [spmem:s3], $0x40, s20, s26, $0xb8;
	[tilespmem:$0x1D400] =	vst v63  }
0x115: {  	_ =	swait.ge [sflag:s30], $0x2000  }
0x116: {  	[sflag:s30] =	ssyncset.done $0x0  }
0x117: {  	[sflag:s30] =	ssyncadd.s32 $0xFFFFE000  }
0x118: {  	[spmem:s1] =	stream.indirect.scatter.add.f32 [tilespmem:s28], [sflag:$0x3], $0x40, s4, s26, $0xb8;
	[tilespmem:$0x1D400] =	vst v63  }
0x119: {  	_ =	swait.ge [sflag:s31], $0x2000  }
0x11a: {  	[sflag:s31] =	ssyncset.done $0x0  }
0x11b: {  	[sflag:s31] =	ssyncadd.s32 $0xFFFFE000  }
0x11c: {  	[spmem:s1] =	stream.indirect.scatter.add.f32 [tilespmem:s29], [sflag:$0x4], $0x40, s6, s26, $0xb8;
	[tilespmem:$0x1D400] =	vst v63  }
0x11d: {  	_ =	swait.ge [sflag:s0], $0x2000  }
0x11e: {  	[sflag:s0] =	ssyncset.done $0x0  }
0x11f: {  	[sflag:s0] =	ssyncadd.s32 $0xFFFFE000  }
0x120: {  	_ =	swait.ge [sflag:s2], $0x2000  }
0x121: {  	[sflag:s2] =	ssyncset.done $0x0  }
0x122: {  	[sflag:s2] =	ssyncadd.s32 $0xFFFFE000  }
0x123: {  	_ =	swait.ge [sflag:s7], $0x1400  }
0x124: {  	[sflag:s7] =	ssyncset.done $0x0  }
0x125: {  	[sflag:s7] =	ssyncadd.s32 $0xFFFFEC00  }
0x126: {  	_ =	swait.ge [sflag:s8], $0x1400  }
0x127: {  	[sflag:s8] =	ssyncset.done $0x0  }
0x128: {  	[sflag:s8] =	ssyncadd.s32 $0xFFFFEC00  }
0x129: {  	[tilespmem:s28], [sflag:$0x1] =	stream.indirect.gather [spmem:s3], $0x40, s23, s26, $0xb8;
	[tilespmem:$0x1D400] =	vst v63  }
0x12a: {  	_ = 	snop  }
0x12b: {  	[tilespmem:s29], [sflag:$0x2] =	stream.indirect.gather [spmem:s3], $0x40, s9, s26, $0xb8;
	[tilespmem:$0x1D400] =	vst v63  }
0x12c: {  	_ =	swait.ge [sflag:s30], $0x2000  }
0x12d: {  	[sflag:s30] =	ssyncset.done $0x0  }
0x12e: {  	s14 =	simm.s32 $0x3C00;
	[sflag:s30] =	ssyncadd.s32 $0xFFFFE000  }
0x12f: {  	[spmem:s1] =	stream.indirect.scatter.add.f32 [tilespmem:s28], [sflag:$0x3], $0x40, s14, s26, $0xb8;
	[tilespmem:$0x1D400] =	vst v63  }
0x130: {  	_ =	swait.ge [sflag:s31], $0x2000  }
0x131: {  	[sflag:s31] =	ssyncset.done $0x0  }
0x132: {  	s15 =	simm.s32 $0x3C80;
	[sflag:s31] =	ssyncadd.s32 $0xFFFFE000  }
0x133: {  	[spmem:s1] =	stream.indirect.scatter.add.f32 [tilespmem:s29], [sflag:$0x4], $0x40, s15, s26, $0xb8;
	[tilespmem:$0x1D400] =	vst v63  }
0x134: {  	_ =	swait.ge [sflag:s0], $0x2000  }
0x135: {  	[sflag:s0] =	ssyncset.done $0x0  }
0x136: {  	s20 =	simm.s32 $0x1500;
	[sflag:s0] =	ssyncadd.s32 $0xFFFFE000  }
0x137: {  	[tilespmem:s28], [sflag:$0x1] =	stream.indirect.gather [spmem:s3], $0x40, s20, s26, $0xb8;
	[tilespmem:$0x1D400] =	vst v63  }
0x138: {  	_ =	swait.ge [sflag:s2], $0x2000  }
0x139: {  	[sflag:s2] =	ssyncset.done $0x0  }
0x13a: {  	s14 =	simm.s32 $0xFFFFB800;
	s20 =	simm.s32 $0x1580;
	[sflag:s2] =	ssyncadd.s32 $0xFFFFE000  }
.LBB2_10:
0x13b: {  	[tilespmem:s29], [sflag:$0x2] =	stream.indirect.gather [spmem:s3], $0x40, s20, s26, $0xb8;
	[tilespmem:$0x1D400] =	vst v63  }
0x13c: {  	s15 =	smov.u32 s14  }
0x13d: {  	p0 =	sne.s32 s14, $0xFFFFFC00;
	s14 =	sadd.s32 $0x400, s14;
	_ =	swait.ge [sflag:s30], $0x2000  }
0x13e: {  	s15 =	sshra.s32 s15, $0x2;
	[sflag:s30] =	ssyncset.done $0x0  }
0x13f: {  	s20 =	sadd.s32 $0x4F00, s15;
	[sflag:s30] =	ssyncadd.s32 $0xFFFFE000  }
0x140: {  	[spmem:s1] =	stream.indirect.scatter.add.f32 [tilespmem:s28], [sflag:$0x3], $0x40, s20, s26, $0xb8;
	[tilespmem:$0x1D400] =	vst v63  }
0x141: {  	_ =	swait.ge [sflag:s31], $0x2000  }
0x142: {  	[sflag:s31] =	ssyncset.done $0x0  }
0x143: {  	s20 =	sadd.s32 $0x4F80, s15;
	[sflag:s31] =	ssyncadd.s32 $0xFFFFE000  }
0x144: {  	[spmem:s1] =	stream.indirect.scatter.add.f32 [tilespmem:s29], [sflag:$0x4], $0x40, s20, s26, $0xb8;
	[tilespmem:$0x1D400] =	vst v63  }
0x145: {  	_ =	swait.ge [sflag:s0], $0x2000  }
0x146: {  	[sflag:s0] =	ssyncset.done $0x0  }
.Ltmp4:
0x147: {  	s20 =	sadd.s32 $0x2800, s15;
	[sflag:s0] =	ssyncadd.s32 $0xFFFFE000;
	(pc) =	sbr.rel @p0 .LBB2_10-.Ltmp4, $4  }
0x148: {  	[tilespmem:s28], [sflag:$0x1] =	stream.indirect.gather [spmem:s3], $0x40, s20, s26, $0xb8;
	[tilespmem:$0x1D400] =	vst v63  }
0x149: {  	_ =	swait.ge [sflag:s2], $0x2000  }
0x14a: {  	[sflag:s2] =	ssyncset.done $0x0  }
0x14b: {  	s20 =	sadd.s32 $0x2880, s15;
	[sflag:s2] =	ssyncadd.s32 $0xFFFFE000  }
0x14c: {  	[tilespmem:s29], [sflag:$0x2] =	stream.indirect.gather [spmem:s3], $0x40, s20, s26, $0xb8;
	[tilespmem:$0x1D400] =	vst v63  }
0x14d: {  	_ =	swait.ge [sflag:s30], $0x2000  }
0x14e: {  	[sflag:s30] =	ssyncset.done $0x0  }
0x14f: {  	[sflag:s30] =	ssyncadd.s32 $0xFFFFE000  }
0x150: {  	[spmem:s1] =	stream.indirect.scatter.add.f32 [tilespmem:s28], [sflag:$0x3], $0x40, s10, s26, $0xb8;
	[tilespmem:$0x1D400] =	vst v63  }
0x151: {  	_ =	swait.ge [sflag:s31], $0x2000  }
0x152: {  	[sflag:s31] =	ssyncset.done $0x0  }
0x153: {  	[sflag:s31] =	ssyncadd.s32 $0xFFFFE000  }
0x154: {  	[spmem:s1] =	stream.indirect.scatter.add.f32 [tilespmem:s29], [sflag:$0x4], $0x40, s11, s26, $0xb8;
	[tilespmem:$0x1D400] =	vst v63  }
0x155: {  	_ =	swait.ge [sflag:s0], $0x2000  }
0x156: {  	[sflag:s0] =	ssyncset.done $0x0  }
0x157: {  	[sflag:s0] =	ssyncadd.s32 $0xFFFFE000  }
0x158: {  	_ =	swait.ge [sflag:s2], $0x2000  }
0x159: {  	[sflag:s2] =	ssyncset.done $0x0  }
0x15a: {  	[sflag:s2] =	ssyncadd.s32 $0xFFFFE000  }
0x15b: {  	[bflag:$0x0] =	sbarrier.arrive $0xFFFF  }
0x15c: {  	s14 =	rddreg [dreg:$0xd]  }
0x15d: {  	[hbm:s14], [sflag:s13] =	dma.local [spmem:s25], $0x1400  }
0x15e: {  	_ =	swait.ge [sflag:s18], $0x1400  }
0x15f: {  	s12 =	sadd.s32 $0x1, s12;
	s20 =	rddreg [dreg:$0xe]  }
0x160: {  	p0 =	sne.s32 s12, s20  }
.Ltmp5:
0x161: {  	_ = 	snop;
	(pc) =	sbr.rel @p0 .LBB2_1-.Ltmp5, $3  }
0x162: {  	_ =	sdelay $0x1  }
0x163: {  	[sflag:s18] =	ssyncset.done $0x0  }
0x164: {  	[sflag:s18] =	ssyncadd.s32 $0xFFFFEC00  }
0x165: {  	_ =	sfence.sel $0x180000  }
0x166: {  	[bflag:$0x0] =	sbarrier.arrive $0xFFFF  }
0x167: {  	_ =	strace $0x9000004A  }
0x168: {  	s0 =	stileid.u32;
	[bflag:$0x2] =	sbarrier.arrive $0xFFFF  }
0x169: {  	p0 =	sne.s32 s0, $0x0;
	s0 =	rddreg [dreg:$0x4]  }
0x16a: {  	s0 =	sadd.s32 @!p0 $0x100000, s0  }
0x16b: {  	[sflag:s0] =	ssyncadd.tile.s32 @!p0 $0x1;
	_ =	shalt  }
.Lfunc_end2:
_tile_overlayer_lowered:
.L_overlay_start_2:
0x16c: {  	(tag) =	ssettag $0x2  }
0x16d: {  	s0 =	rddreg [dreg:$0x0];
	s2 =	stileid.u32  }
0x16e: {  	s1 =	rddreg [dreg:$0x1];
	p0 =	sne.s32 s2, $0x0  }
0x16f: {  	s3 =	rddreg [dreg:$0x2];
	[bflag:$0x3] =	sbarrier.arrive $0xFFFF;
	s2 =	simm.s32 @!p0 $0x1C09  }
0x170: {  	[timem:s3], [sflag:s2] =	dma.local @!p0 [hbm:s0], s1  }
0x171: {  	s0 =	simm.s32 @!p0 $0x9  }
0x172: {  	_ =	swait.ge @!p0 [sflag:s0], s1  }
0x173: {  	s1 =	ssub.s32 @!p0 $0x0, s1;
	[sflag:s0] =	ssyncset.done @!p0 $0x0  }
0x174: {  	[sflag:s0] =	ssyncadd.s32 @!p0 s1  }
0x175: {  	[bflag:$0x3] =	sbarrier.arrive $0xFFFF  }
0x176: {  	_ =	shalt  }

// kernel: kernel.16.cloned.1.call-start
scs
__scs_entry_jumppad:
0x0: {  	(pc) =	sbr.rel $0x88, $3  }
0x1: {  	(tag) =	ssettag $0x0;
	lr =	simm.s32 $0x1  }
0x2: {  	[smem:$0x3F97] =	sst lr;
	_ =	strace $0xD0000000  }
0x3: {  	_ = 	snop  }
0x4: {  	_ = 	snop  }
0x5: {  	_ = 	snop  }
0x6: {  	_ = 	snop  }
0x7: {  	_ = 	snop  }
__scs_overlays_trampoline_lowered:
0x8: {  	[smem:$0x3FA6] =	sst s0  }
0x9: {  	[smem:$0x3FA7] =	sst s1  }
0xa: {  	[smem:$0x3FA8] =	sst s2  }
0xb: {  	[smem:$0x3FA9] =	sst s3  }
0xc: {  	[smem:$0x3FAA] =	sst s4  }
0xd: {  	[smem:$0x3FAB] =	sst s5  }
0xe: {  	[smem:$0x3FAC] =	sst s6  }
0xf: {  	[smem:$0x3FAD] =	sst s7  }
0x10: {  	[smem:$0x3FAE] =	sst s8  }
0x11: {  	[smem:$0x3FAF] =	sst s9;
	s0 =	simm.s32 @!p0 $0x0  }
0x12: {  	s1 =	sld [smem:$0x3F95];
	s0 =	simm.s32 @p0 $0x1  }
0x13: {  	[smem:$0x3FB0] =	sst s0;
	s0 =	simm.s32 @!p1 $0x0  }
0x14: {  	s2 =	sld [smem:$0x3F94];
	s0 =	simm.s32 @p1 $0x1  }
0x15: {  	[smem:$0x3FB1] =	sst s0;
	s0 =	simm.s32 @!p2 $0x0  }
0x16: {  	s3 =	sld [smem:$0x3FDB];
	s0 =	simm.s32 @p2 $0x1  }
0x17: {  	s4 =	simm.s32 $0x1BF5;
	[smem:$0x3FB3] =	sst s0  }
0x18: {  	s0 =	sld [smem:$0x3F96];
	_ =	swait.ge [sflag:s4], $0x0  }
0x19: {  	s7 =	sld [smem:$0x3F97]  }
0x1a: {  	s8 =	sadd.s32 $0xFFFFE003, lr  }
0x1b: {  	s9 =	sadd.s32 $0xFFFFFEF7, lr;
	s5 =	simm.s32 $0xFFFFFFFF;
	p2 =	slt.u32 s8, $0xFFFFF086  }
0x1c: {  	p1 =	slt.u32 s9, $0xF7A;
	s5 =	simm.s32 @!p2 $0x0  }
0x1d: {  	s5 =	simm.s32 @p1 $0x1;
	p0 =	seq.s32 s7, s2  }
0x1e: {  	s7 =	smul.u32 @!p0 $0xF7A, s2;
	p2 =	seq.s32 @!p0 s5, $0x0  }
0x1f: {  	s9 =	smul.u32 $0xF7A, s1;
	s8 =	simm.s32 @!p0 $0x1BF5;
	p2 =	por !p2, p0  }
0x20: {  	[sflag:s8] =	ssyncset.s32 @!p0 $0xFFFFF086;
	s6 =	sadd.s32 @!p0 s3, s7;
	s7 =	simm.s32 @!p0 $0x108  }
0x21: {  	s3 =	sadd.s32 s3, s9;
	s6 =	sadd.s32 @!p0 $0x88, s6;
	s7 =	simm.s32 @p2 $0x1082  }
0x22: {  	[simem:s7], [sflag:s8] =	dma.local @!p0 [hbm:s6], $0xF7A  }
0x23: {  	s9 =	sor.u32 $0xD0000000, s2;
	s6 =	simm.s32 $0x108;
	_ =	swait.ge @!p0 [sflag:s8], $0x0  }
0x24: {  	s3 =	sadd.s32 $0x88, s3;
	s6 =	simm.s32 @!p1 $0x1082;
	[sflag:s4] =	ssyncset.s32 $0xFFFFF086  }
0x25: {  	[simem:s6], [sflag:s4] =	dma.local [hbm:s3], $0xF7A  }
0x26: {  	[smem:$0x3F97] =	sst s1;
	(tag) =	ssettag s2;
	_ =	strace s9  }
0x27: {  	s1 =	sld [smem:$0x3FA7]  }
0x28: {  	s2 =	sld [smem:$0x3FA8]  }
0x29: {  	s4 =	sld [smem:$0x3FAA]  }
0x2a: {  	p0 =	seq.s32 s5, $0x0;
	s5 =	sld [smem:$0x3FAB]  }
0x2b: {  	s6 =	sld [smem:$0x3FAC]  }
0x2c: {  	s7 =	sld [smem:$0x3FAD]  }
0x2d: {  	s3 =	simm.s32 $0x108;
	s8 =	sld [smem:$0x3FAE]  }
0x2e: {  	s3 =	simm.s32 @!p0 $0x1082;
	s9 =	sld [smem:$0x3FAF]  }
0x2f: {  	lr =	sadd.s32 s0, s3;
	s0 =	sld [smem:$0x3FA6]  }
0x30: {  	s3 =	sld [smem:$0x3FA9]  }
0x31: {  	[smem:$0x3FB2] =	sst s10  }
0x32: {  	s10 =	sld [smem:$0x3FB0];
	_ =	sdelay $0x3  }
0x33: {  	p0 =	seq.s32 s10, $0x1;
	s10 =	sld [smem:$0x3FB2];
	_ =	sdelay $0x3  }
0x34: {  	[smem:$0x3FB2] =	sst s10  }
0x35: {  	s10 =	sld [smem:$0x3FB1];
	_ =	sdelay $0x3  }
0x36: {  	p1 =	seq.s32 s10, $0x1;
	s10 =	sld [smem:$0x3FB2];
	_ =	sdelay $0x3  }
0x37: {  	[smem:$0x3FB2] =	sst s10  }
0x38: {  	s10 =	sld [smem:$0x3FB3]  }
0x39: {  	_ = 	snop;
	(pc) =	sbr.ind lr, $3  }
0x3a: {  	_ = 	snop  }
0x3b: {  	_ = 	snop  }
0x3c: {  	p2 =	seq.s32 s10, $0x1;
	s10 =	sld [smem:$0x3FB2]  }
0x3d: {  	_ =	shalt  }
0x3e: {  	_ =	shalt  }
0x3f: {  	_ =	shalt  }
0x40: {  	_ =	shalt  }
0x41: {  	_ =	shalt  }
0x42: {  	_ =	shalt  }
0x43: {  	_ =	shalt  }
0x44: {  	_ =	shalt  }
0x45: {  	_ =	shalt  }
0x46: {  	_ =	shalt  }
0x47: {  	_ =	shalt  }
0x48: {  	_ =	shalt  }
0x49: {  	_ =	shalt  }
0x4a: {  	_ =	shalt  }
0x4b: {  	_ =	shalt  }
0x4c: {  	_ =	shalt  }
0x4d: {  	_ =	shalt  }
0x4e: {  	_ =	shalt  }
0x4f: {  	_ =	shalt  }
0x50: {  	_ =	shalt  }
0x51: {  	_ =	shalt  }
0x52: {  	_ =	shalt  }
0x53: {  	_ =	shalt  }
0x54: {  	_ =	shalt  }
0x55: {  	_ =	shalt  }
0x56: {  	_ =	shalt  }
0x57: {  	_ =	shalt  }
0x58: {  	_ =	shalt  }
0x59: {  	_ =	shalt  }
0x5a: {  	_ =	shalt  }
0x5b: {  	_ =	shalt  }
0x5c: {  	_ =	shalt  }
0x5d: {  	_ =	shalt  }
0x5e: {  	_ =	shalt  }
0x5f: {  	_ =	shalt  }
0x60: {  	_ =	shalt  }
0x61: {  	_ =	shalt  }
0x62: {  	_ =	shalt  }
0x63: {  	_ =	shalt  }
0x64: {  	_ =	shalt  }
0x65: {  	_ =	shalt  }
0x66: {  	_ =	shalt  }
0x67: {  	_ =	shalt  }
0x68: {  	_ =	shalt  }
0x69: {  	_ =	shalt  }
0x6a: {  	_ =	shalt  }
0x6b: {  	_ =	shalt  }
0x6c: {  	_ =	shalt  }
0x6d: {  	_ =	shalt  }
0x6e: {  	_ =	shalt  }
0x6f: {  	_ =	shalt  }
0x70: {  	_ =	shalt  }
0x71: {  	_ =	shalt  }
0x72: {  	_ =	shalt  }
0x73: {  	_ =	shalt  }
0x74: {  	_ =	shalt  }
0x75: {  	_ =	shalt  }
0x76: {  	_ =	shalt  }
0x77: {  	_ =	shalt  }
0x78: {  	_ =	shalt  }
0x79: {  	_ =	shalt  }
0x7a: {  	_ =	shalt  }
0x7b: {  	_ =	shalt  }
0x7c: {  	_ =	shalt  }
0x7d: {  	_ =	shalt  }
0x7e: {  	_ =	shalt  }
0x7f: {  	_ =	shalt  }
0x80: {  	_ =	shalt  }
0x81: {  	_ =	shalt  }
0x82: {  	_ =	shalt  }
0x83: {  	_ =	shalt  }
0x84: {  	_ =	shalt  }
0x85: {  	_ =	shalt  }
0x86: {  	_ =	shalt  }
0x87: {  	_ =	shalt  }
.Lfunc_end0:
.L_simem_size_0:
called_computation.2_lowered:
.L_overlay_start_0:
0x88: {  	s2 =	sld [smem:$0x3FD9]  }
0x89: {  	s3 =	sld [smem:$0x3FFE];
	_ =	sdelay $0x1  }
0x8a: {  	s1 =	srdreg.scid  }
0x8b: {  	s0 =	sand.u32 $0x1, s1  }
0x8c: {  	s17 =	sshll.u32 s0, $0xA;
	s2 =	sadd.s32 s3, s2  }
0x8d: {  	s2 =	sadd.s32 s2, s17  }
0x8e: {  	[smem:$0x3FBE] =	sst s2  }
0x8f: {  	_ = 	snop  }
0x90: {  	s2 =	sld [smem:$0x3FD0];
	(tm) =	ssettm $0x1  }
0x91: {  	s18 =	sld [smem:$0x3FFB];
	_ =	sdelay $0x3  }
0x92: {  	_ =	strace s18  }
0x93: {  	s3 =	sld [smem:$0x3FFC];
	_ =	sdelay $0x3  }
0x94: {  	_ =	strace s3  }
0x95: {  	s3 =	sld [smem:$0x3FFD];
	_ =	sdelay $0x3  }
0x96: {  	_ =	strace s3  }
0x97: {  	_ =	strace $0x8FFFFFFF  }
0x98: {  	s19 =	sld [smem:$0x3FDB];
	_ =	sdelay $0x1  }
0x99: {  	s4 =	simm.s32 $_scs_section_size  }
0x9a: {  	s5 =	simm.s32 $_size__tile_overlayer_lowered;
	s6 =	simm.s32 $_tile_overlayer_lowered  }
0x9b: {  	s22 =	simm.s32 $0x1BFF;
	s21 =	sshll.u32 s6, $0x1;
	s3 =	sadd.s32 s4, s19  }
0x9c: {  	s7 =	simm.s32 $0x0;
	s20 =	sshll.u32 s5, $0x1;
	s5 =	sadd.s32 s21, s3  }
0x9d: {  	[timem:s7], [sflag:s22] =	dma.local [hbm:s5], s20  }
0x9e: {  	_ =	swait.ge [sflag:s22], s20  }
0x9f: {  	s4 =	ssub.s32 $0x0, s20;
	[sflag:s22] =	ssyncset.done $0x0  }
0xa0: {  	[sflag:s22] =	ssyncadd.s32 s4;
	_ =	sdelay $0x1  }
0xa1: {  	s23 =	simm.s32 $0x1B8B  }
0xa2: {  	_ =	swait.ge [sflag:s23], $0x1  }
0xa3: {  	[sflag:s23] =	ssyncset.done $0x0  }
0xa4: {  	s25 =	simm.s32 $0x1B8E;
	s24 =	sld [smem:$0x3FFE];
	[sflag:s23] =	ssyncadd.s32 $0xFFFFFFFF  }
0xa5: {  	s26 =	simm.s32 $execute0_lowered;
	[smem:$0x3FD2] =	sst s25  }
0xa6: {  	s5 =	sshll.u32 s26, $0x1;
	_ =	strace $0x8000004C;
	[dreg:$0x1] =	wrdreg $0xFFFFFFFF  }
0xa7: {  	s28 =	simm.s32 $_size_execute0_lowered;
	s3 =	sadd.s32 s3, s5;
	[dreg:$0x0] =	wrdreg $0x0  }
0xa8: {  	s5 =	sshll.u32 s28, $0x1;
	[dreg:$0x2] =	wrdreg s3  }
0xa9: {  	[dreg:$0x3] =	wrdreg s5  }
0xaa: {  	[dreg:$0x4] =	wrdreg $0xC0  }
0xab: {  	_ =	task [dreg:s7], $0x5FFFF  }
0xac: {  	[dreg:$0x1] =	wrdreg $0xFFFFFFFF  }
0xad: {  	[dreg:$0x0] =	wrdreg $0x60  }
0xae: {  	[dreg:$0x2] =	wrdreg s2  }
0xaf: {  	[dreg:$0x3] =	wrdreg s24  }
0xb0: {  	[dreg:$0x4] =	wrdreg $0x134000  }
0xb1: {  	[dreg:$0x5] =	wrdreg $0x94000  }
0xb2: {  	[dreg:$0x6] =	wrdreg $0x9  }
0xb3: {  	_ =	task.clear_ibuf [dreg:s7], $0x7FFFF;
	_ =	strace $0x9000004C  }
0xb4: {  	s29 =	simm.s32 $0x9;
	_ =	strace $0x8000004E  }
0xb5: {  	_ =	swait.ge [sflag:s29], $0x1  }
0xb6: {  	[sflag:s29] =	ssyncadd.s32 $0xFFFFFFFF  }
0xb7: {  	_ =	strace $0x9000004E  }
0xb8: {  	_ =	sfence  }
0xb9: {  	s30 =	sld [smem:$0x0];
	_ =	sdelay $0x2  }
0xba: {  	s31 =	sshll.u32 s1, $0xD;
	s1 =	sshrl.u32 s1, $0x2  }
0xbb: {  	s3 =	sand.u32 $0x4000, s31;
	s1 =	sadd.s32 s1, s30  }
0xbc: {  	s0 =	sor.u32 s3, s0;
	s1 =	sshll.u32 s1, $0x11  }
0xbd: {  	s0 =	sor.u32 s1, s0  }
0xbe: {  	s0 =	sadd.s32 $0x8F2B, s0  }
0xbf: {  	[sflag:s0] =	ssyncadd.remote.s32 $0x1  }
0xc0: {  	_ =	sfence.sel $0xFFFF  }
0xc1: {  	[dreg:$0x0] =	wrdreg $0xFFFFFFFF;
	(pc) =	sbr.abs _section_cstart, $3  }
0xc2: {  	[dreg:$0x1] =	wrdreg $0xFFFFFFFF  }
0xc3: {  	_ =	task.clear_ibuf [dreg:s7], $0x2FFFF;
	_ =	strace $0x9FFFFFFF  }
0xc4: {  	(tm) =	ssettm $0x7FFFFFFF  }
0xc5: {  	_ =	shalt  }
tec
execute0_lowered:
.L_overlay_start_1:
0x0: {  	(tag) =	ssettag $0x1  }
0x1: {  	s0 =	rddreg [dreg:$0x0]  }
0x2: {  	s2 =	rddreg [dreg:$0x1]  }
0x3: {  	s1 =	rddreg [dreg:$0x2]  }
0x4: {  	s3 =	rddreg [dreg:$0x3];
	s5 =	simm.s32 $0x0;
	s4 =	srdreg.scid  }
0x5: {  	s13 =	stileid.u32;
	s28 =	simm.s32 $0x5000;
	s29 =	simm.s32 $0x7000  }
0x6: {  	s30 =	simm.s32 $0x1;
	s31 =	simm.s32 $0x2;
	[smem:$0x7FF] =	sst s5  }
0x7: {  	s4 =	sand.u32 $0x1, s4;
	s6 =	smul.u32 $0xA000, s13;
	s7 =	sadd.s32 $0x68400, s2  }
0x8: {  	s8 =	sadd.s32 $0xE400, s2;
	s9 =	sadd.s32 $0x4400, s2;
	s11 =	smul.u32 $0x28000, s13  }
0x9: {  	s13 =	smul.u32 $0x5000, s13;
	_ =	strace $0x8000004D;
	s10 =	ssub.s32 $0x2, s4  }
0xa: {  	s16 =	smul.u32 $0xA0000, s4;
	p0 =	seq.s32 s4, $0x1;
	s12 =	sshrl.u32 s10, $0x1  }
0xb: {  	s17 =	sshrl.u32 s11, $0x2;
	s18 =	sshrl.u32 s13, $0x3;
	s19 =	sadd.s32 s6, s3  }
0xc: {  	s20 =	sshrl.u32 s6, $0x3;
	s0 =	smov.u32 @p0 s7;
	s25 =	sadd.s32 s6, s1  }
0xd: {  	s7 =	simm.s32 $0x6;
	s11 =	simm.s32 $0x4F80;
	s5 =	sadd.s32 s6, s16  }
0xe: {  	s10 =	ssub.s32 s10, s12;
	s13 =	sadd.s32 $0x280, s18;
	s14 =	sadd.s32 s8, s18  }
0xf: {  	s21 =	sadd.s32 s9, s18;
	s23 =	sadd.s32 $0x500, s18;
	s4 =	sadd.s32 $0x780, s18  }
0x10: {  	s16 =	sadd.s32 s0, s20;
	s18 =	simm.s32 $0x9;
	s19 =	sshrl.u32 s19, $0x3  }
0x11: {  	s25 =	sshrl.u32 s25, $0x3;
	s0 =	simm.s32 $0x3;
	[dreg:$0x5] =	wrdreg s14  }
0x12: {  	s6 =	simm.s32 $0x3B80;
	[dreg:$0x6] =	wrdreg s21;
	s22 =	sadd.s32 s8, s13  }
0x13: {  	s12 =	simm.s32 $0x0;
	s13 =	sadd.s32 s9, s13;
	[dreg:$0x7] =	wrdreg s22  }
0x14: {  	s5 =	sshrl.u32 s5, $0x3;
	s24 =	sadd.s32 s8, s23;
	[dreg:$0x8] =	wrdreg s13  }
0x15: {  	s8 =	sadd.s32 s8, s4;
	s4 =	sadd.s32 s9, s4;
	[dreg:$0x9] =	wrdreg s24  }
0x16: {  	s26 =	smax.u32 s10, $0x1;
	s21 =	simm.s32 $0x5;
	[dreg:$0xb] =	wrdreg s8  }
0x17: {  	s10 =	simm.s32 $0x4F00;
	s2 =	sadd.s32 s5, s2;
	[dreg:$0xc] =	wrdreg s4  }
0x18: {  	s5 =	sadd.s32 s17, s1;
	s13 =	sadd.s32 s9, s23;
	[dreg:$0xe] =	wrdreg s26  }
0x19: {  	s17 =	simm.s32 $0x9000;
	s22 =	simm.s32 $0x7;
	s23 =	simm.s32 $0x1400  }
0x1a: {  	s24 =	simm.s32 $0x3C00;
	s26 =	simm.s32 $0x80;
	s4 =	simm.s32 $0x3B00  }
0x1b: {  	s8 =	simm.s32 $0x8;
	[dreg:$0xa] =	wrdreg s13;
	s2 =	sadd.s32 $0x7C400, s2  }
0x1c: {  	v0 =	vimm.f32 $0.0e+00;
	s9 =	simm.s32 $0x1480;
	[dreg:$0xd] =	wrdreg s2;
	s2 =	simm.s32 $0x4  }
.LBB2_1:
0x1d: {  	[tilespmem:$0x9000] =	vst v0  }
0x1e: {  	[tilespmem:$0x9010] =	vst v0  }
0x1f: {  	[tilespmem:$0x9020] =	vst v0  }
0x20: {  	[tilespmem:$0x9030] =	vst v0  }
0x21: {  	[tilespmem:$0x9040] =	vst v0  }
0x22: {  	[tilespmem:$0x9050] =	vst v0  }
0x23: {  	[tilespmem:$0x9060] =	vst v0  }
0x24: {  	[tilespmem:$0x9070] =	vst v0  }
0x25: {  	[tilespmem:$0x9080] =	vst v0  }
0x26: {  	[tilespmem:$0x9090] =	vst v0  }
0x27: {  	[tilespmem:$0x90A0] =	vst v0  }
0x28: {  	[tilespmem:$0x90B0] =	vst v0  }
0x29: {  	[tilespmem:$0x90C0] =	vst v0  }
0x2a: {  	[tilespmem:$0x90D0] =	vst v0  }
0x2b: {  	[tilespmem:$0x90E0] =	vst v0  }
0x2c: {  	[tilespmem:$0x90F0] =	vst v0  }
0x2d: {  	[tilespmem:$0x9100] =	vst v0  }
0x2e: {  	[tilespmem:$0x9110] =	vst v0  }
0x2f: {  	[tilespmem:$0x9120] =	vst v0  }
0x30: {  	[tilespmem:$0x9130] =	vst v0  }
0x31: {  	[tilespmem:$0x9140] =	vst v0  }
0x32: {  	[tilespmem:$0x9150] =	vst v0  }
0x33: {  	[tilespmem:$0x9160] =	vst v0  }
0x34: {  	[tilespmem:$0x9170] =	vst v0  }
0x35: {  	[tilespmem:$0x9180] =	vst v0  }
0x36: {  	[tilespmem:$0x9190] =	vst v0  }
0x37: {  	[tilespmem:$0x91A0] =	vst v0  }
0x38: {  	[tilespmem:$0x91B0] =	vst v0  }
0x39: {  	[tilespmem:$0x91C0] =	vst v0  }
0x3a: {  	[tilespmem:$0x91D0] =	vst v0  }
0x3b: {  	[tilespmem:$0x91E0] =	vst v0  }
0x3c: {  	[tilespmem:$0x91F0] =	vst v0  }
0x3d: {  	[tilespmem:$0x9200] =	vst v0  }
0x3e: {  	[tilespmem:$0x9210] =	vst v0  }
0x3f: {  	[tilespmem:$0x9220] =	vst v0  }
0x40: {  	[tilespmem:$0x9230] =	vst v0  }
0x41: {  	[tilespmem:$0x9240] =	vst v0  }
0x42: {  	[tilespmem:$0x9250] =	vst v0  }
0x43: {  	[tilespmem:$0x9260] =	vst v0  }
0x44: {  	[tilespmem:$0x9270] =	vst v0  }
0x45: {  	[tilespmem:$0x9280] =	vst v0  }
0x46: {  	[tilespmem:$0x9290] =	vst v0  }
0x47: {  	[tilespmem:$0x92A0] =	vst v0  }
0x48: {  	[tilespmem:$0x92B0] =	vst v0  }
0x49: {  	[tilespmem:$0x92C0] =	vst v0  }
0x4a: {  	[tilespmem:$0x92D0] =	vst v0  }
0x4b: {  	[tilespmem:$0x92E0] =	vst v0  }
0x4c: {  	[tilespmem:$0x92F0] =	vst v0  }
0x4d: {  	[tilespmem:$0x9300] =	vst v0  }
0x4e: {  	[tilespmem:$0x9310] =	vst v0  }
0x4f: {  	[tilespmem:$0x9320] =	vst v0  }
0x50: {  	[tilespmem:$0x9330] =	vst v0  }
0x51: {  	[tilespmem:$0x9340] =	vst v0  }
0x52: {  	[tilespmem:$0x9350] =	vst v0  }
0x53: {  	[tilespmem:$0x9360] =	vst v0  }
0x54: {  	[tilespmem:$0x9370] =	vst v0  }
0x55: {  	[tilespmem:$0x9380] =	vst v0  }
0x56: {  	[tilespmem:$0x9390] =	vst v0  }
0x57: {  	[tilespmem:$0x93A0] =	vst v0  }
0x58: {  	[tilespmem:$0x93B0] =	vst v0  }
0x59: {  	[tilespmem:$0x93C0] =	vst v0  }
0x5a: {  	[tilespmem:$0x93D0] =	vst v0  }
0x5b: {  	[tilespmem:$0x93E0] =	vst v0  }
0x5c: {  	[tilespmem:$0x93F0] =	vst v0;
	s13 =	sadd.s32 $0x0, s5  }
0x5d: {  	[spmem:s13] =	stream.linear.scatter [tilespmem:s17], [sflag:$0x9], $0x400, $0x38;
	[tilespmem:$0x1D400] =	vst v63  }
0x5e: {  	s13 =	simm.s32 $0x1000;
	_ =	swait.ge [sflag:s18], $0x400  }
.LBB2_2:
0x5f: {  	s14 =	sshra.s32 s13, $0x2;
	[sflag:s18] =	ssyncset.done $0x0;
	p0 =	sne.s32 s13, $0x27000  }
.Ltmp0:
0x60: {  	s14 =	sadd.s32 s14, s5;
	[sflag:s18] =	ssyncadd.s32 $0xFFFFFC00;
	(pc) =	sbr.rel @p0 .LBB2_2-.Ltmp0, $3  }
0x61: {  	[spmem:s14] =	stream.linear.scatter [tilespmem:s17], [sflag:$0x9], $0x400, $0x38;
	[tilespmem:$0x1D400] =	vst v63  }
0x62: {  	s13 =	sadd.s32 $0x1000, s13;
	_ =	sdelay $0x1  }
0x63: {  	_ =	swait.ge [sflag:s18], $0x400  }
0x64: {  	s13 =	stileid.u32  }
0x65: {  	[sflag:s18] =	ssyncset.done $0x0;
	s13 =	sshll.u32 s13, $0x6  }
0x66: {  	[sflag:s18] =	ssyncadd.s32 $0xFFFFFC00;
	s13 =	sor.u32 $0x1C09, s13  }
0x67: {  	[spmem:s19], [sflag:s13] =	dma.local [hbm:s16], $0x1400  }
0x68: {  	_ =	swait.ge [sflag:s18], $0x1400  }
0x69: {  	[sflag:s18] =	ssyncset.done $0x0  }
0x6a: {  	s14 =	simm.s32 $0x0;
	s15 =	rddreg [dreg:$0x5];
	[sflag:s18] =	ssyncadd.s32 $0xFFFFEC00  }
0x6b: {  	[tilespmem:s14], [sflag:$0x5] =	stream.linear.gather [hbm4b:s15+s14], $0x1400, $0x38;
	[tilespmem:$0x1D400] =	vst v63  }
0x6c: {  	s20 =	simm.s32 $0x2800;
	s15 =	rddreg [dreg:$0x6]  }
0x6d: {  	[tilespmem:s20], [sflag:$0x7] =	stream.linear.gather [hbm4b:s15+s14], $0x1400, $0x38;
	[tilespmem:$0x1D400] =	vst v63  }
0x6e: {  	[bflag:$0x0] =	sbarrier.arrive $0xFFFF  }
0x6f: {  	_ =	swait.ge [sflag:s21], $0x1400  }
0x70: {  	[sflag:s21] =	ssyncset.done $0x0  }
0x71: {  	[sflag:s21] =	ssyncadd.s32 $0xFFFFEC00  }
0x72: {  	_ =	swait.ge [sflag:s22], $0x1400  }
0x73: {  	[sflag:s22] =	ssyncset.done $0x0  }
0x74: {  	s20 =	rddreg [dreg:$0x7];
	[sflag:s22] =	ssyncadd.s32 $0xFFFFEC00  }
0x75: {  	[tilespmem:s23], [sflag:$0x6] =	stream.linear.gather [hbm4b:s20+s14], $0x1400, $0x38;
	[tilespmem:$0x1D400] =	vst v63  }
0x76: {  	s20 =	rddreg [dreg:$0x8]  }
0x77: {  	[tilespmem:s24], [sflag:$0x8] =	stream.linear.gather [hbm4b:s20+s14], $0x1400, $0x38;
	[tilespmem:$0x1D400] =	vst v63  }
0x78: {  	_ = 	snop  }
0x79: {  	[tilespmem:s28], [sflag:$0x1] =	stream.indirect.gather [spmem:s3], $0x40, s14, s26, $0xb8;
	[tilespmem:$0x1D400] =	vst v63  }
0x7a: {  	_ = 	snop  }
0x7b: {  	[tilespmem:s29], [sflag:$0x2] =	stream.indirect.gather [spmem:s3], $0x40, s26, s26, $0xb8;
	[tilespmem:$0x1D400] =	vst v63  }
0x7c: {  	_ =	swait.ge [sflag:s30], $0x2000  }
0x7d: {  	[sflag:s30] =	ssyncset.done $0x0  }
0x7e: {  	s20 =	simm.s32 $0x2800;
	[sflag:s30] =	ssyncadd.s32 $0xFFFFE000  }
0x7f: {  	[spmem:s1] =	stream.indirect.scatter.add.f32 [tilespmem:s28], [sflag:$0x3], $0x40, s20, s26, $0xb8;
	[tilespmem:$0x1D400] =	vst v63  }
0x80: {  	_ =	swait.ge [sflag:s31], $0x2000  }
0x81: {  	[sflag:s31] =	ssyncset.done $0x0  }
0x82: {  	s15 =	simm.s32 $0x2880;
	[sflag:s31] =	ssyncadd.s32 $0xFFFFE000  }
0x83: {  	[spmem:s1] =	stream.indirect.scatter.add.f32 [tilespmem:s29], [sflag:$0x4], $0x40, s15, s26, $0xb8;
	[tilespmem:$0x1D400] =	vst v63  }
0x84: {  	_ =	swait.ge [sflag:s0], $0x2000  }
0x85: {  	[sflag:s0] =	ssyncset.done $0x0  }
0x86: {  	s20 =	simm.s32 $0x100;
	[sflag:s0] =	ssyncadd.s32 $0xFFFFE000  }
0x87: {  	[tilespmem:s28], [sflag:$0x1] =	stream.indirect.gather [spmem:s3], $0x40, s20, s26, $0xb8;
	[tilespmem:$0x1D400] =	vst v63  }
0x88: {  	_ =	swait.ge [sflag:s2], $0x2000  }
0x89: {  	[sflag:s2] =	ssyncset.done $0x0  }
0x8a: {  	s14 =	simm.s32 $0x400;
	s20 =	simm.s32 $0x180;
	[sflag:s2] =	ssyncadd.s32 $0xFFFFE000  }
.LBB2_4:
0x8b: {  	[tilespmem:s29], [sflag:$0x2] =	stream.indirect.gather [spmem:s3], $0x40, s20, s26, $0xb8;
	[tilespmem:$0x1D400] =	vst v63  }
0x8c: {  	s20 =	smov.u32 s14  }
0x8d: {  	p0 =	sne.s32 s14, $0x4800;
	s14 =	sadd.s32 $0x400, s14;
	_ =	swait.ge [sflag:s30], $0x2000  }
0x8e: {  	s20 =	sshra.s32 s20, $0x2;
	[sflag:s30] =	ssyncset.done $0x0  }
0x8f: {  	s15 =	sadd.s32 $0x2800, s20;
	[sflag:s30] =	ssyncadd.s32 $0xFFFFE000  }
0x90: {  	[spmem:s1] =	stream.indirect.scatter.add.f32 [tilespmem:s28], [sflag:$0x3], $0x40, s15, s26, $0xb8;
	[tilespmem:$0x1D400] =	vst v63  }
0x91: {  	_ =	swait.ge [sflag:s31], $0x2000  }
0x92: {  	[sflag:s31] =	ssyncset.done $0x0  }
0x93: {  	s15 =	sadd.s32 $0x2880, s20;
	[sflag:s31] =	ssyncadd.s32 $0xFFFFE000  }
0x94: {  	[spmem:s1] =	stream.indirect.scatter.add.f32 [tilespmem:s29], [sflag:$0x4], $0x40, s15, s26, $0xb8;
	[tilespmem:$0x1D400] =	vst v63  }
0x95: {  	_ =	swait.ge [sflag:s0], $0x2000  }
0x96: {  	[sflag:s0] =	ssyncset.done $0x0  }
.Ltmp1:
0x97: {  	s15 =	sadd.s32 $0x100, s20;
	[sflag:s0] =	ssyncadd.s32 $0xFFFFE000;
	(pc) =	sbr.rel @p0 .LBB2_4-.Ltmp1, $4  }
0x98: {  	[tilespmem:s28], [sflag:$0x1] =	stream.indirect.gather [spmem:s3], $0x40, s15, s26, $0xb8;
	[tilespmem:$0x1D400] =	vst v63  }
0x99: {  	_ =	swait.ge [sflag:s2], $0x2000  }
0x9a: {  	[sflag:s2] =	ssyncset.done $0x0  }
0x9b: {  	s20 =	sadd.s32 $0x180, s20;
	[sflag:s2] =	ssyncadd.s32 $0xFFFFE000  }
0x9c: {  	[tilespmem:s29], [sflag:$0x2] =	stream.indirect.gather [spmem:s3], $0x40, s20, s26, $0xb8;
	[tilespmem:$0x1D400] =	vst v63  }
0x9d: {  	_ =	swait.ge [sflag:s30], $0x2000  }
0x9e: {  	[sflag:s30] =	ssyncset.done $0x0  }
0x9f: {  	[sflag:s30] =	ssyncadd.s32 $0xFFFFE000  }
0xa0: {  	[spmem:s1] =	stream.indirect.scatter.add.f32 [tilespmem:s28], [sflag:$0x3], $0x40, s4, s26, $0xb8;
	[tilespmem:$0x1D400] =	vst v63  }
0xa1: {  	_ =	swait.ge [sflag:s31], $0x2000  }
0xa2: {  	[sflag:s31] =	ssyncset.done $0x0  }
0xa3: {  	[sflag:s31] =	ssyncadd.s32 $0xFFFFE000  }
0xa4: {  	[spmem:s1] =	stream.indirect.scatter.add.f32 [tilespmem:s29], [sflag:$0x4], $0x40, s6, s26, $0xb8;
	[tilespmem:$0x1D400] =	vst v63  }
0xa5: {  	_ =	swait.ge [sflag:s0], $0x2000  }
0xa6: {  	[sflag:s0] =	ssyncset.done $0x0  }
0xa7: {  	[sflag:s0] =	ssyncadd.s32 $0xFFFFE000  }
0xa8: {  	_ =	swait.ge [sflag:s2], $0x2000  }
0xa9: {  	[sflag:s2] =	ssyncset.done $0x0  }
0xaa: {  	[sflag:s2] =	ssyncadd.s32 $0xFFFFE000  }
0xab: {  	_ =	swait.ge [sflag:s7], $0x1400  }
0xac: {  	[sflag:s7] =	ssyncset.done $0x0  }
0xad: {  	[sflag:s7] =	ssyncadd.s32 $0xFFFFEC00  }
0xae: {  	_ =	swait.ge [sflag:s8], $0x1400  }
0xaf: {  	[sflag:s8] =	ssyncset.done $0x0  }
0xb0: {  	s14 =	simm.s32 $0x0;
	s15 =	rddreg [dreg:$0x9];
	[sflag:s8] =	ssyncadd.s32 $0xFFFFEC00  }
0xb1: {  	[tilespmem:s14], [sflag:$0x5] =	stream.linear.gather [hbm4b:s15+s14], $0x1400, $0x38;
	[tilespmem:$0x1D400] =	vst v63  }
0xb2: {  	s20 =	simm.s32 $0x2800;
	s15 =	rddreg [dreg:$0xa]  }
0xb3: {  	[tilespmem:s20], [sflag:$0x7] =	stream.linear.gather [hbm4b:s15+s14], $0x1400, $0x38;
	[tilespmem:$0x1D400] =	vst v63  }
0xb4: {  	_ = 	snop  }
0xb5: {  	[tilespmem:s28], [sflag:$0x1] =	stream.indirect.gather [spmem:s3], $0x40, s23, s26, $0xb8;
	[tilespmem:$0x1D400] =	vst v63  }
0xb6: {  	_ = 	snop  }
0xb7: {  	[tilespmem:s29], [sflag:$0x2] =	stream.indirect.gather [spmem:s3], $0x40, s9, s26, $0xb8;
	[tilespmem:$0x1D400] =	vst v63  }
0xb8: {  	_ =	swait.ge [sflag:s30], $0x2000  }
0xb9: {  	[sflag:s30] =	ssyncset.done $0x0  }
0xba: {  	s20 =	simm.s32 $0x3C00;
	[sflag:s30] =	ssyncadd.s32 $0xFFFFE000  }
0xbb: {  	[spmem:s1] =	stream.indirect.scatter.add.f32 [tilespmem:s28], [sflag:$0x3], $0x40, s20, s26, $0xb8;
	[tilespmem:$0x1D400] =	vst v63  }
0xbc: {  	_ =	swait.ge [sflag:s31], $0x2000  }
0xbd: {  	[sflag:s31] =	ssyncset.done $0x0  }
0xbe: {  	s15 =	simm.s32 $0x3C80;
	[sflag:s31] =	ssyncadd.s32 $0xFFFFE000  }
0xbf: {  	[spmem:s1] =	stream.indirect.scatter.add.f32 [tilespmem:s29], [sflag:$0x4], $0x40, s15, s26, $0xb8;
	[tilespmem:$0x1D400] =	vst v63  }
0xc0: {  	_ =	swait.ge [sflag:s0], $0x2000  }
0xc1: {  	[sflag:s0] =	ssyncset.done $0x0  }
0xc2: {  	s20 =	simm.s32 $0x1500;
	[sflag:s0] =	ssyncadd.s32 $0xFFFFE000  }
0xc3: {  	[tilespmem:s28], [sflag:$0x1] =	stream.indirect.gather [spmem:s3], $0x40, s20, s26, $0xb8;
	[tilespmem:$0x1D400] =	vst v63  }
0xc4: {  	_ =	swait.ge [sflag:s2], $0x2000  }
0xc5: {  	[sflag:s2] =	ssyncset.done $0x0  }
0xc6: {  	s14 =	simm.s32 $0xFFFFB800;
	s20 =	simm.s32 $0x1580;
	[sflag:s2] =	ssyncadd.s32 $0xFFFFE000  }
.LBB2_6:
0xc7: {  	[tilespmem:s29], [sflag:$0x2] =	stream.indirect.gather [spmem:s3], $0x40, s20, s26, $0xb8;
	[tilespmem:$0x1D400] =	vst v63  }
0xc8: {  	s15 =	smov.u32 s14  }
0xc9: {  	p0 =	sne.s32 s14, $0xFFFFFC00;
	s14 =	sadd.s32 $0x400, s14;
	_ =	swait.ge [sflag:s30], $0x2000  }
0xca: {  	s15 =	sshra.s32 s15, $0x2;
	[sflag:s30] =	ssyncset.done $0x0  }
0xcb: {  	s20 =	sadd.s32 $0x4F00, s15;
	[sflag:s30] =	ssyncadd.s32 $0xFFFFE000  }
0xcc: {  	[spmem:s1] =	stream.indirect.scatter.add.f32 [tilespmem:s28], [sflag:$0x3], $0x40, s20, s26, $0xb8;
	[tilespmem:$0x1D400] =	vst v63  }
0xcd: {  	_ =	swait.ge [sflag:s31], $0x2000  }
0xce: {  	[sflag:s31] =	ssyncset.done $0x0  }
0xcf: {  	s20 =	sadd.s32 $0x4F80, s15;
	[sflag:s31] =	ssyncadd.s32 $0xFFFFE000  }
0xd0: {  	[spmem:s1] =	stream.indirect.scatter.add.f32 [tilespmem:s29], [sflag:$0x4], $0x40, s20, s26, $0xb8;
	[tilespmem:$0x1D400] =	vst v63  }
0xd1: {  	_ =	swait.ge [sflag:s0], $0x2000  }
0xd2: {  	[sflag:s0] =	ssyncset.done $0x0  }
.Ltmp2:
0xd3: {  	s20 =	sadd.s32 $0x2800, s15;
	[sflag:s0] =	ssyncadd.s32 $0xFFFFE000;
	(pc) =	sbr.rel @p0 .LBB2_6-.Ltmp2, $4  }
0xd4: {  	[tilespmem:s28], [sflag:$0x1] =	stream.indirect.gather [spmem:s3], $0x40, s20, s26, $0xb8;
	[tilespmem:$0x1D400] =	vst v63  }
0xd5: {  	_ =	swait.ge [sflag:s2], $0x2000  }
0xd6: {  	[sflag:s2] =	ssyncset.done $0x0  }
0xd7: {  	s20 =	sadd.s32 $0x2880, s15;
	[sflag:s2] =	ssyncadd.s32 $0xFFFFE000  }
0xd8: {  	[tilespmem:s29], [sflag:$0x2] =	stream.indirect.gather [spmem:s3], $0x40, s20, s26, $0xb8;
	[tilespmem:$0x1D400] =	vst v63  }
0xd9: {  	_ =	swait.ge [sflag:s30], $0x2000  }
0xda: {  	[sflag:s30] =	ssyncset.done $0x0  }
0xdb: {  	[sflag:s30] =	ssyncadd.s32 $0xFFFFE000  }
0xdc: {  	[spmem:s1] =	stream.indirect.scatter.add.f32 [tilespmem:s28], [sflag:$0x3], $0x40, s10, s26, $0xb8;
	[tilespmem:$0x1D400] =	vst v63  }
0xdd: {  	_ =	swait.ge [sflag:s31], $0x2000  }
0xde: {  	[sflag:s31] =	ssyncset.done $0x0  }
0xdf: {  	[sflag:s31] =	ssyncadd.s32 $0xFFFFE000  }
0xe0: {  	[spmem:s1] =	stream.indirect.scatter.add.f32 [tilespmem:s29], [sflag:$0x4], $0x40, s11, s26, $0xb8;
	[tilespmem:$0x1D400] =	vst v63  }
0xe1: {  	_ =	swait.ge [sflag:s0], $0x2000  }
0xe2: {  	[sflag:s0] =	ssyncset.done $0x0  }
0xe3: {  	[sflag:s0] =	ssyncadd.s32 $0xFFFFE000  }
0xe4: {  	_ =	swait.ge [sflag:s2], $0x2000  }
0xe5: {  	[sflag:s2] =	ssyncset.done $0x0  }
0xe6: {  	[sflag:s2] =	ssyncadd.s32 $0xFFFFE000  }
0xe7: {  	_ =	swait.ge [sflag:s21], $0x1400  }
0xe8: {  	[sflag:s21] =	ssyncset.done $0x0  }
0xe9: {  	[sflag:s21] =	ssyncadd.s32 $0xFFFFEC00  }
0xea: {  	_ =	swait.ge [sflag:s22], $0x1400  }
0xeb: {  	[sflag:s22] =	ssyncset.done $0x0  }
0xec: {  	s14 =	simm.s32 $0x0;
	s15 =	rddreg [dreg:$0xb];
	[sflag:s22] =	ssyncadd.s32 $0xFFFFEC00  }
0xed: {  	[tilespmem:s23], [sflag:$0x6] =	stream.linear.gather [hbm4b:s15+s14], $0x1400, $0x38;
	[tilespmem:$0x1D400] =	vst v63  }
0xee: {  	s20 =	rddreg [dreg:$0xc]  }
0xef: {  	[tilespmem:s24], [sflag:$0x8] =	stream.linear.gather [hbm4b:s20+s14], $0x1400, $0x38;
	[tilespmem:$0x1D400] =	vst v63  }
0xf0: {  	_ = 	snop  }
0xf1: {  	[tilespmem:s28], [sflag:$0x1] =	stream.indirect.gather [spmem:s3], $0x40, s14, s26, $0xb8;
	[tilespmem:$0x1D400] =	vst v63  }
0xf2: {  	_ = 	snop  }
0xf3: {  	[tilespmem:s29], [sflag:$0x2] =	stream.indirect.gather [spmem:s3], $0x40, s26, s26, $0xb8;
	[tilespmem:$0x1D400] =	vst v63  }
0xf4: {  	_ =	swait.ge [sflag:s30], $0x2000  }
0xf5: {  	[sflag:s30] =	ssyncset.done $0x0  }
0xf6: {  	s20 =	simm.s32 $0x2800;
	[sflag:s30] =	ssyncadd.s32 $0xFFFFE000  }
0xf7: {  	[spmem:s1] =	stream.indirect.scatter.add.f32 [tilespmem:s28], [sflag:$0x3], $0x40, s20, s26, $0xb8;
	[tilespmem:$0x1D400] =	vst v63  }
0xf8: {  	_ =	swait.ge [sflag:s31], $0x2000  }
0xf9: {  	[sflag:s31] =	ssyncset.done $0x0  }
0xfa: {  	s15 =	simm.s32 $0x2880;
	[sflag:s31] =	ssyncadd.s32 $0xFFFFE000  }
0xfb: {  	[spmem:s1] =	stream.indirect.scatter.add.f32 [tilespmem:s29], [sflag:$0x4], $0x40, s15, s26, $0xb8;
	[tilespmem:$0x1D400] =	vst v63  }
0xfc: {  	_ =	swait.ge [sflag:s0], $0x2000  }
0xfd: {  	[sflag:s0] =	ssyncset.done $0x0  }
0xfe: {  	s20 =	simm.s32 $0x100;
	[sflag:s0] =	ssyncadd.s32 $0xFFFFE000  }
0xff: {  	[tilespmem:s28], [sflag:$0x1] =	stream.indirect.gather [spmem:s3], $0x40, s20, s26, $0xb8;
	[tilespmem:$0x1D400] =	vst v63  }
0x100: {  	_ =	swait.ge [sflag:s2], $0x2000  }
0x101: {  	[sflag:s2] =	ssyncset.done $0x0  }
0x102: {  	s14 =	simm.s32 $0x400;
	s20 =	simm.s32 $0x180;
	[sflag:s2] =	ssyncadd.s32 $0xFFFFE000  }
.LBB2_8:
0x103: {  	[tilespmem:s29], [sflag:$0x2] =	stream.indirect.gather [spmem:s3], $0x40, s20, s26, $0xb8;
	[tilespmem:$0x1D400] =	vst v63  }
0x104: {  	s15 =	smov.u32 s14  }
0x105: {  	p0 =	sne.s32 s14, $0x4800;
	s14 =	sadd.s32 $0x400, s14;
	_ =	swait.ge [sflag:s30], $0x2000  }
0x106: {  	s15 =	sshra.s32 s15, $0x2;
	[sflag:s30] =	ssyncset.done $0x0  }
0x107: {  	s20 =	sadd.s32 $0x2800, s15;
	[sflag:s30] =	ssyncadd.s32 $0xFFFFE000  }
0x108: {  	[spmem:s1] =	stream.indirect.scatter.add.f32 [tilespmem:s28], [sflag:$0x3], $0x40, s20, s26, $0xb8;
	[tilespmem:$0x1D400] =	vst v63  }
0x109: {  	_ =	swait.ge [sflag:s31], $0x2000  }
0x10a: {  	[sflag:s31] =	ssyncset.done $0x0  }
0x10b: {  	s20 =	sadd.s32 $0x2880, s15;
	[sflag:s31] =	ssyncadd.s32 $0xFFFFE000  }
0x10c: {  	[spmem:s1] =	stream.indirect.scatter.add.f32 [tilespmem:s29], [sflag:$0x4], $0x40, s20, s26, $0xb8;
	[tilespmem:$0x1D400] =	vst v63  }
0x10d: {  	_ =	swait.ge [sflag:s0], $0x2000  }
0x10e: {  	[sflag:s0] =	ssyncset.done $0x0  }
.Ltmp3:
0x10f: {  	s20 =	sadd.s32 $0x100, s15;
	[sflag:s0] =	ssyncadd.s32 $0xFFFFE000;
	(pc) =	sbr.rel @p0 .LBB2_8-.Ltmp3, $4  }
0x110: {  	[tilespmem:s28], [sflag:$0x1] =	stream.indirect.gather [spmem:s3], $0x40, s20, s26, $0xb8;
	[tilespmem:$0x1D400] =	vst v63  }
0x111: {  	_ =	swait.ge [sflag:s2], $0x2000  }
0x112: {  	[sflag:s2] =	ssyncset.done $0x0  }
0x113: {  	s20 =	sadd.s32 $0x180, s15;
	[sflag:s2] =	ssyncadd.s32 $0xFFFFE000  }
0x114: {  	[tilespmem:s29], [sflag:$0x2] =	stream.indirect.gather [spmem:s3], $0x40, s20, s26, $0xb8;
	[tilespmem:$0x1D400] =	vst v63  }
0x115: {  	_ =	swait.ge [sflag:s30], $0x2000  }
0x116: {  	[sflag:s30] =	ssyncset.done $0x0  }
0x117: {  	[sflag:s30] =	ssyncadd.s32 $0xFFFFE000  }
0x118: {  	[spmem:s1] =	stream.indirect.scatter.add.f32 [tilespmem:s28], [sflag:$0x3], $0x40, s4, s26, $0xb8;
	[tilespmem:$0x1D400] =	vst v63  }
0x119: {  	_ =	swait.ge [sflag:s31], $0x2000  }
0x11a: {  	[sflag:s31] =	ssyncset.done $0x0  }
0x11b: {  	[sflag:s31] =	ssyncadd.s32 $0xFFFFE000  }
0x11c: {  	[spmem:s1] =	stream.indirect.scatter.add.f32 [tilespmem:s29], [sflag:$0x4], $0x40, s6, s26, $0xb8;
	[tilespmem:$0x1D400] =	vst v63  }
0x11d: {  	_ =	swait.ge [sflag:s0], $0x2000  }
0x11e: {  	[sflag:s0] =	ssyncset.done $0x0  }
0x11f: {  	[sflag:s0] =	ssyncadd.s32 $0xFFFFE000  }
0x120: {  	_ =	swait.ge [sflag:s2], $0x2000  }
0x121: {  	[sflag:s2] =	ssyncset.done $0x0  }
0x122: {  	[sflag:s2] =	ssyncadd.s32 $0xFFFFE000  }
0x123: {  	_ =	swait.ge [sflag:s7], $0x1400  }
0x124: {  	[sflag:s7] =	ssyncset.done $0x0  }
0x125: {  	[sflag:s7] =	ssyncadd.s32 $0xFFFFEC00  }
0x126: {  	_ =	swait.ge [sflag:s8], $0x1400  }
0x127: {  	[sflag:s8] =	ssyncset.done $0x0  }
0x128: {  	[sflag:s8] =	ssyncadd.s32 $0xFFFFEC00  }
0x129: {  	[tilespmem:s28], [sflag:$0x1] =	stream.indirect.gather [spmem:s3], $0x40, s23, s26, $0xb8;
	[tilespmem:$0x1D400] =	vst v63  }
0x12a: {  	_ = 	snop  }
0x12b: {  	[tilespmem:s29], [sflag:$0x2] =	stream.indirect.gather [spmem:s3], $0x40, s9, s26, $0xb8;
	[tilespmem:$0x1D400] =	vst v63  }
0x12c: {  	_ =	swait.ge [sflag:s30], $0x2000  }
0x12d: {  	[sflag:s30] =	ssyncset.done $0x0  }
0x12e: {  	s14 =	simm.s32 $0x3C00;
	[sflag:s30] =	ssyncadd.s32 $0xFFFFE000  }
0x12f: {  	[spmem:s1] =	stream.indirect.scatter.add.f32 [tilespmem:s28], [sflag:$0x3], $0x40, s14, s26, $0xb8;
	[tilespmem:$0x1D400] =	vst v63  }
0x130: {  	_ =	swait.ge [sflag:s31], $0x2000  }
0x131: {  	[sflag:s31] =	ssyncset.done $0x0  }
0x132: {  	s15 =	simm.s32 $0x3C80;
	[sflag:s31] =	ssyncadd.s32 $0xFFFFE000  }
0x133: {  	[spmem:s1] =	stream.indirect.scatter.add.f32 [tilespmem:s29], [sflag:$0x4], $0x40, s15, s26, $0xb8;
	[tilespmem:$0x1D400] =	vst v63  }
0x134: {  	_ =	swait.ge [sflag:s0], $0x2000  }
0x135: {  	[sflag:s0] =	ssyncset.done $0x0  }
0x136: {  	s20 =	simm.s32 $0x1500;
	[sflag:s0] =	ssyncadd.s32 $0xFFFFE000  }
0x137: {  	[tilespmem:s28], [sflag:$0x1] =	stream.indirect.gather [spmem:s3], $0x40, s20, s26, $0xb8;
	[tilespmem:$0x1D400] =	vst v63  }
0x138: {  	_ =	swait.ge [sflag:s2], $0x2000  }
0x139: {  	[sflag:s2] =	ssyncset.done $0x0  }
0x13a: {  	s14 =	simm.s32 $0xFFFFB800;
	s20 =	simm.s32 $0x1580;
	[sflag:s2] =	ssyncadd.s32 $0xFFFFE000  }
.LBB2_10:
0x13b: {  	[tilespmem:s29], [sflag:$0x2] =	stream.indirect.gather [spmem:s3], $0x40, s20, s26, $0xb8;
	[tilespmem:$0x1D400] =	vst v63  }
0x13c: {  	s15 =	smov.u32 s14  }
0x13d: {  	p0 =	sne.s32 s14, $0xFFFFFC00;
	s14 =	sadd.s32 $0x400, s14;
	_ =	swait.ge [sflag:s30], $0x2000  }
0x13e: {  	s15 =	sshra.s32 s15, $0x2;
	[sflag:s30] =	ssyncset.done $0x0  }
0x13f: {  	s20 =	sadd.s32 $0x4F00, s15;
	[sflag:s30] =	ssyncadd.s32 $0xFFFFE000  }
0x140: {  	[spmem:s1] =	stream.indirect.scatter.add.f32 [tilespmem:s28], [sflag:$0x3], $0x40, s20, s26, $0xb8;
	[tilespmem:$0x1D400] =	vst v63  }
0x141: {  	_ =	swait.ge [sflag:s31], $0x2000  }
0x142: {  	[sflag:s31] =	ssyncset.done $0x0  }
0x143: {  	s20 =	sadd.s32 $0x4F80, s15;
	[sflag:s31] =	ssyncadd.s32 $0xFFFFE000  }
0x144: {  	[spmem:s1] =	stream.indirect.scatter.add.f32 [tilespmem:s29], [sflag:$0x4], $0x40, s20, s26, $0xb8;
	[tilespmem:$0x1D400] =	vst v63  }
0x145: {  	_ =	swait.ge [sflag:s0], $0x2000  }
0x146: {  	[sflag:s0] =	ssyncset.done $0x0  }
.Ltmp4:
0x147: {  	s20 =	sadd.s32 $0x2800, s15;
	[sflag:s0] =	ssyncadd.s32 $0xFFFFE000;
	(pc) =	sbr.rel @p0 .LBB2_10-.Ltmp4, $4  }
0x148: {  	[tilespmem:s28], [sflag:$0x1] =	stream.indirect.gather [spmem:s3], $0x40, s20, s26, $0xb8;
	[tilespmem:$0x1D400] =	vst v63  }
0x149: {  	_ =	swait.ge [sflag:s2], $0x2000  }
0x14a: {  	[sflag:s2] =	ssyncset.done $0x0  }
0x14b: {  	s20 =	sadd.s32 $0x2880, s15;
	[sflag:s2] =	ssyncadd.s32 $0xFFFFE000  }
0x14c: {  	[tilespmem:s29], [sflag:$0x2] =	stream.indirect.gather [spmem:s3], $0x40, s20, s26, $0xb8;
	[tilespmem:$0x1D400] =	vst v63  }
0x14d: {  	_ =	swait.ge [sflag:s30], $0x2000  }
0x14e: {  	[sflag:s30] =	ssyncset.done $0x0  }
0x14f: {  	[sflag:s30] =	ssyncadd.s32 $0xFFFFE000  }
0x150: {  	[spmem:s1] =	stream.indirect.scatter.add.f32 [tilespmem:s28], [sflag:$0x3], $0x40, s10, s26, $0xb8;
	[tilespmem:$0x1D400] =	vst v63  }
0x151: {  	_ =	swait.ge [sflag:s31], $0x2000  }
0x152: {  	[sflag:s31] =	ssyncset.done $0x0  }
0x153: {  	[sflag:s31] =	ssyncadd.s32 $0xFFFFE000  }
0x154: {  	[spmem:s1] =	stream.indirect.scatter.add.f32 [tilespmem:s29], [sflag:$0x4], $0x40, s11, s26, $0xb8;
	[tilespmem:$0x1D400] =	vst v63  }
0x155: {  	_ =	swait.ge [sflag:s0], $0x2000  }
0x156: {  	[sflag:s0] =	ssyncset.done $0x0  }
0x157: {  	[sflag:s0] =	ssyncadd.s32 $0xFFFFE000  }
0x158: {  	_ =	swait.ge [sflag:s2], $0x2000  }
0x159: {  	[sflag:s2] =	ssyncset.done $0x0  }
0x15a: {  	[sflag:s2] =	ssyncadd.s32 $0xFFFFE000  }
0x15b: {  	[bflag:$0x0] =	sbarrier.arrive $0xFFFF  }
0x15c: {  	s14 =	rddreg [dreg:$0xd]  }
0x15d: {  	[hbm:s14], [sflag:s13] =	dma.local [spmem:s25], $0x1400  }
0x15e: {  	_ =	swait.ge [sflag:s18], $0x1400  }
0x15f: {  	s12 =	sadd.s32 $0x1, s12;
	s20 =	rddreg [dreg:$0xe]  }
0x160: {  	p0 =	sne.s32 s12, s20  }
.Ltmp5:
0x161: {  	_ = 	snop;
	(pc) =	sbr.rel @p0 .LBB2_1-.Ltmp5, $3  }
0x162: {  	_ =	sdelay $0x1  }
0x163: {  	[sflag:s18] =	ssyncset.done $0x0  }
0x164: {  	[sflag:s18] =	ssyncadd.s32 $0xFFFFEC00  }
0x165: {  	_ =	sfence.sel $0x180000  }
0x166: {  	[bflag:$0x0] =	sbarrier.arrive $0xFFFF  }
0x167: {  	_ =	strace $0x9000004D  }
0x168: {  	s0 =	stileid.u32;
	[bflag:$0x2] =	sbarrier.arrive $0xFFFF  }
0x169: {  	p0 =	sne.s32 s0, $0x0;
	s0 =	rddreg [dreg:$0x4]  }
0x16a: {  	s0 =	sadd.s32 @!p0 $0x100000, s0  }
0x16b: {  	[sflag:s0] =	ssyncadd.tile.s32 @!p0 $0x1;
	_ =	shalt  }
.Lfunc_end2:
_tile_overlayer_lowered:
.L_overlay_start_2:
0x16c: {  	(tag) =	ssettag $0x2  }
0x16d: {  	s0 =	rddreg [dreg:$0x0];
	s2 =	stileid.u32  }
0x16e: {  	s1 =	rddreg [dreg:$0x1];
	p0 =	sne.s32 s2, $0x0  }
0x16f: {  	s3 =	rddreg [dreg:$0x2];
	[bflag:$0x3] =	sbarrier.arrive $0xFFFF;
	s2 =	simm.s32 @!p0 $0x1C09  }
0x170: {  	[timem:s3], [sflag:s2] =	dma.local @!p0 [hbm:s0], s1  }
0x171: {  	s0 =	simm.s32 @!p0 $0x9  }
0x172: {  	_ =	swait.ge @!p0 [sflag:s0], s1  }
0x173: {  	s1 =	ssub.s32 @!p0 $0x0, s1;
	[sflag:s0] =	ssyncset.done @!p0 $0x0  }
0x174: {  	[sflag:s0] =	ssyncadd.s32 @!p0 s1  }
0x175: {  	[bflag:$0x3] =	sbarrier.arrive $0xFFFF  }
0x176: {  	_ =	shalt  }

// kernel: kernel.19.cloned.1.call-start
scs
__scs_entry_jumppad:
0x0: {  	(pc) =	sbr.rel $0x88, $3  }
0x1: {  	(tag) =	ssettag $0x0;
	lr =	simm.s32 $0x1  }
0x2: {  	[smem:$0x3F97] =	sst lr;
	_ =	strace $0xD0000000  }
0x3: {  	_ = 	snop  }
0x4: {  	_ = 	snop  }
0x5: {  	_ = 	snop  }
0x6: {  	_ = 	snop  }
0x7: {  	_ = 	snop  }
__scs_overlays_trampoline_lowered:
0x8: {  	[smem:$0x3FA6] =	sst s0  }
0x9: {  	[smem:$0x3FA7] =	sst s1  }
0xa: {  	[smem:$0x3FA8] =	sst s2  }
0xb: {  	[smem:$0x3FA9] =	sst s3  }
0xc: {  	[smem:$0x3FAA] =	sst s4  }
0xd: {  	[smem:$0x3FAB] =	sst s5  }
0xe: {  	[smem:$0x3FAC] =	sst s6  }
0xf: {  	[smem:$0x3FAD] =	sst s7  }
0x10: {  	[smem:$0x3FAE] =	sst s8  }
0x11: {  	[smem:$0x3FAF] =	sst s9;
	s0 =	simm.s32 @!p0 $0x0  }
0x12: {  	s1 =	sld [smem:$0x3F95];
	s0 =	simm.s32 @p0 $0x1  }
0x13: {  	[smem:$0x3FB0] =	sst s0;
	s0 =	simm.s32 @!p1 $0x0  }
0x14: {  	s2 =	sld [smem:$0x3F94];
	s0 =	simm.s32 @p1 $0x1  }
0x15: {  	[smem:$0x3FB1] =	sst s0;
	s0 =	simm.s32 @!p2 $0x0  }
0x16: {  	s3 =	sld [smem:$0x3FDB];
	s0 =	simm.s32 @p2 $0x1  }
0x17: {  	s4 =	simm.s32 $0x1BF5;
	[smem:$0x3FB3] =	sst s0  }
0x18: {  	s0 =	sld [smem:$0x3F96];
	_ =	swait.ge [sflag:s4], $0x0  }
0x19: {  	s7 =	sld [smem:$0x3F97]  }
0x1a: {  	s8 =	sadd.s32 $0xFFFFE003, lr  }
0x1b: {  	s9 =	sadd.s32 $0xFFFFFEF7, lr;
	s5 =	simm.s32 $0xFFFFFFFF;
	p2 =	slt.u32 s8, $0xFFFFF086  }
0x1c: {  	p1 =	slt.u32 s9, $0xF7A;
	s5 =	simm.s32 @!p2 $0x0  }
0x1d: {  	s5 =	simm.s32 @p1 $0x1;
	p0 =	seq.s32 s7, s2  }
0x1e: {  	s7 =	smul.u32 @!p0 $0xF7A, s2;
	p2 =	seq.s32 @!p0 s5, $0x0  }
0x1f: {  	s9 =	smul.u32 $0xF7A, s1;
	s8 =	simm.s32 @!p0 $0x1BF5;
	p2 =	por !p2, p0  }
0x20: {  	[sflag:s8] =	ssyncset.s32 @!p0 $0xFFFFF086;
	s6 =	sadd.s32 @!p0 s3, s7;
	s7 =	simm.s32 @!p0 $0x108  }
0x21: {  	s3 =	sadd.s32 s3, s9;
	s6 =	sadd.s32 @!p0 $0x88, s6;
	s7 =	simm.s32 @p2 $0x1082  }
0x22: {  	[simem:s7], [sflag:s8] =	dma.local @!p0 [hbm:s6], $0xF7A  }
0x23: {  	s9 =	sor.u32 $0xD0000000, s2;
	s6 =	simm.s32 $0x108;
	_ =	swait.ge @!p0 [sflag:s8], $0x0  }
0x24: {  	s3 =	sadd.s32 $0x88, s3;
	s6 =	simm.s32 @!p1 $0x1082;
	[sflag:s4] =	ssyncset.s32 $0xFFFFF086  }
0x25: {  	[simem:s6], [sflag:s4] =	dma.local [hbm:s3], $0xF7A  }
0x26: {  	[smem:$0x3F97] =	sst s1;
	(tag) =	ssettag s2;
	_ =	strace s9  }
0x27: {  	s1 =	sld [smem:$0x3FA7]  }
0x28: {  	s2 =	sld [smem:$0x3FA8]  }
0x29: {  	s4 =	sld [smem:$0x3FAA]  }
0x2a: {  	p0 =	seq.s32 s5, $0x0;
	s5 =	sld [smem:$0x3FAB]  }
0x2b: {  	s6 =	sld [smem:$0x3FAC]  }
0x2c: {  	s7 =	sld [smem:$0x3FAD]  }
0x2d: {  	s3 =	simm.s32 $0x108;
	s8 =	sld [smem:$0x3FAE]  }
0x2e: {  	s3 =	simm.s32 @!p0 $0x1082;
	s9 =	sld [smem:$0x3FAF]  }
0x2f: {  	lr =	sadd.s32 s0, s3;
	s0 =	sld [smem:$0x3FA6]  }
0x30: {  	s3 =	sld [smem:$0x3FA9]  }
0x31: {  	[smem:$0x3FB2] =	sst s10  }
0x32: {  	s10 =	sld [smem:$0x3FB0];
	_ =	sdelay $0x3  }
0x33: {  	p0 =	seq.s32 s10, $0x1;
	s10 =	sld [smem:$0x3FB2];
	_ =	sdelay $0x3  }
0x34: {  	[smem:$0x3FB2] =	sst s10  }
0x35: {  	s10 =	sld [smem:$0x3FB1];
	_ =	sdelay $0x3  }
0x36: {  	p1 =	seq.s32 s10, $0x1;
	s10 =	sld [smem:$0x3FB2];
	_ =	sdelay $0x3  }
0x37: {  	[smem:$0x3FB2] =	sst s10  }
0x38: {  	s10 =	sld [smem:$0x3FB3]  }
0x39: {  	_ = 	snop;
	(pc) =	sbr.ind lr, $3  }
0x3a: {  	_ = 	snop  }
0x3b: {  	_ = 	snop  }
0x3c: {  	p2 =	seq.s32 s10, $0x1;
	s10 =	sld [smem:$0x3FB2]  }
0x3d: {  	_ =	shalt  }
0x3e: {  	_ =	shalt  }
0x3f: {  	_ =	shalt  }
0x40: {  	_ =	shalt  }
0x41: {  	_ =	shalt  }
0x42: {  	_ =	shalt  }
0x43: {  	_ =	shalt  }
0x44: {  	_ =	shalt  }
0x45: {  	_ =	shalt  }
0x46: {  	_ =	shalt  }
0x47: {  	_ =	shalt  }
0x48: {  	_ =	shalt  }
0x49: {  	_ =	shalt  }
0x4a: {  	_ =	shalt  }
0x4b: {  	_ =	shalt  }
0x4c: {  	_ =	shalt  }
0x4d: {  	_ =	shalt  }
0x4e: {  	_ =	shalt  }
0x4f: {  	_ =	shalt  }
0x50: {  	_ =	shalt  }
0x51: {  	_ =	shalt  }
0x52: {  	_ =	shalt  }
0x53: {  	_ =	shalt  }
0x54: {  	_ =	shalt  }
0x55: {  	_ =	shalt  }
0x56: {  	_ =	shalt  }
0x57: {  	_ =	shalt  }
0x58: {  	_ =	shalt  }
0x59: {  	_ =	shalt  }
0x5a: {  	_ =	shalt  }
0x5b: {  	_ =	shalt  }
0x5c: {  	_ =	shalt  }
0x5d: {  	_ =	shalt  }
0x5e: {  	_ =	shalt  }
0x5f: {  	_ =	shalt  }
0x60: {  	_ =	shalt  }
0x61: {  	_ =	shalt  }
0x62: {  	_ =	shalt  }
0x63: {  	_ =	shalt  }
0x64: {  	_ =	shalt  }
0x65: {  	_ =	shalt  }
0x66: {  	_ =	shalt  }
0x67: {  	_ =	shalt  }
0x68: {  	_ =	shalt  }
0x69: {  	_ =	shalt  }
0x6a: {  	_ =	shalt  }
0x6b: {  	_ =	shalt  }
0x6c: {  	_ =	shalt  }
0x6d: {  	_ =	shalt  }
0x6e: {  	_ =	shalt  }
0x6f: {  	_ =	shalt  }
0x70: {  	_ =	shalt  }
0x71: {  	_ =	shalt  }
0x72: {  	_ =	shalt  }
0x73: {  	_ =	shalt  }
0x74: {  	_ =	shalt  }
0x75: {  	_ =	shalt  }
0x76: {  	_ =	shalt  }
0x77: {  	_ =	shalt  }
0x78: {  	_ =	shalt  }
0x79: {  	_ =	shalt  }
0x7a: {  	_ =	shalt  }
0x7b: {  	_ =	shalt  }
0x7c: {  	_ =	shalt  }
0x7d: {  	_ =	shalt  }
0x7e: {  	_ =	shalt  }
0x7f: {  	_ =	shalt  }
0x80: {  	_ =	shalt  }
0x81: {  	_ =	shalt  }
0x82: {  	_ =	shalt  }
0x83: {  	_ =	shalt  }
0x84: {  	_ =	shalt  }
0x85: {  	_ =	shalt  }
0x86: {  	_ =	shalt  }
0x87: {  	_ =	shalt  }
.Lfunc_end0:
.L_simem_size_0:
called_computation.3_lowered:
.L_overlay_start_0:
0x88: {  	s2 =	sld [smem:$0x3FD9]  }
0x89: {  	s3 =	sld [smem:$0x3FFE];
	_ =	sdelay $0x1  }
0x8a: {  	s1 =	srdreg.scid  }
0x8b: {  	s0 =	sand.u32 $0x1, s1  }
0x8c: {  	s17 =	sshll.u32 s0, $0xA;
	s2 =	sadd.s32 s3, s2  }
0x8d: {  	s2 =	sadd.s32 s2, s17  }
0x8e: {  	[smem:$0x3FBE] =	sst s2  }
0x8f: {  	_ = 	snop  }
0x90: {  	s2 =	sld [smem:$0x3FD0];
	(tm) =	ssettm $0x1  }
0x91: {  	s18 =	sld [smem:$0x3FFB];
	_ =	sdelay $0x3  }
0x92: {  	_ =	strace s18  }
0x93: {  	s3 =	sld [smem:$0x3FFC];
	_ =	sdelay $0x3  }
0x94: {  	_ =	strace s3  }
0x95: {  	s3 =	sld [smem:$0x3FFD];
	_ =	sdelay $0x3  }
0x96: {  	_ =	strace s3  }
0x97: {  	_ =	strace $0x8FFFFFFF  }
0x98: {  	s19 =	sld [smem:$0x3FDB];
	_ =	sdelay $0x1  }
0x99: {  	s4 =	simm.s32 $_scs_section_size  }
0x9a: {  	s5 =	simm.s32 $_size__tile_overlayer_lowered;
	s6 =	simm.s32 $_tile_overlayer_lowered  }
0x9b: {  	s22 =	simm.s32 $0x1BFF;
	s21 =	sshll.u32 s6, $0x1;
	s3 =	sadd.s32 s4, s19  }
0x9c: {  	s7 =	simm.s32 $0x0;
	s20 =	sshll.u32 s5, $0x1;
	s5 =	sadd.s32 s21, s3  }
0x9d: {  	[timem:s7], [sflag:s22] =	dma.local [hbm:s5], s20  }
0x9e: {  	_ =	swait.ge [sflag:s22], s20  }
0x9f: {  	s4 =	ssub.s32 $0x0, s20;
	[sflag:s22] =	ssyncset.done $0x0  }
0xa0: {  	[sflag:s22] =	ssyncadd.s32 s4;
	_ =	sdelay $0x1  }
0xa1: {  	s23 =	simm.s32 $0x1B8B  }
0xa2: {  	_ =	swait.ge [sflag:s23], $0x1  }
0xa3: {  	[sflag:s23] =	ssyncset.done $0x0  }
0xa4: {  	s25 =	simm.s32 $0x1B8E;
	s24 =	sld [smem:$0x3FFE];
	[sflag:s23] =	ssyncadd.s32 $0xFFFFFFFF  }
0xa5: {  	s26 =	simm.s32 $execute0_lowered;
	[smem:$0x3FD2] =	sst s25  }
0xa6: {  	s5 =	sshll.u32 s26, $0x1;
	_ =	strace $0x8000004F;
	[dreg:$0x1] =	wrdreg $0xFFFFFFFF  }
0xa7: {  	s28 =	simm.s32 $_size_execute0_lowered;
	s3 =	sadd.s32 s3, s5;
	[dreg:$0x0] =	wrdreg $0x0  }
0xa8: {  	s5 =	sshll.u32 s28, $0x1;
	[dreg:$0x2] =	wrdreg s3  }
0xa9: {  	[dreg:$0x3] =	wrdreg s5  }
0xaa: {  	[dreg:$0x4] =	wrdreg $0xC0  }
0xab: {  	_ =	task [dreg:s7], $0x5FFFF  }
0xac: {  	[dreg:$0x1] =	wrdreg $0xFFFFFFFF  }
0xad: {  	[dreg:$0x0] =	wrdreg $0x60  }
0xae: {  	[dreg:$0x2] =	wrdreg s2  }
0xaf: {  	[dreg:$0x3] =	wrdreg s24  }
0xb0: {  	[dreg:$0x4] =	wrdreg $0x134000  }
0xb1: {  	[dreg:$0x5] =	wrdreg $0x94000  }
0xb2: {  	[dreg:$0x6] =	wrdreg $0x9  }
0xb3: {  	_ =	task.clear_ibuf [dreg:s7], $0x7FFFF;
	_ =	strace $0x9000004F  }
0xb4: {  	s29 =	simm.s32 $0x9;
	_ =	strace $0x80000051  }
0xb5: {  	_ =	swait.ge [sflag:s29], $0x1  }
0xb6: {  	[sflag:s29] =	ssyncadd.s32 $0xFFFFFFFF  }
0xb7: {  	_ =	strace $0x90000051  }
0xb8: {  	_ =	sfence  }
0xb9: {  	s30 =	sld [smem:$0x0];
	_ =	sdelay $0x2  }
0xba: {  	s31 =	sshll.u32 s1, $0xD;
	s1 =	sshrl.u32 s1, $0x2  }
0xbb: {  	s3 =	sand.u32 $0x4000, s31;
	s1 =	sadd.s32 s1, s30  }
0xbc: {  	s0 =	sor.u32 s3, s0;
	s1 =	sshll.u32 s1, $0x11  }
0xbd: {  	s0 =	sor.u32 s1, s0  }
0xbe: {  	s0 =	sadd.s32 $0x8F2B, s0  }
0xbf: {  	[sflag:s0] =	ssyncadd.remote.s32 $0x1  }
0xc0: {  	_ =	sfence.sel $0xFFFF  }
0xc1: {  	[dreg:$0x0] =	wrdreg $0xFFFFFFFF;
	(pc) =	sbr.abs _section_cstart, $3  }
0xc2: {  	[dreg:$0x1] =	wrdreg $0xFFFFFFFF  }
0xc3: {  	_ =	task.clear_ibuf [dreg:s7], $0x2FFFF;
	_ =	strace $0x9FFFFFFF  }
0xc4: {  	(tm) =	ssettm $0x7FFFFFFF  }
0xc5: {  	_ =	shalt  }
tec
execute0_lowered:
.L_overlay_start_1:
0x0: {  	(tag) =	ssettag $0x1  }
0x1: {  	s0 =	rddreg [dreg:$0x0]  }
0x2: {  	s2 =	rddreg [dreg:$0x1]  }
0x3: {  	s1 =	rddreg [dreg:$0x2]  }
0x4: {  	s3 =	rddreg [dreg:$0x3];
	s5 =	simm.s32 $0x0;
	s4 =	srdreg.scid  }
0x5: {  	s13 =	stileid.u32;
	s28 =	simm.s32 $0x5000;
	s29 =	simm.s32 $0x7000  }
0x6: {  	s30 =	simm.s32 $0x1;
	s31 =	simm.s32 $0x2;
	[smem:$0x7FF] =	sst s5  }
0x7: {  	s4 =	sand.u32 $0x1, s4;
	s6 =	smul.u32 $0xA000, s13;
	s7 =	sadd.s32 $0x40400, s2  }
0x8: {  	s8 =	sadd.s32 $0xE400, s2;
	s9 =	sadd.s32 $0x4400, s2;
	s11 =	smul.u32 $0x28000, s13  }
0x9: {  	s13 =	smul.u32 $0x5000, s13;
	_ =	strace $0x80000050;
	s10 =	ssub.s32 $0x2, s4  }
0xa: {  	s16 =	smul.u32 $0xA0000, s4;
	p0 =	seq.s32 s4, $0x1;
	s12 =	sshrl.u32 s10, $0x1  }
0xb: {  	s17 =	sshrl.u32 s11, $0x2;
	s18 =	sshrl.u32 s13, $0x3;
	s19 =	sadd.s32 s6, s3  }
0xc: {  	s20 =	sshrl.u32 s6, $0x3;
	s0 =	smov.u32 @p0 s7;
	s25 =	sadd.s32 s6, s1  }
0xd: {  	s7 =	simm.s32 $0x6;
	s11 =	simm.s32 $0x4F80;
	s5 =	sadd.s32 s6, s16  }
0xe: {  	s10 =	ssub.s32 s10, s12;
	s13 =	sadd.s32 $0x280, s18;
	s14 =	sadd.s32 s8, s18  }
0xf: {  	s21 =	sadd.s32 s9, s18;
	s23 =	sadd.s32 $0x500, s18;
	s4 =	sadd.s32 $0x780, s18  }
0x10: {  	s16 =	sadd.s32 s0, s20;
	s18 =	simm.s32 $0x9;
	s19 =	sshrl.u32 s19, $0x3  }
0x11: {  	s25 =	sshrl.u32 s25, $0x3;
	s0 =	simm.s32 $0x3;
	[dreg:$0x5] =	wrdreg s14  }
0x12: {  	s6 =	simm.s32 $0x3B80;
	[dreg:$0x6] =	wrdreg s21;
	s22 =	sadd.s32 s8, s13  }
0x13: {  	s12 =	simm.s32 $0x0;
	s13 =	sadd.s32 s9, s13;
	[dreg:$0x7] =	wrdreg s22  }
0x14: {  	s5 =	sshrl.u32 s5, $0x3;
	s24 =	sadd.s32 s8, s23;
	[dreg:$0x8] =	wrdreg s13  }
0x15: {  	s8 =	sadd.s32 s8, s4;
	s4 =	sadd.s32 s9, s4;
	[dreg:$0x9] =	wrdreg s24  }
0x16: {  	s26 =	smax.u32 s10, $0x1;
	s21 =	simm.s32 $0x5;
	[dreg:$0xb] =	wrdreg s8  }
0x17: {  	s10 =	simm.s32 $0x4F00;
	s2 =	sadd.s32 s5, s2;
	[dreg:$0xc] =	wrdreg s4  }
0x18: {  	s5 =	sadd.s32 s17, s1;
	s13 =	sadd.s32 s9, s23;
	[dreg:$0xe] =	wrdreg s26  }
0x19: {  	s17 =	simm.s32 $0x9000;
	s22 =	simm.s32 $0x7;
	s23 =	simm.s32 $0x1400  }
0x1a: {  	s24 =	simm.s32 $0x3C00;
	s26 =	simm.s32 $0x80;
	s4 =	simm.s32 $0x3B00  }
0x1b: {  	s8 =	simm.s32 $0x8;
	[dreg:$0xa] =	wrdreg s13;
	s2 =	sadd.s32 $0x54400, s2  }
0x1c: {  	v0 =	vimm.f32 $0.0e+00;
	s9 =	simm.s32 $0x1480;
	[dreg:$0xd] =	wrdreg s2;
	s2 =	simm.s32 $0x4  }
.LBB2_1:
0x1d: {  	[tilespmem:$0x9000] =	vst v0  }
0x1e: {  	[tilespmem:$0x9010] =	vst v0  }
0x1f: {  	[tilespmem:$0x9020] =	vst v0  }
0x20: {  	[tilespmem:$0x9030] =	vst v0  }
0x21: {  	[tilespmem:$0x9040] =	vst v0  }
0x22: {  	[tilespmem:$0x9050] =	vst v0  }
0x23: {  	[tilespmem:$0x9060] =	vst v0  }
0x24: {  	[tilespmem:$0x9070] =	vst v0  }
0x25: {  	[tilespmem:$0x9080] =	vst v0  }
0x26: {  	[tilespmem:$0x9090] =	vst v0  }
0x27: {  	[tilespmem:$0x90A0] =	vst v0  }
0x28: {  	[tilespmem:$0x90B0] =	vst v0  }
0x29: {  	[tilespmem:$0x90C0] =	vst v0  }
0x2a: {  	[tilespmem:$0x90D0] =	vst v0  }
0x2b: {  	[tilespmem:$0x90E0] =	vst v0  }
0x2c: {  	[tilespmem:$0x90F0] =	vst v0  }
0x2d: {  	[tilespmem:$0x9100] =	vst v0  }
0x2e: {  	[tilespmem:$0x9110] =	vst v0  }
0x2f: {  	[tilespmem:$0x9120] =	vst v0  }
0x30: {  	[tilespmem:$0x9130] =	vst v0  }
0x31: {  	[tilespmem:$0x9140] =	vst v0  }
0x32: {  	[tilespmem:$0x9150] =	vst v0  }
0x33: {  	[tilespmem:$0x9160] =	vst v0  }
0x34: {  	[tilespmem:$0x9170] =	vst v0  }
0x35: {  	[tilespmem:$0x9180] =	vst v0  }
0x36: {  	[tilespmem:$0x9190] =	vst v0  }
0x37: {  	[tilespmem:$0x91A0] =	vst v0  }
0x38: {  	[tilespmem:$0x91B0] =	vst v0  }
0x39: {  	[tilespmem:$0x91C0] =	vst v0  }
0x3a: {  	[tilespmem:$0x91D0] =	vst v0  }
0x3b: {  	[tilespmem:$0x91E0] =	vst v0  }
0x3c: {  	[tilespmem:$0x91F0] =	vst v0  }
0x3d: {  	[tilespmem:$0x9200] =	vst v0  }
0x3e: {  	[tilespmem:$0x9210] =	vst v0  }
0x3f: {  	[tilespmem:$0x9220] =	vst v0  }
0x40: {  	[tilespmem:$0x9230] =	vst v0  }
0x41: {  	[tilespmem:$0x9240] =	vst v0  }
0x42: {  	[tilespmem:$0x9250] =	vst v0  }
0x43: {  	[tilespmem:$0x9260] =	vst v0  }
0x44: {  	[tilespmem:$0x9270] =	vst v0  }
0x45: {  	[tilespmem:$0x9280] =	vst v0  }
0x46: {  	[tilespmem:$0x9290] =	vst v0  }
0x47: {  	[tilespmem:$0x92A0] =	vst v0  }
0x48: {  	[tilespmem:$0x92B0] =	vst v0  }
0x49: {  	[tilespmem:$0x92C0] =	vst v0  }
0x4a: {  	[tilespmem:$0x92D0] =	vst v0  }
0x4b: {  	[tilespmem:$0x92E0] =	vst v0  }
0x4c: {  	[tilespmem:$0x92F0] =	vst v0  }
0x4d: {  	[tilespmem:$0x9300] =	vst v0  }
0x4e: {  	[tilespmem:$0x9310] =	vst v0  }
0x4f: {  	[tilespmem:$0x9320] =	vst v0  }
0x50: {  	[tilespmem:$0x9330] =	vst v0  }
0x51: {  	[tilespmem:$0x9340] =	vst v0  }
0x52: {  	[tilespmem:$0x9350] =	vst v0  }
0x53: {  	[tilespmem:$0x9360] =	vst v0  }
0x54: {  	[tilespmem:$0x9370] =	vst v0  }
0x55: {  	[tilespmem:$0x9380] =	vst v0  }
0x56: {  	[tilespmem:$0x9390] =	vst v0  }
0x57: {  	[tilespmem:$0x93A0] =	vst v0  }
0x58: {  	[tilespmem:$0x93B0] =	vst v0  }
0x59: {  	[tilespmem:$0x93C0] =	vst v0  }
0x5a: {  	[tilespmem:$0x93D0] =	vst v0  }
0x5b: {  	[tilespmem:$0x93E0] =	vst v0  }
0x5c: {  	[tilespmem:$0x93F0] =	vst v0;
	s13 =	sadd.s32 $0x0, s5  }
0x5d: {  	[spmem:s13] =	stream.linear.scatter [tilespmem:s17], [sflag:$0x9], $0x400, $0x38;
	[tilespmem:$0x1D400] =	vst v63  }
0x5e: {  	s13 =	simm.s32 $0x1000;
	_ =	swait.ge [sflag:s18], $0x400  }
.LBB2_2:
0x5f: {  	s14 =	sshra.s32 s13, $0x2;
	[sflag:s18] =	ssyncset.done $0x0;
	p0 =	sne.s32 s13, $0x27000  }
.Ltmp0:
0x60: {  	s14 =	sadd.s32 s14, s5;
	[sflag:s18] =	ssyncadd.s32 $0xFFFFFC00;
	(pc) =	sbr.rel @p0 .LBB2_2-.Ltmp0, $3  }
0x61: {  	[spmem:s14] =	stream.linear.scatter [tilespmem:s17], [sflag:$0x9], $0x400, $0x38;
	[tilespmem:$0x1D400] =	vst v63  }
0x62: {  	s13 =	sadd.s32 $0x1000, s13;
	_ =	sdelay $0x1  }
0x63: {  	_ =	swait.ge [sflag:s18], $0x400  }
0x64: {  	s13 =	stileid.u32  }
0x65: {  	[sflag:s18] =	ssyncset.done $0x0;
	s13 =	sshll.u32 s13, $0x6  }
0x66: {  	[sflag:s18] =	ssyncadd.s32 $0xFFFFFC00;
	s13 =	sor.u32 $0x1C09, s13  }
0x67: {  	[spmem:s19], [sflag:s13] =	dma.local [hbm:s16], $0x1400  }
0x68: {  	_ =	swait.ge [sflag:s18], $0x1400  }
0x69: {  	[sflag:s18] =	ssyncset.done $0x0  }
0x6a: {  	s14 =	simm.s32 $0x0;
	s15 =	rddreg [dreg:$0x5];
	[sflag:s18] =	ssyncadd.s32 $0xFFFFEC00  }
0x6b: {  	[tilespmem:s14], [sflag:$0x5] =	stream.linear.gather [hbm4b:s15+s14], $0x1400, $0x38;
	[tilespmem:$0x1D400] =	vst v63  }
0x6c: {  	s20 =	simm.s32 $0x2800;
	s15 =	rddreg [dreg:$0x6]  }
0x6d: {  	[tilespmem:s20], [sflag:$0x7] =	stream.linear.gather [hbm4b:s15+s14], $0x1400, $0x38;
	[tilespmem:$0x1D400] =	vst v63  }
0x6e: {  	[bflag:$0x0] =	sbarrier.arrive $0xFFFF  }
0x6f: {  	_ =	swait.ge [sflag:s21], $0x1400  }
0x70: {  	[sflag:s21] =	ssyncset.done $0x0  }
0x71: {  	[sflag:s21] =	ssyncadd.s32 $0xFFFFEC00  }
0x72: {  	_ =	swait.ge [sflag:s22], $0x1400  }
0x73: {  	[sflag:s22] =	ssyncset.done $0x0  }
0x74: {  	s20 =	rddreg [dreg:$0x7];
	[sflag:s22] =	ssyncadd.s32 $0xFFFFEC00  }
0x75: {  	[tilespmem:s23], [sflag:$0x6] =	stream.linear.gather [hbm4b:s20+s14], $0x1400, $0x38;
	[tilespmem:$0x1D400] =	vst v63  }
0x76: {  	s20 =	rddreg [dreg:$0x8]  }
0x77: {  	[tilespmem:s24], [sflag:$0x8] =	stream.linear.gather [hbm4b:s20+s14], $0x1400, $0x38;
	[tilespmem:$0x1D400] =	vst v63  }
0x78: {  	_ = 	snop  }
0x79: {  	[tilespmem:s28], [sflag:$0x1] =	stream.indirect.gather [spmem:s3], $0x40, s14, s26, $0xb8;
	[tilespmem:$0x1D400] =	vst v63  }
0x7a: {  	_ = 	snop  }
0x7b: {  	[tilespmem:s29], [sflag:$0x2] =	stream.indirect.gather [spmem:s3], $0x40, s26, s26, $0xb8;
	[tilespmem:$0x1D400] =	vst v63  }
0x7c: {  	_ =	swait.ge [sflag:s30], $0x2000  }
0x7d: {  	[sflag:s30] =	ssyncset.done $0x0  }
0x7e: {  	s20 =	simm.s32 $0x2800;
	[sflag:s30] =	ssyncadd.s32 $0xFFFFE000  }
0x7f: {  	[spmem:s1] =	stream.indirect.scatter.add.f32 [tilespmem:s28], [sflag:$0x3], $0x40, s20, s26, $0xb8;
	[tilespmem:$0x1D400] =	vst v63  }
0x80: {  	_ =	swait.ge [sflag:s31], $0x2000  }
0x81: {  	[sflag:s31] =	ssyncset.done $0x0  }
0x82: {  	s15 =	simm.s32 $0x2880;
	[sflag:s31] =	ssyncadd.s32 $0xFFFFE000  }
0x83: {  	[spmem:s1] =	stream.indirect.scatter.add.f32 [tilespmem:s29], [sflag:$0x4], $0x40, s15, s26, $0xb8;
	[tilespmem:$0x1D400] =	vst v63  }
0x84: {  	_ =	swait.ge [sflag:s0], $0x2000  }
0x85: {  	[sflag:s0] =	ssyncset.done $0x0  }
0x86: {  	s20 =	simm.s32 $0x100;
	[sflag:s0] =	ssyncadd.s32 $0xFFFFE000  }
0x87: {  	[tilespmem:s28], [sflag:$0x1] =	stream.indirect.gather [spmem:s3], $0x40, s20, s26, $0xb8;
	[tilespmem:$0x1D400] =	vst v63  }
0x88: {  	_ =	swait.ge [sflag:s2], $0x2000  }
0x89: {  	[sflag:s2] =	ssyncset.done $0x0  }
0x8a: {  	s14 =	simm.s32 $0x400;
	s20 =	simm.s32 $0x180;
	[sflag:s2] =	ssyncadd.s32 $0xFFFFE000  }
.LBB2_4:
0x8b: {  	[tilespmem:s29], [sflag:$0x2] =	stream.indirect.gather [spmem:s3], $0x40, s20, s26, $0xb8;
	[tilespmem:$0x1D400] =	vst v63  }
0x8c: {  	s20 =	smov.u32 s14  }
0x8d: {  	p0 =	sne.s32 s14, $0x4800;
	s14 =	sadd.s32 $0x400, s14;
	_ =	swait.ge [sflag:s30], $0x2000  }
0x8e: {  	s20 =	sshra.s32 s20, $0x2;
	[sflag:s30] =	ssyncset.done $0x0  }
0x8f: {  	s15 =	sadd.s32 $0x2800, s20;
	[sflag:s30] =	ssyncadd.s32 $0xFFFFE000  }
0x90: {  	[spmem:s1] =	stream.indirect.scatter.add.f32 [tilespmem:s28], [sflag:$0x3], $0x40, s15, s26, $0xb8;
	[tilespmem:$0x1D400] =	vst v63  }
0x91: {  	_ =	swait.ge [sflag:s31], $0x2000  }
0x92: {  	[sflag:s31] =	ssyncset.done $0x0  }
0x93: {  	s15 =	sadd.s32 $0x2880, s20;
	[sflag:s31] =	ssyncadd.s32 $0xFFFFE000  }
0x94: {  	[spmem:s1] =	stream.indirect.scatter.add.f32 [tilespmem:s29], [sflag:$0x4], $0x40, s15, s26, $0xb8;
	[tilespmem:$0x1D400] =	vst v63  }
0x95: {  	_ =	swait.ge [sflag:s0], $0x2000  }
0x96: {  	[sflag:s0] =	ssyncset.done $0x0  }
.Ltmp1:
0x97: {  	s15 =	sadd.s32 $0x100, s20;
	[sflag:s0] =	ssyncadd.s32 $0xFFFFE000;
	(pc) =	sbr.rel @p0 .LBB2_4-.Ltmp1, $4  }
0x98: {  	[tilespmem:s28], [sflag:$0x1] =	stream.indirect.gather [spmem:s3], $0x40, s15, s26, $0xb8;
	[tilespmem:$0x1D400] =	vst v63  }
0x99: {  	_ =	swait.ge [sflag:s2], $0x2000  }
0x9a: {  	[sflag:s2] =	ssyncset.done $0x0  }
0x9b: {  	s20 =	sadd.s32 $0x180, s20;
	[sflag:s2] =	ssyncadd.s32 $0xFFFFE000  }
0x9c: {  	[tilespmem:s29], [sflag:$0x2] =	stream.indirect.gather [spmem:s3], $0x40, s20, s26, $0xb8;
	[tilespmem:$0x1D400] =	vst v63  }
0x9d: {  	_ =	swait.ge [sflag:s30], $0x2000  }
0x9e: {  	[sflag:s30] =	ssyncset.done $0x0  }
0x9f: {  	[sflag:s30] =	ssyncadd.s32 $0xFFFFE000  }
0xa0: {  	[spmem:s1] =	stream.indirect.scatter.add.f32 [tilespmem:s28], [sflag:$0x3], $0x40, s4, s26, $0xb8;
	[tilespmem:$0x1D400] =	vst v63  }
0xa1: {  	_ =	swait.ge [sflag:s31], $0x2000  }
0xa2: {  	[sflag:s31] =	ssyncset.done $0x0  }
0xa3: {  	[sflag:s31] =	ssyncadd.s32 $0xFFFFE000  }
0xa4: {  	[spmem:s1] =	stream.indirect.scatter.add.f32 [tilespmem:s29], [sflag:$0x4], $0x40, s6, s26, $0xb8;
	[tilespmem:$0x1D400] =	vst v63  }
0xa5: {  	_ =	swait.ge [sflag:s0], $0x2000  }
0xa6: {  	[sflag:s0] =	ssyncset.done $0x0  }
0xa7: {  	[sflag:s0] =	ssyncadd.s32 $0xFFFFE000  }
0xa8: {  	_ =	swait.ge [sflag:s2], $0x2000  }
0xa9: {  	[sflag:s2] =	ssyncset.done $0x0  }
0xaa: {  	[sflag:s2] =	ssyncadd.s32 $0xFFFFE000  }
0xab: {  	_ =	swait.ge [sflag:s7], $0x1400  }
0xac: {  	[sflag:s7] =	ssyncset.done $0x0  }
0xad: {  	[sflag:s7] =	ssyncadd.s32 $0xFFFFEC00  }
0xae: {  	_ =	swait.ge [sflag:s8], $0x1400  }
0xaf: {  	[sflag:s8] =	ssyncset.done $0x0  }
0xb0: {  	s14 =	simm.s32 $0x0;
	s15 =	rddreg [dreg:$0x9];
	[sflag:s8] =	ssyncadd.s32 $0xFFFFEC00  }
0xb1: {  	[tilespmem:s14], [sflag:$0x5] =	stream.linear.gather [hbm4b:s15+s14], $0x1400, $0x38;
	[tilespmem:$0x1D400] =	vst v63  }
0xb2: {  	s20 =	simm.s32 $0x2800;
	s15 =	rddreg [dreg:$0xa]  }
0xb3: {  	[tilespmem:s20], [sflag:$0x7] =	stream.linear.gather [hbm4b:s15+s14], $0x1400, $0x38;
	[tilespmem:$0x1D400] =	vst v63  }
0xb4: {  	_ = 	snop  }
0xb5: {  	[tilespmem:s28], [sflag:$0x1] =	stream.indirect.gather [spmem:s3], $0x40, s23, s26, $0xb8;
	[tilespmem:$0x1D400] =	vst v63  }
0xb6: {  	_ = 	snop  }
0xb7: {  	[tilespmem:s29], [sflag:$0x2] =	stream.indirect.gather [spmem:s3], $0x40, s9, s26, $0xb8;
	[tilespmem:$0x1D400] =	vst v63  }
0xb8: {  	_ =	swait.ge [sflag:s30], $0x2000  }
0xb9: {  	[sflag:s30] =	ssyncset.done $0x0  }
0xba: {  	s20 =	simm.s32 $0x3C00;
	[sflag:s30] =	ssyncadd.s32 $0xFFFFE000  }
0xbb: {  	[spmem:s1] =	stream.indirect.scatter.add.f32 [tilespmem:s28], [sflag:$0x3], $0x40, s20, s26, $0xb8;
	[tilespmem:$0x1D400] =	vst v63  }
0xbc: {  	_ =	swait.ge [sflag:s31], $0x2000  }
0xbd: {  	[sflag:s31] =	ssyncset.done $0x0  }
0xbe: {  	s15 =	simm.s32 $0x3C80;
	[sflag:s31] =	ssyncadd.s32 $0xFFFFE000  }
0xbf: {  	[spmem:s1] =	stream.indirect.scatter.add.f32 [tilespmem:s29], [sflag:$0x4], $0x40, s15, s26, $0xb8;
	[tilespmem:$0x1D400] =	vst v63  }
0xc0: {  	_ =	swait.ge [sflag:s0], $0x2000  }
0xc1: {  	[sflag:s0] =	ssyncset.done $0x0  }
0xc2: {  	s20 =	simm.s32 $0x1500;
	[sflag:s0] =	ssyncadd.s32 $0xFFFFE000  }
0xc3: {  	[tilespmem:s28], [sflag:$0x1] =	stream.indirect.gather [spmem:s3], $0x40, s20, s26, $0xb8;
	[tilespmem:$0x1D400] =	vst v63  }
0xc4: {  	_ =	swait.ge [sflag:s2], $0x2000  }
0xc5: {  	[sflag:s2] =	ssyncset.done $0x0  }
0xc6: {  	s14 =	simm.s32 $0xFFFFB800;
	s20 =	simm.s32 $0x1580;
	[sflag:s2] =	ssyncadd.s32 $0xFFFFE000  }
.LBB2_6:
0xc7: {  	[tilespmem:s29], [sflag:$0x2] =	stream.indirect.gather [spmem:s3], $0x40, s20, s26, $0xb8;
	[tilespmem:$0x1D400] =	vst v63  }
0xc8: {  	s15 =	smov.u32 s14  }
0xc9: {  	p0 =	sne.s32 s14, $0xFFFFFC00;
	s14 =	sadd.s32 $0x400, s14;
	_ =	swait.ge [sflag:s30], $0x2000  }
0xca: {  	s15 =	sshra.s32 s15, $0x2;
	[sflag:s30] =	ssyncset.done $0x0  }
0xcb: {  	s20 =	sadd.s32 $0x4F00, s15;
	[sflag:s30] =	ssyncadd.s32 $0xFFFFE000  }
0xcc: {  	[spmem:s1] =	stream.indirect.scatter.add.f32 [tilespmem:s28], [sflag:$0x3], $0x40, s20, s26, $0xb8;
	[tilespmem:$0x1D400] =	vst v63  }
0xcd: {  	_ =	swait.ge [sflag:s31], $0x2000  }
0xce: {  	[sflag:s31] =	ssyncset.done $0x0  }
0xcf: {  	s20 =	sadd.s32 $0x4F80, s15;
	[sflag:s31] =	ssyncadd.s32 $0xFFFFE000  }
0xd0: {  	[spmem:s1] =	stream.indirect.scatter.add.f32 [tilespmem:s29], [sflag:$0x4], $0x40, s20, s26, $0xb8;
	[tilespmem:$0x1D400] =	vst v63  }
0xd1: {  	_ =	swait.ge [sflag:s0], $0x2000  }
0xd2: {  	[sflag:s0] =	ssyncset.done $0x0  }
.Ltmp2:
0xd3: {  	s20 =	sadd.s32 $0x2800, s15;
	[sflag:s0] =	ssyncadd.s32 $0xFFFFE000;
	(pc) =	sbr.rel @p0 .LBB2_6-.Ltmp2, $4  }
0xd4: {  	[tilespmem:s28], [sflag:$0x1] =	stream.indirect.gather [spmem:s3], $0x40, s20, s26, $0xb8;
	[tilespmem:$0x1D400] =	vst v63  }
0xd5: {  	_ =	swait.ge [sflag:s2], $0x2000  }
0xd6: {  	[sflag:s2] =	ssyncset.done $0x0  }
0xd7: {  	s20 =	sadd.s32 $0x2880, s15;
	[sflag:s2] =	ssyncadd.s32 $0xFFFFE000  }
0xd8: {  	[tilespmem:s29], [sflag:$0x2] =	stream.indirect.gather [spmem:s3], $0x40, s20, s26, $0xb8;
	[tilespmem:$0x1D400] =	vst v63  }
0xd9: {  	_ =	swait.ge [sflag:s30], $0x2000  }
0xda: {  	[sflag:s30] =	ssyncset.done $0x0  }
0xdb: {  	[sflag:s30] =	ssyncadd.s32 $0xFFFFE000  }
0xdc: {  	[spmem:s1] =	stream.indirect.scatter.add.f32 [tilespmem:s28], [sflag:$0x3], $0x40, s10, s26, $0xb8;
	[tilespmem:$0x1D400] =	vst v63  }
0xdd: {  	_ =	swait.ge [sflag:s31], $0x2000  }
0xde: {  	[sflag:s31] =	ssyncset.done $0x0  }
0xdf: {  	[sflag:s31] =	ssyncadd.s32 $0xFFFFE000  }
0xe0: {  	[spmem:s1] =	stream.indirect.scatter.add.f32 [tilespmem:s29], [sflag:$0x4], $0x40, s11, s26, $0xb8;
	[tilespmem:$0x1D400] =	vst v63  }
0xe1: {  	_ =	swait.ge [sflag:s0], $0x2000  }
0xe2: {  	[sflag:s0] =	ssyncset.done $0x0  }
0xe3: {  	[sflag:s0] =	ssyncadd.s32 $0xFFFFE000  }
0xe4: {  	_ =	swait.ge [sflag:s2], $0x2000  }
0xe5: {  	[sflag:s2] =	ssyncset.done $0x0  }
0xe6: {  	[sflag:s2] =	ssyncadd.s32 $0xFFFFE000  }
0xe7: {  	_ =	swait.ge [sflag:s21], $0x1400  }
0xe8: {  	[sflag:s21] =	ssyncset.done $0x0  }
0xe9: {  	[sflag:s21] =	ssyncadd.s32 $0xFFFFEC00  }
0xea: {  	_ =	swait.ge [sflag:s22], $0x1400  }
0xeb: {  	[sflag:s22] =	ssyncset.done $0x0  }
0xec: {  	s14 =	simm.s32 $0x0;
	s15 =	rddreg [dreg:$0xb];
	[sflag:s22] =	ssyncadd.s32 $0xFFFFEC00  }
0xed: {  	[tilespmem:s23], [sflag:$0x6] =	stream.linear.gather [hbm4b:s15+s14], $0x1400, $0x38;
	[tilespmem:$0x1D400] =	vst v63  }
0xee: {  	s20 =	rddreg [dreg:$0xc]  }
0xef: {  	[tilespmem:s24], [sflag:$0x8] =	stream.linear.gather [hbm4b:s20+s14], $0x1400, $0x38;
	[tilespmem:$0x1D400] =	vst v63  }
0xf0: {  	_ = 	snop  }
0xf1: {  	[tilespmem:s28], [sflag:$0x1] =	stream.indirect.gather [spmem:s3], $0x40, s14, s26, $0xb8;
	[tilespmem:$0x1D400] =	vst v63  }
0xf2: {  	_ = 	snop  }
0xf3: {  	[tilespmem:s29], [sflag:$0x2] =	stream.indirect.gather [spmem:s3], $0x40, s26, s26, $0xb8;
	[tilespmem:$0x1D400] =	vst v63  }
0xf4: {  	_ =	swait.ge [sflag:s30], $0x2000  }
0xf5: {  	[sflag:s30] =	ssyncset.done $0x0  }
0xf6: {  	s20 =	simm.s32 $0x2800;
	[sflag:s30] =	ssyncadd.s32 $0xFFFFE000  }
0xf7: {  	[spmem:s1] =	stream.indirect.scatter.add.f32 [tilespmem:s28], [sflag:$0x3], $0x40, s20, s26, $0xb8;
	[tilespmem:$0x1D400] =	vst v63  }
0xf8: {  	_ =	swait.ge [sflag:s31], $0x2000  }
0xf9: {  	[sflag:s31] =	ssyncset.done $0x0  }
0xfa: {  	s15 =	simm.s32 $0x2880;
	[sflag:s31] =	ssyncadd.s32 $0xFFFFE000  }
0xfb: {  	[spmem:s1] =	stream.indirect.scatter.add.f32 [tilespmem:s29], [sflag:$0x4], $0x40, s15, s26, $0xb8;
	[tilespmem:$0x1D400] =	vst v63  }
0xfc: {  	_ =	swait.ge [sflag:s0], $0x2000  }
0xfd: {  	[sflag:s0] =	ssyncset.done $0x0  }
0xfe: {  	s20 =	simm.s32 $0x100;
	[sflag:s0] =	ssyncadd.s32 $0xFFFFE000  }
0xff: {  	[tilespmem:s28], [sflag:$0x1] =	stream.indirect.gather [spmem:s3], $0x40, s20, s26, $0xb8;
	[tilespmem:$0x1D400] =	vst v63  }
0x100: {  	_ =	swait.ge [sflag:s2], $0x2000  }
0x101: {  	[sflag:s2] =	ssyncset.done $0x0  }
0x102: {  	s14 =	simm.s32 $0x400;
	s20 =	simm.s32 $0x180;
	[sflag:s2] =	ssyncadd.s32 $0xFFFFE000  }
.LBB2_8:
0x103: {  	[tilespmem:s29], [sflag:$0x2] =	stream.indirect.gather [spmem:s3], $0x40, s20, s26, $0xb8;
	[tilespmem:$0x1D400] =	vst v63  }
0x104: {  	s15 =	smov.u32 s14  }
0x105: {  	p0 =	sne.s32 s14, $0x4800;
	s14 =	sadd.s32 $0x400, s14;
	_ =	swait.ge [sflag:s30], $0x2000  }
0x106: {  	s15 =	sshra.s32 s15, $0x2;
	[sflag:s30] =	ssyncset.done $0x0  }
0x107: {  	s20 =	sadd.s32 $0x2800, s15;
	[sflag:s30] =	ssyncadd.s32 $0xFFFFE000  }
0x108: {  	[spmem:s1] =	stream.indirect.scatter.add.f32 [tilespmem:s28], [sflag:$0x3], $0x40, s20, s26, $0xb8;
	[tilespmem:$0x1D400] =	vst v63  }
0x109: {  	_ =	swait.ge [sflag:s31], $0x2000  }
0x10a: {  	[sflag:s31] =	ssyncset.done $0x0  }
0x10b: {  	s20 =	sadd.s32 $0x2880, s15;
	[sflag:s31] =	ssyncadd.s32 $0xFFFFE000  }
0x10c: {  	[spmem:s1] =	stream.indirect.scatter.add.f32 [tilespmem:s29], [sflag:$0x4], $0x40, s20, s26, $0xb8;
	[tilespmem:$0x1D400] =	vst v63  }
0x10d: {  	_ =	swait.ge [sflag:s0], $0x2000  }
0x10e: {  	[sflag:s0] =	ssyncset.done $0x0  }
.Ltmp3:
0x10f: {  	s20 =	sadd.s32 $0x100, s15;
	[sflag:s0] =	ssyncadd.s32 $0xFFFFE000;
	(pc) =	sbr.rel @p0 .LBB2_8-.Ltmp3, $4  }
0x110: {  	[tilespmem:s28], [sflag:$0x1] =	stream.indirect.gather [spmem:s3], $0x40, s20, s26, $0xb8;
	[tilespmem:$0x1D400] =	vst v63  }
0x111: {  	_ =	swait.ge [sflag:s2], $0x2000  }
0x112: {  	[sflag:s2] =	ssyncset.done $0x0  }
0x113: {  	s20 =	sadd.s32 $0x180, s15;
	[sflag:s2] =	ssyncadd.s32 $0xFFFFE000  }
0x114: {  	[tilespmem:s29], [sflag:$0x2] =	stream.indirect.gather [spmem:s3], $0x40, s20, s26, $0xb8;
	[tilespmem:$0x1D400] =	vst v63  }
0x115: {  	_ =	swait.ge [sflag:s30], $0x2000  }
0x116: {  	[sflag:s30] =	ssyncset.done $0x0  }
0x117: {  	[sflag:s30] =	ssyncadd.s32 $0xFFFFE000  }
0x118: {  	[spmem:s1] =	stream.indirect.scatter.add.f32 [tilespmem:s28], [sflag:$0x3], $0x40, s4, s26, $0xb8;
	[tilespmem:$0x1D400] =	vst v63  }
0x119: {  	_ =	swait.ge [sflag:s31], $0x2000  }
0x11a: {  	[sflag:s31] =	ssyncset.done $0x0  }
0x11b: {  	[sflag:s31] =	ssyncadd.s32 $0xFFFFE000  }
0x11c: {  	[spmem:s1] =	stream.indirect.scatter.add.f32 [tilespmem:s29], [sflag:$0x4], $0x40, s6, s26, $0xb8;
	[tilespmem:$0x1D400] =	vst v63  }
0x11d: {  	_ =	swait.ge [sflag:s0], $0x2000  }
0x11e: {  	[sflag:s0] =	ssyncset.done $0x0  }
0x11f: {  	[sflag:s0] =	ssyncadd.s32 $0xFFFFE000  }
0x120: {  	_ =	swait.ge [sflag:s2], $0x2000  }
0x121: {  	[sflag:s2] =	ssyncset.done $0x0  }
0x122: {  	[sflag:s2] =	ssyncadd.s32 $0xFFFFE000  }
0x123: {  	_ =	swait.ge [sflag:s7], $0x1400  }
0x124: {  	[sflag:s7] =	ssyncset.done $0x0  }
0x125: {  	[sflag:s7] =	ssyncadd.s32 $0xFFFFEC00  }
0x126: {  	_ =	swait.ge [sflag:s8], $0x1400  }
0x127: {  	[sflag:s8] =	ssyncset.done $0x0  }
0x128: {  	[sflag:s8] =	ssyncadd.s32 $0xFFFFEC00  }
0x129: {  	[tilespmem:s28], [sflag:$0x1] =	stream.indirect.gather [spmem:s3], $0x40, s23, s26, $0xb8;
	[tilespmem:$0x1D400] =	vst v63  }
0x12a: {  	_ = 	snop  }
0x12b: {  	[tilespmem:s29], [sflag:$0x2] =	stream.indirect.gather [spmem:s3], $0x40, s9, s26, $0xb8;
	[tilespmem:$0x1D400] =	vst v63  }
0x12c: {  	_ =	swait.ge [sflag:s30], $0x2000  }
0x12d: {  	[sflag:s30] =	ssyncset.done $0x0  }
0x12e: {  	s14 =	simm.s32 $0x3C00;
	[sflag:s30] =	ssyncadd.s32 $0xFFFFE000  }
0x12f: {  	[spmem:s1] =	stream.indirect.scatter.add.f32 [tilespmem:s28], [sflag:$0x3], $0x40, s14, s26, $0xb8;
	[tilespmem:$0x1D400] =	vst v63  }
0x130: {  	_ =	swait.ge [sflag:s31], $0x2000  }
0x131: {  	[sflag:s31] =	ssyncset.done $0x0  }
0x132: {  	s15 =	simm.s32 $0x3C80;
	[sflag:s31] =	ssyncadd.s32 $0xFFFFE000  }
0x133: {  	[spmem:s1] =	stream.indirect.scatter.add.f32 [tilespmem:s29], [sflag:$0x4], $0x40, s15, s26, $0xb8;
	[tilespmem:$0x1D400] =	vst v63  }
0x134: {  	_ =	swait.ge [sflag:s0], $0x2000  }
0x135: {  	[sflag:s0] =	ssyncset.done $0x0  }
0x136: {  	s20 =	simm.s32 $0x1500;
	[sflag:s0] =	ssyncadd.s32 $0xFFFFE000  }
0x137: {  	[tilespmem:s28], [sflag:$0x1] =	stream.indirect.gather [spmem:s3], $0x40, s20, s26, $0xb8;
	[tilespmem:$0x1D400] =	vst v63  }
0x138: {  	_ =	swait.ge [sflag:s2], $0x2000  }
0x139: {  	[sflag:s2] =	ssyncset.done $0x0  }
0x13a: {  	s14 =	simm.s32 $0xFFFFB800;
	s20 =	simm.s32 $0x1580;
	[sflag:s2] =	ssyncadd.s32 $0xFFFFE000  }
.LBB2_10:
0x13b: {  	[tilespmem:s29], [sflag:$0x2] =	stream.indirect.gather [spmem:s3], $0x40, s20, s26, $0xb8;
	[tilespmem:$0x1D400] =	vst v63  }
0x13c: {  	s15 =	smov.u32 s14  }
0x13d: {  	p0 =	sne.s32 s14, $0xFFFFFC00;
	s14 =	sadd.s32 $0x400, s14;
	_ =	swait.ge [sflag:s30], $0x2000  }
0x13e: {  	s15 =	sshra.s32 s15, $0x2;
	[sflag:s30] =	ssyncset.done $0x0  }
0x13f: {  	s20 =	sadd.s32 $0x4F00, s15;
	[sflag:s30] =	ssyncadd.s32 $0xFFFFE000  }
0x140: {  	[spmem:s1] =	stream.indirect.scatter.add.f32 [tilespmem:s28], [sflag:$0x3], $0x40, s20, s26, $0xb8;
	[tilespmem:$0x1D400] =	vst v63  }
0x141: {  	_ =	swait.ge [sflag:s31], $0x2000  }
0x142: {  	[sflag:s31] =	ssyncset.done $0x0  }
0x143: {  	s20 =	sadd.s32 $0x4F80, s15;
	[sflag:s31] =	ssyncadd.s32 $0xFFFFE000  }
0x144: {  	[spmem:s1] =	stream.indirect.scatter.add.f32 [tilespmem:s29], [sflag:$0x4], $0x40, s20, s26, $0xb8;
	[tilespmem:$0x1D400] =	vst v63  }
0x145: {  	_ =	swait.ge [sflag:s0], $0x2000  }
0x146: {  	[sflag:s0] =	ssyncset.done $0x0  }
.Ltmp4:
0x147: {  	s20 =	sadd.s32 $0x2800, s15;
	[sflag:s0] =	ssyncadd.s32 $0xFFFFE000;
	(pc) =	sbr.rel @p0 .LBB2_10-.Ltmp4, $4  }
0x148: {  	[tilespmem:s28], [sflag:$0x1] =	stream.indirect.gather [spmem:s3], $0x40, s20, s26, $0xb8;
	[tilespmem:$0x1D400] =	vst v63  }
0x149: {  	_ =	swait.ge [sflag:s2], $0x2000  }
0x14a: {  	[sflag:s2] =	ssyncset.done $0x0  }
0x14b: {  	s20 =	sadd.s32 $0x2880, s15;
	[sflag:s2] =	ssyncadd.s32 $0xFFFFE000  }
0x14c: {  	[tilespmem:s29], [sflag:$0x2] =	stream.indirect.gather [spmem:s3], $0x40, s20, s26, $0xb8;
	[tilespmem:$0x1D400] =	vst v63  }
0x14d: {  	_ =	swait.ge [sflag:s30], $0x2000  }
0x14e: {  	[sflag:s30] =	ssyncset.done $0x0  }
0x14f: {  	[sflag:s30] =	ssyncadd.s32 $0xFFFFE000  }
0x150: {  	[spmem:s1] =	stream.indirect.scatter.add.f32 [tilespmem:s28], [sflag:$0x3], $0x40, s10, s26, $0xb8;
	[tilespmem:$0x1D400] =	vst v63  }
0x151: {  	_ =	swait.ge [sflag:s31], $0x2000  }
0x152: {  	[sflag:s31] =	ssyncset.done $0x0  }
0x153: {  	[sflag:s31] =	ssyncadd.s32 $0xFFFFE000  }
0x154: {  	[spmem:s1] =	stream.indirect.scatter.add.f32 [tilespmem:s29], [sflag:$0x4], $0x40, s11, s26, $0xb8;
	[tilespmem:$0x1D400] =	vst v63  }
0x155: {  	_ =	swait.ge [sflag:s0], $0x2000  }
0x156: {  	[sflag:s0] =	ssyncset.done $0x0  }
0x157: {  	[sflag:s0] =	ssyncadd.s32 $0xFFFFE000  }
0x158: {  	_ =	swait.ge [sflag:s2], $0x2000  }
0x159: {  	[sflag:s2] =	ssyncset.done $0x0  }
0x15a: {  	[sflag:s2] =	ssyncadd.s32 $0xFFFFE000  }
0x15b: {  	[bflag:$0x0] =	sbarrier.arrive $0xFFFF  }
0x15c: {  	s14 =	rddreg [dreg:$0xd]  }
0x15d: {  	[hbm:s14], [sflag:s13] =	dma.local [spmem:s25], $0x1400  }
0x15e: {  	_ =	swait.ge [sflag:s18], $0x1400  }
0x15f: {  	s12 =	sadd.s32 $0x1, s12;
	s20 =	rddreg [dreg:$0xe]  }
0x160: {  	p0 =	sne.s32 s12, s20  }
.Ltmp5:
0x161: {  	_ = 	snop;
	(pc) =	sbr.rel @p0 .LBB2_1-.Ltmp5, $3  }
0x162: {  	_ =	sdelay $0x1  }
0x163: {  	[sflag:s18] =	ssyncset.done $0x0  }
0x164: {  	[sflag:s18] =	ssyncadd.s32 $0xFFFFEC00  }
0x165: {  	_ =	sfence.sel $0x180000  }
0x166: {  	[bflag:$0x0] =	sbarrier.arrive $0xFFFF  }
0x167: {  	_ =	strace $0x90000050  }
0x168: {  	s0 =	stileid.u32;
	[bflag:$0x2] =	sbarrier.arrive $0xFFFF  }
0x169: {  	p0 =	sne.s32 s0, $0x0;
	s0 =	rddreg [dreg:$0x4]  }
0x16a: {  	s0 =	sadd.s32 @!p0 $0x100000, s0  }
0x16b: {  	[sflag:s0] =	ssyncadd.tile.s32 @!p0 $0x1;
	_ =	shalt  }
.Lfunc_end2:
_tile_overlayer_lowered:
.L_overlay_start_2:
0x16c: {  	(tag) =	ssettag $0x2  }
0x16d: {  	s0 =	rddreg [dreg:$0x0];
	s2 =	stileid.u32  }
0x16e: {  	s1 =	rddreg [dreg:$0x1];
	p0 =	sne.s32 s2, $0x0  }
0x16f: {  	s3 =	rddreg [dreg:$0x2];
	[bflag:$0x3] =	sbarrier.arrive $0xFFFF;
	s2 =	simm.s32 @!p0 $0x1C09  }
0x170: {  	[timem:s3], [sflag:s2] =	dma.local @!p0 [hbm:s0], s1  }
0x171: {  	s0 =	simm.s32 @!p0 $0x9  }
0x172: {  	_ =	swait.ge @!p0 [sflag:s0], s1  }
0x173: {  	s1 =	ssub.s32 @!p0 $0x0, s1;
	[sflag:s0] =	ssyncset.done @!p0 $0x0  }
0x174: {  	[sflag:s0] =	ssyncadd.s32 @!p0 s1  }
0x175: {  	[bflag:$0x3] =	sbarrier.arrive $0xFFFF  }
0x176: {  	_ =	shalt  }

</sc_bundles>
